<compile_context>
chip_gen: v7x
topology: tpu7x:2x2x1
jax: 0.10.2.dev20260603
libtpu: 0.0.44.dev20260713+nightly
codegen_flags: <defaults>
</compile_context>

<pallas_src>
import functools

import jax
import jax.numpy as jnp
from jax import lax
from jax.experimental import pallas as pl
from jax.experimental.pallas import tpu as pltpu
from jax.experimental.pallas import tpu_sc as plsc

N = 10000
E = 320000
NUM_CLASSES = 40
FEATURE_DIM = 128
FEATURE_HIDDEN = 64
HIDDEN = 128

NC = 2
NS = 16
CHUNK = 128
TOT_PT = 158
TOT_CHUNKS = NS * TOT_PT
EPAD = TOT_CHUNKS * CHUNK
SEG = 42
NPAD = 10240
ROWS_PT = NPAD // NS
K0_DEG, K1_DEG = 79, 79
K0_128, K1_128 = 124, 34
K0_64, K1_64 = 112, 46


def _segs(k):
    import math
    parts = math.ceil(k / SEG)
    out, rem = [], k
    for i in range(parts):
        p = math.ceil(rem / (parts - i))
        if p % 2:
            p += 1
        p = min(p, SEG, rem)
        out.append(p)
        rem -= p
    return tuple(out)

_mesh = plsc.VectorSubcoreMesh(core_axis_name="c", subcore_axis_name="s")


def _make_deg_kernel():
    @functools.partial(
        pl.kernel,
        mesh=_mesh,
        compiler_params=pltpu.CompilerParams(use_tc_tiling_on_sc=False),
        out_type=jax.ShapeDtypeStruct((NC, NPAD), jnp.float32),
        scratch_types=[
            pltpu.VMEM((K0_DEG, CHUNK), jnp.int32),
            pltpu.VMEM((CHUNK,), jnp.float32),
            pltpu.VMEM_SHARED((NPAD,), jnp.float32),
            pltpu.SemaphoreType.DMA,
        ],
    )
    def deg_kernel(dst_hbm, ones_hbm, zeros_hbm, out_hbm, dsts_v, ones_v,
                   acc_sh, sem):
        c = lax.axis_index("c")
        s = lax.axis_index("s")
        rbase = pl.multiple_of(s * ROWS_PT, 8)
        pltpu.sync_copy(zeros_hbm.at[pl.ds(rbase, ROWS_PT)],
                        acc_sh.at[pl.ds(rbase, ROWS_PT)])
        pltpu.sync_copy(ones_hbm, ones_v)

        def run(cstart, k):
            pltpu.sync_copy(dst_hbm.at[pl.ds(cstart, k)],
                            dsts_v.at[pl.ds(0, k)])
            plsc.subcore_barrier()

            def body(j, carry):
                pltpu.async_copy(ones_v, acc_sh.at[dsts_v.at[j]], sem,
                                 add=True)
                return carry

            lax.fori_loop(0, k, body, 0)

            def drain(j, carry):
                pltpu.make_async_copy(ones_v, acc_sh.at[dsts_v.at[0]],
                                      sem).wait()
                return carry

            lax.fori_loop(0, k, drain, 0)

        @pl.when(c == 0)
        def _():
            run(s * K0_DEG, K0_DEG)

        @pl.when(c == 1)
        def _():
            run(NS * K0_DEG + s * K1_DEG, K1_DEG)

        plsc.subcore_barrier()
        pltpu.sync_copy(acc_sh.at[pl.ds(rbase, ROWS_PT)],
                        out_hbm.at[c, pl.ds(rbase, ROWS_PT)])

    return deg_kernel


def _make_spmm_kernel(D, k0, k1):
    segs0 = _segs(k0)
    segs1 = _segs(k1)

    @functools.partial(
        pl.kernel,
        mesh=_mesh,
        compiler_params=pltpu.CompilerParams(use_tc_tiling_on_sc=False),
        out_type=jax.ShapeDtypeStruct((NC, NPAD, D), jnp.float32),
        scratch_types=[
            pltpu.VMEM((SEG, CHUNK), jnp.int32),
            pltpu.VMEM((SEG, CHUNK), jnp.int32),
            pltpu.VMEM((2, CHUNK, D), jnp.float32),
            pltpu.VMEM_SHARED((NPAD, D), jnp.float32),
            pltpu.SemaphoreType.DMA,
            pltpu.SemaphoreType.DMA,
        ],
    )
    def spmm_kernel(src_hbm, dst_hbm, g_hbm, zeros_hbm, out_hbm,
                    srcs_v, dsts_v, rows_v, acc_sh, sem0, sem1):
        sems = (sem0, sem1)
        c = lax.axis_index("c")
        s = lax.axis_index("s")
        rbase = pl.multiple_of(s * ROWS_PT, 8)
        pltpu.sync_copy(zeros_hbm.at[pl.ds(rbase, ROWS_PT)],
                        acc_sh.at[pl.ds(rbase, ROWS_PT)])
        plsc.subcore_barrier()

        def run(cstart, seglens):
            off = 0
            for L in seglens:
                base = cstart + off
                pltpu.sync_copy(src_hbm.at[pl.ds(base, L)],
                                srcs_v.at[pl.ds(0, L)])
                pltpu.sync_copy(dst_hbm.at[pl.ds(base, L)],
                                dsts_v.at[pl.ds(0, L)])
                pltpu.async_copy(g_hbm.at[srcs_v.at[0]], rows_v.at[0],
                                 sems[0])

                def group(g2, carry):
                    for b in range(2):
                        j = g2 * 2 + b
                        pltpu.make_async_copy(g_hbm.at[srcs_v.at[0]],
                                              rows_v.at[b], sems[b]).wait()
                        jn = jnp.where(j + 1 < L, j + 1, 0)
                        pltpu.async_copy(g_hbm.at[srcs_v.at[jn]],
                                         rows_v.at[b ^ 1], sems[b ^ 1])
                        pltpu.sync_copy(rows_v.at[b],
                                        acc_sh.at[dsts_v.at[j]], add=True)
                    return carry

                lax.fori_loop(0, L // 2, group, 0)
                pltpu.make_async_copy(g_hbm.at[srcs_v.at[0]], rows_v.at[0],
                                      sems[0]).wait()
                off += L

        @pl.when(c == 0)
        def _():
            run(s * k0, segs0)

        @pl.when(c == 1)
        def _():
            run(NS * k0 + s * k1, segs1)

        plsc.subcore_barrier()
        pltpu.sync_copy(acc_sh.at[pl.ds(rbase, ROWS_PT)],
                        out_hbm.at[c, pl.ds(rbase, ROWS_PT)])

    return spmm_kernel


_deg_kernel = _make_deg_kernel()
_spmm128 = _make_spmm_kernel(HIDDEN, K0_128, K1_128)
_spmm64 = _make_spmm_kernel(FEATURE_HIDDEN, K0_64, K1_64)

BR = 400
GRID = N // BR


def _tc1_body(logits_ref, feat_ref, wpt_ref, bp_ref, w1at_ref, w1bt_ref,
              d0_ref, d1_ref, g1_ref, dinv_ref):
    fp = jnp.dot(feat_ref[...], wpt_ref[...],
                 preferred_element_type=jnp.float32) + bp_ref[...]
    h1 = (jnp.dot(logits_ref[...], w1at_ref[...],
                  preferred_element_type=jnp.float32)
          + jnp.dot(fp, w1bt_ref[...], preferred_element_type=jnp.float32))
    deg = d0_ref[0] + d1_ref[0] + 1.0
    dinv = lax.rsqrt(deg)
    dinv_ref[...] = dinv
    g1_ref[...] = h1 * dinv


def _tc2_body(s0_ref, s1_ref, g1_ref, dinv_ref, b1_ref, w2t_ref, g2_ref):
    dinv = dinv_ref[...]
    out1 = dinv * (s0_ref[0] + s1_ref[0] + g1_ref[...]) + b1_ref[...]
    x = jnp.maximum(out1, 0.0)
    h2 = jnp.dot(x, w2t_ref[...], preferred_element_type=jnp.float32)
    g2_ref[...] = h2 * dinv


def _tc3_body(t0_ref, t1_ref, g2_ref, dinv_ref, b2_ref, out_ref):
    out_ref[...] = (dinv_ref[...] * (t0_ref[0] + t1_ref[0] + g2_ref[...])
                    + b2_ref[...])


def _row_spec(cols):
    return pl.BlockSpec((BR, cols), lambda r: (r, 0))


def _part_spec(core, cols):
    return pl.BlockSpec((1, BR, cols), lambda r, _c=core: (_c, r, 0))


def _full_spec(rows, cols):
    return pl.BlockSpec((rows, cols), lambda r: (0, 0))


def kernel(logits, features, edge_index, Wp, bp, W1, b1, W2, b2):
    src = edge_index[0]
    dst = edge_index[1]
    pad_e = EPAD - E
    srcp = jnp.concatenate([src, jnp.zeros((pad_e,), jnp.int32)])
    dstp = jnp.concatenate([dst, jnp.full((pad_e,), N, jnp.int32)])
    srcp = srcp.reshape(TOT_CHUNKS, CHUNK)
    dstp = dstp.reshape(TOT_CHUNKS, CHUNK)

    zeros128 = jnp.zeros((NPAD, HIDDEN), jnp.float32)
    zeros64 = jnp.zeros((NPAD, FEATURE_HIDDEN), jnp.float32)
    zeros1 = jnp.zeros((NPAD,), jnp.float32)
    ones_c = jnp.ones((CHUNK,), jnp.float32)

    WpT = Wp.T
    W1aT = W1[:, :NUM_CLASSES].T
    W1bT = W1[:, NUM_CLASSES:].T
    W2Tp = jnp.zeros((HIDDEN, FEATURE_HIDDEN), jnp.float32).at[:, :NUM_CLASSES].set(W2.T)
    b2p = jnp.zeros((FEATURE_HIDDEN,), jnp.float32).at[:NUM_CLASSES].set(b2)

    dpart = _deg_kernel(dstp, ones_c, zeros1)
    dpart = dpart.reshape(NC, NPAD, 1)

    g1, dinv = pl.pallas_call(
        _tc1_body,
        grid=(GRID,),
        in_specs=[
            _row_spec(NUM_CLASSES),
            _row_spec(FEATURE_DIM),
            _full_spec(FEATURE_DIM, FEATURE_HIDDEN),
            _full_spec(1, FEATURE_HIDDEN),
            _full_spec(NUM_CLASSES, HIDDEN),
            _full_spec(FEATURE_HIDDEN, HIDDEN),
            _part_spec(0, 1),
            _part_spec(1, 1),
        ],
        out_specs=[_row_spec(HIDDEN), _row_spec(1)],
        out_shape=[
            jax.ShapeDtypeStruct((N, HIDDEN), jnp.float32),
            jax.ShapeDtypeStruct((N, 1), jnp.float32),
        ],
    )(logits, features, WpT, bp.reshape(1, -1), W1aT, W1bT, dpart, dpart)

    spart = _spmm128(srcp, dstp, g1, zeros128)

    g2 = pl.pallas_call(
        _tc2_body,
        grid=(GRID,),
        in_specs=[
            _part_spec(0, HIDDEN),
            _part_spec(1, HIDDEN),
            _row_spec(HIDDEN),
            _row_spec(1),
            _full_spec(1, HIDDEN),
            _full_spec(HIDDEN, FEATURE_HIDDEN),
        ],
        out_specs=_row_spec(FEATURE_HIDDEN),
        out_shape=jax.ShapeDtypeStruct((N, FEATURE_HIDDEN), jnp.float32),
    )(spart, spart, g1, dinv, b1.reshape(1, -1), W2Tp)

    tpart = _spmm64(srcp, dstp, g2, zeros64)

    out = pl.pallas_call(
        _tc3_body,
        grid=(GRID,),
        in_specs=[
            _part_spec(0, FEATURE_HIDDEN),
            _part_spec(1, FEATURE_HIDDEN),
            _row_spec(FEATURE_HIDDEN),
            _row_spec(1),
            _full_spec(1, FEATURE_HIDDEN),
        ],
        out_specs=_row_spec(FEATURE_HIDDEN),
        out_shape=jax.ShapeDtypeStruct((N, FEATURE_HIDDEN), jnp.float32),
    )(tpart, tpart, g2, dinv, b2p.reshape(1, -1))

    return out[:, :NUM_CLASSES]

# --- scband reference (transcript-rebuilt; emitter-appended) ---
"""Pipeline reference for scband-gcn-expert-3109556322394 (READ-ONLY COPY).

The authoritative reference and input builder live on the scoring server;
editing this copy changes nothing except your own understanding.
"""

import jax, jax.numpy as jnp
import numpy as np

N = 10000
E = 320000
NUM_CLASSES = 40
FEATURE_DIM = 128
FEATURE_HIDDEN = 64
HIDDEN = 128


def _gcn_norm(edge_index, num_nodes):
    # PyG GCNConv default: add self-loops, symmetric normalization
    loop = jnp.arange(num_nodes, dtype=edge_index.dtype)
    src = jnp.concatenate([edge_index[0], loop])
    dst = jnp.concatenate([edge_index[1], loop])
    deg = jnp.zeros((num_nodes,), jnp.float32).at[dst].add(1.0)
    dinv = jnp.where(deg > 0, 1.0 / jnp.sqrt(deg), 0.0)
    norm = dinv[src] * dinv[dst]
    return src, dst, norm


def _gcn_conv(x, src, dst, norm, W, b):
    # x' = scatter_add(norm * (x W^T)[src], dst) + b
    h = x @ W.T
    msg = h[src] * norm[:, None]
    out = jax.ops.segment_sum(msg, dst, num_segments=x.shape[0])
    return out + b


def setup_inputs(seed: int = 0) -> dict:
    key = jax.random.key(seed)
    ks = jax.random.split(key, 8)
    logits = jax.random.normal(ks[0], (N, NUM_CLASSES), dtype=jnp.float32)
    features = jax.random.normal(ks[1], (N, FEATURE_DIM), dtype=jnp.float32)
    edge_index = jax.random.randint(ks[2], (2, E), 0, N, dtype=jnp.int32)
    in_ch = NUM_CLASSES + FEATURE_HIDDEN
    Wp = jax.random.normal(ks[3], (FEATURE_HIDDEN, FEATURE_DIM), dtype=jnp.float32) / np.sqrt(FEATURE_DIM)
    bp = jnp.zeros((FEATURE_HIDDEN,), jnp.float32)
    W1 = jax.random.normal(ks[4], (HIDDEN, in_ch), dtype=jnp.float32) / np.sqrt(in_ch)
    b1 = jnp.zeros((HIDDEN,), jnp.float32)
    W2 = jax.random.normal(ks[5], (NUM_CLASSES, HIDDEN), dtype=jnp.float32) / np.sqrt(HIDDEN)
    b2 = jnp.zeros((NUM_CLASSES,), jnp.float32)
    return {"logits": logits, "features": features, "edge_index": edge_index,
            "Wp": Wp, "bp": bp, "W1": W1, "b1": b1, "W2": W2, "b2": b2}


def reference(logits, features, edge_index, Wp, bp, W1, b1, W2, b2):
    src, dst, norm = _gcn_norm(edge_index, N)
    feat_proj = features @ Wp.T + bp
    x = jnp.concatenate([logits, feat_proj], axis=-1)
    x = _gcn_conv(x, src, dst, norm, W1, b1)
    x = jax.nn.relu(x)
    # dropout_rate = 0.0 -> identity
    x = _gcn_conv(x, src, dst, norm, W2, b2)
    return x

if __name__ == "__main__":
    import jax
    _d = setup_inputs()
    print(jax.jit(kernel)(*tuple(_d.values())))

</pallas_src>

<mosaic_0001>
#map = affine_map<(d0, d1) -> (0, 0)>
#map1 = affine_map<(d0, d1) -> (0, 0, 0)>
module attributes {stable_mosaic.version = 14 : i64} {
  func.func @spmm_kernel(%arg0: i32, %arg1: i32, %arg2: memref<2528x128xi32, #tpu.memory_space<hbm>>, %arg3: memref<2528x128xi32, #tpu.memory_space<hbm>>, %arg4: memref<10000x64xf32, #tpu.memory_space<hbm>>, %arg5: memref<10240x64xf32, #tpu.memory_space<hbm>>, %arg6: memref<2x10240x64xf32, #tpu.memory_space<hbm>>, %arg7: memref<42x128xi32, #tpu.memory_space<vmem>>, %arg8: memref<42x128xi32, #tpu.memory_space<vmem>>, %arg9: memref<2x128x64xf32, #tpu.memory_space<vmem>>, %arg10: memref<10240x64xf32, #tpu.memory_space<vmem_shared>>, %arg11: memref<!tpu.dma_semaphore, #tpu.memory_space<semaphore_mem>>, %arg12: memref<!tpu.dma_semaphore, #tpu.memory_space<semaphore_mem>>) attributes {dimension_semantics = [#tpu.dimension_semantics<core_parallel>, #tpu.dimension_semantics<subcore_parallel>], iteration_bounds = array<i64: 2, 16>, scalar_prefetch = 0 : i64, scratch_operands = 6 : i64, tpu.core_type = #tpu.core_type<sc_vector_subcore>, window_params = [{transform_indices = #map}, {transform_indices = #map}, {transform_indices = #map}, {transform_indices = #map}, {transform_indices = #map1}]} {
    %mul3A = arith.constant 640 : i32
    %mul3A_0 = arith.muli %arg1, %mul3A : i32
    %multiple_of3A = tpu.assume_multiple %mul3A_0, 8 : i32
    "tpu.region"() ({
      %run_scoped3A = tpu.sem_alloc : memref<!tpu.dma_semaphore, #tpu.memory_space<semaphore_mem>>
      %dma_start3A = arith.constant 0 : i32
      %dma_start3A_9 = tpu.memref_slice %arg10[%multiple_of3A, %dma_start3A] : memref<10240x64xf32, #tpu.memory_space<vmem_shared>> -> memref<640x64xf32, #tpu.memory_space<vmem_shared>>
      %dma_start3A_10 = arith.constant 0 : i32
      %dma_start3A_11 = tpu.memref_slice %arg5[%multiple_of3A, %dma_start3A_10] : memref<10240x64xf32, #tpu.memory_space<hbm>> -> memref<640x64xf32, #tpu.memory_space<hbm>>
      tpu.enqueue_dma source(%dma_start3A_11 : memref<640x64xf32, #tpu.memory_space<hbm>>) target(%dma_start3A_9 : memref<640x64xf32, #tpu.memory_space<vmem_shared>>) target_semaphore(%run_scoped3A : memref<!tpu.dma_semaphore, #tpu.memory_space<semaphore_mem>>)
      %dma_wait3A = arith.constant 0 : i32
      %dma_wait3A_12 = tpu.memref_slice %arg10[%multiple_of3A, %dma_wait3A] : memref<10240x64xf32, #tpu.memory_space<vmem_shared>> -> memref<640x64xf32, #tpu.memory_space<vmem_shared>>
      %dma_wait3A_13 = arith.constant 0 : i32
      %dma_wait3A_14 = tpu.memref_slice %arg5[%multiple_of3A, %dma_wait3A_13] : memref<10240x64xf32, #tpu.memory_space<hbm>> -> memref<640x64xf32, #tpu.memory_space<hbm>>
      tpu.wait_dma2 semaphore(%run_scoped3A : memref<!tpu.dma_semaphore, #tpu.memory_space<semaphore_mem>>) src(%dma_wait3A_14 : memref<640x64xf32, #tpu.memory_space<hbm>>) dst(%dma_wait3A_12 : memref<640x64xf32, #tpu.memory_space<vmem_shared>>)
      tpu.yield
    }) : () -> ()
    %barrier3A = arith.constant 0 : index
    tpu.barrier barrier_id(%barrier3A)
    %eq3A = arith.constant 0 : i32
    %eq3A_1 = arith.cmpi eq, %arg0, %eq3A : i32
    %convert_element_type3A = arith.extui %eq3A_1 : i1 to i32
    %cond3A = arith.constant 0 : i32
    %cond3A_2 = arith.cmpi ne, %convert_element_type3A, %cond3A : i32
    scf.if %cond3A_2 {
      %mul3A_9 = arith.constant 112 : i32
      %mul3A_10 = arith.muli %arg1, %mul3A_9 : i32
      %add3A = arith.constant 0 : i32
      %add3A_11 = arith.addi %mul3A_10, %add3A : i32
      "tpu.region"() ({
        %run_scoped3A = tpu.sem_alloc : memref<!tpu.dma_semaphore, #tpu.memory_space<semaphore_mem>>
        %dma_start3A_103 = arith.constant 0 : i32
        %dma_start3A_104 = arith.constant 0 : i32
        %dma_start3A_105 = tpu.memref_slice %arg7[%dma_start3A_103, %dma_start3A_104] : memref<42x128xi32, #tpu.memory_space<vmem>> -> memref<38x128xi32, #tpu.memory_space<vmem>>
        %dma_start3A_106 = arith.constant 0 : i32
        %dma_start3A_107 = tpu.memref_slice %arg2[%add3A_11, %dma_start3A_106] : memref<2528x128xi32, #tpu.memory_space<hbm>> -> memref<38x128xi32, #tpu.memory_space<hbm>>
        %dma_start3A_108 = arith.constant 0 : i32
        %dma_start3A_109 = arith.constant 0 : i32
        %dma_start3A_110 = tpu.memref_slice %arg7[%dma_start3A_108, %dma_start3A_109] : memref<42x128xi32, #tpu.memory_space<vmem>> -> memref<38x128xi32, #tpu.memory_space<vmem>>
        %dma_start3A_111 = arith.constant 0 : i32
        %dma_start3A_112 = tpu.memref_slice %arg2[%add3A_11, %dma_start3A_111] : memref<2528x128xi32, #tpu.memory_space<hbm>> -> memref<38x128xi32, #tpu.memory_space<hbm>>
        tpu.enqueue_dma source(%dma_start3A_112 : memref<38x128xi32, #tpu.memory_space<hbm>>) target(%dma_start3A_110 : memref<38x128xi32, #tpu.memory_space<vmem>>) target_semaphore(%run_scoped3A : memref<!tpu.dma_semaphore, #tpu.memory_space<semaphore_mem>>)
        %dma_wait3A_113 = arith.constant 0 : i32
        %dma_wait3A_114 = arith.constant 0 : i32
        %dma_wait3A_115 = tpu.memref_slice %arg7[%dma_wait3A_113, %dma_wait3A_114] : memref<42x128xi32, #tpu.memory_space<vmem>> -> memref<38x128xi32, #tpu.memory_space<vmem>>
        %dma_wait3A_116 = arith.constant 0 : i32
        %dma_wait3A_117 = tpu.memref_slice %arg2[%add3A_11, %dma_wait3A_116] : memref<2528x128xi32, #tpu.memory_space<hbm>> -> memref<38x128xi32, #tpu.memory_space<hbm>>
        %dma_wait3A_118 = arith.constant 0 : i32
        %dma_wait3A_119 = arith.constant 0 : i32
        %dma_wait3A_120 = tpu.memref_slice %arg7[%dma_wait3A_118, %dma_wait3A_119] : memref<42x128xi32, #tpu.memory_space<vmem>> -> memref<38x128xi32, #tpu.memory_space<vmem>>
        %dma_wait3A_121 = arith.constant 0 : i32
        %dma_wait3A_122 = tpu.memref_slice %arg2[%add3A_11, %dma_wait3A_121] : memref<2528x128xi32, #tpu.memory_space<hbm>> -> memref<38x128xi32, #tpu.memory_space<hbm>>
        tpu.wait_dma2 semaphore(%run_scoped3A : memref<!tpu.dma_semaphore, #tpu.memory_space<semaphore_mem>>) src(%dma_wait3A_122 : memref<38x128xi32, #tpu.memory_space<hbm>>) dst(%dma_wait3A_120 : memref<38x128xi32, #tpu.memory_space<vmem>>)
        tpu.yield
      }) : () -> ()
      "tpu.region"() ({
        %run_scoped3A = tpu.sem_alloc : memref<!tpu.dma_semaphore, #tpu.memory_space<semaphore_mem>>
        %dma_start3A_103 = arith.constant 0 : i32
        %dma_start3A_104 = arith.constant 0 : i32
        %dma_start3A_105 = tpu.memref_slice %arg8[%dma_start3A_103, %dma_start3A_104] : memref<42x128xi32, #tpu.memory_space<vmem>> -> memref<38x128xi32, #tpu.memory_space<vmem>>
        %dma_start3A_106 = arith.constant 0 : i32
        %dma_start3A_107 = tpu.memref_slice %arg3[%add3A_11, %dma_start3A_106] : memref<2528x128xi32, #tpu.memory_space<hbm>> -> memref<38x128xi32, #tpu.memory_space<hbm>>
        %dma_start3A_108 = arith.constant 0 : i32
        %dma_start3A_109 = arith.constant 0 : i32
        %dma_start3A_110 = tpu.memref_slice %arg8[%dma_start3A_108, %dma_start3A_109] : memref<42x128xi32, #tpu.memory_space<vmem>> -> memref<38x128xi32, #tpu.memory_space<vmem>>
        %dma_start3A_111 = arith.constant 0 : i32
        %dma_start3A_112 = tpu.memref_slice %arg3[%add3A_11, %dma_start3A_111] : memref<2528x128xi32, #tpu.memory_space<hbm>> -> memref<38x128xi32, #tpu.memory_space<hbm>>
        tpu.enqueue_dma source(%dma_start3A_112 : memref<38x128xi32, #tpu.memory_space<hbm>>) target(%dma_start3A_110 : memref<38x128xi32, #tpu.memory_space<vmem>>) target_semaphore(%run_scoped3A : memref<!tpu.dma_semaphore, #tpu.memory_space<semaphore_mem>>)
        %dma_wait3A_113 = arith.constant 0 : i32
        %dma_wait3A_114 = arith.constant 0 : i32
        %dma_wait3A_115 = tpu.memref_slice %arg8[%dma_wait3A_113, %dma_wait3A_114] : memref<42x128xi32, #tpu.memory_space<vmem>> -> memref<38x128xi32, #tpu.memory_space<vmem>>
        %dma_wait3A_116 = arith.constant 0 : i32
        %dma_wait3A_117 = tpu.memref_slice %arg3[%add3A_11, %dma_wait3A_116] : memref<2528x128xi32, #tpu.memory_space<hbm>> -> memref<38x128xi32, #tpu.memory_space<hbm>>
        %dma_wait3A_118 = arith.constant 0 : i32
        %dma_wait3A_119 = arith.constant 0 : i32
        %dma_wait3A_120 = tpu.memref_slice %arg8[%dma_wait3A_118, %dma_wait3A_119] : memref<42x128xi32, #tpu.memory_space<vmem>> -> memref<38x128xi32, #tpu.memory_space<vmem>>
        %dma_wait3A_121 = arith.constant 0 : i32
        %dma_wait3A_122 = tpu.memref_slice %arg3[%add3A_11, %dma_wait3A_121] : memref<2528x128xi32, #tpu.memory_space<hbm>> -> memref<38x128xi32, #tpu.memory_space<hbm>>
        tpu.wait_dma2 semaphore(%run_scoped3A : memref<!tpu.dma_semaphore, #tpu.memory_space<semaphore_mem>>) src(%dma_wait3A_122 : memref<38x128xi32, #tpu.memory_space<hbm>>) dst(%dma_wait3A_120 : memref<38x128xi32, #tpu.memory_space<vmem>>)
        tpu.yield
      }) : () -> ()
      %dma_start3A = arith.constant 0 : i32
      %dma_start3A_12 = arith.constant 0 : i32
      %dma_start3A_13 = arith.constant 0 : i32
      %dma_start3A_14 = arith.constant 0 : i32
      %dma_start3A_15 = tpu.memref_slice %arg9[%dma_start3A_12, %dma_start3A_13, %dma_start3A_14] : memref<2x128x64xf32, #tpu.memory_space<vmem>> -> memref<1x128x64xf32, #tpu.memory_space<vmem>>
      %dma_start3A_16 = tpu.memref_squeeze %dma_start3A_15 : memref<1x128x64xf32, #tpu.memory_space<vmem>> -> memref<128x64xf32, #tpu.memory_space<vmem>>
      %dma_start3A_17 = arith.constant 0 : i32
      %dma_start3A_18 = tpu.memref_slice %arg7[%dma_start3A, %dma_start3A_17] : memref<42x128xi32, #tpu.memory_space<vmem>> -> memref<1x128xi32, #tpu.memory_space<vmem>>
      %dma_start3A_19 = tpu.memref_squeeze %dma_start3A_18 : memref<1x128xi32, #tpu.memory_space<vmem>> -> memref<128xi32, #tpu.memory_space<vmem>>
      %dma_start3A_20 = arith.constant 0 : i32
      %dma_start3A_21 = arith.constant 0 : i32
      %dma_start3A_22 = tpu.memref_slice %arg4[%dma_start3A_20, %dma_start3A_21] : memref<10000x64xf32, #tpu.memory_space<hbm>> -> memref<10000x64xf32, #tpu.memory_space<hbm>>
      tpu.enqueue_indirect_dma source(%dma_start3A_22 : memref<10000x64xf32, #tpu.memory_space<hbm>>) target(%dma_start3A_16 : memref<128x64xf32, #tpu.memory_space<vmem>>) offsets(%dma_start3A_19 : memref<128xi32, #tpu.memory_space<vmem>>) semaphore(%arg11 : memref<!tpu.dma_semaphore, #tpu.memory_space<semaphore_mem>>)
      %scan3A = arith.constant 0 : i32
      %scan3A_23 = arith.constant 0 : i32
      %scan3A_24 = arith.constant 19 : i32
      %scan3A_25 = arith.addi %scan3A_23, %scan3A_24 : i32
      %scan3A_26 = arith.constant 1 : i32
      scf.for %scan3A_103 = %scan3A_23 to %scan3A_25 step %scan3A_26  : i32 {
        %mul3A_104 = arith.constant 2 : i32
        %mul3A_105 = arith.muli %scan3A_103, %mul3A_104 : i32
        %add3A_106 = arith.constant 0 : i32
        %add3A_107 = arith.addi %mul3A_105, %add3A_106 : i32
        %dma_wait3A_108 = arith.constant 0 : i32
        %dma_wait3A_109 = arith.constant 0 : i32
        %dma_wait3A_110 = arith.constant 0 : i32
        %dma_wait3A_111 = arith.constant 0 : i32
        %dma_wait3A_112 = tpu.memref_slice %arg9[%dma_wait3A_109, %dma_wait3A_110, %dma_wait3A_111] : memref<2x128x64xf32, #tpu.memory_space<vmem>> -> memref<1x128x64xf32, #tpu.memory_space<vmem>>
        %dma_wait3A_113 = tpu.memref_squeeze %dma_wait3A_112 : memref<1x128x64xf32, #tpu.memory_space<vmem>> -> memref<128x64xf32, #tpu.memory_space<vmem>>
        %dma_wait3A_114 = arith.constant 0 : i32
        %dma_wait3A_115 = tpu.memref_slice %arg7[%dma_wait3A_108, %dma_wait3A_114] : memref<42x128xi32, #tpu.memory_space<vmem>> -> memref<1x128xi32, #tpu.memory_space<vmem>>
        %dma_wait3A_116 = tpu.memref_squeeze %dma_wait3A_115 : memref<1x128xi32, #tpu.memory_space<vmem>> -> memref<128xi32, #tpu.memory_space<vmem>>
        %dma_wait3A_117 = arith.constant 0 : i32
        %dma_wait3A_118 = arith.constant 0 : i32
        %dma_wait3A_119 = tpu.memref_slice %arg4[%dma_wait3A_117, %dma_wait3A_118] : memref<10000x64xf32, #tpu.memory_space<hbm>> -> memref<10000x64xf32, #tpu.memory_space<hbm>>
        tpu.wait_indirect_dma semaphore(%arg11 : memref<!tpu.dma_semaphore, #tpu.memory_space<semaphore_mem>>) src(%dma_wait3A_119 : memref<10000x64xf32, #tpu.memory_space<hbm>>) dst(%dma_wait3A_113 : memref<128x64xf32, #tpu.memory_space<vmem>>)
        %add3A_120 = arith.constant 1 : i32
        %add3A_121 = arith.addi %add3A_107, %add3A_120 : i32
        %lt3A = arith.constant 38 : i32
        %lt3A_122 = arith.cmpi slt, %add3A_121, %lt3A : i32
        %add3A_123 = arith.constant 1 : i32
        %add3A_124 = arith.addi %add3A_107, %add3A_123 : i32
        %jit3A = arith.constant 0 : i32
        %select_n3A = arith.select %lt3A_122, %add3A_124, %jit3A : i32
        %dma_start3A_125 = arith.constant 1 : i32
        %dma_start3A_126 = arith.constant 0 : i32
        %dma_start3A_127 = arith.constant 0 : i32
        %dma_start3A_128 = tpu.memref_slice %arg9[%dma_start3A_125, %dma_start3A_126, %dma_start3A_127] : memref<2x128x64xf32, #tpu.memory_space<vmem>> -> memref<1x128x64xf32, #tpu.memory_space<vmem>>
        %dma_start3A_129 = tpu.memref_squeeze %dma_start3A_128 : memref<1x128x64xf32, #tpu.memory_space<vmem>> -> memref<128x64xf32, #tpu.memory_space<vmem>>
        %dma_start3A_130 = arith.constant 0 : i32
        %dma_start3A_131 = tpu.memref_slice %arg7[%select_n3A, %dma_start3A_130] : memref<42x128xi32, #tpu.memory_space<vmem>> -> memref<1x128xi32, #tpu.memory_space<vmem>>
        %dma_start3A_132 = tpu.memref_squeeze %dma_start3A_131 : memref<1x128xi32, #tpu.memory_space<vmem>> -> memref<128xi32, #tpu.memory_space<vmem>>
        %dma_start3A_133 = arith.constant 0 : i32
        %dma_start3A_134 = arith.constant 0 : i32
        %dma_start3A_135 = tpu.memref_slice %arg4[%dma_start3A_133, %dma_start3A_134] : memref<10000x64xf32, #tpu.memory_space<hbm>> -> memref<10000x64xf32, #tpu.memory_space<hbm>>
        tpu.enqueue_indirect_dma source(%dma_start3A_135 : memref<10000x64xf32, #tpu.memory_space<hbm>>) target(%dma_start3A_129 : memref<128x64xf32, #tpu.memory_space<vmem>>) offsets(%dma_start3A_132 : memref<128xi32, #tpu.memory_space<vmem>>) semaphore(%arg12 : memref<!tpu.dma_semaphore, #tpu.memory_space<semaphore_mem>>)
        %run_scoped3A = arith.constant 0 : i32
        "tpu.region"() ({
          %run_scoped3A_172 = tpu.sem_alloc : memref<!tpu.dma_semaphore, #tpu.memory_space<semaphore_mem>>
          %dma_start3A_173 = arith.constant 0 : i32
          %dma_start3A_174 = arith.constant 0 : i32
          %dma_start3A_175 = tpu.memref_slice %arg9[%run_scoped3A, %dma_start3A_173, %dma_start3A_174] : memref<2x128x64xf32, #tpu.memory_space<vmem>> -> memref<1x128x64xf32, #tpu.memory_space<vmem>>
          %dma_start3A_176 = tpu.memref_squeeze %dma_start3A_175 : memref<1x128x64xf32, #tpu.memory_space<vmem>> -> memref<128x64xf32, #tpu.memory_space<vmem>>
          %dma_start3A_177 = arith.constant 0 : i32
          %dma_start3A_178 = tpu.memref_slice %arg8[%add3A_107, %dma_start3A_177] : memref<42x128xi32, #tpu.memory_space<vmem>> -> memref<1x128xi32, #tpu.memory_space<vmem>>
          %dma_start3A_179 = tpu.memref_squeeze %dma_start3A_178 : memref<1x128xi32, #tpu.memory_space<vmem>> -> memref<128xi32, #tpu.memory_space<vmem>>
          %dma_start3A_180 = arith.constant 0 : i32
          %dma_start3A_181 = arith.constant 0 : i32
          %dma_start3A_182 = tpu.memref_slice %arg10[%dma_start3A_180, %dma_start3A_181] : memref<10240x64xf32, #tpu.memory_space<vmem_shared>> -> memref<10240x64xf32, #tpu.memory_space<vmem_shared>>
          tpu.enqueue_indirect_dma source(%dma_start3A_176 : memref<128x64xf32, #tpu.memory_space<vmem>>) target(%dma_start3A_182 : memref<10240x64xf32, #tpu.memory_space<vmem_shared>>) offsets(%dma_start3A_179 : memref<128xi32, #tpu.memory_space<vmem>>) semaphore(%run_scoped3A_172 : memref<!tpu.dma_semaphore, #tpu.memory_space<semaphore_mem>>) {add = true}
          %dma_wait3A_183 = arith.constant 0 : i32
          %dma_wait3A_184 = arith.constant 0 : i32
          %dma_wait3A_185 = tpu.memref_slice %arg9[%run_scoped3A, %dma_wait3A_183, %dma_wait3A_184] : memref<2x128x64xf32, #tpu.memory_space<vmem>> -> memref<1x128x64xf32, #tpu.memory_space<vmem>>
          %dma_wait3A_186 = tpu.memref_squeeze %dma_wait3A_185 : memref<1x128x64xf32, #tpu.memory_space<vmem>> -> memref<128x64xf32, #tpu.memory_space<vmem>>
          %dma_wait3A_187 = arith.constant 0 : i32
          %dma_wait3A_188 = tpu.memref_slice %arg8[%add3A_107, %dma_wait3A_187] : memref<42x128xi32, #tpu.memory_space<vmem>> -> memref<1x128xi32, #tpu.memory_space<vmem>>
          %dma_wait3A_189 = tpu.memref_squeeze %dma_wait3A_188 : memref<1x128xi32, #tpu.memory_space<vmem>> -> memref<128xi32, #tpu.memory_space<vmem>>
          %dma_wait3A_190 = arith.constant 0 : i32
          %dma_wait3A_191 = arith.constant 0 : i32
          %dma_wait3A_192 = tpu.memref_slice %arg10[%dma_wait3A_190, %dma_wait3A_191] : memref<10240x64xf32, #tpu.memory_space<vmem_shared>> -> memref<10240x64xf32, #tpu.memory_space<vmem_shared>>
          tpu.wait_indirect_dma semaphore(%run_scoped3A_172 : memref<!tpu.dma_semaphore, #tpu.memory_space<semaphore_mem>>) src(%dma_wait3A_186 : memref<128x64xf32, #tpu.memory_space<vmem>>) dst(%dma_wait3A_192 : memref<10240x64xf32, #tpu.memory_space<vmem_shared>>)
          tpu.yield
        }) : () -> ()
        %mul3A_136 = arith.constant 2 : i32
        %mul3A_137 = arith.muli %scan3A_103, %mul3A_136 : i32
        %add3A_138 = arith.constant 1 : i32
        %add3A_139 = arith.addi %mul3A_137, %add3A_138 : i32
        %dma_wait3A_140 = arith.constant 0 : i32
        %dma_wait3A_141 = arith.constant 1 : i32
        %dma_wait3A_142 = arith.constant 0 : i32
        %dma_wait3A_143 = arith.constant 0 : i32
        %dma_wait3A_144 = tpu.memref_slice %arg9[%dma_wait3A_141, %dma_wait3A_142, %dma_wait3A_143] : memref<2x128x64xf32, #tpu.memory_space<vmem>> -> memref<1x128x64xf32, #tpu.memory_space<vmem>>
        %dma_wait3A_145 = tpu.memref_squeeze %dma_wait3A_144 : memref<1x128x64xf32, #tpu.memory_space<vmem>> -> memref<128x64xf32, #tpu.memory_space<vmem>>
        %dma_wait3A_146 = arith.constant 0 : i32
        %dma_wait3A_147 = tpu.memref_slice %arg7[%dma_wait3A_140, %dma_wait3A_146] : memref<42x128xi32, #tpu.memory_space<vmem>> -> memref<1x128xi32, #tpu.memory_space<vmem>>
        %dma_wait3A_148 = tpu.memref_squeeze %dma_wait3A_147 : memref<1x128xi32, #tpu.memory_space<vmem>> -> memref<128xi32, #tpu.memory_space<vmem>>
        %dma_wait3A_149 = arith.constant 0 : i32
        %dma_wait3A_150 = arith.constant 0 : i32
        %dma_wait3A_151 = tpu.memref_slice %arg4[%dma_wait3A_149, %dma_wait3A_150] : memref<10000x64xf32, #tpu.memory_space<hbm>> -> memref<10000x64xf32, #tpu.memory_space<hbm>>
        tpu.wait_indirect_dma semaphore(%arg12 : memref<!tpu.dma_semaphore, #tpu.memory_space<semaphore_mem>>) src(%dma_wait3A_151 : memref<10000x64xf32, #tpu.memory_space<hbm>>) dst(%dma_wait3A_145 : memref<128x64xf32, #tpu.memory_space<vmem>>)
        %add3A_152 = arith.constant 1 : i32
        %add3A_153 = arith.addi %add3A_139, %add3A_152 : i32
        %lt3A_154 = arith.constant 38 : i32
        %lt3A_155 = arith.cmpi slt, %add3A_153, %lt3A_154 : i32
        %add3A_156 = arith.constant 1 : i32
        %add3A_157 = arith.addi %add3A_139, %add3A_156 : i32
        %jit3A_158 = arith.constant 0 : i32
        %select_n3A_159 = arith.select %lt3A_155, %add3A_157, %jit3A_158 : i32
        %dma_start3A_160 = arith.constant 0 : i32
        %dma_start3A_161 = arith.constant 0 : i32
        %dma_start3A_162 = arith.constant 0 : i32
        %dma_start3A_163 = tpu.memref_slice %arg9[%dma_start3A_160, %dma_start3A_161, %dma_start3A_162] : memref<2x128x64xf32, #tpu.memory_space<vmem>> -> memref<1x128x64xf32, #tpu.memory_space<vmem>>
        %dma_start3A_164 = tpu.memref_squeeze %dma_start3A_163 : memref<1x128x64xf32, #tpu.memory_space<vmem>> -> memref<128x64xf32, #tpu.memory_space<vmem>>
        %dma_start3A_165 = arith.constant 0 : i32
        %dma_start3A_166 = tpu.memref_slice %arg7[%select_n3A_159, %dma_start3A_165] : memref<42x128xi32, #tpu.memory_space<vmem>> -> memref<1x128xi32, #tpu.memory_space<vmem>>
        %dma_start3A_167 = tpu.memref_squeeze %dma_start3A_166 : memref<1x128xi32, #tpu.memory_space<vmem>> -> memref<128xi32, #tpu.memory_space<vmem>>
        %dma_start3A_168 = arith.constant 0 : i32
        %dma_start3A_169 = arith.constant 0 : i32
        %dma_start3A_170 = tpu.memref_slice %arg4[%dma_start3A_168, %dma_start3A_169] : memref<10000x64xf32, #tpu.memory_space<hbm>> -> memref<10000x64xf32, #tpu.memory_space<hbm>>
        tpu.enqueue_indirect_dma source(%dma_start3A_170 : memref<10000x64xf32, #tpu.memory_space<hbm>>) target(%dma_start3A_164 : memref<128x64xf32, #tpu.memory_space<vmem>>) offsets(%dma_start3A_167 : memref<128xi32, #tpu.memory_space<vmem>>) semaphore(%arg11 : memref<!tpu.dma_semaphore, #tpu.memory_space<semaphore_mem>>)
        %run_scoped3A_171 = arith.constant 1 : i32
        "tpu.region"() ({
          %run_scoped3A_172 = tpu.sem_alloc : memref<!tpu.dma_semaphore, #tpu.memory_space<semaphore_mem>>
          %dma_start3A_173 = arith.constant 0 : i32
          %dma_start3A_174 = arith.constant 0 : i32
          %dma_start3A_175 = tpu.memref_slice %arg9[%run_scoped3A_171, %dma_start3A_173, %dma_start3A_174] : memref<2x128x64xf32, #tpu.memory_space<vmem>> -> memref<1x128x64xf32, #tpu.memory_space<vmem>>
          %dma_start3A_176 = tpu.memref_squeeze %dma_start3A_175 : memref<1x128x64xf32, #tpu.memory_space<vmem>> -> memref<128x64xf32, #tpu.memory_space<vmem>>
          %dma_start3A_177 = arith.constant 0 : i32
          %dma_start3A_178 = tpu.memref_slice %arg8[%add3A_139, %dma_start3A_177] : memref<42x128xi32, #tpu.memory_space<vmem>> -> memref<1x128xi32, #tpu.memory_space<vmem>>
          %dma_start3A_179 = tpu.memref_squeeze %dma_start3A_178 : memref<1x128xi32, #tpu.memory_space<vmem>> -> memref<128xi32, #tpu.memory_space<vmem>>
          %dma_start3A_180 = arith.constant 0 : i32
          %dma_start3A_181 = arith.constant 0 : i32
          %dma_start3A_182 = tpu.memref_slice %arg10[%dma_start3A_180, %dma_start3A_181] : memref<10240x64xf32, #tpu.memory_space<vmem_shared>> -> memref<10240x64xf32, #tpu.memory_space<vmem_shared>>
          tpu.enqueue_indirect_dma source(%dma_start3A_176 : memref<128x64xf32, #tpu.memory_space<vmem>>) target(%dma_start3A_182 : memref<10240x64xf32, #tpu.memory_space<vmem_shared>>) offsets(%dma_start3A_179 : memref<128xi32, #tpu.memory_space<vmem>>) semaphore(%run_scoped3A_172 : memref<!tpu.dma_semaphore, #tpu.memory_space<semaphore_mem>>) {add = true}
          %dma_wait3A_183 = arith.constant 0 : i32
          %dma_wait3A_184 = arith.constant 0 : i32
          %dma_wait3A_185 = tpu.memref_slice %arg9[%run_scoped3A_171, %dma_wait3A_183, %dma_wait3A_184] : memref<2x128x64xf32, #tpu.memory_space<vmem>> -> memref<1x128x64xf32, #tpu.memory_space<vmem>>
          %dma_wait3A_186 = tpu.memref_squeeze %dma_wait3A_185 : memref<1x128x64xf32, #tpu.memory_space<vmem>> -> memref<128x64xf32, #tpu.memory_space<vmem>>
          %dma_wait3A_187 = arith.constant 0 : i32
          %dma_wait3A_188 = tpu.memref_slice %arg8[%add3A_139, %dma_wait3A_187] : memref<42x128xi32, #tpu.memory_space<vmem>> -> memref<1x128xi32, #tpu.memory_space<vmem>>
          %dma_wait3A_189 = tpu.memref_squeeze %dma_wait3A_188 : memref<1x128xi32, #tpu.memory_space<vmem>> -> memref<128xi32, #tpu.memory_space<vmem>>
          %dma_wait3A_190 = arith.constant 0 : i32
          %dma_wait3A_191 = arith.constant 0 : i32
          %dma_wait3A_192 = tpu.memref_slice %arg10[%dma_wait3A_190, %dma_wait3A_191] : memref<10240x64xf32, #tpu.memory_space<vmem_shared>> -> memref<10240x64xf32, #tpu.memory_space<vmem_shared>>
          tpu.wait_indirect_dma semaphore(%run_scoped3A_172 : memref<!tpu.dma_semaphore, #tpu.memory_space<semaphore_mem>>) src(%dma_wait3A_186 : memref<128x64xf32, #tpu.memory_space<vmem>>) dst(%dma_wait3A_192 : memref<10240x64xf32, #tpu.memory_space<vmem_shared>>)
          tpu.yield
        }) : () -> ()
      }
      %scan3A_27 = arith.constant 19 : i32
      %dma_wait3A = arith.constant 0 : i32
      %dma_wait3A_28 = arith.constant 0 : i32
      %dma_wait3A_29 = arith.constant 0 : i32
      %dma_wait3A_30 = arith.constant 0 : i32
      %dma_wait3A_31 = tpu.memref_slice %arg9[%dma_wait3A_28, %dma_wait3A_29, %dma_wait3A_30] : memref<2x128x64xf32, #tpu.memory_space<vmem>> -> memref<1x128x64xf32, #tpu.memory_space<vmem>>
      %dma_wait3A_32 = tpu.memref_squeeze %dma_wait3A_31 : memref<1x128x64xf32, #tpu.memory_space<vmem>> -> memref<128x64xf32, #tpu.memory_space<vmem>>
      %dma_wait3A_33 = arith.constant 0 : i32
      %dma_wait3A_34 = tpu.memref_slice %arg7[%dma_wait3A, %dma_wait3A_33] : memref<42x128xi32, #tpu.memory_space<vmem>> -> memref<1x128xi32, #tpu.memory_space<vmem>>
      %dma_wait3A_35 = tpu.memref_squeeze %dma_wait3A_34 : memref<1x128xi32, #tpu.memory_space<vmem>> -> memref<128xi32, #tpu.memory_space<vmem>>
      %dma_wait3A_36 = arith.constant 0 : i32
      %dma_wait3A_37 = arith.constant 0 : i32
      %dma_wait3A_38 = tpu.memref_slice %arg4[%dma_wait3A_36, %dma_wait3A_37] : memref<10000x64xf32, #tpu.memory_space<hbm>> -> memref<10000x64xf32, #tpu.memory_space<hbm>>
      tpu.wait_indirect_dma semaphore(%arg11 : memref<!tpu.dma_semaphore, #tpu.memory_space<semaphore_mem>>) src(%dma_wait3A_38 : memref<10000x64xf32, #tpu.memory_space<hbm>>) dst(%dma_wait3A_32 : memref<128x64xf32, #tpu.memory_space<vmem>>)
      %add3A_39 = arith.constant 38 : i32
      %add3A_40 = arith.addi %mul3A_10, %add3A_39 : i32
      "tpu.region"() ({
        %run_scoped3A = tpu.sem_alloc : memref<!tpu.dma_semaphore, #tpu.memory_space<semaphore_mem>>
        %dma_start3A_103 = arith.constant 0 : i32
        %dma_start3A_104 = arith.constant 0 : i32
        %dma_start3A_105 = tpu.memref_slice %arg7[%dma_start3A_103, %dma_start3A_104] : memref<42x128xi32, #tpu.memory_space<vmem>> -> memref<38x128xi32, #tpu.memory_space<vmem>>
        %dma_start3A_106 = arith.constant 0 : i32
        %dma_start3A_107 = tpu.memref_slice %arg2[%add3A_40, %dma_start3A_106] : memref<2528x128xi32, #tpu.memory_space<hbm>> -> memref<38x128xi32, #tpu.memory_space<hbm>>
        %dma_start3A_108 = arith.constant 0 : i32
        %dma_start3A_109 = arith.constant 0 : i32
        %dma_start3A_110 = tpu.memref_slice %arg7[%dma_start3A_108, %dma_start3A_109] : memref<42x128xi32, #tpu.memory_space<vmem>> -> memref<38x128xi32, #tpu.memory_space<vmem>>
        %dma_start3A_111 = arith.constant 0 : i32
        %dma_start3A_112 = tpu.memref_slice %arg2[%add3A_40, %dma_start3A_111] : memref<2528x128xi32, #tpu.memory_space<hbm>> -> memref<38x128xi32, #tpu.memory_space<hbm>>
        tpu.enqueue_dma source(%dma_start3A_112 : memref<38x128xi32, #tpu.memory_space<hbm>>) target(%dma_start3A_110 : memref<38x128xi32, #tpu.memory_space<vmem>>) target_semaphore(%run_scoped3A : memref<!tpu.dma_semaphore, #tpu.memory_space<semaphore_mem>>)
        %dma_wait3A_113 = arith.constant 0 : i32
        %dma_wait3A_114 = arith.constant 0 : i32
        %dma_wait3A_115 = tpu.memref_slice %arg7[%dma_wait3A_113, %dma_wait3A_114] : memref<42x128xi32, #tpu.memory_space<vmem>> -> memref<38x128xi32, #tpu.memory_space<vmem>>
        %dma_wait3A_116 = arith.constant 0 : i32
        %dma_wait3A_117 = tpu.memref_slice %arg2[%add3A_40, %dma_wait3A_116] : memref<2528x128xi32, #tpu.memory_space<hbm>> -> memref<38x128xi32, #tpu.memory_space<hbm>>
        %dma_wait3A_118 = arith.constant 0 : i32
        %dma_wait3A_119 = arith.constant 0 : i32
        %dma_wait3A_120 = tpu.memref_slice %arg7[%dma_wait3A_118, %dma_wait3A_119] : memref<42x128xi32, #tpu.memory_space<vmem>> -> memref<38x128xi32, #tpu.memory_space<vmem>>
        %dma_wait3A_121 = arith.constant 0 : i32
        %dma_wait3A_122 = tpu.memref_slice %arg2[%add3A_40, %dma_wait3A_121] : memref<2528x128xi32, #tpu.memory_space<hbm>> -> memref<38x128xi32, #tpu.memory_space<hbm>>
        tpu.wait_dma2 semaphore(%run_scoped3A : memref<!tpu.dma_semaphore, #tpu.memory_space<semaphore_mem>>) src(%dma_wait3A_122 : memref<38x128xi32, #tpu.memory_space<hbm>>) dst(%dma_wait3A_120 : memref<38x128xi32, #tpu.memory_space<vmem>>)
        tpu.yield
      }) : () -> ()
      "tpu.region"() ({
        %run_scoped3A = tpu.sem_alloc : memref<!tpu.dma_semaphore, #tpu.memory_space<semaphore_mem>>
        %dma_start3A_103 = arith.constant 0 : i32
        %dma_start3A_104 = arith.constant 0 : i32
        %dma_start3A_105 = tpu.memref_slice %arg8[%dma_start3A_103, %dma_start3A_104] : memref<42x128xi32, #tpu.memory_space<vmem>> -> memref<38x128xi32, #tpu.memory_space<vmem>>
        %dma_start3A_106 = arith.constant 0 : i32
        %dma_start3A_107 = tpu.memref_slice %arg3[%add3A_40, %dma_start3A_106] : memref<2528x128xi32, #tpu.memory_space<hbm>> -> memref<38x128xi32, #tpu.memory_space<hbm>>
        %dma_start3A_108 = arith.constant 0 : i32
        %dma_start3A_109 = arith.constant 0 : i32
        %dma_start3A_110 = tpu.memref_slice %arg8[%dma_start3A_108, %dma_start3A_109] : memref<42x128xi32, #tpu.memory_space<vmem>> -> memref<38x128xi32, #tpu.memory_space<vmem>>
        %dma_start3A_111 = arith.constant 0 : i32
        %dma_start3A_112 = tpu.memref_slice %arg3[%add3A_40, %dma_start3A_111] : memref<2528x128xi32, #tpu.memory_space<hbm>> -> memref<38x128xi32, #tpu.memory_space<hbm>>
        tpu.enqueue_dma source(%dma_start3A_112 : memref<38x128xi32, #tpu.memory_space<hbm>>) target(%dma_start3A_110 : memref<38x128xi32, #tpu.memory_space<vmem>>) target_semaphore(%run_scoped3A : memref<!tpu.dma_semaphore, #tpu.memory_space<semaphore_mem>>)
        %dma_wait3A_113 = arith.constant 0 : i32
        %dma_wait3A_114 = arith.constant 0 : i32
        %dma_wait3A_115 = tpu.memref_slice %arg8[%dma_wait3A_113, %dma_wait3A_114] : memref<42x128xi32, #tpu.memory_space<vmem>> -> memref<38x128xi32, #tpu.memory_space<vmem>>
        %dma_wait3A_116 = arith.constant 0 : i32
        %dma_wait3A_117 = tpu.memref_slice %arg3[%add3A_40, %dma_wait3A_116] : memref<2528x128xi32, #tpu.memory_space<hbm>> -> memref<38x128xi32, #tpu.memory_space<hbm>>
        %dma_wait3A_118 = arith.constant 0 : i32
        %dma_wait3A_119 = arith.constant 0 : i32
        %dma_wait3A_120 = tpu.memref_slice %arg8[%dma_wait3A_118, %dma_wait3A_119] : memref<42x128xi32, #tpu.memory_space<vmem>> -> memref<38x128xi32, #tpu.memory_space<vmem>>
        %dma_wait3A_121 = arith.constant 0 : i32
        %dma_wait3A_122 = tpu.memref_slice %arg3[%add3A_40, %dma_wait3A_121] : memref<2528x128xi32, #tpu.memory_space<hbm>> -> memref<38x128xi32, #tpu.memory_space<hbm>>
        tpu.wait_dma2 semaphore(%run_scoped3A : memref<!tpu.dma_semaphore, #tpu.memory_space<semaphore_mem>>) src(%dma_wait3A_122 : memref<38x128xi32, #tpu.memory_space<hbm>>) dst(%dma_wait3A_120 : memref<38x128xi32, #tpu.memory_space<vmem>>)
        tpu.yield
      }) : () -> ()
      %dma_start3A_41 = arith.constant 0 : i32
      %dma_start3A_42 = arith.constant 0 : i32
      %dma_start3A_43 = arith.constant 0 : i32
      %dma_start3A_44 = arith.constant 0 : i32
      %dma_start3A_45 = tpu.memref_slice %arg9[%dma_start3A_42, %dma_start3A_43, %dma_start3A_44] : memref<2x128x64xf32, #tpu.memory_space<vmem>> -> memref<1x128x64xf32, #tpu.memory_space<vmem>>
      %dma_start3A_46 = tpu.memref_squeeze %dma_start3A_45 : memref<1x128x64xf32, #tpu.memory_space<vmem>> -> memref<128x64xf32, #tpu.memory_space<vmem>>
      %dma_start3A_47 = arith.constant 0 : i32
      %dma_start3A_48 = tpu.memref_slice %arg7[%dma_start3A_41, %dma_start3A_47] : memref<42x128xi32, #tpu.memory_space<vmem>> -> memref<1x128xi32, #tpu.memory_space<vmem>>
      %dma_start3A_49 = tpu.memref_squeeze %dma_start3A_48 : memref<1x128xi32, #tpu.memory_space<vmem>> -> memref<128xi32, #tpu.memory_space<vmem>>
      %dma_start3A_50 = arith.constant 0 : i32
      %dma_start3A_51 = arith.constant 0 : i32
      %dma_start3A_52 = tpu.memref_slice %arg4[%dma_start3A_50, %dma_start3A_51] : memref<10000x64xf32, #tpu.memory_space<hbm>> -> memref<10000x64xf32, #tpu.memory_space<hbm>>
      tpu.enqueue_indirect_dma source(%dma_start3A_52 : memref<10000x64xf32, #tpu.memory_space<hbm>>) target(%dma_start3A_46 : memref<128x64xf32, #tpu.memory_space<vmem>>) offsets(%dma_start3A_49 : memref<128xi32, #tpu.memory_space<vmem>>) semaphore(%arg11 : memref<!tpu.dma_semaphore, #tpu.memory_space<semaphore_mem>>)
      %scan3A_53 = arith.constant 0 : i32
      %scan3A_54 = arith.constant 0 : i32
      %scan3A_55 = arith.constant 19 : i32
      %scan3A_56 = arith.addi %scan3A_54, %scan3A_55 : i32
      %scan3A_57 = arith.constant 1 : i32
      scf.for %scan3A_103 = %scan3A_54 to %scan3A_56 step %scan3A_57  : i32 {
        %mul3A_104 = arith.constant 2 : i32
        %mul3A_105 = arith.muli %scan3A_103, %mul3A_104 : i32
        %add3A_106 = arith.constant 0 : i32
        %add3A_107 = arith.addi %mul3A_105, %add3A_106 : i32
        %dma_wait3A_108 = arith.constant 0 : i32
        %dma_wait3A_109 = arith.constant 0 : i32
        %dma_wait3A_110 = arith.constant 0 : i32
        %dma_wait3A_111 = arith.constant 0 : i32
        %dma_wait3A_112 = tpu.memref_slice %arg9[%dma_wait3A_109, %dma_wait3A_110, %dma_wait3A_111] : memref<2x128x64xf32, #tpu.memory_space<vmem>> -> memref<1x128x64xf32, #tpu.memory_space<vmem>>
        %dma_wait3A_113 = tpu.memref_squeeze %dma_wait3A_112 : memref<1x128x64xf32, #tpu.memory_space<vmem>> -> memref<128x64xf32, #tpu.memory_space<vmem>>
        %dma_wait3A_114 = arith.constant 0 : i32
        %dma_wait3A_115 = tpu.memref_slice %arg7[%dma_wait3A_108, %dma_wait3A_114] : memref<42x128xi32, #tpu.memory_space<vmem>> -> memref<1x128xi32, #tpu.memory_space<vmem>>
        %dma_wait3A_116 = tpu.memref_squeeze %dma_wait3A_115 : memref<1x128xi32, #tpu.memory_space<vmem>> -> memref<128xi32, #tpu.memory_space<vmem>>
        %dma_wait3A_117 = arith.constant 0 : i32
        %dma_wait3A_118 = arith.constant 0 : i32
        %dma_wait3A_119 = tpu.memref_slice %arg4[%dma_wait3A_117, %dma_wait3A_118] : memref<10000x64xf32, #tpu.memory_space<hbm>> -> memref<10000x64xf32, #tpu.memory_space<hbm>>
        tpu.wait_indirect_dma semaphore(%arg11 : memref<!tpu.dma_semaphore, #tpu.memory_space<semaphore_mem>>) src(%dma_wait3A_119 : memref<10000x64xf32, #tpu.memory_space<hbm>>) dst(%dma_wait3A_113 : memref<128x64xf32, #tpu.memory_space<vmem>>)
        %add3A_120 = arith.constant 1 : i32
        %add3A_121 = arith.addi %add3A_107, %add3A_120 : i32
        %lt3A = arith.constant 38 : i32
        %lt3A_122 = arith.cmpi slt, %add3A_121, %lt3A : i32
        %add3A_123 = arith.constant 1 : i32
        %add3A_124 = arith.addi %add3A_107, %add3A_123 : i32
        %jit3A = arith.constant 0 : i32
        %select_n3A = arith.select %lt3A_122, %add3A_124, %jit3A : i32
        %dma_start3A_125 = arith.constant 1 : i32
        %dma_start3A_126 = arith.constant 0 : i32
        %dma_start3A_127 = arith.constant 0 : i32
        %dma_start3A_128 = tpu.memref_slice %arg9[%dma_start3A_125, %dma_start3A_126, %dma_start3A_127] : memref<2x128x64xf32, #tpu.memory_space<vmem>> -> memref<1x128x64xf32, #tpu.memory_space<vmem>>
        %dma_start3A_129 = tpu.memref_squeeze %dma_start3A_128 : memref<1x128x64xf32, #tpu.memory_space<vmem>> -> memref<128x64xf32, #tpu.memory_space<vmem>>
        %dma_start3A_130 = arith.constant 0 : i32
        %dma_start3A_131 = tpu.memref_slice %arg7[%select_n3A, %dma_start3A_130] : memref<42x128xi32, #tpu.memory_space<vmem>> -> memref<1x128xi32, #tpu.memory_space<vmem>>
        %dma_start3A_132 = tpu.memref_squeeze %dma_start3A_131 : memref<1x128xi32, #tpu.memory_space<vmem>> -> memref<128xi32, #tpu.memory_space<vmem>>
        %dma_start3A_133 = arith.constant 0 : i32
        %dma_start3A_134 = arith.constant 0 : i32
        %dma_start3A_135 = tpu.memref_slice %arg4[%dma_start3A_133, %dma_start3A_134] : memref<10000x64xf32, #tpu.memory_space<hbm>> -> memref<10000x64xf32, #tpu.memory_space<hbm>>
        tpu.enqueue_indirect_dma source(%dma_start3A_135 : memref<10000x64xf32, #tpu.memory_space<hbm>>) target(%dma_start3A_129 : memref<128x64xf32, #tpu.memory_space<vmem>>) offsets(%dma_start3A_132 : memref<128xi32, #tpu.memory_space<vmem>>) semaphore(%arg12 : memref<!tpu.dma_semaphore, #tpu.memory_space<semaphore_mem>>)
        %run_scoped3A = arith.constant 0 : i32
        "tpu.region"() ({
          %run_scoped3A_172 = tpu.sem_alloc : memref<!tpu.dma_semaphore, #tpu.memory_space<semaphore_mem>>
          %dma_start3A_173 = arith.constant 0 : i32
          %dma_start3A_174 = arith.constant 0 : i32
          %dma_start3A_175 = tpu.memref_slice %arg9[%run_scoped3A, %dma_start3A_173, %dma_start3A_174] : memref<2x128x64xf32, #tpu.memory_space<vmem>> -> memref<1x128x64xf32, #tpu.memory_space<vmem>>
          %dma_start3A_176 = tpu.memref_squeeze %dma_start3A_175 : memref<1x128x64xf32, #tpu.memory_space<vmem>> -> memref<128x64xf32, #tpu.memory_space<vmem>>
          %dma_start3A_177 = arith.constant 0 : i32
          %dma_start3A_178 = tpu.memref_slice %arg8[%add3A_107, %dma_start3A_177] : memref<42x128xi32, #tpu.memory_space<vmem>> -> memref<1x128xi32, #tpu.memory_space<vmem>>
          %dma_start3A_179 = tpu.memref_squeeze %dma_start3A_178 : memref<1x128xi32, #tpu.memory_space<vmem>> -> memref<128xi32, #tpu.memory_space<vmem>>
          %dma_start3A_180 = arith.constant 0 : i32
          %dma_start3A_181 = arith.constant 0 : i32
          %dma_start3A_182 = tpu.memref_slice %arg10[%dma_start3A_180, %dma_start3A_181] : memref<10240x64xf32, #tpu.memory_space<vmem_shared>> -> memref<10240x64xf32, #tpu.memory_space<vmem_shared>>
          tpu.enqueue_indirect_dma source(%dma_start3A_176 : memref<128x64xf32, #tpu.memory_space<vmem>>) target(%dma_start3A_182 : memref<10240x64xf32, #tpu.memory_space<vmem_shared>>) offsets(%dma_start3A_179 : memref<128xi32, #tpu.memory_space<vmem>>) semaphore(%run_scoped3A_172 : memref<!tpu.dma_semaphore, #tpu.memory_space<semaphore_mem>>) {add = true}
          %dma_wait3A_183 = arith.constant 0 : i32
          %dma_wait3A_184 = arith.constant 0 : i32
          %dma_wait3A_185 = tpu.memref_slice %arg9[%run_scoped3A, %dma_wait3A_183, %dma_wait3A_184] : memref<2x128x64xf32, #tpu.memory_space<vmem>> -> memref<1x128x64xf32, #tpu.memory_space<vmem>>
          %dma_wait3A_186 = tpu.memref_squeeze %dma_wait3A_185 : memref<1x128x64xf32, #tpu.memory_space<vmem>> -> memref<128x64xf32, #tpu.memory_space<vmem>>
          %dma_wait3A_187 = arith.constant 0 : i32
          %dma_wait3A_188 = tpu.memref_slice %arg8[%add3A_107, %dma_wait3A_187] : memref<42x128xi32, #tpu.memory_space<vmem>> -> memref<1x128xi32, #tpu.memory_space<vmem>>
          %dma_wait3A_189 = tpu.memref_squeeze %dma_wait3A_188 : memref<1x128xi32, #tpu.memory_space<vmem>> -> memref<128xi32, #tpu.memory_space<vmem>>
          %dma_wait3A_190 = arith.constant 0 : i32
          %dma_wait3A_191 = arith.constant 0 : i32
          %dma_wait3A_192 = tpu.memref_slice %arg10[%dma_wait3A_190, %dma_wait3A_191] : memref<10240x64xf32, #tpu.memory_space<vmem_shared>> -> memref<10240x64xf32, #tpu.memory_space<vmem_shared>>
          tpu.wait_indirect_dma semaphore(%run_scoped3A_172 : memref<!tpu.dma_semaphore, #tpu.memory_space<semaphore_mem>>) src(%dma_wait3A_186 : memref<128x64xf32, #tpu.memory_space<vmem>>) dst(%dma_wait3A_192 : memref<10240x64xf32, #tpu.memory_space<vmem_shared>>)
          tpu.yield
        }) : () -> ()
        %mul3A_136 = arith.constant 2 : i32
        %mul3A_137 = arith.muli %scan3A_103, %mul3A_136 : i32
        %add3A_138 = arith.constant 1 : i32
        %add3A_139 = arith.addi %mul3A_137, %add3A_138 : i32
        %dma_wait3A_140 = arith.constant 0 : i32
        %dma_wait3A_141 = arith.constant 1 : i32
        %dma_wait3A_142 = arith.constant 0 : i32
        %dma_wait3A_143 = arith.constant 0 : i32
        %dma_wait3A_144 = tpu.memref_slice %arg9[%dma_wait3A_141, %dma_wait3A_142, %dma_wait3A_143] : memref<2x128x64xf32, #tpu.memory_space<vmem>> -> memref<1x128x64xf32, #tpu.memory_space<vmem>>
        %dma_wait3A_145 = tpu.memref_squeeze %dma_wait3A_144 : memref<1x128x64xf32, #tpu.memory_space<vmem>> -> memref<128x64xf32, #tpu.memory_space<vmem>>
        %dma_wait3A_146 = arith.constant 0 : i32
        %dma_wait3A_147 = tpu.memref_slice %arg7[%dma_wait3A_140, %dma_wait3A_146] : memref<42x128xi32, #tpu.memory_space<vmem>> -> memref<1x128xi32, #tpu.memory_space<vmem>>
        %dma_wait3A_148 = tpu.memref_squeeze %dma_wait3A_147 : memref<1x128xi32, #tpu.memory_space<vmem>> -> memref<128xi32, #tpu.memory_space<vmem>>
        %dma_wait3A_149 = arith.constant 0 : i32
        %dma_wait3A_150 = arith.constant 0 : i32
        %dma_wait3A_151 = tpu.memref_slice %arg4[%dma_wait3A_149, %dma_wait3A_150] : memref<10000x64xf32, #tpu.memory_space<hbm>> -> memref<10000x64xf32, #tpu.memory_space<hbm>>
        tpu.wait_indirect_dma semaphore(%arg12 : memref<!tpu.dma_semaphore, #tpu.memory_space<semaphore_mem>>) src(%dma_wait3A_151 : memref<10000x64xf32, #tpu.memory_space<hbm>>) dst(%dma_wait3A_145 : memref<128x64xf32, #tpu.memory_space<vmem>>)
        %add3A_152 = arith.constant 1 : i32
        %add3A_153 = arith.addi %add3A_139, %add3A_152 : i32
        %lt3A_154 = arith.constant 38 : i32
        %lt3A_155 = arith.cmpi slt, %add3A_153, %lt3A_154 : i32
        %add3A_156 = arith.constant 1 : i32
        %add3A_157 = arith.addi %add3A_139, %add3A_156 : i32
        %jit3A_158 = arith.constant 0 : i32
        %select_n3A_159 = arith.select %lt3A_155, %add3A_157, %jit3A_158 : i32
        %dma_start3A_160 = arith.constant 0 : i32
        %dma_start3A_161 = arith.constant 0 : i32
        %dma_start3A_162 = arith.constant 0 : i32
        %dma_start3A_163 = tpu.memref_slice %arg9[%dma_start3A_160, %dma_start3A_161, %dma_start3A_162] : memref<2x128x64xf32, #tpu.memory_space<vmem>> -> memref<1x128x64xf32, #tpu.memory_space<vmem>>
        %dma_start3A_164 = tpu.memref_squeeze %dma_start3A_163 : memref<1x128x64xf32, #tpu.memory_space<vmem>> -> memref<128x64xf32, #tpu.memory_space<vmem>>
        %dma_start3A_165 = arith.constant 0 : i32
        %dma_start3A_166 = tpu.memref_slice %arg7[%select_n3A_159, %dma_start3A_165] : memref<42x128xi32, #tpu.memory_space<vmem>> -> memref<1x128xi32, #tpu.memory_space<vmem>>
        %dma_start3A_167 = tpu.memref_squeeze %dma_start3A_166 : memref<1x128xi32, #tpu.memory_space<vmem>> -> memref<128xi32, #tpu.memory_space<vmem>>
        %dma_start3A_168 = arith.constant 0 : i32
        %dma_start3A_169 = arith.constant 0 : i32
        %dma_start3A_170 = tpu.memref_slice %arg4[%dma_start3A_168, %dma_start3A_169] : memref<10000x64xf32, #tpu.memory_space<hbm>> -> memref<10000x64xf32, #tpu.memory_space<hbm>>
        tpu.enqueue_indirect_dma source(%dma_start3A_170 : memref<10000x64xf32, #tpu.memory_space<hbm>>) target(%dma_start3A_164 : memref<128x64xf32, #tpu.memory_space<vmem>>) offsets(%dma_start3A_167 : memref<128xi32, #tpu.memory_space<vmem>>) semaphore(%arg11 : memref<!tpu.dma_semaphore, #tpu.memory_space<semaphore_mem>>)
        %run_scoped3A_171 = arith.constant 1 : i32
        "tpu.region"() ({
          %run_scoped3A_172 = tpu.sem_alloc : memref<!tpu.dma_semaphore, #tpu.memory_space<semaphore_mem>>
          %dma_start3A_173 = arith.constant 0 : i32
          %dma_start3A_174 = arith.constant 0 : i32
          %dma_start3A_175 = tpu.memref_slice %arg9[%run_scoped3A_171, %dma_start3A_173, %dma_start3A_174] : memref<2x128x64xf32, #tpu.memory_space<vmem>> -> memref<1x128x64xf32, #tpu.memory_space<vmem>>
          %dma_start3A_176 = tpu.memref_squeeze %dma_start3A_175 : memref<1x128x64xf32, #tpu.memory_space<vmem>> -> memref<128x64xf32, #tpu.memory_space<vmem>>
          %dma_start3A_177 = arith.constant 0 : i32
          %dma_start3A_178 = tpu.memref_slice %arg8[%add3A_139, %dma_start3A_177] : memref<42x128xi32, #tpu.memory_space<vmem>> -> memref<1x128xi32, #tpu.memory_space<vmem>>
          %dma_start3A_179 = tpu.memref_squeeze %dma_start3A_178 : memref<1x128xi32, #tpu.memory_space<vmem>> -> memref<128xi32, #tpu.memory_space<vmem>>
          %dma_start3A_180 = arith.constant 0 : i32
          %dma_start3A_181 = arith.constant 0 : i32
          %dma_start3A_182 = tpu.memref_slice %arg10[%dma_start3A_180, %dma_start3A_181] : memref<10240x64xf32, #tpu.memory_space<vmem_shared>> -> memref<10240x64xf32, #tpu.memory_space<vmem_shared>>
          tpu.enqueue_indirect_dma source(%dma_start3A_176 : memref<128x64xf32, #tpu.memory_space<vmem>>) target(%dma_start3A_182 : memref<10240x64xf32, #tpu.memory_space<vmem_shared>>) offsets(%dma_start3A_179 : memref<128xi32, #tpu.memory_space<vmem>>) semaphore(%run_scoped3A_172 : memref<!tpu.dma_semaphore, #tpu.memory_space<semaphore_mem>>) {add = true}
          %dma_wait3A_183 = arith.constant 0 : i32
          %dma_wait3A_184 = arith.constant 0 : i32
          %dma_wait3A_185 = tpu.memref_slice %arg9[%run_scoped3A_171, %dma_wait3A_183, %dma_wait3A_184] : memref<2x128x64xf32, #tpu.memory_space<vmem>> -> memref<1x128x64xf32, #tpu.memory_space<vmem>>
          %dma_wait3A_186 = tpu.memref_squeeze %dma_wait3A_185 : memref<1x128x64xf32, #tpu.memory_space<vmem>> -> memref<128x64xf32, #tpu.memory_space<vmem>>
          %dma_wait3A_187 = arith.constant 0 : i32
          %dma_wait3A_188 = tpu.memref_slice %arg8[%add3A_139, %dma_wait3A_187] : memref<42x128xi32, #tpu.memory_space<vmem>> -> memref<1x128xi32, #tpu.memory_space<vmem>>
          %dma_wait3A_189 = tpu.memref_squeeze %dma_wait3A_188 : memref<1x128xi32, #tpu.memory_space<vmem>> -> memref<128xi32, #tpu.memory_space<vmem>>
          %dma_wait3A_190 = arith.constant 0 : i32
          %dma_wait3A_191 = arith.constant 0 : i32
          %dma_wait3A_192 = tpu.memref_slice %arg10[%dma_wait3A_190, %dma_wait3A_191] : memref<10240x64xf32, #tpu.memory_space<vmem_shared>> -> memref<10240x64xf32, #tpu.memory_space<vmem_shared>>
          tpu.wait_indirect_dma semaphore(%run_scoped3A_172 : memref<!tpu.dma_semaphore, #tpu.memory_space<semaphore_mem>>) src(%dma_wait3A_186 : memref<128x64xf32, #tpu.memory_space<vmem>>) dst(%dma_wait3A_192 : memref<10240x64xf32, #tpu.memory_space<vmem_shared>>)
          tpu.yield
        }) : () -> ()
      }
      %scan3A_58 = arith.constant 19 : i32
      %dma_wait3A_59 = arith.constant 0 : i32
      %dma_wait3A_60 = arith.constant 0 : i32
      %dma_wait3A_61 = arith.constant 0 : i32
      %dma_wait3A_62 = arith.constant 0 : i32
      %dma_wait3A_63 = tpu.memref_slice %arg9[%dma_wait3A_60, %dma_wait3A_61, %dma_wait3A_62] : memref<2x128x64xf32, #tpu.memory_space<vmem>> -> memref<1x128x64xf32, #tpu.memory_space<vmem>>
      %dma_wait3A_64 = tpu.memref_squeeze %dma_wait3A_63 : memref<1x128x64xf32, #tpu.memory_space<vmem>> -> memref<128x64xf32, #tpu.memory_space<vmem>>
      %dma_wait3A_65 = arith.constant 0 : i32
      %dma_wait3A_66 = tpu.memref_slice %arg7[%dma_wait3A_59, %dma_wait3A_65] : memref<42x128xi32, #tpu.memory_space<vmem>> -> memref<1x128xi32, #tpu.memory_space<vmem>>
      %dma_wait3A_67 = tpu.memref_squeeze %dma_wait3A_66 : memref<1x128xi32, #tpu.memory_space<vmem>> -> memref<128xi32, #tpu.memory_space<vmem>>
      %dma_wait3A_68 = arith.constant 0 : i32
      %dma_wait3A_69 = arith.constant 0 : i32
      %dma_wait3A_70 = tpu.memref_slice %arg4[%dma_wait3A_68, %dma_wait3A_69] : memref<10000x64xf32, #tpu.memory_space<hbm>> -> memref<10000x64xf32, #tpu.memory_space<hbm>>
      tpu.wait_indirect_dma semaphore(%arg11 : memref<!tpu.dma_semaphore, #tpu.memory_space<semaphore_mem>>) src(%dma_wait3A_70 : memref<10000x64xf32, #tpu.memory_space<hbm>>) dst(%dma_wait3A_64 : memref<128x64xf32, #tpu.memory_space<vmem>>)
      %add3A_71 = arith.constant 76 : i32
      %add3A_72 = arith.addi %mul3A_10, %add3A_71 : i32
      "tpu.region"() ({
        %run_scoped3A = tpu.sem_alloc : memref<!tpu.dma_semaphore, #tpu.memory_space<semaphore_mem>>
        %dma_start3A_103 = arith.constant 0 : i32
        %dma_start3A_104 = arith.constant 0 : i32
        %dma_start3A_105 = tpu.memref_slice %arg7[%dma_start3A_103, %dma_start3A_104] : memref<42x128xi32, #tpu.memory_space<vmem>> -> memref<36x128xi32, #tpu.memory_space<vmem>>
        %dma_start3A_106 = arith.constant 0 : i32
        %dma_start3A_107 = tpu.memref_slice %arg2[%add3A_72, %dma_start3A_106] : memref<2528x128xi32, #tpu.memory_space<hbm>> -> memref<36x128xi32, #tpu.memory_space<hbm>>
        %dma_start3A_108 = arith.constant 0 : i32
        %dma_start3A_109 = arith.constant 0 : i32
        %dma_start3A_110 = tpu.memref_slice %arg7[%dma_start3A_108, %dma_start3A_109] : memref<42x128xi32, #tpu.memory_space<vmem>> -> memref<36x128xi32, #tpu.memory_space<vmem>>
        %dma_start3A_111 = arith.constant 0 : i32
        %dma_start3A_112 = tpu.memref_slice %arg2[%add3A_72, %dma_start3A_111] : memref<2528x128xi32, #tpu.memory_space<hbm>> -> memref<36x128xi32, #tpu.memory_space<hbm>>
        tpu.enqueue_dma source(%dma_start3A_112 : memref<36x128xi32, #tpu.memory_space<hbm>>) target(%dma_start3A_110 : memref<36x128xi32, #tpu.memory_space<vmem>>) target_semaphore(%run_scoped3A : memref<!tpu.dma_semaphore, #tpu.memory_space<semaphore_mem>>)
        %dma_wait3A_113 = arith.constant 0 : i32
        %dma_wait3A_114 = arith.constant 0 : i32
        %dma_wait3A_115 = tpu.memref_slice %arg7[%dma_wait3A_113, %dma_wait3A_114] : memref<42x128xi32, #tpu.memory_space<vmem>> -> memref<36x128xi32, #tpu.memory_space<vmem>>
        %dma_wait3A_116 = arith.constant 0 : i32
        %dma_wait3A_117 = tpu.memref_slice %arg2[%add3A_72, %dma_wait3A_116] : memref<2528x128xi32, #tpu.memory_space<hbm>> -> memref<36x128xi32, #tpu.memory_space<hbm>>
        %dma_wait3A_118 = arith.constant 0 : i32
        %dma_wait3A_119 = arith.constant 0 : i32
        %dma_wait3A_120 = tpu.memref_slice %arg7[%dma_wait3A_118, %dma_wait3A_119] : memref<42x128xi32, #tpu.memory_space<vmem>> -> memref<36x128xi32, #tpu.memory_space<vmem>>
        %dma_wait3A_121 = arith.constant 0 : i32
        %dma_wait3A_122 = tpu.memref_slice %arg2[%add3A_72, %dma_wait3A_121] : memref<2528x128xi32, #tpu.memory_space<hbm>> -> memref<36x128xi32, #tpu.memory_space<hbm>>
        tpu.wait_dma2 semaphore(%run_scoped3A : memref<!tpu.dma_semaphore, #tpu.memory_space<semaphore_mem>>) src(%dma_wait3A_122 : memref<36x128xi32, #tpu.memory_space<hbm>>) dst(%dma_wait3A_120 : memref<36x128xi32, #tpu.memory_space<vmem>>)
        tpu.yield
      }) : () -> ()
      "tpu.region"() ({
        %run_scoped3A = tpu.sem_alloc : memref<!tpu.dma_semaphore, #tpu.memory_space<semaphore_mem>>
        %dma_start3A_103 = arith.constant 0 : i32
        %dma_start3A_104 = arith.constant 0 : i32
        %dma_start3A_105 = tpu.memref_slice %arg8[%dma_start3A_103, %dma_start3A_104] : memref<42x128xi32, #tpu.memory_space<vmem>> -> memref<36x128xi32, #tpu.memory_space<vmem>>
        %dma_start3A_106 = arith.constant 0 : i32
        %dma_start3A_107 = tpu.memref_slice %arg3[%add3A_72, %dma_start3A_106] : memref<2528x128xi32, #tpu.memory_space<hbm>> -> memref<36x128xi32, #tpu.memory_space<hbm>>
        %dma_start3A_108 = arith.constant 0 : i32
        %dma_start3A_109 = arith.constant 0 : i32
        %dma_start3A_110 = tpu.memref_slice %arg8[%dma_start3A_108, %dma_start3A_109] : memref<42x128xi32, #tpu.memory_space<vmem>> -> memref<36x128xi32, #tpu.memory_space<vmem>>
        %dma_start3A_111 = arith.constant 0 : i32
        %dma_start3A_112 = tpu.memref_slice %arg3[%add3A_72, %dma_start3A_111] : memref<2528x128xi32, #tpu.memory_space<hbm>> -> memref<36x128xi32, #tpu.memory_space<hbm>>
        tpu.enqueue_dma source(%dma_start3A_112 : memref<36x128xi32, #tpu.memory_space<hbm>>) target(%dma_start3A_110 : memref<36x128xi32, #tpu.memory_space<vmem>>) target_semaphore(%run_scoped3A : memref<!tpu.dma_semaphore, #tpu.memory_space<semaphore_mem>>)
        %dma_wait3A_113 = arith.constant 0 : i32
        %dma_wait3A_114 = arith.constant 0 : i32
        %dma_wait3A_115 = tpu.memref_slice %arg8[%dma_wait3A_113, %dma_wait3A_114] : memref<42x128xi32, #tpu.memory_space<vmem>> -> memref<36x128xi32, #tpu.memory_space<vmem>>
        %dma_wait3A_116 = arith.constant 0 : i32
        %dma_wait3A_117 = tpu.memref_slice %arg3[%add3A_72, %dma_wait3A_116] : memref<2528x128xi32, #tpu.memory_space<hbm>> -> memref<36x128xi32, #tpu.memory_space<hbm>>
        %dma_wait3A_118 = arith.constant 0 : i32
        %dma_wait3A_119 = arith.constant 0 : i32
        %dma_wait3A_120 = tpu.memref_slice %arg8[%dma_wait3A_118, %dma_wait3A_119] : memref<42x128xi32, #tpu.memory_space<vmem>> -> memref<36x128xi32, #tpu.memory_space<vmem>>
        %dma_wait3A_121 = arith.constant 0 : i32
        %dma_wait3A_122 = tpu.memref_slice %arg3[%add3A_72, %dma_wait3A_121] : memref<2528x128xi32, #tpu.memory_space<hbm>> -> memref<36x128xi32, #tpu.memory_space<hbm>>
        tpu.wait_dma2 semaphore(%run_scoped3A : memref<!tpu.dma_semaphore, #tpu.memory_space<semaphore_mem>>) src(%dma_wait3A_122 : memref<36x128xi32, #tpu.memory_space<hbm>>) dst(%dma_wait3A_120 : memref<36x128xi32, #tpu.memory_space<vmem>>)
        tpu.yield
      }) : () -> ()
      %dma_start3A_73 = arith.constant 0 : i32
      %dma_start3A_74 = arith.constant 0 : i32
      %dma_start3A_75 = arith.constant 0 : i32
      %dma_start3A_76 = arith.constant 0 : i32
      %dma_start3A_77 = tpu.memref_slice %arg9[%dma_start3A_74, %dma_start3A_75, %dma_start3A_76] : memref<2x128x64xf32, #tpu.memory_space<vmem>> -> memref<1x128x64xf32, #tpu.memory_space<vmem>>
      %dma_start3A_78 = tpu.memref_squeeze %dma_start3A_77 : memref<1x128x64xf32, #tpu.memory_space<vmem>> -> memref<128x64xf32, #tpu.memory_space<vmem>>
      %dma_start3A_79 = arith.constant 0 : i32
      %dma_start3A_80 = tpu.memref_slice %arg7[%dma_start3A_73, %dma_start3A_79] : memref<42x128xi32, #tpu.memory_space<vmem>> -> memref<1x128xi32, #tpu.memory_space<vmem>>
      %dma_start3A_81 = tpu.memref_squeeze %dma_start3A_80 : memref<1x128xi32, #tpu.memory_space<vmem>> -> memref<128xi32, #tpu.memory_space<vmem>>
      %dma_start3A_82 = arith.constant 0 : i32
      %dma_start3A_83 = arith.constant 0 : i32
      %dma_start3A_84 = tpu.memref_slice %arg4[%dma_start3A_82, %dma_start3A_83] : memref<10000x64xf32, #tpu.memory_space<hbm>> -> memref<10000x64xf32, #tpu.memory_space<hbm>>
      tpu.enqueue_indirect_dma source(%dma_start3A_84 : memref<10000x64xf32, #tpu.memory_space<hbm>>) target(%dma_start3A_78 : memref<128x64xf32, #tpu.memory_space<vmem>>) offsets(%dma_start3A_81 : memref<128xi32, #tpu.memory_space<vmem>>) semaphore(%arg11 : memref<!tpu.dma_semaphore, #tpu.memory_space<semaphore_mem>>)
      %scan3A_85 = arith.constant 0 : i32
      %scan3A_86 = arith.constant 0 : i32
      %scan3A_87 = arith.constant 18 : i32
      %scan3A_88 = arith.addi %scan3A_86, %scan3A_87 : i32
      %scan3A_89 = arith.constant 1 : i32
      scf.for %scan3A_103 = %scan3A_86 to %scan3A_88 step %scan3A_89  : i32 {
        %mul3A_104 = arith.constant 2 : i32
        %mul3A_105 = arith.muli %scan3A_103, %mul3A_104 : i32
        %add3A_106 = arith.constant 0 : i32
        %add3A_107 = arith.addi %mul3A_105, %add3A_106 : i32
        %dma_wait3A_108 = arith.constant 0 : i32
        %dma_wait3A_109 = arith.constant 0 : i32
        %dma_wait3A_110 = arith.constant 0 : i32
        %dma_wait3A_111 = arith.constant 0 : i32
        %dma_wait3A_112 = tpu.memref_slice %arg9[%dma_wait3A_109, %dma_wait3A_110, %dma_wait3A_111] : memref<2x128x64xf32, #tpu.memory_space<vmem>> -> memref<1x128x64xf32, #tpu.memory_space<vmem>>
        %dma_wait3A_113 = tpu.memref_squeeze %dma_wait3A_112 : memref<1x128x64xf32, #tpu.memory_space<vmem>> -> memref<128x64xf32, #tpu.memory_space<vmem>>
        %dma_wait3A_114 = arith.constant 0 : i32
        %dma_wait3A_115 = tpu.memref_slice %arg7[%dma_wait3A_108, %dma_wait3A_114] : memref<42x128xi32, #tpu.memory_space<vmem>> -> memref<1x128xi32, #tpu.memory_space<vmem>>
        %dma_wait3A_116 = tpu.memref_squeeze %dma_wait3A_115 : memref<1x128xi32, #tpu.memory_space<vmem>> -> memref<128xi32, #tpu.memory_space<vmem>>
        %dma_wait3A_117 = arith.constant 0 : i32
        %dma_wait3A_118 = arith.constant 0 : i32
        %dma_wait3A_119 = tpu.memref_slice %arg4[%dma_wait3A_117, %dma_wait3A_118] : memref<10000x64xf32, #tpu.memory_space<hbm>> -> memref<10000x64xf32, #tpu.memory_space<hbm>>
        tpu.wait_indirect_dma semaphore(%arg11 : memref<!tpu.dma_semaphore, #tpu.memory_space<semaphore_mem>>) src(%dma_wait3A_119 : memref<10000x64xf32, #tpu.memory_space<hbm>>) dst(%dma_wait3A_113 : memref<128x64xf32, #tpu.memory_space<vmem>>)
        %add3A_120 = arith.constant 1 : i32
        %add3A_121 = arith.addi %add3A_107, %add3A_120 : i32
        %lt3A = arith.constant 36 : i32
        %lt3A_122 = arith.cmpi slt, %add3A_121, %lt3A : i32
        %add3A_123 = arith.constant 1 : i32
        %add3A_124 = arith.addi %add3A_107, %add3A_123 : i32
        %jit3A = arith.constant 0 : i32
        %select_n3A = arith.select %lt3A_122, %add3A_124, %jit3A : i32
        %dma_start3A_125 = arith.constant 1 : i32
        %dma_start3A_126 = arith.constant 0 : i32
        %dma_start3A_127 = arith.constant 0 : i32
        %dma_start3A_128 = tpu.memref_slice %arg9[%dma_start3A_125, %dma_start3A_126, %dma_start3A_127] : memref<2x128x64xf32, #tpu.memory_space<vmem>> -> memref<1x128x64xf32, #tpu.memory_space<vmem>>
        %dma_start3A_129 = tpu.memref_squeeze %dma_start3A_128 : memref<1x128x64xf32, #tpu.memory_space<vmem>> -> memref<128x64xf32, #tpu.memory_space<vmem>>
        %dma_start3A_130 = arith.constant 0 : i32
        %dma_start3A_131 = tpu.memref_slice %arg7[%select_n3A, %dma_start3A_130] : memref<42x128xi32, #tpu.memory_space<vmem>> -> memref<1x128xi32, #tpu.memory_space<vmem>>
        %dma_start3A_132 = tpu.memref_squeeze %dma_start3A_131 : memref<1x128xi32, #tpu.memory_space<vmem>> -> memref<128xi32, #tpu.memory_space<vmem>>
        %dma_start3A_133 = arith.constant 0 : i32
        %dma_start3A_134 = arith.constant 0 : i32
        %dma_start3A_135 = tpu.memref_slice %arg4[%dma_start3A_133, %dma_start3A_134] : memref<10000x64xf32, #tpu.memory_space<hbm>> -> memref<10000x64xf32, #tpu.memory_space<hbm>>
        tpu.enqueue_indirect_dma source(%dma_start3A_135 : memref<10000x64xf32, #tpu.memory_space<hbm>>) target(%dma_start3A_129 : memref<128x64xf32, #tpu.memory_space<vmem>>) offsets(%dma_start3A_132 : memref<128xi32, #tpu.memory_space<vmem>>) semaphore(%arg12 : memref<!tpu.dma_semaphore, #tpu.memory_space<semaphore_mem>>)
        %run_scoped3A = arith.constant 0 : i32
        "tpu.region"() ({
          %run_scoped3A_172 = tpu.sem_alloc : memref<!tpu.dma_semaphore, #tpu.memory_space<semaphore_mem>>
          %dma_start3A_173 = arith.constant 0 : i32
          %dma_start3A_174 = arith.constant 0 : i32
          %dma_start3A_175 = tpu.memref_slice %arg9[%run_scoped3A, %dma_start3A_173, %dma_start3A_174] : memref<2x128x64xf32, #tpu.memory_space<vmem>> -> memref<1x128x64xf32, #tpu.memory_space<vmem>>
          %dma_start3A_176 = tpu.memref_squeeze %dma_start3A_175 : memref<1x128x64xf32, #tpu.memory_space<vmem>> -> memref<128x64xf32, #tpu.memory_space<vmem>>
          %dma_start3A_177 = arith.constant 0 : i32
          %dma_start3A_178 = tpu.memref_slice %arg8[%add3A_107, %dma_start3A_177] : memref<42x128xi32, #tpu.memory_space<vmem>> -> memref<1x128xi32, #tpu.memory_space<vmem>>
          %dma_start3A_179 = tpu.memref_squeeze %dma_start3A_178 : memref<1x128xi32, #tpu.memory_space<vmem>> -> memref<128xi32, #tpu.memory_space<vmem>>
          %dma_start3A_180 = arith.constant 0 : i32
          %dma_start3A_181 = arith.constant 0 : i32
          %dma_start3A_182 = tpu.memref_slice %arg10[%dma_start3A_180, %dma_start3A_181] : memref<10240x64xf32, #tpu.memory_space<vmem_shared>> -> memref<10240x64xf32, #tpu.memory_space<vmem_shared>>
          tpu.enqueue_indirect_dma source(%dma_start3A_176 : memref<128x64xf32, #tpu.memory_space<vmem>>) target(%dma_start3A_182 : memref<10240x64xf32, #tpu.memory_space<vmem_shared>>) offsets(%dma_start3A_179 : memref<128xi32, #tpu.memory_space<vmem>>) semaphore(%run_scoped3A_172 : memref<!tpu.dma_semaphore, #tpu.memory_space<semaphore_mem>>) {add = true}
          %dma_wait3A_183 = arith.constant 0 : i32
          %dma_wait3A_184 = arith.constant 0 : i32
          %dma_wait3A_185 = tpu.memref_slice %arg9[%run_scoped3A, %dma_wait3A_183, %dma_wait3A_184] : memref<2x128x64xf32, #tpu.memory_space<vmem>> -> memref<1x128x64xf32, #tpu.memory_space<vmem>>
          %dma_wait3A_186 = tpu.memref_squeeze %dma_wait3A_185 : memref<1x128x64xf32, #tpu.memory_space<vmem>> -> memref<128x64xf32, #tpu.memory_space<vmem>>
          %dma_wait3A_187 = arith.constant 0 : i32
          %dma_wait3A_188 = tpu.memref_slice %arg8[%add3A_107, %dma_wait3A_187] : memref<42x128xi32, #tpu.memory_space<vmem>> -> memref<1x128xi32, #tpu.memory_space<vmem>>
          %dma_wait3A_189 = tpu.memref_squeeze %dma_wait3A_188 : memref<1x128xi32, #tpu.memory_space<vmem>> -> memref<128xi32, #tpu.memory_space<vmem>>
          %dma_wait3A_190 = arith.constant 0 : i32
          %dma_wait3A_191 = arith.constant 0 : i32
          %dma_wait3A_192 = tpu.memref_slice %arg10[%dma_wait3A_190, %dma_wait3A_191] : memref<10240x64xf32, #tpu.memory_space<vmem_shared>> -> memref<10240x64xf32, #tpu.memory_space<vmem_shared>>
          tpu.wait_indirect_dma semaphore(%run_scoped3A_172 : memref<!tpu.dma_semaphore, #tpu.memory_space<semaphore_mem>>) src(%dma_wait3A_186 : memref<128x64xf32, #tpu.memory_space<vmem>>) dst(%dma_wait3A_192 : memref<10240x64xf32, #tpu.memory_space<vmem_shared>>)
          tpu.yield
        }) : () -> ()
        %mul3A_136 = arith.constant 2 : i32
        %mul3A_137 = arith.muli %scan3A_103, %mul3A_136 : i32
        %add3A_138 = arith.constant 1 : i32
        %add3A_139 = arith.addi %mul3A_137, %add3A_138 : i32
        %dma_wait3A_140 = arith.constant 0 : i32
        %dma_wait3A_141 = arith.constant 1 : i32
        %dma_wait3A_142 = arith.constant 0 : i32
        %dma_wait3A_143 = arith.constant 0 : i32
        %dma_wait3A_144 = tpu.memref_slice %arg9[%dma_wait3A_141, %dma_wait3A_142, %dma_wait3A_143] : memref<2x128x64xf32, #tpu.memory_space<vmem>> -> memref<1x128x64xf32, #tpu.memory_space<vmem>>
        %dma_wait3A_145 = tpu.memref_squeeze %dma_wait3A_144 : memref<1x128x64xf32, #tpu.memory_space<vmem>> -> memref<128x64xf32, #tpu.memory_space<vmem>>
        %dma_wait3A_146 = arith.constant 0 : i32
        %dma_wait3A_147 = tpu.memref_slice %arg7[%dma_wait3A_140, %dma_wait3A_146] : memref<42x128xi32, #tpu.memory_space<vmem>> -> memref<1x128xi32, #tpu.memory_space<vmem>>
        %dma_wait3A_148 = tpu.memref_squeeze %dma_wait3A_147 : memref<1x128xi32, #tpu.memory_space<vmem>> -> memref<128xi32, #tpu.memory_space<vmem>>
        %dma_wait3A_149 = arith.constant 0 : i32
        %dma_wait3A_150 = arith.constant 0 : i32
        %dma_wait3A_151 = tpu.memref_slice %arg4[%dma_wait3A_149, %dma_wait3A_150] : memref<10000x64xf32, #tpu.memory_space<hbm>> -> memref<10000x64xf32, #tpu.memory_space<hbm>>
        tpu.wait_indirect_dma semaphore(%arg12 : memref<!tpu.dma_semaphore, #tpu.memory_space<semaphore_mem>>) src(%dma_wait3A_151 : memref<10000x64xf32, #tpu.memory_space<hbm>>) dst(%dma_wait3A_145 : memref<128x64xf32, #tpu.memory_space<vmem>>)
        %add3A_152 = arith.constant 1 : i32
        %add3A_153 = arith.addi %add3A_139, %add3A_152 : i32
        %lt3A_154 = arith.constant 36 : i32
        %lt3A_155 = arith.cmpi slt, %add3A_153, %lt3A_154 : i32
        %add3A_156 = arith.constant 1 : i32
        %add3A_157 = arith.addi %add3A_139, %add3A_156 : i32
        %jit3A_158 = arith.constant 0 : i32
        %select_n3A_159 = arith.select %lt3A_155, %add3A_157, %jit3A_158 : i32
        %dma_start3A_160 = arith.constant 0 : i32
        %dma_start3A_161 = arith.constant 0 : i32
        %dma_start3A_162 = arith.constant 0 : i32
        %dma_start3A_163 = tpu.memref_slice %arg9[%dma_start3A_160, %dma_start3A_161, %dma_start3A_162] : memref<2x128x64xf32, #tpu.memory_space<vmem>> -> memref<1x128x64xf32, #tpu.memory_space<vmem>>
        %dma_start3A_164 = tpu.memref_squeeze %dma_start3A_163 : memref<1x128x64xf32, #tpu.memory_space<vmem>> -> memref<128x64xf32, #tpu.memory_space<vmem>>
        %dma_start3A_165 = arith.constant 0 : i32
        %dma_start3A_166 = tpu.memref_slice %arg7[%select_n3A_159, %dma_start3A_165] : memref<42x128xi32, #tpu.memory_space<vmem>> -> memref<1x128xi32, #tpu.memory_space<vmem>>
        %dma_start3A_167 = tpu.memref_squeeze %dma_start3A_166 : memref<1x128xi32, #tpu.memory_space<vmem>> -> memref<128xi32, #tpu.memory_space<vmem>>
        %dma_start3A_168 = arith.constant 0 : i32
        %dma_start3A_169 = arith.constant 0 : i32
        %dma_start3A_170 = tpu.memref_slice %arg4[%dma_start3A_168, %dma_start3A_169] : memref<10000x64xf32, #tpu.memory_space<hbm>> -> memref<10000x64xf32, #tpu.memory_space<hbm>>
        tpu.enqueue_indirect_dma source(%dma_start3A_170 : memref<10000x64xf32, #tpu.memory_space<hbm>>) target(%dma_start3A_164 : memref<128x64xf32, #tpu.memory_space<vmem>>) offsets(%dma_start3A_167 : memref<128xi32, #tpu.memory_space<vmem>>) semaphore(%arg11 : memref<!tpu.dma_semaphore, #tpu.memory_space<semaphore_mem>>)
        %run_scoped3A_171 = arith.constant 1 : i32
        "tpu.region"() ({
          %run_scoped3A_172 = tpu.sem_alloc : memref<!tpu.dma_semaphore, #tpu.memory_space<semaphore_mem>>
          %dma_start3A_173 = arith.constant 0 : i32
          %dma_start3A_174 = arith.constant 0 : i32
          %dma_start3A_175 = tpu.memref_slice %arg9[%run_scoped3A_171, %dma_start3A_173, %dma_start3A_174] : memref<2x128x64xf32, #tpu.memory_space<vmem>> -> memref<1x128x64xf32, #tpu.memory_space<vmem>>
          %dma_start3A_176 = tpu.memref_squeeze %dma_start3A_175 : memref<1x128x64xf32, #tpu.memory_space<vmem>> -> memref<128x64xf32, #tpu.memory_space<vmem>>
          %dma_start3A_177 = arith.constant 0 : i32
          %dma_start3A_178 = tpu.memref_slice %arg8[%add3A_139, %dma_start3A_177] : memref<42x128xi32, #tpu.memory_space<vmem>> -> memref<1x128xi32, #tpu.memory_space<vmem>>
          %dma_start3A_179 = tpu.memref_squeeze %dma_start3A_178 : memref<1x128xi32, #tpu.memory_space<vmem>> -> memref<128xi32, #tpu.memory_space<vmem>>
          %dma_start3A_180 = arith.constant 0 : i32
          %dma_start3A_181 = arith.constant 0 : i32
          %dma_start3A_182 = tpu.memref_slice %arg10[%dma_start3A_180, %dma_start3A_181] : memref<10240x64xf32, #tpu.memory_space<vmem_shared>> -> memref<10240x64xf32, #tpu.memory_space<vmem_shared>>
          tpu.enqueue_indirect_dma source(%dma_start3A_176 : memref<128x64xf32, #tpu.memory_space<vmem>>) target(%dma_start3A_182 : memref<10240x64xf32, #tpu.memory_space<vmem_shared>>) offsets(%dma_start3A_179 : memref<128xi32, #tpu.memory_space<vmem>>) semaphore(%run_scoped3A_172 : memref<!tpu.dma_semaphore, #tpu.memory_space<semaphore_mem>>) {add = true}
          %dma_wait3A_183 = arith.constant 0 : i32
          %dma_wait3A_184 = arith.constant 0 : i32
          %dma_wait3A_185 = tpu.memref_slice %arg9[%run_scoped3A_171, %dma_wait3A_183, %dma_wait3A_184] : memref<2x128x64xf32, #tpu.memory_space<vmem>> -> memref<1x128x64xf32, #tpu.memory_space<vmem>>
          %dma_wait3A_186 = tpu.memref_squeeze %dma_wait3A_185 : memref<1x128x64xf32, #tpu.memory_space<vmem>> -> memref<128x64xf32, #tpu.memory_space<vmem>>
          %dma_wait3A_187 = arith.constant 0 : i32
          %dma_wait3A_188 = tpu.memref_slice %arg8[%add3A_139, %dma_wait3A_187] : memref<42x128xi32, #tpu.memory_space<vmem>> -> memref<1x128xi32, #tpu.memory_space<vmem>>
          %dma_wait3A_189 = tpu.memref_squeeze %dma_wait3A_188 : memref<1x128xi32, #tpu.memory_space<vmem>> -> memref<128xi32, #tpu.memory_space<vmem>>
          %dma_wait3A_190 = arith.constant 0 : i32
          %dma_wait3A_191 = arith.constant 0 : i32
          %dma_wait3A_192 = tpu.memref_slice %arg10[%dma_wait3A_190, %dma_wait3A_191] : memref<10240x64xf32, #tpu.memory_space<vmem_shared>> -> memref<10240x64xf32, #tpu.memory_space<vmem_shared>>
          tpu.wait_indirect_dma semaphore(%run_scoped3A_172 : memref<!tpu.dma_semaphore, #tpu.memory_space<semaphore_mem>>) src(%dma_wait3A_186 : memref<128x64xf32, #tpu.memory_space<vmem>>) dst(%dma_wait3A_192 : memref<10240x64xf32, #tpu.memory_space<vmem_shared>>)
          tpu.yield
        }) : () -> ()
      }
      %scan3A_90 = arith.constant 18 : i32
      %dma_wait3A_91 = arith.constant 0 : i32
      %dma_wait3A_92 = arith.constant 0 : i32
      %dma_wait3A_93 = arith.constant 0 : i32
      %dma_wait3A_94 = arith.constant 0 : i32
      %dma_wait3A_95 = tpu.memref_slice %arg9[%dma_wait3A_92, %dma_wait3A_93, %dma_wait3A_94] : memref<2x128x64xf32, #tpu.memory_space<vmem>> -> memref<1x128x64xf32, #tpu.memory_space<vmem>>
      %dma_wait3A_96 = tpu.memref_squeeze %dma_wait3A_95 : memref<1x128x64xf32, #tpu.memory_space<vmem>> -> memref<128x64xf32, #tpu.memory_space<vmem>>
      %dma_wait3A_97 = arith.constant 0 : i32
      %dma_wait3A_98 = tpu.memref_slice %arg7[%dma_wait3A_91, %dma_wait3A_97] : memref<42x128xi32, #tpu.memory_space<vmem>> -> memref<1x128xi32, #tpu.memory_space<vmem>>
      %dma_wait3A_99 = tpu.memref_squeeze %dma_wait3A_98 : memref<1x128xi32, #tpu.memory_space<vmem>> -> memref<128xi32, #tpu.memory_space<vmem>>
      %dma_wait3A_100 = arith.constant 0 : i32
      %dma_wait3A_101 = arith.constant 0 : i32
      %dma_wait3A_102 = tpu.memref_slice %arg4[%dma_wait3A_100, %dma_wait3A_101] : memref<10000x64xf32, #tpu.memory_space<hbm>> -> memref<10000x64xf32, #tpu.memory_space<hbm>>
      tpu.wait_indirect_dma semaphore(%arg11 : memref<!tpu.dma_semaphore, #tpu.memory_space<semaphore_mem>>) src(%dma_wait3A_102 : memref<10000x64xf32, #tpu.memory_space<hbm>>) dst(%dma_wait3A_96 : memref<128x64xf32, #tpu.memory_space<vmem>>)
    } else {
    }
    %eq3A_3 = arith.constant 1 : i32
    %eq3A_4 = arith.cmpi eq, %arg0, %eq3A_3 : i32
    %convert_element_type3A_5 = arith.extui %eq3A_4 : i1 to i32
    %cond3A_6 = arith.constant 0 : i32
    %cond3A_7 = arith.cmpi ne, %convert_element_type3A_5, %cond3A_6 : i32
    scf.if %cond3A_7 {
      %mul3A_9 = arith.constant 46 : i32
      %mul3A_10 = arith.muli %arg1, %mul3A_9 : i32
      %add3A = arith.constant 1792 : i32
      %add3A_11 = arith.addi %add3A, %mul3A_10 : i32
      %add3A_12 = arith.constant 0 : i32
      %add3A_13 = arith.addi %add3A_11, %add3A_12 : i32
      "tpu.region"() ({
        %run_scoped3A = tpu.sem_alloc : memref<!tpu.dma_semaphore, #tpu.memory_space<semaphore_mem>>
        %dma_start3A_73 = arith.constant 0 : i32
        %dma_start3A_74 = arith.constant 0 : i32
        %dma_start3A_75 = tpu.memref_slice %arg7[%dma_start3A_73, %dma_start3A_74] : memref<42x128xi32, #tpu.memory_space<vmem>> -> memref<24x128xi32, #tpu.memory_space<vmem>>
        %dma_start3A_76 = arith.constant 0 : i32
        %dma_start3A_77 = tpu.memref_slice %arg2[%add3A_13, %dma_start3A_76] : memref<2528x128xi32, #tpu.memory_space<hbm>> -> memref<24x128xi32, #tpu.memory_space<hbm>>
        %dma_start3A_78 = arith.constant 0 : i32
        %dma_start3A_79 = arith.constant 0 : i32
        %dma_start3A_80 = tpu.memref_slice %arg7[%dma_start3A_78, %dma_start3A_79] : memref<42x128xi32, #tpu.memory_space<vmem>> -> memref<24x128xi32, #tpu.memory_space<vmem>>
        %dma_start3A_81 = arith.constant 0 : i32
        %dma_start3A_82 = tpu.memref_slice %arg2[%add3A_13, %dma_start3A_81] : memref<2528x128xi32, #tpu.memory_space<hbm>> -> memref<24x128xi32, #tpu.memory_space<hbm>>
        tpu.enqueue_dma source(%dma_start3A_82 : memref<24x128xi32, #tpu.memory_space<hbm>>) target(%dma_start3A_80 : memref<24x128xi32, #tpu.memory_space<vmem>>) target_semaphore(%run_scoped3A : memref<!tpu.dma_semaphore, #tpu.memory_space<semaphore_mem>>)
        %dma_wait3A_83 = arith.constant 0 : i32
        %dma_wait3A_84 = arith.constant 0 : i32
        %dma_wait3A_85 = tpu.memref_slice %arg7[%dma_wait3A_83, %dma_wait3A_84] : memref<42x128xi32, #tpu.memory_space<vmem>> -> memref<24x128xi32, #tpu.memory_space<vmem>>
        %dma_wait3A_86 = arith.constant 0 : i32
        %dma_wait3A_87 = tpu.memref_slice %arg2[%add3A_13, %dma_wait3A_86] : memref<2528x128xi32, #tpu.memory_space<hbm>> -> memref<24x128xi32, #tpu.memory_space<hbm>>
        %dma_wait3A_88 = arith.constant 0 : i32
        %dma_wait3A_89 = arith.constant 0 : i32
        %dma_wait3A_90 = tpu.memref_slice %arg7[%dma_wait3A_88, %dma_wait3A_89] : memref<42x128xi32, #tpu.memory_space<vmem>> -> memref<24x128xi32, #tpu.memory_space<vmem>>
        %dma_wait3A_91 = arith.constant 0 : i32
        %dma_wait3A_92 = tpu.memref_slice %arg2[%add3A_13, %dma_wait3A_91] : memref<2528x128xi32, #tpu.memory_space<hbm>> -> memref<24x128xi32, #tpu.memory_space<hbm>>
        tpu.wait_dma2 semaphore(%run_scoped3A : memref<!tpu.dma_semaphore, #tpu.memory_space<semaphore_mem>>) src(%dma_wait3A_92 : memref<24x128xi32, #tpu.memory_space<hbm>>) dst(%dma_wait3A_90 : memref<24x128xi32, #tpu.memory_space<vmem>>)
        tpu.yield
      }) : () -> ()
      "tpu.region"() ({
        %run_scoped3A = tpu.sem_alloc : memref<!tpu.dma_semaphore, #tpu.memory_space<semaphore_mem>>
        %dma_start3A_73 = arith.constant 0 : i32
        %dma_start3A_74 = arith.constant 0 : i32
        %dma_start3A_75 = tpu.memref_slice %arg8[%dma_start3A_73, %dma_start3A_74] : memref<42x128xi32, #tpu.memory_space<vmem>> -> memref<24x128xi32, #tpu.memory_space<vmem>>
        %dma_start3A_76 = arith.constant 0 : i32
        %dma_start3A_77 = tpu.memref_slice %arg3[%add3A_13, %dma_start3A_76] : memref<2528x128xi32, #tpu.memory_space<hbm>> -> memref<24x128xi32, #tpu.memory_space<hbm>>
        %dma_start3A_78 = arith.constant 0 : i32
        %dma_start3A_79 = arith.constant 0 : i32
        %dma_start3A_80 = tpu.memref_slice %arg8[%dma_start3A_78, %dma_start3A_79] : memref<42x128xi32, #tpu.memory_space<vmem>> -> memref<24x128xi32, #tpu.memory_space<vmem>>
        %dma_start3A_81 = arith.constant 0 : i32
        %dma_start3A_82 = tpu.memref_slice %arg3[%add3A_13, %dma_start3A_81] : memref<2528x128xi32, #tpu.memory_space<hbm>> -> memref<24x128xi32, #tpu.memory_space<hbm>>
        tpu.enqueue_dma source(%dma_start3A_82 : memref<24x128xi32, #tpu.memory_space<hbm>>) target(%dma_start3A_80 : memref<24x128xi32, #tpu.memory_space<vmem>>) target_semaphore(%run_scoped3A : memref<!tpu.dma_semaphore, #tpu.memory_space<semaphore_mem>>)
        %dma_wait3A_83 = arith.constant 0 : i32
        %dma_wait3A_84 = arith.constant 0 : i32
        %dma_wait3A_85 = tpu.memref_slice %arg8[%dma_wait3A_83, %dma_wait3A_84] : memref<42x128xi32, #tpu.memory_space<vmem>> -> memref<24x128xi32, #tpu.memory_space<vmem>>
        %dma_wait3A_86 = arith.constant 0 : i32
        %dma_wait3A_87 = tpu.memref_slice %arg3[%add3A_13, %dma_wait3A_86] : memref<2528x128xi32, #tpu.memory_space<hbm>> -> memref<24x128xi32, #tpu.memory_space<hbm>>
        %dma_wait3A_88 = arith.constant 0 : i32
        %dma_wait3A_89 = arith.constant 0 : i32
        %dma_wait3A_90 = tpu.memref_slice %arg8[%dma_wait3A_88, %dma_wait3A_89] : memref<42x128xi32, #tpu.memory_space<vmem>> -> memref<24x128xi32, #tpu.memory_space<vmem>>
        %dma_wait3A_91 = arith.constant 0 : i32
        %dma_wait3A_92 = tpu.memref_slice %arg3[%add3A_13, %dma_wait3A_91] : memref<2528x128xi32, #tpu.memory_space<hbm>> -> memref<24x128xi32, #tpu.memory_space<hbm>>
        tpu.wait_dma2 semaphore(%run_scoped3A : memref<!tpu.dma_semaphore, #tpu.memory_space<semaphore_mem>>) src(%dma_wait3A_92 : memref<24x128xi32, #tpu.memory_space<hbm>>) dst(%dma_wait3A_90 : memref<24x128xi32, #tpu.memory_space<vmem>>)
        tpu.yield
      }) : () -> ()
      %dma_start3A = arith.constant 0 : i32
      %dma_start3A_14 = arith.constant 0 : i32
      %dma_start3A_15 = arith.constant 0 : i32
      %dma_start3A_16 = arith.constant 0 : i32
      %dma_start3A_17 = tpu.memref_slice %arg9[%dma_start3A_14, %dma_start3A_15, %dma_start3A_16] : memref<2x128x64xf32, #tpu.memory_space<vmem>> -> memref<1x128x64xf32, #tpu.memory_space<vmem>>
      %dma_start3A_18 = tpu.memref_squeeze %dma_start3A_17 : memref<1x128x64xf32, #tpu.memory_space<vmem>> -> memref<128x64xf32, #tpu.memory_space<vmem>>
      %dma_start3A_19 = arith.constant 0 : i32
      %dma_start3A_20 = tpu.memref_slice %arg7[%dma_start3A, %dma_start3A_19] : memref<42x128xi32, #tpu.memory_space<vmem>> -> memref<1x128xi32, #tpu.memory_space<vmem>>
      %dma_start3A_21 = tpu.memref_squeeze %dma_start3A_20 : memref<1x128xi32, #tpu.memory_space<vmem>> -> memref<128xi32, #tpu.memory_space<vmem>>
      %dma_start3A_22 = arith.constant 0 : i32
      %dma_start3A_23 = arith.constant 0 : i32
      %dma_start3A_24 = tpu.memref_slice %arg4[%dma_start3A_22, %dma_start3A_23] : memref<10000x64xf32, #tpu.memory_space<hbm>> -> memref<10000x64xf32, #tpu.memory_space<hbm>>
      tpu.enqueue_indirect_dma source(%dma_start3A_24 : memref<10000x64xf32, #tpu.memory_space<hbm>>) target(%dma_start3A_18 : memref<128x64xf32, #tpu.memory_space<vmem>>) offsets(%dma_start3A_21 : memref<128xi32, #tpu.memory_space<vmem>>) semaphore(%arg11 : memref<!tpu.dma_semaphore, #tpu.memory_space<semaphore_mem>>)
      %scan3A = arith.constant 0 : i32
      %scan3A_25 = arith.constant 0 : i32
      %scan3A_26 = arith.constant 12 : i32
      %scan3A_27 = arith.addi %scan3A_25, %scan3A_26 : i32
      %scan3A_28 = arith.constant 1 : i32
      scf.for %scan3A_73 = %scan3A_25 to %scan3A_27 step %scan3A_28  : i32 {
        %mul3A_74 = arith.constant 2 : i32
        %mul3A_75 = arith.muli %scan3A_73, %mul3A_74 : i32
        %add3A_76 = arith.constant 0 : i32
        %add3A_77 = arith.addi %mul3A_75, %add3A_76 : i32
        %dma_wait3A_78 = arith.constant 0 : i32
        %dma_wait3A_79 = arith.constant 0 : i32
        %dma_wait3A_80 = arith.constant 0 : i32
        %dma_wait3A_81 = arith.constant 0 : i32
        %dma_wait3A_82 = tpu.memref_slice %arg9[%dma_wait3A_79, %dma_wait3A_80, %dma_wait3A_81] : memref<2x128x64xf32, #tpu.memory_space<vmem>> -> memref<1x128x64xf32, #tpu.memory_space<vmem>>
        %dma_wait3A_83 = tpu.memref_squeeze %dma_wait3A_82 : memref<1x128x64xf32, #tpu.memory_space<vmem>> -> memref<128x64xf32, #tpu.memory_space<vmem>>
        %dma_wait3A_84 = arith.constant 0 : i32
        %dma_wait3A_85 = tpu.memref_slice %arg7[%dma_wait3A_78, %dma_wait3A_84] : memref<42x128xi32, #tpu.memory_space<vmem>> -> memref<1x128xi32, #tpu.memory_space<vmem>>
        %dma_wait3A_86 = tpu.memref_squeeze %dma_wait3A_85 : memref<1x128xi32, #tpu.memory_space<vmem>> -> memref<128xi32, #tpu.memory_space<vmem>>
        %dma_wait3A_87 = arith.constant 0 : i32
        %dma_wait3A_88 = arith.constant 0 : i32
        %dma_wait3A_89 = tpu.memref_slice %arg4[%dma_wait3A_87, %dma_wait3A_88] : memref<10000x64xf32, #tpu.memory_space<hbm>> -> memref<10000x64xf32, #tpu.memory_space<hbm>>
        tpu.wait_indirect_dma semaphore(%arg11 : memref<!tpu.dma_semaphore, #tpu.memory_space<semaphore_mem>>) src(%dma_wait3A_89 : memref<10000x64xf32, #tpu.memory_space<hbm>>) dst(%dma_wait3A_83 : memref<128x64xf32, #tpu.memory_space<vmem>>)
        %add3A_90 = arith.constant 1 : i32
        %add3A_91 = arith.addi %add3A_77, %add3A_90 : i32
        %lt3A = arith.constant 24 : i32
        %lt3A_92 = arith.cmpi slt, %add3A_91, %lt3A : i32
        %add3A_93 = arith.constant 1 : i32
        %add3A_94 = arith.addi %add3A_77, %add3A_93 : i32
        %jit3A = arith.constant 0 : i32
        %select_n3A = arith.select %lt3A_92, %add3A_94, %jit3A : i32
        %dma_start3A_95 = arith.constant 1 : i32
        %dma_start3A_96 = arith.constant 0 : i32
        %dma_start3A_97 = arith.constant 0 : i32
        %dma_start3A_98 = tpu.memref_slice %arg9[%dma_start3A_95, %dma_start3A_96, %dma_start3A_97] : memref<2x128x64xf32, #tpu.memory_space<vmem>> -> memref<1x128x64xf32, #tpu.memory_space<vmem>>
        %dma_start3A_99 = tpu.memref_squeeze %dma_start3A_98 : memref<1x128x64xf32, #tpu.memory_space<vmem>> -> memref<128x64xf32, #tpu.memory_space<vmem>>
        %dma_start3A_100 = arith.constant 0 : i32
        %dma_start3A_101 = tpu.memref_slice %arg7[%select_n3A, %dma_start3A_100] : memref<42x128xi32, #tpu.memory_space<vmem>> -> memref<1x128xi32, #tpu.memory_space<vmem>>
        %dma_start3A_102 = tpu.memref_squeeze %dma_start3A_101 : memref<1x128xi32, #tpu.memory_space<vmem>> -> memref<128xi32, #tpu.memory_space<vmem>>
        %dma_start3A_103 = arith.constant 0 : i32
        %dma_start3A_104 = arith.constant 0 : i32
        %dma_start3A_105 = tpu.memref_slice %arg4[%dma_start3A_103, %dma_start3A_104] : memref<10000x64xf32, #tpu.memory_space<hbm>> -> memref<10000x64xf32, #tpu.memory_space<hbm>>
        tpu.enqueue_indirect_dma source(%dma_start3A_105 : memref<10000x64xf32, #tpu.memory_space<hbm>>) target(%dma_start3A_99 : memref<128x64xf32, #tpu.memory_space<vmem>>) offsets(%dma_start3A_102 : memref<128xi32, #tpu.memory_space<vmem>>) semaphore(%arg12 : memref<!tpu.dma_semaphore, #tpu.memory_space<semaphore_mem>>)
        %run_scoped3A = arith.constant 0 : i32
        "tpu.region"() ({
          %run_scoped3A_142 = tpu.sem_alloc : memref<!tpu.dma_semaphore, #tpu.memory_space<semaphore_mem>>
          %dma_start3A_143 = arith.constant 0 : i32
          %dma_start3A_144 = arith.constant 0 : i32
          %dma_start3A_145 = tpu.memref_slice %arg9[%run_scoped3A, %dma_start3A_143, %dma_start3A_144] : memref<2x128x64xf32, #tpu.memory_space<vmem>> -> memref<1x128x64xf32, #tpu.memory_space<vmem>>
          %dma_start3A_146 = tpu.memref_squeeze %dma_start3A_145 : memref<1x128x64xf32, #tpu.memory_space<vmem>> -> memref<128x64xf32, #tpu.memory_space<vmem>>
          %dma_start3A_147 = arith.constant 0 : i32
          %dma_start3A_148 = tpu.memref_slice %arg8[%add3A_77, %dma_start3A_147] : memref<42x128xi32, #tpu.memory_space<vmem>> -> memref<1x128xi32, #tpu.memory_space<vmem>>
          %dma_start3A_149 = tpu.memref_squeeze %dma_start3A_148 : memref<1x128xi32, #tpu.memory_space<vmem>> -> memref<128xi32, #tpu.memory_space<vmem>>
          %dma_start3A_150 = arith.constant 0 : i32
          %dma_start3A_151 = arith.constant 0 : i32
          %dma_start3A_152 = tpu.memref_slice %arg10[%dma_start3A_150, %dma_start3A_151] : memref<10240x64xf32, #tpu.memory_space<vmem_shared>> -> memref<10240x64xf32, #tpu.memory_space<vmem_shared>>
          tpu.enqueue_indirect_dma source(%dma_start3A_146 : memref<128x64xf32, #tpu.memory_space<vmem>>) target(%dma_start3A_152 : memref<10240x64xf32, #tpu.memory_space<vmem_shared>>) offsets(%dma_start3A_149 : memref<128xi32, #tpu.memory_space<vmem>>) semaphore(%run_scoped3A_142 : memref<!tpu.dma_semaphore, #tpu.memory_space<semaphore_mem>>) {add = true}
          %dma_wait3A_153 = arith.constant 0 : i32
          %dma_wait3A_154 = arith.constant 0 : i32
          %dma_wait3A_155 = tpu.memref_slice %arg9[%run_scoped3A, %dma_wait3A_153, %dma_wait3A_154] : memref<2x128x64xf32, #tpu.memory_space<vmem>> -> memref<1x128x64xf32, #tpu.memory_space<vmem>>
          %dma_wait3A_156 = tpu.memref_squeeze %dma_wait3A_155 : memref<1x128x64xf32, #tpu.memory_space<vmem>> -> memref<128x64xf32, #tpu.memory_space<vmem>>
          %dma_wait3A_157 = arith.constant 0 : i32
          %dma_wait3A_158 = tpu.memref_slice %arg8[%add3A_77, %dma_wait3A_157] : memref<42x128xi32, #tpu.memory_space<vmem>> -> memref<1x128xi32, #tpu.memory_space<vmem>>
          %dma_wait3A_159 = tpu.memref_squeeze %dma_wait3A_158 : memref<1x128xi32, #tpu.memory_space<vmem>> -> memref<128xi32, #tpu.memory_space<vmem>>
          %dma_wait3A_160 = arith.constant 0 : i32
          %dma_wait3A_161 = arith.constant 0 : i32
          %dma_wait3A_162 = tpu.memref_slice %arg10[%dma_wait3A_160, %dma_wait3A_161] : memref<10240x64xf32, #tpu.memory_space<vmem_shared>> -> memref<10240x64xf32, #tpu.memory_space<vmem_shared>>
          tpu.wait_indirect_dma semaphore(%run_scoped3A_142 : memref<!tpu.dma_semaphore, #tpu.memory_space<semaphore_mem>>) src(%dma_wait3A_156 : memref<128x64xf32, #tpu.memory_space<vmem>>) dst(%dma_wait3A_162 : memref<10240x64xf32, #tpu.memory_space<vmem_shared>>)
          tpu.yield
        }) : () -> ()
        %mul3A_106 = arith.constant 2 : i32
        %mul3A_107 = arith.muli %scan3A_73, %mul3A_106 : i32
        %add3A_108 = arith.constant 1 : i32
        %add3A_109 = arith.addi %mul3A_107, %add3A_108 : i32
        %dma_wait3A_110 = arith.constant 0 : i32
        %dma_wait3A_111 = arith.constant 1 : i32
        %dma_wait3A_112 = arith.constant 0 : i32
        %dma_wait3A_113 = arith.constant 0 : i32
        %dma_wait3A_114 = tpu.memref_slice %arg9[%dma_wait3A_111, %dma_wait3A_112, %dma_wait3A_113] : memref<2x128x64xf32, #tpu.memory_space<vmem>> -> memref<1x128x64xf32, #tpu.memory_space<vmem>>
        %dma_wait3A_115 = tpu.memref_squeeze %dma_wait3A_114 : memref<1x128x64xf32, #tpu.memory_space<vmem>> -> memref<128x64xf32, #tpu.memory_space<vmem>>
        %dma_wait3A_116 = arith.constant 0 : i32
        %dma_wait3A_117 = tpu.memref_slice %arg7[%dma_wait3A_110, %dma_wait3A_116] : memref<42x128xi32, #tpu.memory_space<vmem>> -> memref<1x128xi32, #tpu.memory_space<vmem>>
        %dma_wait3A_118 = tpu.memref_squeeze %dma_wait3A_117 : memref<1x128xi32, #tpu.memory_space<vmem>> -> memref<128xi32, #tpu.memory_space<vmem>>
        %dma_wait3A_119 = arith.constant 0 : i32
        %dma_wait3A_120 = arith.constant 0 : i32
        %dma_wait3A_121 = tpu.memref_slice %arg4[%dma_wait3A_119, %dma_wait3A_120] : memref<10000x64xf32, #tpu.memory_space<hbm>> -> memref<10000x64xf32, #tpu.memory_space<hbm>>
        tpu.wait_indirect_dma semaphore(%arg12 : memref<!tpu.dma_semaphore, #tpu.memory_space<semaphore_mem>>) src(%dma_wait3A_121 : memref<10000x64xf32, #tpu.memory_space<hbm>>) dst(%dma_wait3A_115 : memref<128x64xf32, #tpu.memory_space<vmem>>)
        %add3A_122 = arith.constant 1 : i32
        %add3A_123 = arith.addi %add3A_109, %add3A_122 : i32
        %lt3A_124 = arith.constant 24 : i32
        %lt3A_125 = arith.cmpi slt, %add3A_123, %lt3A_124 : i32
        %add3A_126 = arith.constant 1 : i32
        %add3A_127 = arith.addi %add3A_109, %add3A_126 : i32
        %jit3A_128 = arith.constant 0 : i32
        %select_n3A_129 = arith.select %lt3A_125, %add3A_127, %jit3A_128 : i32
        %dma_start3A_130 = arith.constant 0 : i32
        %dma_start3A_131 = arith.constant 0 : i32
        %dma_start3A_132 = arith.constant 0 : i32
        %dma_start3A_133 = tpu.memref_slice %arg9[%dma_start3A_130, %dma_start3A_131, %dma_start3A_132] : memref<2x128x64xf32, #tpu.memory_space<vmem>> -> memref<1x128x64xf32, #tpu.memory_space<vmem>>
        %dma_start3A_134 = tpu.memref_squeeze %dma_start3A_133 : memref<1x128x64xf32, #tpu.memory_space<vmem>> -> memref<128x64xf32, #tpu.memory_space<vmem>>
        %dma_start3A_135 = arith.constant 0 : i32
        %dma_start3A_136 = tpu.memref_slice %arg7[%select_n3A_129, %dma_start3A_135] : memref<42x128xi32, #tpu.memory_space<vmem>> -> memref<1x128xi32, #tpu.memory_space<vmem>>
        %dma_start3A_137 = tpu.memref_squeeze %dma_start3A_136 : memref<1x128xi32, #tpu.memory_space<vmem>> -> memref<128xi32, #tpu.memory_space<vmem>>
        %dma_start3A_138 = arith.constant 0 : i32
        %dma_start3A_139 = arith.constant 0 : i32
        %dma_start3A_140 = tpu.memref_slice %arg4[%dma_start3A_138, %dma_start3A_139] : memref<10000x64xf32, #tpu.memory_space<hbm>> -> memref<10000x64xf32, #tpu.memory_space<hbm>>
        tpu.enqueue_indirect_dma source(%dma_start3A_140 : memref<10000x64xf32, #tpu.memory_space<hbm>>) target(%dma_start3A_134 : memref<128x64xf32, #tpu.memory_space<vmem>>) offsets(%dma_start3A_137 : memref<128xi32, #tpu.memory_space<vmem>>) semaphore(%arg11 : memref<!tpu.dma_semaphore, #tpu.memory_space<semaphore_mem>>)
        %run_scoped3A_141 = arith.constant 1 : i32
        "tpu.region"() ({
          %run_scoped3A_142 = tpu.sem_alloc : memref<!tpu.dma_semaphore, #tpu.memory_space<semaphore_mem>>
          %dma_start3A_143 = arith.constant 0 : i32
          %dma_start3A_144 = arith.constant 0 : i32
          %dma_start3A_145 = tpu.memref_slice %arg9[%run_scoped3A_141, %dma_start3A_143, %dma_start3A_144] : memref<2x128x64xf32, #tpu.memory_space<vmem>> -> memref<1x128x64xf32, #tpu.memory_space<vmem>>
          %dma_start3A_146 = tpu.memref_squeeze %dma_start3A_145 : memref<1x128x64xf32, #tpu.memory_space<vmem>> -> memref<128x64xf32, #tpu.memory_space<vmem>>
          %dma_start3A_147 = arith.constant 0 : i32
          %dma_start3A_148 = tpu.memref_slice %arg8[%add3A_109, %dma_start3A_147] : memref<42x128xi32, #tpu.memory_space<vmem>> -> memref<1x128xi32, #tpu.memory_space<vmem>>
          %dma_start3A_149 = tpu.memref_squeeze %dma_start3A_148 : memref<1x128xi32, #tpu.memory_space<vmem>> -> memref<128xi32, #tpu.memory_space<vmem>>
          %dma_start3A_150 = arith.constant 0 : i32
          %dma_start3A_151 = arith.constant 0 : i32
          %dma_start3A_152 = tpu.memref_slice %arg10[%dma_start3A_150, %dma_start3A_151] : memref<10240x64xf32, #tpu.memory_space<vmem_shared>> -> memref<10240x64xf32, #tpu.memory_space<vmem_shared>>
          tpu.enqueue_indirect_dma source(%dma_start3A_146 : memref<128x64xf32, #tpu.memory_space<vmem>>) target(%dma_start3A_152 : memref<10240x64xf32, #tpu.memory_space<vmem_shared>>) offsets(%dma_start3A_149 : memref<128xi32, #tpu.memory_space<vmem>>) semaphore(%run_scoped3A_142 : memref<!tpu.dma_semaphore, #tpu.memory_space<semaphore_mem>>) {add = true}
          %dma_wait3A_153 = arith.constant 0 : i32
          %dma_wait3A_154 = arith.constant 0 : i32
          %dma_wait3A_155 = tpu.memref_slice %arg9[%run_scoped3A_141, %dma_wait3A_153, %dma_wait3A_154] : memref<2x128x64xf32, #tpu.memory_space<vmem>> -> memref<1x128x64xf32, #tpu.memory_space<vmem>>
          %dma_wait3A_156 = tpu.memref_squeeze %dma_wait3A_155 : memref<1x128x64xf32, #tpu.memory_space<vmem>> -> memref<128x64xf32, #tpu.memory_space<vmem>>
          %dma_wait3A_157 = arith.constant 0 : i32
          %dma_wait3A_158 = tpu.memref_slice %arg8[%add3A_109, %dma_wait3A_157] : memref<42x128xi32, #tpu.memory_space<vmem>> -> memref<1x128xi32, #tpu.memory_space<vmem>>
          %dma_wait3A_159 = tpu.memref_squeeze %dma_wait3A_158 : memref<1x128xi32, #tpu.memory_space<vmem>> -> memref<128xi32, #tpu.memory_space<vmem>>
          %dma_wait3A_160 = arith.constant 0 : i32
          %dma_wait3A_161 = arith.constant 0 : i32
          %dma_wait3A_162 = tpu.memref_slice %arg10[%dma_wait3A_160, %dma_wait3A_161] : memref<10240x64xf32, #tpu.memory_space<vmem_shared>> -> memref<10240x64xf32, #tpu.memory_space<vmem_shared>>
          tpu.wait_indirect_dma semaphore(%run_scoped3A_142 : memref<!tpu.dma_semaphore, #tpu.memory_space<semaphore_mem>>) src(%dma_wait3A_156 : memref<128x64xf32, #tpu.memory_space<vmem>>) dst(%dma_wait3A_162 : memref<10240x64xf32, #tpu.memory_space<vmem_shared>>)
          tpu.yield
        }) : () -> ()
      }
      %scan3A_29 = arith.constant 12 : i32
      %dma_wait3A = arith.constant 0 : i32
      %dma_wait3A_30 = arith.constant 0 : i32
      %dma_wait3A_31 = arith.constant 0 : i32
      %dma_wait3A_32 = arith.constant 0 : i32
      %dma_wait3A_33 = tpu.memref_slice %arg9[%dma_wait3A_30, %dma_wait3A_31, %dma_wait3A_32] : memref<2x128x64xf32, #tpu.memory_space<vmem>> -> memref<1x128x64xf32, #tpu.memory_space<vmem>>
      %dma_wait3A_34 = tpu.memref_squeeze %dma_wait3A_33 : memref<1x128x64xf32, #tpu.memory_space<vmem>> -> memref<128x64xf32, #tpu.memory_space<vmem>>
      %dma_wait3A_35 = arith.constant 0 : i32
      %dma_wait3A_36 = tpu.memref_slice %arg7[%dma_wait3A, %dma_wait3A_35] : memref<42x128xi32, #tpu.memory_space<vmem>> -> memref<1x128xi32, #tpu.memory_space<vmem>>
      %dma_wait3A_37 = tpu.memref_squeeze %dma_wait3A_36 : memref<1x128xi32, #tpu.memory_space<vmem>> -> memref<128xi32, #tpu.memory_space<vmem>>
      %dma_wait3A_38 = arith.constant 0 : i32
      %dma_wait3A_39 = arith.constant 0 : i32
      %dma_wait3A_40 = tpu.memref_slice %arg4[%dma_wait3A_38, %dma_wait3A_39] : memref<10000x64xf32, #tpu.memory_space<hbm>> -> memref<10000x64xf32, #tpu.memory_space<hbm>>
      tpu.wait_indirect_dma semaphore(%arg11 : memref<!tpu.dma_semaphore, #tpu.memory_space<semaphore_mem>>) src(%dma_wait3A_40 : memref<10000x64xf32, #tpu.memory_space<hbm>>) dst(%dma_wait3A_34 : memref<128x64xf32, #tpu.memory_space<vmem>>)
      %add3A_41 = arith.constant 24 : i32
      %add3A_42 = arith.addi %add3A_11, %add3A_41 : i32
      "tpu.region"() ({
        %run_scoped3A = tpu.sem_alloc : memref<!tpu.dma_semaphore, #tpu.memory_space<semaphore_mem>>
        %dma_start3A_73 = arith.constant 0 : i32
        %dma_start3A_74 = arith.constant 0 : i32
        %dma_start3A_75 = tpu.memref_slice %arg7[%dma_start3A_73, %dma_start3A_74] : memref<42x128xi32, #tpu.memory_space<vmem>> -> memref<22x128xi32, #tpu.memory_space<vmem>>
        %dma_start3A_76 = arith.constant 0 : i32
        %dma_start3A_77 = tpu.memref_slice %arg2[%add3A_42, %dma_start3A_76] : memref<2528x128xi32, #tpu.memory_space<hbm>> -> memref<22x128xi32, #tpu.memory_space<hbm>>
        %dma_start3A_78 = arith.constant 0 : i32
        %dma_start3A_79 = arith.constant 0 : i32
        %dma_start3A_80 = tpu.memref_slice %arg7[%dma_start3A_78, %dma_start3A_79] : memref<42x128xi32, #tpu.memory_space<vmem>> -> memref<22x128xi32, #tpu.memory_space<vmem>>
        %dma_start3A_81 = arith.constant 0 : i32
        %dma_start3A_82 = tpu.memref_slice %arg2[%add3A_42, %dma_start3A_81] : memref<2528x128xi32, #tpu.memory_space<hbm>> -> memref<22x128xi32, #tpu.memory_space<hbm>>
        tpu.enqueue_dma source(%dma_start3A_82 : memref<22x128xi32, #tpu.memory_space<hbm>>) target(%dma_start3A_80 : memref<22x128xi32, #tpu.memory_space<vmem>>) target_semaphore(%run_scoped3A : memref<!tpu.dma_semaphore, #tpu.memory_space<semaphore_mem>>)
        %dma_wait3A_83 = arith.constant 0 : i32
        %dma_wait3A_84 = arith.constant 0 : i32
        %dma_wait3A_85 = tpu.memref_slice %arg7[%dma_wait3A_83, %dma_wait3A_84] : memref<42x128xi32, #tpu.memory_space<vmem>> -> memref<22x128xi32, #tpu.memory_space<vmem>>
        %dma_wait3A_86 = arith.constant 0 : i32
        %dma_wait3A_87 = tpu.memref_slice %arg2[%add3A_42, %dma_wait3A_86] : memref<2528x128xi32, #tpu.memory_space<hbm>> -> memref<22x128xi32, #tpu.memory_space<hbm>>
        %dma_wait3A_88 = arith.constant 0 : i32
        %dma_wait3A_89 = arith.constant 0 : i32
        %dma_wait3A_90 = tpu.memref_slice %arg7[%dma_wait3A_88, %dma_wait3A_89] : memref<42x128xi32, #tpu.memory_space<vmem>> -> memref<22x128xi32, #tpu.memory_space<vmem>>
        %dma_wait3A_91 = arith.constant 0 : i32
        %dma_wait3A_92 = tpu.memref_slice %arg2[%add3A_42, %dma_wait3A_91] : memref<2528x128xi32, #tpu.memory_space<hbm>> -> memref<22x128xi32, #tpu.memory_space<hbm>>
        tpu.wait_dma2 semaphore(%run_scoped3A : memref<!tpu.dma_semaphore, #tpu.memory_space<semaphore_mem>>) src(%dma_wait3A_92 : memref<22x128xi32, #tpu.memory_space<hbm>>) dst(%dma_wait3A_90 : memref<22x128xi32, #tpu.memory_space<vmem>>)
        tpu.yield
      }) : () -> ()
      "tpu.region"() ({
        %run_scoped3A = tpu.sem_alloc : memref<!tpu.dma_semaphore, #tpu.memory_space<semaphore_mem>>
        %dma_start3A_73 = arith.constant 0 : i32
        %dma_start3A_74 = arith.constant 0 : i32
        %dma_start3A_75 = tpu.memref_slice %arg8[%dma_start3A_73, %dma_start3A_74] : memref<42x128xi32, #tpu.memory_space<vmem>> -> memref<22x128xi32, #tpu.memory_space<vmem>>
        %dma_start3A_76 = arith.constant 0 : i32
        %dma_start3A_77 = tpu.memref_slice %arg3[%add3A_42, %dma_start3A_76] : memref<2528x128xi32, #tpu.memory_space<hbm>> -> memref<22x128xi32, #tpu.memory_space<hbm>>
        %dma_start3A_78 = arith.constant 0 : i32
        %dma_start3A_79 = arith.constant 0 : i32
        %dma_start3A_80 = tpu.memref_slice %arg8[%dma_start3A_78, %dma_start3A_79] : memref<42x128xi32, #tpu.memory_space<vmem>> -> memref<22x128xi32, #tpu.memory_space<vmem>>
        %dma_start3A_81 = arith.constant 0 : i32
        %dma_start3A_82 = tpu.memref_slice %arg3[%add3A_42, %dma_start3A_81] : memref<2528x128xi32, #tpu.memory_space<hbm>> -> memref<22x128xi32, #tpu.memory_space<hbm>>
        tpu.enqueue_dma source(%dma_start3A_82 : memref<22x128xi32, #tpu.memory_space<hbm>>) target(%dma_start3A_80 : memref<22x128xi32, #tpu.memory_space<vmem>>) target_semaphore(%run_scoped3A : memref<!tpu.dma_semaphore, #tpu.memory_space<semaphore_mem>>)
        %dma_wait3A_83 = arith.constant 0 : i32
        %dma_wait3A_84 = arith.constant 0 : i32
        %dma_wait3A_85 = tpu.memref_slice %arg8[%dma_wait3A_83, %dma_wait3A_84] : memref<42x128xi32, #tpu.memory_space<vmem>> -> memref<22x128xi32, #tpu.memory_space<vmem>>
        %dma_wait3A_86 = arith.constant 0 : i32
        %dma_wait3A_87 = tpu.memref_slice %arg3[%add3A_42, %dma_wait3A_86] : memref<2528x128xi32, #tpu.memory_space<hbm>> -> memref<22x128xi32, #tpu.memory_space<hbm>>
        %dma_wait3A_88 = arith.constant 0 : i32
        %dma_wait3A_89 = arith.constant 0 : i32
        %dma_wait3A_90 = tpu.memref_slice %arg8[%dma_wait3A_88, %dma_wait3A_89] : memref<42x128xi32, #tpu.memory_space<vmem>> -> memref<22x128xi32, #tpu.memory_space<vmem>>
        %dma_wait3A_91 = arith.constant 0 : i32
        %dma_wait3A_92 = tpu.memref_slice %arg3[%add3A_42, %dma_wait3A_91] : memref<2528x128xi32, #tpu.memory_space<hbm>> -> memref<22x128xi32, #tpu.memory_space<hbm>>
        tpu.wait_dma2 semaphore(%run_scoped3A : memref<!tpu.dma_semaphore, #tpu.memory_space<semaphore_mem>>) src(%dma_wait3A_92 : memref<22x128xi32, #tpu.memory_space<hbm>>) dst(%dma_wait3A_90 : memref<22x128xi32, #tpu.memory_space<vmem>>)
        tpu.yield
      }) : () -> ()
      %dma_start3A_43 = arith.constant 0 : i32
      %dma_start3A_44 = arith.constant 0 : i32
      %dma_start3A_45 = arith.constant 0 : i32
      %dma_start3A_46 = arith.constant 0 : i32
      %dma_start3A_47 = tpu.memref_slice %arg9[%dma_start3A_44, %dma_start3A_45, %dma_start3A_46] : memref<2x128x64xf32, #tpu.memory_space<vmem>> -> memref<1x128x64xf32, #tpu.memory_space<vmem>>
      %dma_start3A_48 = tpu.memref_squeeze %dma_start3A_47 : memref<1x128x64xf32, #tpu.memory_space<vmem>> -> memref<128x64xf32, #tpu.memory_space<vmem>>
      %dma_start3A_49 = arith.constant 0 : i32
      %dma_start3A_50 = tpu.memref_slice %arg7[%dma_start3A_43, %dma_start3A_49] : memref<42x128xi32, #tpu.memory_space<vmem>> -> memref<1x128xi32, #tpu.memory_space<vmem>>
      %dma_start3A_51 = tpu.memref_squeeze %dma_start3A_50 : memref<1x128xi32, #tpu.memory_space<vmem>> -> memref<128xi32, #tpu.memory_space<vmem>>
      %dma_start3A_52 = arith.constant 0 : i32
      %dma_start3A_53 = arith.constant 0 : i32
      %dma_start3A_54 = tpu.memref_slice %arg4[%dma_start3A_52, %dma_start3A_53] : memref<10000x64xf32, #tpu.memory_space<hbm>> -> memref<10000x64xf32, #tpu.memory_space<hbm>>
      tpu.enqueue_indirect_dma source(%dma_start3A_54 : memref<10000x64xf32, #tpu.memory_space<hbm>>) target(%dma_start3A_48 : memref<128x64xf32, #tpu.memory_space<vmem>>) offsets(%dma_start3A_51 : memref<128xi32, #tpu.memory_space<vmem>>) semaphore(%arg11 : memref<!tpu.dma_semaphore, #tpu.memory_space<semaphore_mem>>)
      %scan3A_55 = arith.constant 0 : i32
      %scan3A_56 = arith.constant 0 : i32
      %scan3A_57 = arith.constant 11 : i32
      %scan3A_58 = arith.addi %scan3A_56, %scan3A_57 : i32
      %scan3A_59 = arith.constant 1 : i32
      scf.for %scan3A_73 = %scan3A_56 to %scan3A_58 step %scan3A_59  : i32 {
        %mul3A_74 = arith.constant 2 : i32
        %mul3A_75 = arith.muli %scan3A_73, %mul3A_74 : i32
        %add3A_76 = arith.constant 0 : i32
        %add3A_77 = arith.addi %mul3A_75, %add3A_76 : i32
        %dma_wait3A_78 = arith.constant 0 : i32
        %dma_wait3A_79 = arith.constant 0 : i32
        %dma_wait3A_80 = arith.constant 0 : i32
        %dma_wait3A_81 = arith.constant 0 : i32
        %dma_wait3A_82 = tpu.memref_slice %arg9[%dma_wait3A_79, %dma_wait3A_80, %dma_wait3A_81] : memref<2x128x64xf32, #tpu.memory_space<vmem>> -> memref<1x128x64xf32, #tpu.memory_space<vmem>>
        %dma_wait3A_83 = tpu.memref_squeeze %dma_wait3A_82 : memref<1x128x64xf32, #tpu.memory_space<vmem>> -> memref<128x64xf32, #tpu.memory_space<vmem>>
        %dma_wait3A_84 = arith.constant 0 : i32
        %dma_wait3A_85 = tpu.memref_slice %arg7[%dma_wait3A_78, %dma_wait3A_84] : memref<42x128xi32, #tpu.memory_space<vmem>> -> memref<1x128xi32, #tpu.memory_space<vmem>>
        %dma_wait3A_86 = tpu.memref_squeeze %dma_wait3A_85 : memref<1x128xi32, #tpu.memory_space<vmem>> -> memref<128xi32, #tpu.memory_space<vmem>>
        %dma_wait3A_87 = arith.constant 0 : i32
        %dma_wait3A_88 = arith.constant 0 : i32
        %dma_wait3A_89 = tpu.memref_slice %arg4[%dma_wait3A_87, %dma_wait3A_88] : memref<10000x64xf32, #tpu.memory_space<hbm>> -> memref<10000x64xf32, #tpu.memory_space<hbm>>
        tpu.wait_indirect_dma semaphore(%arg11 : memref<!tpu.dma_semaphore, #tpu.memory_space<semaphore_mem>>) src(%dma_wait3A_89 : memref<10000x64xf32, #tpu.memory_space<hbm>>) dst(%dma_wait3A_83 : memref<128x64xf32, #tpu.memory_space<vmem>>)
        %add3A_90 = arith.constant 1 : i32
        %add3A_91 = arith.addi %add3A_77, %add3A_90 : i32
        %lt3A = arith.constant 22 : i32
        %lt3A_92 = arith.cmpi slt, %add3A_91, %lt3A : i32
        %add3A_93 = arith.constant 1 : i32
        %add3A_94 = arith.addi %add3A_77, %add3A_93 : i32
        %jit3A = arith.constant 0 : i32
        %select_n3A = arith.select %lt3A_92, %add3A_94, %jit3A : i32
        %dma_start3A_95 = arith.constant 1 : i32
        %dma_start3A_96 = arith.constant 0 : i32
        %dma_start3A_97 = arith.constant 0 : i32
        %dma_start3A_98 = tpu.memref_slice %arg9[%dma_start3A_95, %dma_start3A_96, %dma_start3A_97] : memref<2x128x64xf32, #tpu.memory_space<vmem>> -> memref<1x128x64xf32, #tpu.memory_space<vmem>>
        %dma_start3A_99 = tpu.memref_squeeze %dma_start3A_98 : memref<1x128x64xf32, #tpu.memory_space<vmem>> -> memref<128x64xf32, #tpu.memory_space<vmem>>
        %dma_start3A_100 = arith.constant 0 : i32
        %dma_start3A_101 = tpu.memref_slice %arg7[%select_n3A, %dma_start3A_100] : memref<42x128xi32, #tpu.memory_space<vmem>> -> memref<1x128xi32, #tpu.memory_space<vmem>>
        %dma_start3A_102 = tpu.memref_squeeze %dma_start3A_101 : memref<1x128xi32, #tpu.memory_space<vmem>> -> memref<128xi32, #tpu.memory_space<vmem>>
        %dma_start3A_103 = arith.constant 0 : i32
        %dma_start3A_104 = arith.constant 0 : i32
        %dma_start3A_105 = tpu.memref_slice %arg4[%dma_start3A_103, %dma_start3A_104] : memref<10000x64xf32, #tpu.memory_space<hbm>> -> memref<10000x64xf32, #tpu.memory_space<hbm>>
        tpu.enqueue_indirect_dma source(%dma_start3A_105 : memref<10000x64xf32, #tpu.memory_space<hbm>>) target(%dma_start3A_99 : memref<128x64xf32, #tpu.memory_space<vmem>>) offsets(%dma_start3A_102 : memref<128xi32, #tpu.memory_space<vmem>>) semaphore(%arg12 : memref<!tpu.dma_semaphore, #tpu.memory_space<semaphore_mem>>)
        %run_scoped3A = arith.constant 0 : i32
        "tpu.region"() ({
          %run_scoped3A_142 = tpu.sem_alloc : memref<!tpu.dma_semaphore, #tpu.memory_space<semaphore_mem>>
          %dma_start3A_143 = arith.constant 0 : i32
          %dma_start3A_144 = arith.constant 0 : i32
          %dma_start3A_145 = tpu.memref_slice %arg9[%run_scoped3A, %dma_start3A_143, %dma_start3A_144] : memref<2x128x64xf32, #tpu.memory_space<vmem>> -> memref<1x128x64xf32, #tpu.memory_space<vmem>>
          %dma_start3A_146 = tpu.memref_squeeze %dma_start3A_145 : memref<1x128x64xf32, #tpu.memory_space<vmem>> -> memref<128x64xf32, #tpu.memory_space<vmem>>
          %dma_start3A_147 = arith.constant 0 : i32
          %dma_start3A_148 = tpu.memref_slice %arg8[%add3A_77, %dma_start3A_147] : memref<42x128xi32, #tpu.memory_space<vmem>> -> memref<1x128xi32, #tpu.memory_space<vmem>>
          %dma_start3A_149 = tpu.memref_squeeze %dma_start3A_148 : memref<1x128xi32, #tpu.memory_space<vmem>> -> memref<128xi32, #tpu.memory_space<vmem>>
          %dma_start3A_150 = arith.constant 0 : i32
          %dma_start3A_151 = arith.constant 0 : i32
          %dma_start3A_152 = tpu.memref_slice %arg10[%dma_start3A_150, %dma_start3A_151] : memref<10240x64xf32, #tpu.memory_space<vmem_shared>> -> memref<10240x64xf32, #tpu.memory_space<vmem_shared>>
          tpu.enqueue_indirect_dma source(%dma_start3A_146 : memref<128x64xf32, #tpu.memory_space<vmem>>) target(%dma_start3A_152 : memref<10240x64xf32, #tpu.memory_space<vmem_shared>>) offsets(%dma_start3A_149 : memref<128xi32, #tpu.memory_space<vmem>>) semaphore(%run_scoped3A_142 : memref<!tpu.dma_semaphore, #tpu.memory_space<semaphore_mem>>) {add = true}
          %dma_wait3A_153 = arith.constant 0 : i32
          %dma_wait3A_154 = arith.constant 0 : i32
          %dma_wait3A_155 = tpu.memref_slice %arg9[%run_scoped3A, %dma_wait3A_153, %dma_wait3A_154] : memref<2x128x64xf32, #tpu.memory_space<vmem>> -> memref<1x128x64xf32, #tpu.memory_space<vmem>>
          %dma_wait3A_156 = tpu.memref_squeeze %dma_wait3A_155 : memref<1x128x64xf32, #tpu.memory_space<vmem>> -> memref<128x64xf32, #tpu.memory_space<vmem>>
          %dma_wait3A_157 = arith.constant 0 : i32
          %dma_wait3A_158 = tpu.memref_slice %arg8[%add3A_77, %dma_wait3A_157] : memref<42x128xi32, #tpu.memory_space<vmem>> -> memref<1x128xi32, #tpu.memory_space<vmem>>
          %dma_wait3A_159 = tpu.memref_squeeze %dma_wait3A_158 : memref<1x128xi32, #tpu.memory_space<vmem>> -> memref<128xi32, #tpu.memory_space<vmem>>
          %dma_wait3A_160 = arith.constant 0 : i32
          %dma_wait3A_161 = arith.constant 0 : i32
          %dma_wait3A_162 = tpu.memref_slice %arg10[%dma_wait3A_160, %dma_wait3A_161] : memref<10240x64xf32, #tpu.memory_space<vmem_shared>> -> memref<10240x64xf32, #tpu.memory_space<vmem_shared>>
          tpu.wait_indirect_dma semaphore(%run_scoped3A_142 : memref<!tpu.dma_semaphore, #tpu.memory_space<semaphore_mem>>) src(%dma_wait3A_156 : memref<128x64xf32, #tpu.memory_space<vmem>>) dst(%dma_wait3A_162 : memref<10240x64xf32, #tpu.memory_space<vmem_shared>>)
          tpu.yield
        }) : () -> ()
        %mul3A_106 = arith.constant 2 : i32
        %mul3A_107 = arith.muli %scan3A_73, %mul3A_106 : i32
        %add3A_108 = arith.constant 1 : i32
        %add3A_109 = arith.addi %mul3A_107, %add3A_108 : i32
        %dma_wait3A_110 = arith.constant 0 : i32
        %dma_wait3A_111 = arith.constant 1 : i32
        %dma_wait3A_112 = arith.constant 0 : i32
        %dma_wait3A_113 = arith.constant 0 : i32
        %dma_wait3A_114 = tpu.memref_slice %arg9[%dma_wait3A_111, %dma_wait3A_112, %dma_wait3A_113] : memref<2x128x64xf32, #tpu.memory_space<vmem>> -> memref<1x128x64xf32, #tpu.memory_space<vmem>>
        %dma_wait3A_115 = tpu.memref_squeeze %dma_wait3A_114 : memref<1x128x64xf32, #tpu.memory_space<vmem>> -> memref<128x64xf32, #tpu.memory_space<vmem>>
        %dma_wait3A_116 = arith.constant 0 : i32
        %dma_wait3A_117 = tpu.memref_slice %arg7[%dma_wait3A_110, %dma_wait3A_116] : memref<42x128xi32, #tpu.memory_space<vmem>> -> memref<1x128xi32, #tpu.memory_space<vmem>>
        %dma_wait3A_118 = tpu.memref_squeeze %dma_wait3A_117 : memref<1x128xi32, #tpu.memory_space<vmem>> -> memref<128xi32, #tpu.memory_space<vmem>>
        %dma_wait3A_119 = arith.constant 0 : i32
        %dma_wait3A_120 = arith.constant 0 : i32
        %dma_wait3A_121 = tpu.memref_slice %arg4[%dma_wait3A_119, %dma_wait3A_120] : memref<10000x64xf32, #tpu.memory_space<hbm>> -> memref<10000x64xf32, #tpu.memory_space<hbm>>
        tpu.wait_indirect_dma semaphore(%arg12 : memref<!tpu.dma_semaphore, #tpu.memory_space<semaphore_mem>>) src(%dma_wait3A_121 : memref<10000x64xf32, #tpu.memory_space<hbm>>) dst(%dma_wait3A_115 : memref<128x64xf32, #tpu.memory_space<vmem>>)
        %add3A_122 = arith.constant 1 : i32
        %add3A_123 = arith.addi %add3A_109, %add3A_122 : i32
        %lt3A_124 = arith.constant 22 : i32
        %lt3A_125 = arith.cmpi slt, %add3A_123, %lt3A_124 : i32
        %add3A_126 = arith.constant 1 : i32
        %add3A_127 = arith.addi %add3A_109, %add3A_126 : i32
        %jit3A_128 = arith.constant 0 : i32
        %select_n3A_129 = arith.select %lt3A_125, %add3A_127, %jit3A_128 : i32
        %dma_start3A_130 = arith.constant 0 : i32
        %dma_start3A_131 = arith.constant 0 : i32
        %dma_start3A_132 = arith.constant 0 : i32
        %dma_start3A_133 = tpu.memref_slice %arg9[%dma_start3A_130, %dma_start3A_131, %dma_start3A_132] : memref<2x128x64xf32, #tpu.memory_space<vmem>> -> memref<1x128x64xf32, #tpu.memory_space<vmem>>
        %dma_start3A_134 = tpu.memref_squeeze %dma_start3A_133 : memref<1x128x64xf32, #tpu.memory_space<vmem>> -> memref<128x64xf32, #tpu.memory_space<vmem>>
        %dma_start3A_135 = arith.constant 0 : i32
        %dma_start3A_136 = tpu.memref_slice %arg7[%select_n3A_129, %dma_start3A_135] : memref<42x128xi32, #tpu.memory_space<vmem>> -> memref<1x128xi32, #tpu.memory_space<vmem>>
        %dma_start3A_137 = tpu.memref_squeeze %dma_start3A_136 : memref<1x128xi32, #tpu.memory_space<vmem>> -> memref<128xi32, #tpu.memory_space<vmem>>
        %dma_start3A_138 = arith.constant 0 : i32
        %dma_start3A_139 = arith.constant 0 : i32
        %dma_start3A_140 = tpu.memref_slice %arg4[%dma_start3A_138, %dma_start3A_139] : memref<10000x64xf32, #tpu.memory_space<hbm>> -> memref<10000x64xf32, #tpu.memory_space<hbm>>
        tpu.enqueue_indirect_dma source(%dma_start3A_140 : memref<10000x64xf32, #tpu.memory_space<hbm>>) target(%dma_start3A_134 : memref<128x64xf32, #tpu.memory_space<vmem>>) offsets(%dma_start3A_137 : memref<128xi32, #tpu.memory_space<vmem>>) semaphore(%arg11 : memref<!tpu.dma_semaphore, #tpu.memory_space<semaphore_mem>>)
        %run_scoped3A_141 = arith.constant 1 : i32
        "tpu.region"() ({
          %run_scoped3A_142 = tpu.sem_alloc : memref<!tpu.dma_semaphore, #tpu.memory_space<semaphore_mem>>
          %dma_start3A_143 = arith.constant 0 : i32
          %dma_start3A_144 = arith.constant 0 : i32
          %dma_start3A_145 = tpu.memref_slice %arg9[%run_scoped3A_141, %dma_start3A_143, %dma_start3A_144] : memref<2x128x64xf32, #tpu.memory_space<vmem>> -> memref<1x128x64xf32, #tpu.memory_space<vmem>>
          %dma_start3A_146 = tpu.memref_squeeze %dma_start3A_145 : memref<1x128x64xf32, #tpu.memory_space<vmem>> -> memref<128x64xf32, #tpu.memory_space<vmem>>
          %dma_start3A_147 = arith.constant 0 : i32
          %dma_start3A_148 = tpu.memref_slice %arg8[%add3A_109, %dma_start3A_147] : memref<42x128xi32, #tpu.memory_space<vmem>> -> memref<1x128xi32, #tpu.memory_space<vmem>>
          %dma_start3A_149 = tpu.memref_squeeze %dma_start3A_148 : memref<1x128xi32, #tpu.memory_space<vmem>> -> memref<128xi32, #tpu.memory_space<vmem>>
          %dma_start3A_150 = arith.constant 0 : i32
          %dma_start3A_151 = arith.constant 0 : i32
          %dma_start3A_152 = tpu.memref_slice %arg10[%dma_start3A_150, %dma_start3A_151] : memref<10240x64xf32, #tpu.memory_space<vmem_shared>> -> memref<10240x64xf32, #tpu.memory_space<vmem_shared>>
          tpu.enqueue_indirect_dma source(%dma_start3A_146 : memref<128x64xf32, #tpu.memory_space<vmem>>) target(%dma_start3A_152 : memref<10240x64xf32, #tpu.memory_space<vmem_shared>>) offsets(%dma_start3A_149 : memref<128xi32, #tpu.memory_space<vmem>>) semaphore(%run_scoped3A_142 : memref<!tpu.dma_semaphore, #tpu.memory_space<semaphore_mem>>) {add = true}
          %dma_wait3A_153 = arith.constant 0 : i32
          %dma_wait3A_154 = arith.constant 0 : i32
          %dma_wait3A_155 = tpu.memref_slice %arg9[%run_scoped3A_141, %dma_wait3A_153, %dma_wait3A_154] : memref<2x128x64xf32, #tpu.memory_space<vmem>> -> memref<1x128x64xf32, #tpu.memory_space<vmem>>
          %dma_wait3A_156 = tpu.memref_squeeze %dma_wait3A_155 : memref<1x128x64xf32, #tpu.memory_space<vmem>> -> memref<128x64xf32, #tpu.memory_space<vmem>>
          %dma_wait3A_157 = arith.constant 0 : i32
          %dma_wait3A_158 = tpu.memref_slice %arg8[%add3A_109, %dma_wait3A_157] : memref<42x128xi32, #tpu.memory_space<vmem>> -> memref<1x128xi32, #tpu.memory_space<vmem>>
          %dma_wait3A_159 = tpu.memref_squeeze %dma_wait3A_158 : memref<1x128xi32, #tpu.memory_space<vmem>> -> memref<128xi32, #tpu.memory_space<vmem>>
          %dma_wait3A_160 = arith.constant 0 : i32
          %dma_wait3A_161 = arith.constant 0 : i32
          %dma_wait3A_162 = tpu.memref_slice %arg10[%dma_wait3A_160, %dma_wait3A_161] : memref<10240x64xf32, #tpu.memory_space<vmem_shared>> -> memref<10240x64xf32, #tpu.memory_space<vmem_shared>>
          tpu.wait_indirect_dma semaphore(%run_scoped3A_142 : memref<!tpu.dma_semaphore, #tpu.memory_space<semaphore_mem>>) src(%dma_wait3A_156 : memref<128x64xf32, #tpu.memory_space<vmem>>) dst(%dma_wait3A_162 : memref<10240x64xf32, #tpu.memory_space<vmem_shared>>)
          tpu.yield
        }) : () -> ()
      }
      %scan3A_60 = arith.constant 11 : i32
      %dma_wait3A_61 = arith.constant 0 : i32
      %dma_wait3A_62 = arith.constant 0 : i32
      %dma_wait3A_63 = arith.constant 0 : i32
      %dma_wait3A_64 = arith.constant 0 : i32
      %dma_wait3A_65 = tpu.memref_slice %arg9[%dma_wait3A_62, %dma_wait3A_63, %dma_wait3A_64] : memref<2x128x64xf32, #tpu.memory_space<vmem>> -> memref<1x128x64xf32, #tpu.memory_space<vmem>>
      %dma_wait3A_66 = tpu.memref_squeeze %dma_wait3A_65 : memref<1x128x64xf32, #tpu.memory_space<vmem>> -> memref<128x64xf32, #tpu.memory_space<vmem>>
      %dma_wait3A_67 = arith.constant 0 : i32
      %dma_wait3A_68 = tpu.memref_slice %arg7[%dma_wait3A_61, %dma_wait3A_67] : memref<42x128xi32, #tpu.memory_space<vmem>> -> memref<1x128xi32, #tpu.memory_space<vmem>>
      %dma_wait3A_69 = tpu.memref_squeeze %dma_wait3A_68 : memref<1x128xi32, #tpu.memory_space<vmem>> -> memref<128xi32, #tpu.memory_space<vmem>>
      %dma_wait3A_70 = arith.constant 0 : i32
      %dma_wait3A_71 = arith.constant 0 : i32
      %dma_wait3A_72 = tpu.memref_slice %arg4[%dma_wait3A_70, %dma_wait3A_71] : memref<10000x64xf32, #tpu.memory_space<hbm>> -> memref<10000x64xf32, #tpu.memory_space<hbm>>
      tpu.wait_indirect_dma semaphore(%arg11 : memref<!tpu.dma_semaphore, #tpu.memory_space<semaphore_mem>>) src(%dma_wait3A_72 : memref<10000x64xf32, #tpu.memory_space<hbm>>) dst(%dma_wait3A_66 : memref<128x64xf32, #tpu.memory_space<vmem>>)
    } else {
    }
    %barrier3A_8 = arith.constant 0 : index
    tpu.barrier barrier_id(%barrier3A_8)
    "tpu.region"() ({
      %run_scoped3A = tpu.sem_alloc : memref<!tpu.dma_semaphore, #tpu.memory_space<semaphore_mem>>
      %dma_start3A = arith.constant 0 : i32
      %dma_start3A_9 = tpu.memref_slice %arg6[%arg0, %multiple_of3A, %dma_start3A] : memref<2x10240x64xf32, #tpu.memory_space<hbm>> -> memref<1x640x64xf32, #tpu.memory_space<hbm>>
      %dma_start3A_10 = tpu.memref_squeeze %dma_start3A_9 : memref<1x640x64xf32, #tpu.memory_space<hbm>> -> memref<640x64xf32, #tpu.memory_space<hbm>>
      %dma_start3A_11 = arith.constant 0 : i32
      %dma_start3A_12 = tpu.memref_slice %arg10[%multiple_of3A, %dma_start3A_11] : memref<10240x64xf32, #tpu.memory_space<vmem_shared>> -> memref<640x64xf32, #tpu.memory_space<vmem_shared>>
      tpu.enqueue_dma source(%dma_start3A_12 : memref<640x64xf32, #tpu.memory_space<vmem_shared>>) target(%dma_start3A_10 : memref<640x64xf32, #tpu.memory_space<hbm>>) target_semaphore(%run_scoped3A : memref<!tpu.dma_semaphore, #tpu.memory_space<semaphore_mem>>)
      %dma_wait3A = arith.constant 0 : i32
      %dma_wait3A_13 = tpu.memref_slice %arg6[%arg0, %multiple_of3A, %dma_wait3A] : memref<2x10240x64xf32, #tpu.memory_space<hbm>> -> memref<1x640x64xf32, #tpu.memory_space<hbm>>
      %dma_wait3A_14 = tpu.memref_squeeze %dma_wait3A_13 : memref<1x640x64xf32, #tpu.memory_space<hbm>> -> memref<640x64xf32, #tpu.memory_space<hbm>>
      %dma_wait3A_15 = arith.constant 0 : i32
      %dma_wait3A_16 = tpu.memref_slice %arg10[%multiple_of3A, %dma_wait3A_15] : memref<10240x64xf32, #tpu.memory_space<vmem_shared>> -> memref<640x64xf32, #tpu.memory_space<vmem_shared>>
      tpu.wait_dma2 semaphore(%run_scoped3A : memref<!tpu.dma_semaphore, #tpu.memory_space<semaphore_mem>>) src(%dma_wait3A_16 : memref<640x64xf32, #tpu.memory_space<vmem_shared>>) dst(%dma_wait3A_14 : memref<640x64xf32, #tpu.memory_space<hbm>>)
      tpu.yield
    }) : () -> ()
    return
  }
}

#map = affine_map<(d0, d1) -> (0, 0)>
#map1 = affine_map<(d0, d1) -> (0)>
module attributes {stable_mosaic.version = 14 : i64} {
  func.func @deg_kernel(%arg0: i32, %arg1: i32, %arg2: memref<2528x128xi32, #tpu.memory_space<hbm>>, %arg3: memref<128xf32, #tpu.memory_space<hbm>>, %arg4: memref<10240xf32, #tpu.memory_space<hbm>>, %arg5: memref<2x10240xf32, #tpu.memory_space<hbm>>, %arg6: memref<79x128xi32, #tpu.memory_space<vmem>>, %arg7: memref<128xf32, #tpu.memory_space<vmem>>, %arg8: memref<10240xf32, #tpu.memory_space<vmem_shared>>, %arg9: memref<!tpu.dma_semaphore, #tpu.memory_space<semaphore_mem>>) attributes {dimension_semantics = [#tpu.dimension_semantics<core_parallel>, #tpu.dimension_semantics<subcore_parallel>], iteration_bounds = array<i64: 2, 16>, scalar_prefetch = 0 : i64, scratch_operands = 4 : i64, tpu.core_type = #tpu.core_type<sc_vector_subcore>, window_params = [{transform_indices = #map}, {transform_indices = #map1}, {transform_indices = #map1}, {transform_indices = #map}]} {
    %mul3A = arith.constant 640 : i32
    %mul3A_0 = arith.muli %arg1, %mul3A : i32
    %multiple_of3A = tpu.assume_multiple %mul3A_0, 8 : i32
    "tpu.region"() ({
      %run_scoped3A = tpu.sem_alloc : memref<!tpu.dma_semaphore, #tpu.memory_space<semaphore_mem>>
      %dma_start3A = tpu.memref_slice %arg8[%multiple_of3A] : memref<10240xf32, #tpu.memory_space<vmem_shared>> -> memref<640xf32, #tpu.memory_space<vmem_shared>>
      %dma_start3A_8 = tpu.memref_slice %arg4[%multiple_of3A] : memref<10240xf32, #tpu.memory_space<hbm>> -> memref<640xf32, #tpu.memory_space<hbm>>
      tpu.enqueue_dma source(%dma_start3A_8 : memref<640xf32, #tpu.memory_space<hbm>>) target(%dma_start3A : memref<640xf32, #tpu.memory_space<vmem_shared>>) target_semaphore(%run_scoped3A : memref<!tpu.dma_semaphore, #tpu.memory_space<semaphore_mem>>)
      %dma_wait3A = tpu.memref_slice %arg8[%multiple_of3A] : memref<10240xf32, #tpu.memory_space<vmem_shared>> -> memref<640xf32, #tpu.memory_space<vmem_shared>>
      %dma_wait3A_9 = tpu.memref_slice %arg4[%multiple_of3A] : memref<10240xf32, #tpu.memory_space<hbm>> -> memref<640xf32, #tpu.memory_space<hbm>>
      tpu.wait_dma2 semaphore(%run_scoped3A : memref<!tpu.dma_semaphore, #tpu.memory_space<semaphore_mem>>) src(%dma_wait3A_9 : memref<640xf32, #tpu.memory_space<hbm>>) dst(%dma_wait3A : memref<640xf32, #tpu.memory_space<vmem_shared>>)
      tpu.yield
    }) : () -> ()
    "tpu.region"() ({
      %run_scoped3A = tpu.sem_alloc : memref<!tpu.dma_semaphore, #tpu.memory_space<semaphore_mem>>
      tpu.enqueue_dma source(%arg3 : memref<128xf32, #tpu.memory_space<hbm>>) target(%arg7 : memref<128xf32, #tpu.memory_space<vmem>>) target_semaphore(%run_scoped3A : memref<!tpu.dma_semaphore, #tpu.memory_space<semaphore_mem>>)
      tpu.wait_dma2 semaphore(%run_scoped3A : memref<!tpu.dma_semaphore, #tpu.memory_space<semaphore_mem>>) src(%arg3 : memref<128xf32, #tpu.memory_space<hbm>>) dst(%arg7 : memref<128xf32, #tpu.memory_space<vmem>>)
      tpu.yield
    }) : () -> ()
    %eq3A = arith.constant 0 : i32
    %eq3A_1 = arith.cmpi eq, %arg0, %eq3A : i32
    %convert_element_type3A = arith.extui %eq3A_1 : i1 to i32
    %cond3A = arith.constant 0 : i32
    %cond3A_2 = arith.cmpi ne, %convert_element_type3A, %cond3A : i32
    scf.if %cond3A_2 {
      %mul3A_8 = arith.constant 79 : i32
      %mul3A_9 = arith.muli %arg1, %mul3A_8 : i32
      "tpu.region"() ({
        %run_scoped3A = tpu.sem_alloc : memref<!tpu.dma_semaphore, #tpu.memory_space<semaphore_mem>>
        %dma_start3A = arith.constant 0 : i32
        %dma_start3A_22 = arith.constant 0 : i32
        %dma_start3A_23 = tpu.memref_slice %arg6[%dma_start3A, %dma_start3A_22] : memref<79x128xi32, #tpu.memory_space<vmem>> -> memref<79x128xi32, #tpu.memory_space<vmem>>
        %dma_start3A_24 = arith.constant 0 : i32
        %dma_start3A_25 = tpu.memref_slice %arg2[%mul3A_9, %dma_start3A_24] : memref<2528x128xi32, #tpu.memory_space<hbm>> -> memref<79x128xi32, #tpu.memory_space<hbm>>
        %dma_start3A_26 = arith.constant 0 : i32
        %dma_start3A_27 = arith.constant 0 : i32
        %dma_start3A_28 = tpu.memref_slice %arg6[%dma_start3A_26, %dma_start3A_27] : memref<79x128xi32, #tpu.memory_space<vmem>> -> memref<79x128xi32, #tpu.memory_space<vmem>>
        %dma_start3A_29 = arith.constant 0 : i32
        %dma_start3A_30 = tpu.memref_slice %arg2[%mul3A_9, %dma_start3A_29] : memref<2528x128xi32, #tpu.memory_space<hbm>> -> memref<79x128xi32, #tpu.memory_space<hbm>>
        tpu.enqueue_dma source(%dma_start3A_30 : memref<79x128xi32, #tpu.memory_space<hbm>>) target(%dma_start3A_28 : memref<79x128xi32, #tpu.memory_space<vmem>>) target_semaphore(%run_scoped3A : memref<!tpu.dma_semaphore, #tpu.memory_space<semaphore_mem>>)
        %dma_wait3A = arith.constant 0 : i32
        %dma_wait3A_31 = arith.constant 0 : i32
        %dma_wait3A_32 = tpu.memref_slice %arg6[%dma_wait3A, %dma_wait3A_31] : memref<79x128xi32, #tpu.memory_space<vmem>> -> memref<79x128xi32, #tpu.memory_space<vmem>>
        %dma_wait3A_33 = arith.constant 0 : i32
        %dma_wait3A_34 = tpu.memref_slice %arg2[%mul3A_9, %dma_wait3A_33] : memref<2528x128xi32, #tpu.memory_space<hbm>> -> memref<79x128xi32, #tpu.memory_space<hbm>>
        %dma_wait3A_35 = arith.constant 0 : i32
        %dma_wait3A_36 = arith.constant 0 : i32
        %dma_wait3A_37 = tpu.memref_slice %arg6[%dma_wait3A_35, %dma_wait3A_36] : memref<79x128xi32, #tpu.memory_space<vmem>> -> memref<79x128xi32, #tpu.memory_space<vmem>>
        %dma_wait3A_38 = arith.constant 0 : i32
        %dma_wait3A_39 = tpu.memref_slice %arg2[%mul3A_9, %dma_wait3A_38] : memref<2528x128xi32, #tpu.memory_space<hbm>> -> memref<79x128xi32, #tpu.memory_space<hbm>>
        tpu.wait_dma2 semaphore(%run_scoped3A : memref<!tpu.dma_semaphore, #tpu.memory_space<semaphore_mem>>) src(%dma_wait3A_39 : memref<79x128xi32, #tpu.memory_space<hbm>>) dst(%dma_wait3A_37 : memref<79x128xi32, #tpu.memory_space<vmem>>)
        tpu.yield
      }) : () -> ()
      %barrier3A_10 = arith.constant 0 : index
      tpu.barrier barrier_id(%barrier3A_10)
      %scan3A = arith.constant 0 : i32
      %scan3A_11 = arith.constant 0 : i32
      %scan3A_12 = arith.constant 79 : i32
      %scan3A_13 = arith.addi %scan3A_11, %scan3A_12 : i32
      %scan3A_14 = arith.constant 1 : i32
      scf.for %scan3A_22 = %scan3A_11 to %scan3A_13 step %scan3A_14  : i32 {
        %dma_start3A = arith.constant 0 : i32
        %dma_start3A_23 = tpu.memref_slice %arg6[%scan3A_22, %dma_start3A] : memref<79x128xi32, #tpu.memory_space<vmem>> -> memref<1x128xi32, #tpu.memory_space<vmem>>
        %dma_start3A_24 = tpu.memref_squeeze %dma_start3A_23 : memref<1x128xi32, #tpu.memory_space<vmem>> -> memref<128xi32, #tpu.memory_space<vmem>>
        %dma_start3A_25 = arith.constant 0 : i32
        %dma_start3A_26 = tpu.memref_slice %arg8[%dma_start3A_25] : memref<10240xf32, #tpu.memory_space<vmem_shared>> -> memref<10240xf32, #tpu.memory_space<vmem_shared>>
        tpu.enqueue_indirect_dma source(%arg7 : memref<128xf32, #tpu.memory_space<vmem>>) target(%dma_start3A_26 : memref<10240xf32, #tpu.memory_space<vmem_shared>>) offsets(%dma_start3A_24 : memref<128xi32, #tpu.memory_space<vmem>>) semaphore(%arg9 : memref<!tpu.dma_semaphore, #tpu.memory_space<semaphore_mem>>) {add = true}
      }
      %scan3A_15 = arith.constant 79 : i32
      %scan3A_16 = arith.constant 0 : i32
      %scan3A_17 = arith.constant 0 : i32
      %scan3A_18 = arith.constant 79 : i32
      %scan3A_19 = arith.addi %scan3A_17, %scan3A_18 : i32
      %scan3A_20 = arith.constant 1 : i32
      scf.for %scan3A_22 = %scan3A_17 to %scan3A_19 step %scan3A_20  : i32 {
        %dma_wait3A = arith.constant 0 : i32
        %dma_wait3A_23 = arith.constant 0 : i32
        %dma_wait3A_24 = tpu.memref_slice %arg6[%dma_wait3A, %dma_wait3A_23] : memref<79x128xi32, #tpu.memory_space<vmem>> -> memref<1x128xi32, #tpu.memory_space<vmem>>
        %dma_wait3A_25 = tpu.memref_squeeze %dma_wait3A_24 : memref<1x128xi32, #tpu.memory_space<vmem>> -> memref<128xi32, #tpu.memory_space<vmem>>
        %dma_wait3A_26 = arith.constant 0 : i32
        %dma_wait3A_27 = tpu.memref_slice %arg8[%dma_wait3A_26] : memref<10240xf32, #tpu.memory_space<vmem_shared>> -> memref<10240xf32, #tpu.memory_space<vmem_shared>>
        tpu.wait_indirect_dma semaphore(%arg9 : memref<!tpu.dma_semaphore, #tpu.memory_space<semaphore_mem>>) src(%arg7 : memref<128xf32, #tpu.memory_space<vmem>>) dst(%dma_wait3A_27 : memref<10240xf32, #tpu.memory_space<vmem_shared>>)
      }
      %scan3A_21 = arith.constant 79 : i32
    } else {
    }
    %eq3A_3 = arith.constant 1 : i32
    %eq3A_4 = arith.cmpi eq, %arg0, %eq3A_3 : i32
    %convert_element_type3A_5 = arith.extui %eq3A_4 : i1 to i32
    %cond3A_6 = arith.constant 0 : i32
    %cond3A_7 = arith.cmpi ne, %convert_element_type3A_5, %cond3A_6 : i32
    scf.if %cond3A_7 {
      %mul3A_8 = arith.constant 79 : i32
      %mul3A_9 = arith.muli %arg1, %mul3A_8 : i32
      %add3A = arith.constant 1264 : i32
      %add3A_10 = arith.addi %add3A, %mul3A_9 : i32
      "tpu.region"() ({
        %run_scoped3A = tpu.sem_alloc : memref<!tpu.dma_semaphore, #tpu.memory_space<semaphore_mem>>
        %dma_start3A = arith.constant 0 : i32
        %dma_start3A_23 = arith.constant 0 : i32
        %dma_start3A_24 = tpu.memref_slice %arg6[%dma_start3A, %dma_start3A_23] : memref<79x128xi32, #tpu.memory_space<vmem>> -> memref<79x128xi32, #tpu.memory_space<vmem>>
        %dma_start3A_25 = arith.constant 0 : i32
        %dma_start3A_26 = tpu.memref_slice %arg2[%add3A_10, %dma_start3A_25] : memref<2528x128xi32, #tpu.memory_space<hbm>> -> memref<79x128xi32, #tpu.memory_space<hbm>>
        %dma_start3A_27 = arith.constant 0 : i32
        %dma_start3A_28 = arith.constant 0 : i32
        %dma_start3A_29 = tpu.memref_slice %arg6[%dma_start3A_27, %dma_start3A_28] : memref<79x128xi32, #tpu.memory_space<vmem>> -> memref<79x128xi32, #tpu.memory_space<vmem>>
        %dma_start3A_30 = arith.constant 0 : i32
        %dma_start3A_31 = tpu.memref_slice %arg2[%add3A_10, %dma_start3A_30] : memref<2528x128xi32, #tpu.memory_space<hbm>> -> memref<79x128xi32, #tpu.memory_space<hbm>>
        tpu.enqueue_dma source(%dma_start3A_31 : memref<79x128xi32, #tpu.memory_space<hbm>>) target(%dma_start3A_29 : memref<79x128xi32, #tpu.memory_space<vmem>>) target_semaphore(%run_scoped3A : memref<!tpu.dma_semaphore, #tpu.memory_space<semaphore_mem>>)
        %dma_wait3A = arith.constant 0 : i32
        %dma_wait3A_32 = arith.constant 0 : i32
        %dma_wait3A_33 = tpu.memref_slice %arg6[%dma_wait3A, %dma_wait3A_32] : memref<79x128xi32, #tpu.memory_space<vmem>> -> memref<79x128xi32, #tpu.memory_space<vmem>>
        %dma_wait3A_34 = arith.constant 0 : i32
        %dma_wait3A_35 = tpu.memref_slice %arg2[%add3A_10, %dma_wait3A_34] : memref<2528x128xi32, #tpu.memory_space<hbm>> -> memref<79x128xi32, #tpu.memory_space<hbm>>
        %dma_wait3A_36 = arith.constant 0 : i32
        %dma_wait3A_37 = arith.constant 0 : i32
        %dma_wait3A_38 = tpu.memref_slice %arg6[%dma_wait3A_36, %dma_wait3A_37] : memref<79x128xi32, #tpu.memory_space<vmem>> -> memref<79x128xi32, #tpu.memory_space<vmem>>
        %dma_wait3A_39 = arith.constant 0 : i32
        %dma_wait3A_40 = tpu.memref_slice %arg2[%add3A_10, %dma_wait3A_39] : memref<2528x128xi32, #tpu.memory_space<hbm>> -> memref<79x128xi32, #tpu.memory_space<hbm>>
        tpu.wait_dma2 semaphore(%run_scoped3A : memref<!tpu.dma_semaphore, #tpu.memory_space<semaphore_mem>>) src(%dma_wait3A_40 : memref<79x128xi32, #tpu.memory_space<hbm>>) dst(%dma_wait3A_38 : memref<79x128xi32, #tpu.memory_space<vmem>>)
        tpu.yield
      }) : () -> ()
      %barrier3A_11 = arith.constant 0 : index
      tpu.barrier barrier_id(%barrier3A_11)
      %scan3A = arith.constant 0 : i32
      %scan3A_12 = arith.constant 0 : i32
      %scan3A_13 = arith.constant 79 : i32
      %scan3A_14 = arith.addi %scan3A_12, %scan3A_13 : i32
      %scan3A_15 = arith.constant 1 : i32
      scf.for %scan3A_23 = %scan3A_12 to %scan3A_14 step %scan3A_15  : i32 {
        %dma_start3A = arith.constant 0 : i32
        %dma_start3A_24 = tpu.memref_slice %arg6[%scan3A_23, %dma_start3A] : memref<79x128xi32, #tpu.memory_space<vmem>> -> memref<1x128xi32, #tpu.memory_space<vmem>>
        %dma_start3A_25 = tpu.memref_squeeze %dma_start3A_24 : memref<1x128xi32, #tpu.memory_space<vmem>> -> memref<128xi32, #tpu.memory_space<vmem>>
        %dma_start3A_26 = arith.constant 0 : i32
        %dma_start3A_27 = tpu.memref_slice %arg8[%dma_start3A_26] : memref<10240xf32, #tpu.memory_space<vmem_shared>> -> memref<10240xf32, #tpu.memory_space<vmem_shared>>
        tpu.enqueue_indirect_dma source(%arg7 : memref<128xf32, #tpu.memory_space<vmem>>) target(%dma_start3A_27 : memref<10240xf32, #tpu.memory_space<vmem_shared>>) offsets(%dma_start3A_25 : memref<128xi32, #tpu.memory_space<vmem>>) semaphore(%arg9 : memref<!tpu.dma_semaphore, #tpu.memory_space<semaphore_mem>>) {add = true}
      }
      %scan3A_16 = arith.constant 79 : i32
      %scan3A_17 = arith.constant 0 : i32
      %scan3A_18 = arith.constant 0 : i32
      %scan3A_19 = arith.constant 79 : i32
      %scan3A_20 = arith.addi %scan3A_18, %scan3A_19 : i32
      %scan3A_21 = arith.constant 1 : i32
      scf.for %scan3A_23 = %scan3A_18 to %scan3A_20 step %scan3A_21  : i32 {
        %dma_wait3A = arith.constant 0 : i32
        %dma_wait3A_24 = arith.constant 0 : i32
        %dma_wait3A_25 = tpu.memref_slice %arg6[%dma_wait3A, %dma_wait3A_24] : memref<79x128xi32, #tpu.memory_space<vmem>> -> memref<1x128xi32, #tpu.memory_space<vmem>>
        %dma_wait3A_26 = tpu.memref_squeeze %dma_wait3A_25 : memref<1x128xi32, #tpu.memory_space<vmem>> -> memref<128xi32, #tpu.memory_space<vmem>>
        %dma_wait3A_27 = arith.constant 0 : i32
        %dma_wait3A_28 = tpu.memref_slice %arg8[%dma_wait3A_27] : memref<10240xf32, #tpu.memory_space<vmem_shared>> -> memref<10240xf32, #tpu.memory_space<vmem_shared>>
        tpu.wait_indirect_dma semaphore(%arg9 : memref<!tpu.dma_semaphore, #tpu.memory_space<semaphore_mem>>) src(%arg7 : memref<128xf32, #tpu.memory_space<vmem>>) dst(%dma_wait3A_28 : memref<10240xf32, #tpu.memory_space<vmem_shared>>)
      }
      %scan3A_22 = arith.constant 79 : i32
    } else {
    }
    %barrier3A = arith.constant 0 : index
    tpu.barrier barrier_id(%barrier3A)
    "tpu.region"() ({
      %run_scoped3A = tpu.sem_alloc : memref<!tpu.dma_semaphore, #tpu.memory_space<semaphore_mem>>
      %dma_start3A = tpu.memref_slice %arg5[%arg0, %multiple_of3A] : memref<2x10240xf32, #tpu.memory_space<hbm>> -> memref<1x640xf32, #tpu.memory_space<hbm>>
      %dma_start3A_8 = tpu.memref_squeeze %dma_start3A : memref<1x640xf32, #tpu.memory_space<hbm>> -> memref<640xf32, #tpu.memory_space<hbm>>
      %dma_start3A_9 = tpu.memref_slice %arg8[%multiple_of3A] : memref<10240xf32, #tpu.memory_space<vmem_shared>> -> memref<640xf32, #tpu.memory_space<vmem_shared>>
      tpu.enqueue_dma source(%dma_start3A_9 : memref<640xf32, #tpu.memory_space<vmem_shared>>) target(%dma_start3A_8 : memref<640xf32, #tpu.memory_space<hbm>>) target_semaphore(%run_scoped3A : memref<!tpu.dma_semaphore, #tpu.memory_space<semaphore_mem>>)
      %dma_wait3A = tpu.memref_slice %arg5[%arg0, %multiple_of3A] : memref<2x10240xf32, #tpu.memory_space<hbm>> -> memref<1x640xf32, #tpu.memory_space<hbm>>
      %dma_wait3A_10 = tpu.memref_squeeze %dma_wait3A : memref<1x640xf32, #tpu.memory_space<hbm>> -> memref<640xf32, #tpu.memory_space<hbm>>
      %dma_wait3A_11 = tpu.memref_slice %arg8[%multiple_of3A] : memref<10240xf32, #tpu.memory_space<vmem_shared>> -> memref<640xf32, #tpu.memory_space<vmem_shared>>
      tpu.wait_dma2 semaphore(%run_scoped3A : memref<!tpu.dma_semaphore, #tpu.memory_space<semaphore_mem>>) src(%dma_wait3A_11 : memref<640xf32, #tpu.memory_space<vmem_shared>>) dst(%dma_wait3A_10 : memref<640xf32, #tpu.memory_space<hbm>>)
      tpu.yield
    }) : () -> ()
    return
  }
}

#map = affine_map<(d0, d1) -> (0, 0)>
#map1 = affine_map<(d0, d1) -> (0, 0, 0)>
module attributes {stable_mosaic.version = 14 : i64} {
  func.func @spmm_kernel(%arg0: i32, %arg1: i32, %arg2: memref<2528x128xi32, #tpu.memory_space<hbm>>, %arg3: memref<2528x128xi32, #tpu.memory_space<hbm>>, %arg4: memref<10000x128xf32, #tpu.memory_space<hbm>>, %arg5: memref<10240x128xf32, #tpu.memory_space<hbm>>, %arg6: memref<2x10240x128xf32, #tpu.memory_space<hbm>>, %arg7: memref<42x128xi32, #tpu.memory_space<vmem>>, %arg8: memref<42x128xi32, #tpu.memory_space<vmem>>, %arg9: memref<2x128x128xf32, #tpu.memory_space<vmem>>, %arg10: memref<10240x128xf32, #tpu.memory_space<vmem_shared>>, %arg11: memref<!tpu.dma_semaphore, #tpu.memory_space<semaphore_mem>>, %arg12: memref<!tpu.dma_semaphore, #tpu.memory_space<semaphore_mem>>) attributes {dimension_semantics = [#tpu.dimension_semantics<core_parallel>, #tpu.dimension_semantics<subcore_parallel>], iteration_bounds = array<i64: 2, 16>, scalar_prefetch = 0 : i64, scratch_operands = 6 : i64, tpu.core_type = #tpu.core_type<sc_vector_subcore>, window_params = [{transform_indices = #map}, {transform_indices = #map}, {transform_indices = #map}, {transform_indices = #map}, {transform_indices = #map1}]} {
    %mul3A = arith.constant 640 : i32
    %mul3A_0 = arith.muli %arg1, %mul3A : i32
    %multiple_of3A = tpu.assume_multiple %mul3A_0, 8 : i32
    "tpu.region"() ({
      %run_scoped3A = tpu.sem_alloc : memref<!tpu.dma_semaphore, #tpu.memory_space<semaphore_mem>>
      %dma_start3A = arith.constant 0 : i32
      %dma_start3A_9 = tpu.memref_slice %arg10[%multiple_of3A, %dma_start3A] : memref<10240x128xf32, #tpu.memory_space<vmem_shared>> -> memref<640x128xf32, #tpu.memory_space<vmem_shared>>
      %dma_start3A_10 = arith.constant 0 : i32
      %dma_start3A_11 = tpu.memref_slice %arg5[%multiple_of3A, %dma_start3A_10] : memref<10240x128xf32, #tpu.memory_space<hbm>> -> memref<640x128xf32, #tpu.memory_space<hbm>>
      tpu.enqueue_dma source(%dma_start3A_11 : memref<640x128xf32, #tpu.memory_space<hbm>>) target(%dma_start3A_9 : memref<640x128xf32, #tpu.memory_space<vmem_shared>>) target_semaphore(%run_scoped3A : memref<!tpu.dma_semaphore, #tpu.memory_space<semaphore_mem>>)
      %dma_wait3A = arith.constant 0 : i32
      %dma_wait3A_12 = tpu.memref_slice %arg10[%multiple_of3A, %dma_wait3A] : memref<10240x128xf32, #tpu.memory_space<vmem_shared>> -> memref<640x128xf32, #tpu.memory_space<vmem_shared>>
      %dma_wait3A_13 = arith.constant 0 : i32
      %dma_wait3A_14 = tpu.memref_slice %arg5[%multiple_of3A, %dma_wait3A_13] : memref<10240x128xf32, #tpu.memory_space<hbm>> -> memref<640x128xf32, #tpu.memory_space<hbm>>
      tpu.wait_dma2 semaphore(%run_scoped3A : memref<!tpu.dma_semaphore, #tpu.memory_space<semaphore_mem>>) src(%dma_wait3A_14 : memref<640x128xf32, #tpu.memory_space<hbm>>) dst(%dma_wait3A_12 : memref<640x128xf32, #tpu.memory_space<vmem_shared>>)
      tpu.yield
    }) : () -> ()
    %barrier3A = arith.constant 0 : index
    tpu.barrier barrier_id(%barrier3A)
    %eq3A = arith.constant 0 : i32
    %eq3A_1 = arith.cmpi eq, %arg0, %eq3A : i32
    %convert_element_type3A = arith.extui %eq3A_1 : i1 to i32
    %cond3A = arith.constant 0 : i32
    %cond3A_2 = arith.cmpi ne, %convert_element_type3A, %cond3A : i32
    scf.if %cond3A_2 {
      %mul3A_9 = arith.constant 124 : i32
      %mul3A_10 = arith.muli %arg1, %mul3A_9 : i32
      %add3A = arith.constant 0 : i32
      %add3A_11 = arith.addi %mul3A_10, %add3A : i32
      "tpu.region"() ({
        %run_scoped3A = tpu.sem_alloc : memref<!tpu.dma_semaphore, #tpu.memory_space<semaphore_mem>>
        %dma_start3A_103 = arith.constant 0 : i32
        %dma_start3A_104 = arith.constant 0 : i32
        %dma_start3A_105 = tpu.memref_slice %arg7[%dma_start3A_103, %dma_start3A_104] : memref<42x128xi32, #tpu.memory_space<vmem>> -> memref<42x128xi32, #tpu.memory_space<vmem>>
        %dma_start3A_106 = arith.constant 0 : i32
        %dma_start3A_107 = tpu.memref_slice %arg2[%add3A_11, %dma_start3A_106] : memref<2528x128xi32, #tpu.memory_space<hbm>> -> memref<42x128xi32, #tpu.memory_space<hbm>>
        %dma_start3A_108 = arith.constant 0 : i32
        %dma_start3A_109 = arith.constant 0 : i32
        %dma_start3A_110 = tpu.memref_slice %arg7[%dma_start3A_108, %dma_start3A_109] : memref<42x128xi32, #tpu.memory_space<vmem>> -> memref<42x128xi32, #tpu.memory_space<vmem>>
        %dma_start3A_111 = arith.constant 0 : i32
        %dma_start3A_112 = tpu.memref_slice %arg2[%add3A_11, %dma_start3A_111] : memref<2528x128xi32, #tpu.memory_space<hbm>> -> memref<42x128xi32, #tpu.memory_space<hbm>>
        tpu.enqueue_dma source(%dma_start3A_112 : memref<42x128xi32, #tpu.memory_space<hbm>>) target(%dma_start3A_110 : memref<42x128xi32, #tpu.memory_space<vmem>>) target_semaphore(%run_scoped3A : memref<!tpu.dma_semaphore, #tpu.memory_space<semaphore_mem>>)
        %dma_wait3A_113 = arith.constant 0 : i32
        %dma_wait3A_114 = arith.constant 0 : i32
        %dma_wait3A_115 = tpu.memref_slice %arg7[%dma_wait3A_113, %dma_wait3A_114] : memref<42x128xi32, #tpu.memory_space<vmem>> -> memref<42x128xi32, #tpu.memory_space<vmem>>
        %dma_wait3A_116 = arith.constant 0 : i32
        %dma_wait3A_117 = tpu.memref_slice %arg2[%add3A_11, %dma_wait3A_116] : memref<2528x128xi32, #tpu.memory_space<hbm>> -> memref<42x128xi32, #tpu.memory_space<hbm>>
        %dma_wait3A_118 = arith.constant 0 : i32
        %dma_wait3A_119 = arith.constant 0 : i32
        %dma_wait3A_120 = tpu.memref_slice %arg7[%dma_wait3A_118, %dma_wait3A_119] : memref<42x128xi32, #tpu.memory_space<vmem>> -> memref<42x128xi32, #tpu.memory_space<vmem>>
        %dma_wait3A_121 = arith.constant 0 : i32
        %dma_wait3A_122 = tpu.memref_slice %arg2[%add3A_11, %dma_wait3A_121] : memref<2528x128xi32, #tpu.memory_space<hbm>> -> memref<42x128xi32, #tpu.memory_space<hbm>>
        tpu.wait_dma2 semaphore(%run_scoped3A : memref<!tpu.dma_semaphore, #tpu.memory_space<semaphore_mem>>) src(%dma_wait3A_122 : memref<42x128xi32, #tpu.memory_space<hbm>>) dst(%dma_wait3A_120 : memref<42x128xi32, #tpu.memory_space<vmem>>)
        tpu.yield
      }) : () -> ()
      "tpu.region"() ({
        %run_scoped3A = tpu.sem_alloc : memref<!tpu.dma_semaphore, #tpu.memory_space<semaphore_mem>>
        %dma_start3A_103 = arith.constant 0 : i32
        %dma_start3A_104 = arith.constant 0 : i32
        %dma_start3A_105 = tpu.memref_slice %arg8[%dma_start3A_103, %dma_start3A_104] : memref<42x128xi32, #tpu.memory_space<vmem>> -> memref<42x128xi32, #tpu.memory_space<vmem>>
        %dma_start3A_106 = arith.constant 0 : i32
        %dma_start3A_107 = tpu.memref_slice %arg3[%add3A_11, %dma_start3A_106] : memref<2528x128xi32, #tpu.memory_space<hbm>> -> memref<42x128xi32, #tpu.memory_space<hbm>>
        %dma_start3A_108 = arith.constant 0 : i32
        %dma_start3A_109 = arith.constant 0 : i32
        %dma_start3A_110 = tpu.memref_slice %arg8[%dma_start3A_108, %dma_start3A_109] : memref<42x128xi32, #tpu.memory_space<vmem>> -> memref<42x128xi32, #tpu.memory_space<vmem>>
        %dma_start3A_111 = arith.constant 0 : i32
        %dma_start3A_112 = tpu.memref_slice %arg3[%add3A_11, %dma_start3A_111] : memref<2528x128xi32, #tpu.memory_space<hbm>> -> memref<42x128xi32, #tpu.memory_space<hbm>>
        tpu.enqueue_dma source(%dma_start3A_112 : memref<42x128xi32, #tpu.memory_space<hbm>>) target(%dma_start3A_110 : memref<42x128xi32, #tpu.memory_space<vmem>>) target_semaphore(%run_scoped3A : memref<!tpu.dma_semaphore, #tpu.memory_space<semaphore_mem>>)
        %dma_wait3A_113 = arith.constant 0 : i32
        %dma_wait3A_114 = arith.constant 0 : i32
        %dma_wait3A_115 = tpu.memref_slice %arg8[%dma_wait3A_113, %dma_wait3A_114] : memref<42x128xi32, #tpu.memory_space<vmem>> -> memref<42x128xi32, #tpu.memory_space<vmem>>
        %dma_wait3A_116 = arith.constant 0 : i32
        %dma_wait3A_117 = tpu.memref_slice %arg3[%add3A_11, %dma_wait3A_116] : memref<2528x128xi32, #tpu.memory_space<hbm>> -> memref<42x128xi32, #tpu.memory_space<hbm>>
        %dma_wait3A_118 = arith.constant 0 : i32
        %dma_wait3A_119 = arith.constant 0 : i32
        %dma_wait3A_120 = tpu.memref_slice %arg8[%dma_wait3A_118, %dma_wait3A_119] : memref<42x128xi32, #tpu.memory_space<vmem>> -> memref<42x128xi32, #tpu.memory_space<vmem>>
        %dma_wait3A_121 = arith.constant 0 : i32
        %dma_wait3A_122 = tpu.memref_slice %arg3[%add3A_11, %dma_wait3A_121] : memref<2528x128xi32, #tpu.memory_space<hbm>> -> memref<42x128xi32, #tpu.memory_space<hbm>>
        tpu.wait_dma2 semaphore(%run_scoped3A : memref<!tpu.dma_semaphore, #tpu.memory_space<semaphore_mem>>) src(%dma_wait3A_122 : memref<42x128xi32, #tpu.memory_space<hbm>>) dst(%dma_wait3A_120 : memref<42x128xi32, #tpu.memory_space<vmem>>)
        tpu.yield
      }) : () -> ()
      %dma_start3A = arith.constant 0 : i32
      %dma_start3A_12 = arith.constant 0 : i32
      %dma_start3A_13 = arith.constant 0 : i32
      %dma_start3A_14 = arith.constant 0 : i32
      %dma_start3A_15 = tpu.memref_slice %arg9[%dma_start3A_12, %dma_start3A_13, %dma_start3A_14] : memref<2x128x128xf32, #tpu.memory_space<vmem>> -> memref<1x128x128xf32, #tpu.memory_space<vmem>>
      %dma_start3A_16 = tpu.memref_squeeze %dma_start3A_15 : memref<1x128x128xf32, #tpu.memory_space<vmem>> -> memref<128x128xf32, #tpu.memory_space<vmem>>
      %dma_start3A_17 = arith.constant 0 : i32
      %dma_start3A_18 = tpu.memref_slice %arg7[%dma_start3A, %dma_start3A_17] : memref<42x128xi32, #tpu.memory_space<vmem>> -> memref<1x128xi32, #tpu.memory_space<vmem>>
      %dma_start3A_19 = tpu.memref_squeeze %dma_start3A_18 : memref<1x128xi32, #tpu.memory_space<vmem>> -> memref<128xi32, #tpu.memory_space<vmem>>
      %dma_start3A_20 = arith.constant 0 : i32
      %dma_start3A_21 = arith.constant 0 : i32
      %dma_start3A_22 = tpu.memref_slice %arg4[%dma_start3A_20, %dma_start3A_21] : memref<10000x128xf32, #tpu.memory_space<hbm>> -> memref<10000x128xf32, #tpu.memory_space<hbm>>
      tpu.enqueue_indirect_dma source(%dma_start3A_22 : memref<10000x128xf32, #tpu.memory_space<hbm>>) target(%dma_start3A_16 : memref<128x128xf32, #tpu.memory_space<vmem>>) offsets(%dma_start3A_19 : memref<128xi32, #tpu.memory_space<vmem>>) semaphore(%arg11 : memref<!tpu.dma_semaphore, #tpu.memory_space<semaphore_mem>>)
      %scan3A = arith.constant 0 : i32
      %scan3A_23 = arith.constant 0 : i32
      %scan3A_24 = arith.constant 21 : i32
      %scan3A_25 = arith.addi %scan3A_23, %scan3A_24 : i32
      %scan3A_26 = arith.constant 1 : i32
      scf.for %scan3A_103 = %scan3A_23 to %scan3A_25 step %scan3A_26  : i32 {
        %mul3A_104 = arith.constant 2 : i32
        %mul3A_105 = arith.muli %scan3A_103, %mul3A_104 : i32
        %add3A_106 = arith.constant 0 : i32
        %add3A_107 = arith.addi %mul3A_105, %add3A_106 : i32
        %dma_wait3A_108 = arith.constant 0 : i32
        %dma_wait3A_109 = arith.constant 0 : i32
        %dma_wait3A_110 = arith.constant 0 : i32
        %dma_wait3A_111 = arith.constant 0 : i32
        %dma_wait3A_112 = tpu.memref_slice %arg9[%dma_wait3A_109, %dma_wait3A_110, %dma_wait3A_111] : memref<2x128x128xf32, #tpu.memory_space<vmem>> -> memref<1x128x128xf32, #tpu.memory_space<vmem>>
        %dma_wait3A_113 = tpu.memref_squeeze %dma_wait3A_112 : memref<1x128x128xf32, #tpu.memory_space<vmem>> -> memref<128x128xf32, #tpu.memory_space<vmem>>
        %dma_wait3A_114 = arith.constant 0 : i32
        %dma_wait3A_115 = tpu.memref_slice %arg7[%dma_wait3A_108, %dma_wait3A_114] : memref<42x128xi32, #tpu.memory_space<vmem>> -> memref<1x128xi32, #tpu.memory_space<vmem>>
        %dma_wait3A_116 = tpu.memref_squeeze %dma_wait3A_115 : memref<1x128xi32, #tpu.memory_space<vmem>> -> memref<128xi32, #tpu.memory_space<vmem>>
        %dma_wait3A_117 = arith.constant 0 : i32
        %dma_wait3A_118 = arith.constant 0 : i32
        %dma_wait3A_119 = tpu.memref_slice %arg4[%dma_wait3A_117, %dma_wait3A_118] : memref<10000x128xf32, #tpu.memory_space<hbm>> -> memref<10000x128xf32, #tpu.memory_space<hbm>>
        tpu.wait_indirect_dma semaphore(%arg11 : memref<!tpu.dma_semaphore, #tpu.memory_space<semaphore_mem>>) src(%dma_wait3A_119 : memref<10000x128xf32, #tpu.memory_space<hbm>>) dst(%dma_wait3A_113 : memref<128x128xf32, #tpu.memory_space<vmem>>)
        %add3A_120 = arith.constant 1 : i32
        %add3A_121 = arith.addi %add3A_107, %add3A_120 : i32
        %lt3A = arith.constant 42 : i32
        %lt3A_122 = arith.cmpi slt, %add3A_121, %lt3A : i32
        %add3A_123 = arith.constant 1 : i32
        %add3A_124 = arith.addi %add3A_107, %add3A_123 : i32
        %jit3A = arith.constant 0 : i32
        %select_n3A = arith.select %lt3A_122, %add3A_124, %jit3A : i32
        %dma_start3A_125 = arith.constant 1 : i32
        %dma_start3A_126 = arith.constant 0 : i32
        %dma_start3A_127 = arith.constant 0 : i32
        %dma_start3A_128 = tpu.memref_slice %arg9[%dma_start3A_125, %dma_start3A_126, %dma_start3A_127] : memref<2x128x128xf32, #tpu.memory_space<vmem>> -> memref<1x128x128xf32, #tpu.memory_space<vmem>>
        %dma_start3A_129 = tpu.memref_squeeze %dma_start3A_128 : memref<1x128x128xf32, #tpu.memory_space<vmem>> -> memref<128x128xf32, #tpu.memory_space<vmem>>
        %dma_start3A_130 = arith.constant 0 : i32
        %dma_start3A_131 = tpu.memref_slice %arg7[%select_n3A, %dma_start3A_130] : memref<42x128xi32, #tpu.memory_space<vmem>> -> memref<1x128xi32, #tpu.memory_space<vmem>>
        %dma_start3A_132 = tpu.memref_squeeze %dma_start3A_131 : memref<1x128xi32, #tpu.memory_space<vmem>> -> memref<128xi32, #tpu.memory_space<vmem>>
        %dma_start3A_133 = arith.constant 0 : i32
        %dma_start3A_134 = arith.constant 0 : i32
        %dma_start3A_135 = tpu.memref_slice %arg4[%dma_start3A_133, %dma_start3A_134] : memref<10000x128xf32, #tpu.memory_space<hbm>> -> memref<10000x128xf32, #tpu.memory_space<hbm>>
        tpu.enqueue_indirect_dma source(%dma_start3A_135 : memref<10000x128xf32, #tpu.memory_space<hbm>>) target(%dma_start3A_129 : memref<128x128xf32, #tpu.memory_space<vmem>>) offsets(%dma_start3A_132 : memref<128xi32, #tpu.memory_space<vmem>>) semaphore(%arg12 : memref<!tpu.dma_semaphore, #tpu.memory_space<semaphore_mem>>)
        %run_scoped3A = arith.constant 0 : i32
        "tpu.region"() ({
          %run_scoped3A_172 = tpu.sem_alloc : memref<!tpu.dma_semaphore, #tpu.memory_space<semaphore_mem>>
          %dma_start3A_173 = arith.constant 0 : i32
          %dma_start3A_174 = arith.constant 0 : i32
          %dma_start3A_175 = tpu.memref_slice %arg9[%run_scoped3A, %dma_start3A_173, %dma_start3A_174] : memref<2x128x128xf32, #tpu.memory_space<vmem>> -> memref<1x128x128xf32, #tpu.memory_space<vmem>>
          %dma_start3A_176 = tpu.memref_squeeze %dma_start3A_175 : memref<1x128x128xf32, #tpu.memory_space<vmem>> -> memref<128x128xf32, #tpu.memory_space<vmem>>
          %dma_start3A_177 = arith.constant 0 : i32
          %dma_start3A_178 = tpu.memref_slice %arg8[%add3A_107, %dma_start3A_177] : memref<42x128xi32, #tpu.memory_space<vmem>> -> memref<1x128xi32, #tpu.memory_space<vmem>>
          %dma_start3A_179 = tpu.memref_squeeze %dma_start3A_178 : memref<1x128xi32, #tpu.memory_space<vmem>> -> memref<128xi32, #tpu.memory_space<vmem>>
          %dma_start3A_180 = arith.constant 0 : i32
          %dma_start3A_181 = arith.constant 0 : i32
          %dma_start3A_182 = tpu.memref_slice %arg10[%dma_start3A_180, %dma_start3A_181] : memref<10240x128xf32, #tpu.memory_space<vmem_shared>> -> memref<10240x128xf32, #tpu.memory_space<vmem_shared>>
          tpu.enqueue_indirect_dma source(%dma_start3A_176 : memref<128x128xf32, #tpu.memory_space<vmem>>) target(%dma_start3A_182 : memref<10240x128xf32, #tpu.memory_space<vmem_shared>>) offsets(%dma_start3A_179 : memref<128xi32, #tpu.memory_space<vmem>>) semaphore(%run_scoped3A_172 : memref<!tpu.dma_semaphore, #tpu.memory_space<semaphore_mem>>) {add = true}
          %dma_wait3A_183 = arith.constant 0 : i32
          %dma_wait3A_184 = arith.constant 0 : i32
          %dma_wait3A_185 = tpu.memref_slice %arg9[%run_scoped3A, %dma_wait3A_183, %dma_wait3A_184] : memref<2x128x128xf32, #tpu.memory_space<vmem>> -> memref<1x128x128xf32, #tpu.memory_space<vmem>>
          %dma_wait3A_186 = tpu.memref_squeeze %dma_wait3A_185 : memref<1x128x128xf32, #tpu.memory_space<vmem>> -> memref<128x128xf32, #tpu.memory_space<vmem>>
          %dma_wait3A_187 = arith.constant 0 : i32
          %dma_wait3A_188 = tpu.memref_slice %arg8[%add3A_107, %dma_wait3A_187] : memref<42x128xi32, #tpu.memory_space<vmem>> -> memref<1x128xi32, #tpu.memory_space<vmem>>
          %dma_wait3A_189 = tpu.memref_squeeze %dma_wait3A_188 : memref<1x128xi32, #tpu.memory_space<vmem>> -> memref<128xi32, #tpu.memory_space<vmem>>
          %dma_wait3A_190 = arith.constant 0 : i32
          %dma_wait3A_191 = arith.constant 0 : i32
          %dma_wait3A_192 = tpu.memref_slice %arg10[%dma_wait3A_190, %dma_wait3A_191] : memref<10240x128xf32, #tpu.memory_space<vmem_shared>> -> memref<10240x128xf32, #tpu.memory_space<vmem_shared>>
          tpu.wait_indirect_dma semaphore(%run_scoped3A_172 : memref<!tpu.dma_semaphore, #tpu.memory_space<semaphore_mem>>) src(%dma_wait3A_186 : memref<128x128xf32, #tpu.memory_space<vmem>>) dst(%dma_wait3A_192 : memref<10240x128xf32, #tpu.memory_space<vmem_shared>>)
          tpu.yield
        }) : () -> ()
        %mul3A_136 = arith.constant 2 : i32
        %mul3A_137 = arith.muli %scan3A_103, %mul3A_136 : i32
        %add3A_138 = arith.constant 1 : i32
        %add3A_139 = arith.addi %mul3A_137, %add3A_138 : i32
        %dma_wait3A_140 = arith.constant 0 : i32
        %dma_wait3A_141 = arith.constant 1 : i32
        %dma_wait3A_142 = arith.constant 0 : i32
        %dma_wait3A_143 = arith.constant 0 : i32
        %dma_wait3A_144 = tpu.memref_slice %arg9[%dma_wait3A_141, %dma_wait3A_142, %dma_wait3A_143] : memref<2x128x128xf32, #tpu.memory_space<vmem>> -> memref<1x128x128xf32, #tpu.memory_space<vmem>>
        %dma_wait3A_145 = tpu.memref_squeeze %dma_wait3A_144 : memref<1x128x128xf32, #tpu.memory_space<vmem>> -> memref<128x128xf32, #tpu.memory_space<vmem>>
        %dma_wait3A_146 = arith.constant 0 : i32
        %dma_wait3A_147 = tpu.memref_slice %arg7[%dma_wait3A_140, %dma_wait3A_146] : memref<42x128xi32, #tpu.memory_space<vmem>> -> memref<1x128xi32, #tpu.memory_space<vmem>>
        %dma_wait3A_148 = tpu.memref_squeeze %dma_wait3A_147 : memref<1x128xi32, #tpu.memory_space<vmem>> -> memref<128xi32, #tpu.memory_space<vmem>>
        %dma_wait3A_149 = arith.constant 0 : i32
        %dma_wait3A_150 = arith.constant 0 : i32
        %dma_wait3A_151 = tpu.memref_slice %arg4[%dma_wait3A_149, %dma_wait3A_150] : memref<10000x128xf32, #tpu.memory_space<hbm>> -> memref<10000x128xf32, #tpu.memory_space<hbm>>
        tpu.wait_indirect_dma semaphore(%arg12 : memref<!tpu.dma_semaphore, #tpu.memory_space<semaphore_mem>>) src(%dma_wait3A_151 : memref<10000x128xf32, #tpu.memory_space<hbm>>) dst(%dma_wait3A_145 : memref<128x128xf32, #tpu.memory_space<vmem>>)
        %add3A_152 = arith.constant 1 : i32
        %add3A_153 = arith.addi %add3A_139, %add3A_152 : i32
        %lt3A_154 = arith.constant 42 : i32
        %lt3A_155 = arith.cmpi slt, %add3A_153, %lt3A_154 : i32
        %add3A_156 = arith.constant 1 : i32
        %add3A_157 = arith.addi %add3A_139, %add3A_156 : i32
        %jit3A_158 = arith.constant 0 : i32
        %select_n3A_159 = arith.select %lt3A_155, %add3A_157, %jit3A_158 : i32
        %dma_start3A_160 = arith.constant 0 : i32
        %dma_start3A_161 = arith.constant 0 : i32
        %dma_start3A_162 = arith.constant 0 : i32
        %dma_start3A_163 = tpu.memref_slice %arg9[%dma_start3A_160, %dma_start3A_161, %dma_start3A_162] : memref<2x128x128xf32, #tpu.memory_space<vmem>> -> memref<1x128x128xf32, #tpu.memory_space<vmem>>
        %dma_start3A_164 = tpu.memref_squeeze %dma_start3A_163 : memref<1x128x128xf32, #tpu.memory_space<vmem>> -> memref<128x128xf32, #tpu.memory_space<vmem>>
        %dma_start3A_165 = arith.constant 0 : i32
        %dma_start3A_166 = tpu.memref_slice %arg7[%select_n3A_159, %dma_start3A_165] : memref<42x128xi32, #tpu.memory_space<vmem>> -> memref<1x128xi32, #tpu.memory_space<vmem>>
        %dma_start3A_167 = tpu.memref_squeeze %dma_start3A_166 : memref<1x128xi32, #tpu.memory_space<vmem>> -> memref<128xi32, #tpu.memory_space<vmem>>
        %dma_start3A_168 = arith.constant 0 : i32
        %dma_start3A_169 = arith.constant 0 : i32
        %dma_start3A_170 = tpu.memref_slice %arg4[%dma_start3A_168, %dma_start3A_169] : memref<10000x128xf32, #tpu.memory_space<hbm>> -> memref<10000x128xf32, #tpu.memory_space<hbm>>
        tpu.enqueue_indirect_dma source(%dma_start3A_170 : memref<10000x128xf32, #tpu.memory_space<hbm>>) target(%dma_start3A_164 : memref<128x128xf32, #tpu.memory_space<vmem>>) offsets(%dma_start3A_167 : memref<128xi32, #tpu.memory_space<vmem>>) semaphore(%arg11 : memref<!tpu.dma_semaphore, #tpu.memory_space<semaphore_mem>>)
        %run_scoped3A_171 = arith.constant 1 : i32
        "tpu.region"() ({
          %run_scoped3A_172 = tpu.sem_alloc : memref<!tpu.dma_semaphore, #tpu.memory_space<semaphore_mem>>
          %dma_start3A_173 = arith.constant 0 : i32
          %dma_start3A_174 = arith.constant 0 : i32
          %dma_start3A_175 = tpu.memref_slice %arg9[%run_scoped3A_171, %dma_start3A_173, %dma_start3A_174] : memref<2x128x128xf32, #tpu.memory_space<vmem>> -> memref<1x128x128xf32, #tpu.memory_space<vmem>>
          %dma_start3A_176 = tpu.memref_squeeze %dma_start3A_175 : memref<1x128x128xf32, #tpu.memory_space<vmem>> -> memref<128x128xf32, #tpu.memory_space<vmem>>
          %dma_start3A_177 = arith.constant 0 : i32
          %dma_start3A_178 = tpu.memref_slice %arg8[%add3A_139, %dma_start3A_177] : memref<42x128xi32, #tpu.memory_space<vmem>> -> memref<1x128xi32, #tpu.memory_space<vmem>>
          %dma_start3A_179 = tpu.memref_squeeze %dma_start3A_178 : memref<1x128xi32, #tpu.memory_space<vmem>> -> memref<128xi32, #tpu.memory_space<vmem>>
          %dma_start3A_180 = arith.constant 0 : i32
          %dma_start3A_181 = arith.constant 0 : i32
          %dma_start3A_182 = tpu.memref_slice %arg10[%dma_start3A_180, %dma_start3A_181] : memref<10240x128xf32, #tpu.memory_space<vmem_shared>> -> memref<10240x128xf32, #tpu.memory_space<vmem_shared>>
          tpu.enqueue_indirect_dma source(%dma_start3A_176 : memref<128x128xf32, #tpu.memory_space<vmem>>) target(%dma_start3A_182 : memref<10240x128xf32, #tpu.memory_space<vmem_shared>>) offsets(%dma_start3A_179 : memref<128xi32, #tpu.memory_space<vmem>>) semaphore(%run_scoped3A_172 : memref<!tpu.dma_semaphore, #tpu.memory_space<semaphore_mem>>) {add = true}
          %dma_wait3A_183 = arith.constant 0 : i32
          %dma_wait3A_184 = arith.constant 0 : i32
          %dma_wait3A_185 = tpu.memref_slice %arg9[%run_scoped3A_171, %dma_wait3A_183, %dma_wait3A_184] : memref<2x128x128xf32, #tpu.memory_space<vmem>> -> memref<1x128x128xf32, #tpu.memory_space<vmem>>
          %dma_wait3A_186 = tpu.memref_squeeze %dma_wait3A_185 : memref<1x128x128xf32, #tpu.memory_space<vmem>> -> memref<128x128xf32, #tpu.memory_space<vmem>>
          %dma_wait3A_187 = arith.constant 0 : i32
          %dma_wait3A_188 = tpu.memref_slice %arg8[%add3A_139, %dma_wait3A_187] : memref<42x128xi32, #tpu.memory_space<vmem>> -> memref<1x128xi32, #tpu.memory_space<vmem>>
          %dma_wait3A_189 = tpu.memref_squeeze %dma_wait3A_188 : memref<1x128xi32, #tpu.memory_space<vmem>> -> memref<128xi32, #tpu.memory_space<vmem>>
          %dma_wait3A_190 = arith.constant 0 : i32
          %dma_wait3A_191 = arith.constant 0 : i32
          %dma_wait3A_192 = tpu.memref_slice %arg10[%dma_wait3A_190, %dma_wait3A_191] : memref<10240x128xf32, #tpu.memory_space<vmem_shared>> -> memref<10240x128xf32, #tpu.memory_space<vmem_shared>>
          tpu.wait_indirect_dma semaphore(%run_scoped3A_172 : memref<!tpu.dma_semaphore, #tpu.memory_space<semaphore_mem>>) src(%dma_wait3A_186 : memref<128x128xf32, #tpu.memory_space<vmem>>) dst(%dma_wait3A_192 : memref<10240x128xf32, #tpu.memory_space<vmem_shared>>)
          tpu.yield
        }) : () -> ()
      }
      %scan3A_27 = arith.constant 21 : i32
      %dma_wait3A = arith.constant 0 : i32
      %dma_wait3A_28 = arith.constant 0 : i32
      %dma_wait3A_29 = arith.constant 0 : i32
      %dma_wait3A_30 = arith.constant 0 : i32
      %dma_wait3A_31 = tpu.memref_slice %arg9[%dma_wait3A_28, %dma_wait3A_29, %dma_wait3A_30] : memref<2x128x128xf32, #tpu.memory_space<vmem>> -> memref<1x128x128xf32, #tpu.memory_space<vmem>>
      %dma_wait3A_32 = tpu.memref_squeeze %dma_wait3A_31 : memref<1x128x128xf32, #tpu.memory_space<vmem>> -> memref<128x128xf32, #tpu.memory_space<vmem>>
      %dma_wait3A_33 = arith.constant 0 : i32
      %dma_wait3A_34 = tpu.memref_slice %arg7[%dma_wait3A, %dma_wait3A_33] : memref<42x128xi32, #tpu.memory_space<vmem>> -> memref<1x128xi32, #tpu.memory_space<vmem>>
      %dma_wait3A_35 = tpu.memref_squeeze %dma_wait3A_34 : memref<1x128xi32, #tpu.memory_space<vmem>> -> memref<128xi32, #tpu.memory_space<vmem>>
      %dma_wait3A_36 = arith.constant 0 : i32
      %dma_wait3A_37 = arith.constant 0 : i32
      %dma_wait3A_38 = tpu.memref_slice %arg4[%dma_wait3A_36, %dma_wait3A_37] : memref<10000x128xf32, #tpu.memory_space<hbm>> -> memref<10000x128xf32, #tpu.memory_space<hbm>>
      tpu.wait_indirect_dma semaphore(%arg11 : memref<!tpu.dma_semaphore, #tpu.memory_space<semaphore_mem>>) src(%dma_wait3A_38 : memref<10000x128xf32, #tpu.memory_space<hbm>>) dst(%dma_wait3A_32 : memref<128x128xf32, #tpu.memory_space<vmem>>)
      %add3A_39 = arith.constant 42 : i32
      %add3A_40 = arith.addi %mul3A_10, %add3A_39 : i32
      "tpu.region"() ({
        %run_scoped3A = tpu.sem_alloc : memref<!tpu.dma_semaphore, #tpu.memory_space<semaphore_mem>>
        %dma_start3A_103 = arith.constant 0 : i32
        %dma_start3A_104 = arith.constant 0 : i32
        %dma_start3A_105 = tpu.memref_slice %arg7[%dma_start3A_103, %dma_start3A_104] : memref<42x128xi32, #tpu.memory_space<vmem>> -> memref<42x128xi32, #tpu.memory_space<vmem>>
        %dma_start3A_106 = arith.constant 0 : i32
        %dma_start3A_107 = tpu.memref_slice %arg2[%add3A_40, %dma_start3A_106] : memref<2528x128xi32, #tpu.memory_space<hbm>> -> memref<42x128xi32, #tpu.memory_space<hbm>>
        %dma_start3A_108 = arith.constant 0 : i32
        %dma_start3A_109 = arith.constant 0 : i32
        %dma_start3A_110 = tpu.memref_slice %arg7[%dma_start3A_108, %dma_start3A_109] : memref<42x128xi32, #tpu.memory_space<vmem>> -> memref<42x128xi32, #tpu.memory_space<vmem>>
        %dma_start3A_111 = arith.constant 0 : i32
        %dma_start3A_112 = tpu.memref_slice %arg2[%add3A_40, %dma_start3A_111] : memref<2528x128xi32, #tpu.memory_space<hbm>> -> memref<42x128xi32, #tpu.memory_space<hbm>>
        tpu.enqueue_dma source(%dma_start3A_112 : memref<42x128xi32, #tpu.memory_space<hbm>>) target(%dma_start3A_110 : memref<42x128xi32, #tpu.memory_space<vmem>>) target_semaphore(%run_scoped3A : memref<!tpu.dma_semaphore, #tpu.memory_space<semaphore_mem>>)
        %dma_wait3A_113 = arith.constant 0 : i32
        %dma_wait3A_114 = arith.constant 0 : i32
        %dma_wait3A_115 = tpu.memref_slice %arg7[%dma_wait3A_113, %dma_wait3A_114] : memref<42x128xi32, #tpu.memory_space<vmem>> -> memref<42x128xi32, #tpu.memory_space<vmem>>
        %dma_wait3A_116 = arith.constant 0 : i32
        %dma_wait3A_117 = tpu.memref_slice %arg2[%add3A_40, %dma_wait3A_116] : memref<2528x128xi32, #tpu.memory_space<hbm>> -> memref<42x128xi32, #tpu.memory_space<hbm>>
        %dma_wait3A_118 = arith.constant 0 : i32
        %dma_wait3A_119 = arith.constant 0 : i32
        %dma_wait3A_120 = tpu.memref_slice %arg7[%dma_wait3A_118, %dma_wait3A_119] : memref<42x128xi32, #tpu.memory_space<vmem>> -> memref<42x128xi32, #tpu.memory_space<vmem>>
        %dma_wait3A_121 = arith.constant 0 : i32
        %dma_wait3A_122 = tpu.memref_slice %arg2[%add3A_40, %dma_wait3A_121] : memref<2528x128xi32, #tpu.memory_space<hbm>> -> memref<42x128xi32, #tpu.memory_space<hbm>>
        tpu.wait_dma2 semaphore(%run_scoped3A : memref<!tpu.dma_semaphore, #tpu.memory_space<semaphore_mem>>) src(%dma_wait3A_122 : memref<42x128xi32, #tpu.memory_space<hbm>>) dst(%dma_wait3A_120 : memref<42x128xi32, #tpu.memory_space<vmem>>)
        tpu.yield
      }) : () -> ()
      "tpu.region"() ({
        %run_scoped3A = tpu.sem_alloc : memref<!tpu.dma_semaphore, #tpu.memory_space<semaphore_mem>>
        %dma_start3A_103 = arith.constant 0 : i32
        %dma_start3A_104 = arith.constant 0 : i32
        %dma_start3A_105 = tpu.memref_slice %arg8[%dma_start3A_103, %dma_start3A_104] : memref<42x128xi32, #tpu.memory_space<vmem>> -> memref<42x128xi32, #tpu.memory_space<vmem>>
        %dma_start3A_106 = arith.constant 0 : i32
        %dma_start3A_107 = tpu.memref_slice %arg3[%add3A_40, %dma_start3A_106] : memref<2528x128xi32, #tpu.memory_space<hbm>> -> memref<42x128xi32, #tpu.memory_space<hbm>>
        %dma_start3A_108 = arith.constant 0 : i32
        %dma_start3A_109 = arith.constant 0 : i32
        %dma_start3A_110 = tpu.memref_slice %arg8[%dma_start3A_108, %dma_start3A_109] : memref<42x128xi32, #tpu.memory_space<vmem>> -> memref<42x128xi32, #tpu.memory_space<vmem>>
        %dma_start3A_111 = arith.constant 0 : i32
        %dma_start3A_112 = tpu.memref_slice %arg3[%add3A_40, %dma_start3A_111] : memref<2528x128xi32, #tpu.memory_space<hbm>> -> memref<42x128xi32, #tpu.memory_space<hbm>>
        tpu.enqueue_dma source(%dma_start3A_112 : memref<42x128xi32, #tpu.memory_space<hbm>>) target(%dma_start3A_110 : memref<42x128xi32, #tpu.memory_space<vmem>>) target_semaphore(%run_scoped3A : memref<!tpu.dma_semaphore, #tpu.memory_space<semaphore_mem>>)
        %dma_wait3A_113 = arith.constant 0 : i32
        %dma_wait3A_114 = arith.constant 0 : i32
        %dma_wait3A_115 = tpu.memref_slice %arg8[%dma_wait3A_113, %dma_wait3A_114] : memref<42x128xi32, #tpu.memory_space<vmem>> -> memref<42x128xi32, #tpu.memory_space<vmem>>
        %dma_wait3A_116 = arith.constant 0 : i32
        %dma_wait3A_117 = tpu.memref_slice %arg3[%add3A_40, %dma_wait3A_116] : memref<2528x128xi32, #tpu.memory_space<hbm>> -> memref<42x128xi32, #tpu.memory_space<hbm>>
        %dma_wait3A_118 = arith.constant 0 : i32
        %dma_wait3A_119 = arith.constant 0 : i32
        %dma_wait3A_120 = tpu.memref_slice %arg8[%dma_wait3A_118, %dma_wait3A_119] : memref<42x128xi32, #tpu.memory_space<vmem>> -> memref<42x128xi32, #tpu.memory_space<vmem>>
        %dma_wait3A_121 = arith.constant 0 : i32
        %dma_wait3A_122 = tpu.memref_slice %arg3[%add3A_40, %dma_wait3A_121] : memref<2528x128xi32, #tpu.memory_space<hbm>> -> memref<42x128xi32, #tpu.memory_space<hbm>>
        tpu.wait_dma2 semaphore(%run_scoped3A : memref<!tpu.dma_semaphore, #tpu.memory_space<semaphore_mem>>) src(%dma_wait3A_122 : memref<42x128xi32, #tpu.memory_space<hbm>>) dst(%dma_wait3A_120 : memref<42x128xi32, #tpu.memory_space<vmem>>)
        tpu.yield
      }) : () -> ()
      %dma_start3A_41 = arith.constant 0 : i32
      %dma_start3A_42 = arith.constant 0 : i32
      %dma_start3A_43 = arith.constant 0 : i32
      %dma_start3A_44 = arith.constant 0 : i32
      %dma_start3A_45 = tpu.memref_slice %arg9[%dma_start3A_42, %dma_start3A_43, %dma_start3A_44] : memref<2x128x128xf32, #tpu.memory_space<vmem>> -> memref<1x128x128xf32, #tpu.memory_space<vmem>>
      %dma_start3A_46 = tpu.memref_squeeze %dma_start3A_45 : memref<1x128x128xf32, #tpu.memory_space<vmem>> -> memref<128x128xf32, #tpu.memory_space<vmem>>
      %dma_start3A_47 = arith.constant 0 : i32
      %dma_start3A_48 = tpu.memref_slice %arg7[%dma_start3A_41, %dma_start3A_47] : memref<42x128xi32, #tpu.memory_space<vmem>> -> memref<1x128xi32, #tpu.memory_space<vmem>>
      %dma_start3A_49 = tpu.memref_squeeze %dma_start3A_48 : memref<1x128xi32, #tpu.memory_space<vmem>> -> memref<128xi32, #tpu.memory_space<vmem>>
      %dma_start3A_50 = arith.constant 0 : i32
      %dma_start3A_51 = arith.constant 0 : i32
      %dma_start3A_52 = tpu.memref_slice %arg4[%dma_start3A_50, %dma_start3A_51] : memref<10000x128xf32, #tpu.memory_space<hbm>> -> memref<10000x128xf32, #tpu.memory_space<hbm>>
      tpu.enqueue_indirect_dma source(%dma_start3A_52 : memref<10000x128xf32, #tpu.memory_space<hbm>>) target(%dma_start3A_46 : memref<128x128xf32, #tpu.memory_space<vmem>>) offsets(%dma_start3A_49 : memref<128xi32, #tpu.memory_space<vmem>>) semaphore(%arg11 : memref<!tpu.dma_semaphore, #tpu.memory_space<semaphore_mem>>)
      %scan3A_53 = arith.constant 0 : i32
      %scan3A_54 = arith.constant 0 : i32
      %scan3A_55 = arith.constant 21 : i32
      %scan3A_56 = arith.addi %scan3A_54, %scan3A_55 : i32
      %scan3A_57 = arith.constant 1 : i32
      scf.for %scan3A_103 = %scan3A_54 to %scan3A_56 step %scan3A_57  : i32 {
        %mul3A_104 = arith.constant 2 : i32
        %mul3A_105 = arith.muli %scan3A_103, %mul3A_104 : i32
        %add3A_106 = arith.constant 0 : i32
        %add3A_107 = arith.addi %mul3A_105, %add3A_106 : i32
        %dma_wait3A_108 = arith.constant 0 : i32
        %dma_wait3A_109 = arith.constant 0 : i32
        %dma_wait3A_110 = arith.constant 0 : i32
        %dma_wait3A_111 = arith.constant 0 : i32
        %dma_wait3A_112 = tpu.memref_slice %arg9[%dma_wait3A_109, %dma_wait3A_110, %dma_wait3A_111] : memref<2x128x128xf32, #tpu.memory_space<vmem>> -> memref<1x128x128xf32, #tpu.memory_space<vmem>>
        %dma_wait3A_113 = tpu.memref_squeeze %dma_wait3A_112 : memref<1x128x128xf32, #tpu.memory_space<vmem>> -> memref<128x128xf32, #tpu.memory_space<vmem>>
        %dma_wait3A_114 = arith.constant 0 : i32
        %dma_wait3A_115 = tpu.memref_slice %arg7[%dma_wait3A_108, %dma_wait3A_114] : memref<42x128xi32, #tpu.memory_space<vmem>> -> memref<1x128xi32, #tpu.memory_space<vmem>>
        %dma_wait3A_116 = tpu.memref_squeeze %dma_wait3A_115 : memref<1x128xi32, #tpu.memory_space<vmem>> -> memref<128xi32, #tpu.memory_space<vmem>>
        %dma_wait3A_117 = arith.constant 0 : i32
        %dma_wait3A_118 = arith.constant 0 : i32
        %dma_wait3A_119 = tpu.memref_slice %arg4[%dma_wait3A_117, %dma_wait3A_118] : memref<10000x128xf32, #tpu.memory_space<hbm>> -> memref<10000x128xf32, #tpu.memory_space<hbm>>
        tpu.wait_indirect_dma semaphore(%arg11 : memref<!tpu.dma_semaphore, #tpu.memory_space<semaphore_mem>>) src(%dma_wait3A_119 : memref<10000x128xf32, #tpu.memory_space<hbm>>) dst(%dma_wait3A_113 : memref<128x128xf32, #tpu.memory_space<vmem>>)
        %add3A_120 = arith.constant 1 : i32
        %add3A_121 = arith.addi %add3A_107, %add3A_120 : i32
        %lt3A = arith.constant 42 : i32
        %lt3A_122 = arith.cmpi slt, %add3A_121, %lt3A : i32
        %add3A_123 = arith.constant 1 : i32
        %add3A_124 = arith.addi %add3A_107, %add3A_123 : i32
        %jit3A = arith.constant 0 : i32
        %select_n3A = arith.select %lt3A_122, %add3A_124, %jit3A : i32
        %dma_start3A_125 = arith.constant 1 : i32
        %dma_start3A_126 = arith.constant 0 : i32
        %dma_start3A_127 = arith.constant 0 : i32
        %dma_start3A_128 = tpu.memref_slice %arg9[%dma_start3A_125, %dma_start3A_126, %dma_start3A_127] : memref<2x128x128xf32, #tpu.memory_space<vmem>> -> memref<1x128x128xf32, #tpu.memory_space<vmem>>
        %dma_start3A_129 = tpu.memref_squeeze %dma_start3A_128 : memref<1x128x128xf32, #tpu.memory_space<vmem>> -> memref<128x128xf32, #tpu.memory_space<vmem>>
        %dma_start3A_130 = arith.constant 0 : i32
        %dma_start3A_131 = tpu.memref_slice %arg7[%select_n3A, %dma_start3A_130] : memref<42x128xi32, #tpu.memory_space<vmem>> -> memref<1x128xi32, #tpu.memory_space<vmem>>
        %dma_start3A_132 = tpu.memref_squeeze %dma_start3A_131 : memref<1x128xi32, #tpu.memory_space<vmem>> -> memref<128xi32, #tpu.memory_space<vmem>>
        %dma_start3A_133 = arith.constant 0 : i32
        %dma_start3A_134 = arith.constant 0 : i32
        %dma_start3A_135 = tpu.memref_slice %arg4[%dma_start3A_133, %dma_start3A_134] : memref<10000x128xf32, #tpu.memory_space<hbm>> -> memref<10000x128xf32, #tpu.memory_space<hbm>>
        tpu.enqueue_indirect_dma source(%dma_start3A_135 : memref<10000x128xf32, #tpu.memory_space<hbm>>) target(%dma_start3A_129 : memref<128x128xf32, #tpu.memory_space<vmem>>) offsets(%dma_start3A_132 : memref<128xi32, #tpu.memory_space<vmem>>) semaphore(%arg12 : memref<!tpu.dma_semaphore, #tpu.memory_space<semaphore_mem>>)
        %run_scoped3A = arith.constant 0 : i32
        "tpu.region"() ({
          %run_scoped3A_172 = tpu.sem_alloc : memref<!tpu.dma_semaphore, #tpu.memory_space<semaphore_mem>>
          %dma_start3A_173 = arith.constant 0 : i32
          %dma_start3A_174 = arith.constant 0 : i32
          %dma_start3A_175 = tpu.memref_slice %arg9[%run_scoped3A, %dma_start3A_173, %dma_start3A_174] : memref<2x128x128xf32, #tpu.memory_space<vmem>> -> memref<1x128x128xf32, #tpu.memory_space<vmem>>
          %dma_start3A_176 = tpu.memref_squeeze %dma_start3A_175 : memref<1x128x128xf32, #tpu.memory_space<vmem>> -> memref<128x128xf32, #tpu.memory_space<vmem>>
          %dma_start3A_177 = arith.constant 0 : i32
          %dma_start3A_178 = tpu.memref_slice %arg8[%add3A_107, %dma_start3A_177] : memref<42x128xi32, #tpu.memory_space<vmem>> -> memref<1x128xi32, #tpu.memory_space<vmem>>
          %dma_start3A_179 = tpu.memref_squeeze %dma_start3A_178 : memref<1x128xi32, #tpu.memory_space<vmem>> -> memref<128xi32, #tpu.memory_space<vmem>>
          %dma_start3A_180 = arith.constant 0 : i32
          %dma_start3A_181 = arith.constant 0 : i32
          %dma_start3A_182 = tpu.memref_slice %arg10[%dma_start3A_180, %dma_start3A_181] : memref<10240x128xf32, #tpu.memory_space<vmem_shared>> -> memref<10240x128xf32, #tpu.memory_space<vmem_shared>>
          tpu.enqueue_indirect_dma source(%dma_start3A_176 : memref<128x128xf32, #tpu.memory_space<vmem>>) target(%dma_start3A_182 : memref<10240x128xf32, #tpu.memory_space<vmem_shared>>) offsets(%dma_start3A_179 : memref<128xi32, #tpu.memory_space<vmem>>) semaphore(%run_scoped3A_172 : memref<!tpu.dma_semaphore, #tpu.memory_space<semaphore_mem>>) {add = true}
          %dma_wait3A_183 = arith.constant 0 : i32
          %dma_wait3A_184 = arith.constant 0 : i32
          %dma_wait3A_185 = tpu.memref_slice %arg9[%run_scoped3A, %dma_wait3A_183, %dma_wait3A_184] : memref<2x128x128xf32, #tpu.memory_space<vmem>> -> memref<1x128x128xf32, #tpu.memory_space<vmem>>
          %dma_wait3A_186 = tpu.memref_squeeze %dma_wait3A_185 : memref<1x128x128xf32, #tpu.memory_space<vmem>> -> memref<128x128xf32, #tpu.memory_space<vmem>>
          %dma_wait3A_187 = arith.constant 0 : i32
          %dma_wait3A_188 = tpu.memref_slice %arg8[%add3A_107, %dma_wait3A_187] : memref<42x128xi32, #tpu.memory_space<vmem>> -> memref<1x128xi32, #tpu.memory_space<vmem>>
          %dma_wait3A_189 = tpu.memref_squeeze %dma_wait3A_188 : memref<1x128xi32, #tpu.memory_space<vmem>> -> memref<128xi32, #tpu.memory_space<vmem>>
          %dma_wait3A_190 = arith.constant 0 : i32
          %dma_wait3A_191 = arith.constant 0 : i32
          %dma_wait3A_192 = tpu.memref_slice %arg10[%dma_wait3A_190, %dma_wait3A_191] : memref<10240x128xf32, #tpu.memory_space<vmem_shared>> -> memref<10240x128xf32, #tpu.memory_space<vmem_shared>>
          tpu.wait_indirect_dma semaphore(%run_scoped3A_172 : memref<!tpu.dma_semaphore, #tpu.memory_space<semaphore_mem>>) src(%dma_wait3A_186 : memref<128x128xf32, #tpu.memory_space<vmem>>) dst(%dma_wait3A_192 : memref<10240x128xf32, #tpu.memory_space<vmem_shared>>)
          tpu.yield
        }) : () -> ()
        %mul3A_136 = arith.constant 2 : i32
        %mul3A_137 = arith.muli %scan3A_103, %mul3A_136 : i32
        %add3A_138 = arith.constant 1 : i32
        %add3A_139 = arith.addi %mul3A_137, %add3A_138 : i32
        %dma_wait3A_140 = arith.constant 0 : i32
        %dma_wait3A_141 = arith.constant 1 : i32
        %dma_wait3A_142 = arith.constant 0 : i32
        %dma_wait3A_143 = arith.constant 0 : i32
        %dma_wait3A_144 = tpu.memref_slice %arg9[%dma_wait3A_141, %dma_wait3A_142, %dma_wait3A_143] : memref<2x128x128xf32, #tpu.memory_space<vmem>> -> memref<1x128x128xf32, #tpu.memory_space<vmem>>
        %dma_wait3A_145 = tpu.memref_squeeze %dma_wait3A_144 : memref<1x128x128xf32, #tpu.memory_space<vmem>> -> memref<128x128xf32, #tpu.memory_space<vmem>>
        %dma_wait3A_146 = arith.constant 0 : i32
        %dma_wait3A_147 = tpu.memref_slice %arg7[%dma_wait3A_140, %dma_wait3A_146] : memref<42x128xi32, #tpu.memory_space<vmem>> -> memref<1x128xi32, #tpu.memory_space<vmem>>
        %dma_wait3A_148 = tpu.memref_squeeze %dma_wait3A_147 : memref<1x128xi32, #tpu.memory_space<vmem>> -> memref<128xi32, #tpu.memory_space<vmem>>
        %dma_wait3A_149 = arith.constant 0 : i32
        %dma_wait3A_150 = arith.constant 0 : i32
        %dma_wait3A_151 = tpu.memref_slice %arg4[%dma_wait3A_149, %dma_wait3A_150] : memref<10000x128xf32, #tpu.memory_space<hbm>> -> memref<10000x128xf32, #tpu.memory_space<hbm>>
        tpu.wait_indirect_dma semaphore(%arg12 : memref<!tpu.dma_semaphore, #tpu.memory_space<semaphore_mem>>) src(%dma_wait3A_151 : memref<10000x128xf32, #tpu.memory_space<hbm>>) dst(%dma_wait3A_145 : memref<128x128xf32, #tpu.memory_space<vmem>>)
        %add3A_152 = arith.constant 1 : i32
        %add3A_153 = arith.addi %add3A_139, %add3A_152 : i32
        %lt3A_154 = arith.constant 42 : i32
        %lt3A_155 = arith.cmpi slt, %add3A_153, %lt3A_154 : i32
        %add3A_156 = arith.constant 1 : i32
        %add3A_157 = arith.addi %add3A_139, %add3A_156 : i32
        %jit3A_158 = arith.constant 0 : i32
        %select_n3A_159 = arith.select %lt3A_155, %add3A_157, %jit3A_158 : i32
        %dma_start3A_160 = arith.constant 0 : i32
        %dma_start3A_161 = arith.constant 0 : i32
        %dma_start3A_162 = arith.constant 0 : i32
        %dma_start3A_163 = tpu.memref_slice %arg9[%dma_start3A_160, %dma_start3A_161, %dma_start3A_162] : memref<2x128x128xf32, #tpu.memory_space<vmem>> -> memref<1x128x128xf32, #tpu.memory_space<vmem>>
        %dma_start3A_164 = tpu.memref_squeeze %dma_start3A_163 : memref<1x128x128xf32, #tpu.memory_space<vmem>> -> memref<128x128xf32, #tpu.memory_space<vmem>>
        %dma_start3A_165 = arith.constant 0 : i32
        %dma_start3A_166 = tpu.memref_slice %arg7[%select_n3A_159, %dma_start3A_165] : memref<42x128xi32, #tpu.memory_space<vmem>> -> memref<1x128xi32, #tpu.memory_space<vmem>>
        %dma_start3A_167 = tpu.memref_squeeze %dma_start3A_166 : memref<1x128xi32, #tpu.memory_space<vmem>> -> memref<128xi32, #tpu.memory_space<vmem>>
        %dma_start3A_168 = arith.constant 0 : i32
        %dma_start3A_169 = arith.constant 0 : i32
        %dma_start3A_170 = tpu.memref_slice %arg4[%dma_start3A_168, %dma_start3A_169] : memref<10000x128xf32, #tpu.memory_space<hbm>> -> memref<10000x128xf32, #tpu.memory_space<hbm>>
        tpu.enqueue_indirect_dma source(%dma_start3A_170 : memref<10000x128xf32, #tpu.memory_space<hbm>>) target(%dma_start3A_164 : memref<128x128xf32, #tpu.memory_space<vmem>>) offsets(%dma_start3A_167 : memref<128xi32, #tpu.memory_space<vmem>>) semaphore(%arg11 : memref<!tpu.dma_semaphore, #tpu.memory_space<semaphore_mem>>)
        %run_scoped3A_171 = arith.constant 1 : i32
        "tpu.region"() ({
          %run_scoped3A_172 = tpu.sem_alloc : memref<!tpu.dma_semaphore, #tpu.memory_space<semaphore_mem>>
          %dma_start3A_173 = arith.constant 0 : i32
          %dma_start3A_174 = arith.constant 0 : i32
          %dma_start3A_175 = tpu.memref_slice %arg9[%run_scoped3A_171, %dma_start3A_173, %dma_start3A_174] : memref<2x128x128xf32, #tpu.memory_space<vmem>> -> memref<1x128x128xf32, #tpu.memory_space<vmem>>
          %dma_start3A_176 = tpu.memref_squeeze %dma_start3A_175 : memref<1x128x128xf32, #tpu.memory_space<vmem>> -> memref<128x128xf32, #tpu.memory_space<vmem>>
          %dma_start3A_177 = arith.constant 0 : i32
          %dma_start3A_178 = tpu.memref_slice %arg8[%add3A_139, %dma_start3A_177] : memref<42x128xi32, #tpu.memory_space<vmem>> -> memref<1x128xi32, #tpu.memory_space<vmem>>
          %dma_start3A_179 = tpu.memref_squeeze %dma_start3A_178 : memref<1x128xi32, #tpu.memory_space<vmem>> -> memref<128xi32, #tpu.memory_space<vmem>>
          %dma_start3A_180 = arith.constant 0 : i32
          %dma_start3A_181 = arith.constant 0 : i32
          %dma_start3A_182 = tpu.memref_slice %arg10[%dma_start3A_180, %dma_start3A_181] : memref<10240x128xf32, #tpu.memory_space<vmem_shared>> -> memref<10240x128xf32, #tpu.memory_space<vmem_shared>>
          tpu.enqueue_indirect_dma source(%dma_start3A_176 : memref<128x128xf32, #tpu.memory_space<vmem>>) target(%dma_start3A_182 : memref<10240x128xf32, #tpu.memory_space<vmem_shared>>) offsets(%dma_start3A_179 : memref<128xi32, #tpu.memory_space<vmem>>) semaphore(%run_scoped3A_172 : memref<!tpu.dma_semaphore, #tpu.memory_space<semaphore_mem>>) {add = true}
          %dma_wait3A_183 = arith.constant 0 : i32
          %dma_wait3A_184 = arith.constant 0 : i32
          %dma_wait3A_185 = tpu.memref_slice %arg9[%run_scoped3A_171, %dma_wait3A_183, %dma_wait3A_184] : memref<2x128x128xf32, #tpu.memory_space<vmem>> -> memref<1x128x128xf32, #tpu.memory_space<vmem>>
          %dma_wait3A_186 = tpu.memref_squeeze %dma_wait3A_185 : memref<1x128x128xf32, #tpu.memory_space<vmem>> -> memref<128x128xf32, #tpu.memory_space<vmem>>
          %dma_wait3A_187 = arith.constant 0 : i32
          %dma_wait3A_188 = tpu.memref_slice %arg8[%add3A_139, %dma_wait3A_187] : memref<42x128xi32, #tpu.memory_space<vmem>> -> memref<1x128xi32, #tpu.memory_space<vmem>>
          %dma_wait3A_189 = tpu.memref_squeeze %dma_wait3A_188 : memref<1x128xi32, #tpu.memory_space<vmem>> -> memref<128xi32, #tpu.memory_space<vmem>>
          %dma_wait3A_190 = arith.constant 0 : i32
          %dma_wait3A_191 = arith.constant 0 : i32
          %dma_wait3A_192 = tpu.memref_slice %arg10[%dma_wait3A_190, %dma_wait3A_191] : memref<10240x128xf32, #tpu.memory_space<vmem_shared>> -> memref<10240x128xf32, #tpu.memory_space<vmem_shared>>
          tpu.wait_indirect_dma semaphore(%run_scoped3A_172 : memref<!tpu.dma_semaphore, #tpu.memory_space<semaphore_mem>>) src(%dma_wait3A_186 : memref<128x128xf32, #tpu.memory_space<vmem>>) dst(%dma_wait3A_192 : memref<10240x128xf32, #tpu.memory_space<vmem_shared>>)
          tpu.yield
        }) : () -> ()
      }
      %scan3A_58 = arith.constant 21 : i32
      %dma_wait3A_59 = arith.constant 0 : i32
      %dma_wait3A_60 = arith.constant 0 : i32
      %dma_wait3A_61 = arith.constant 0 : i32
      %dma_wait3A_62 = arith.constant 0 : i32
      %dma_wait3A_63 = tpu.memref_slice %arg9[%dma_wait3A_60, %dma_wait3A_61, %dma_wait3A_62] : memref<2x128x128xf32, #tpu.memory_space<vmem>> -> memref<1x128x128xf32, #tpu.memory_space<vmem>>
      %dma_wait3A_64 = tpu.memref_squeeze %dma_wait3A_63 : memref<1x128x128xf32, #tpu.memory_space<vmem>> -> memref<128x128xf32, #tpu.memory_space<vmem>>
      %dma_wait3A_65 = arith.constant 0 : i32
      %dma_wait3A_66 = tpu.memref_slice %arg7[%dma_wait3A_59, %dma_wait3A_65] : memref<42x128xi32, #tpu.memory_space<vmem>> -> memref<1x128xi32, #tpu.memory_space<vmem>>
      %dma_wait3A_67 = tpu.memref_squeeze %dma_wait3A_66 : memref<1x128xi32, #tpu.memory_space<vmem>> -> memref<128xi32, #tpu.memory_space<vmem>>
      %dma_wait3A_68 = arith.constant 0 : i32
      %dma_wait3A_69 = arith.constant 0 : i32
      %dma_wait3A_70 = tpu.memref_slice %arg4[%dma_wait3A_68, %dma_wait3A_69] : memref<10000x128xf32, #tpu.memory_space<hbm>> -> memref<10000x128xf32, #tpu.memory_space<hbm>>
      tpu.wait_indirect_dma semaphore(%arg11 : memref<!tpu.dma_semaphore, #tpu.memory_space<semaphore_mem>>) src(%dma_wait3A_70 : memref<10000x128xf32, #tpu.memory_space<hbm>>) dst(%dma_wait3A_64 : memref<128x128xf32, #tpu.memory_space<vmem>>)
      %add3A_71 = arith.constant 84 : i32
      %add3A_72 = arith.addi %mul3A_10, %add3A_71 : i32
      "tpu.region"() ({
        %run_scoped3A = tpu.sem_alloc : memref<!tpu.dma_semaphore, #tpu.memory_space<semaphore_mem>>
        %dma_start3A_103 = arith.constant 0 : i32
        %dma_start3A_104 = arith.constant 0 : i32
        %dma_start3A_105 = tpu.memref_slice %arg7[%dma_start3A_103, %dma_start3A_104] : memref<42x128xi32, #tpu.memory_space<vmem>> -> memref<40x128xi32, #tpu.memory_space<vmem>>
        %dma_start3A_106 = arith.constant 0 : i32
        %dma_start3A_107 = tpu.memref_slice %arg2[%add3A_72, %dma_start3A_106] : memref<2528x128xi32, #tpu.memory_space<hbm>> -> memref<40x128xi32, #tpu.memory_space<hbm>>
        %dma_start3A_108 = arith.constant 0 : i32
        %dma_start3A_109 = arith.constant 0 : i32
        %dma_start3A_110 = tpu.memref_slice %arg7[%dma_start3A_108, %dma_start3A_109] : memref<42x128xi32, #tpu.memory_space<vmem>> -> memref<40x128xi32, #tpu.memory_space<vmem>>
        %dma_start3A_111 = arith.constant 0 : i32
        %dma_start3A_112 = tpu.memref_slice %arg2[%add3A_72, %dma_start3A_111] : memref<2528x128xi32, #tpu.memory_space<hbm>> -> memref<40x128xi32, #tpu.memory_space<hbm>>
        tpu.enqueue_dma source(%dma_start3A_112 : memref<40x128xi32, #tpu.memory_space<hbm>>) target(%dma_start3A_110 : memref<40x128xi32, #tpu.memory_space<vmem>>) target_semaphore(%run_scoped3A : memref<!tpu.dma_semaphore, #tpu.memory_space<semaphore_mem>>)
        %dma_wait3A_113 = arith.constant 0 : i32
        %dma_wait3A_114 = arith.constant 0 : i32
        %dma_wait3A_115 = tpu.memref_slice %arg7[%dma_wait3A_113, %dma_wait3A_114] : memref<42x128xi32, #tpu.memory_space<vmem>> -> memref<40x128xi32, #tpu.memory_space<vmem>>
        %dma_wait3A_116 = arith.constant 0 : i32
        %dma_wait3A_117 = tpu.memref_slice %arg2[%add3A_72, %dma_wait3A_116] : memref<2528x128xi32, #tpu.memory_space<hbm>> -> memref<40x128xi32, #tpu.memory_space<hbm>>
        %dma_wait3A_118 = arith.constant 0 : i32
        %dma_wait3A_119 = arith.constant 0 : i32
        %dma_wait3A_120 = tpu.memref_slice %arg7[%dma_wait3A_118, %dma_wait3A_119] : memref<42x128xi32, #tpu.memory_space<vmem>> -> memref<40x128xi32, #tpu.memory_space<vmem>>
        %dma_wait3A_121 = arith.constant 0 : i32
        %dma_wait3A_122 = tpu.memref_slice %arg2[%add3A_72, %dma_wait3A_121] : memref<2528x128xi32, #tpu.memory_space<hbm>> -> memref<40x128xi32, #tpu.memory_space<hbm>>
        tpu.wait_dma2 semaphore(%run_scoped3A : memref<!tpu.dma_semaphore, #tpu.memory_space<semaphore_mem>>) src(%dma_wait3A_122 : memref<40x128xi32, #tpu.memory_space<hbm>>) dst(%dma_wait3A_120 : memref<40x128xi32, #tpu.memory_space<vmem>>)
        tpu.yield
      }) : () -> ()
      "tpu.region"() ({
        %run_scoped3A = tpu.sem_alloc : memref<!tpu.dma_semaphore, #tpu.memory_space<semaphore_mem>>
        %dma_start3A_103 = arith.constant 0 : i32
        %dma_start3A_104 = arith.constant 0 : i32
        %dma_start3A_105 = tpu.memref_slice %arg8[%dma_start3A_103, %dma_start3A_104] : memref<42x128xi32, #tpu.memory_space<vmem>> -> memref<40x128xi32, #tpu.memory_space<vmem>>
        %dma_start3A_106 = arith.constant 0 : i32
        %dma_start3A_107 = tpu.memref_slice %arg3[%add3A_72, %dma_start3A_106] : memref<2528x128xi32, #tpu.memory_space<hbm>> -> memref<40x128xi32, #tpu.memory_space<hbm>>
        %dma_start3A_108 = arith.constant 0 : i32
        %dma_start3A_109 = arith.constant 0 : i32
        %dma_start3A_110 = tpu.memref_slice %arg8[%dma_start3A_108, %dma_start3A_109] : memref<42x128xi32, #tpu.memory_space<vmem>> -> memref<40x128xi32, #tpu.memory_space<vmem>>
        %dma_start3A_111 = arith.constant 0 : i32
        %dma_start3A_112 = tpu.memref_slice %arg3[%add3A_72, %dma_start3A_111] : memref<2528x128xi32, #tpu.memory_space<hbm>> -> memref<40x128xi32, #tpu.memory_space<hbm>>
        tpu.enqueue_dma source(%dma_start3A_112 : memref<40x128xi32, #tpu.memory_space<hbm>>) target(%dma_start3A_110 : memref<40x128xi32, #tpu.memory_space<vmem>>) target_semaphore(%run_scoped3A : memref<!tpu.dma_semaphore, #tpu.memory_space<semaphore_mem>>)
        %dma_wait3A_113 = arith.constant 0 : i32
        %dma_wait3A_114 = arith.constant 0 : i32
        %dma_wait3A_115 = tpu.memref_slice %arg8[%dma_wait3A_113, %dma_wait3A_114] : memref<42x128xi32, #tpu.memory_space<vmem>> -> memref<40x128xi32, #tpu.memory_space<vmem>>
        %dma_wait3A_116 = arith.constant 0 : i32
        %dma_wait3A_117 = tpu.memref_slice %arg3[%add3A_72, %dma_wait3A_116] : memref<2528x128xi32, #tpu.memory_space<hbm>> -> memref<40x128xi32, #tpu.memory_space<hbm>>
        %dma_wait3A_118 = arith.constant 0 : i32
        %dma_wait3A_119 = arith.constant 0 : i32
        %dma_wait3A_120 = tpu.memref_slice %arg8[%dma_wait3A_118, %dma_wait3A_119] : memref<42x128xi32, #tpu.memory_space<vmem>> -> memref<40x128xi32, #tpu.memory_space<vmem>>
        %dma_wait3A_121 = arith.constant 0 : i32
        %dma_wait3A_122 = tpu.memref_slice %arg3[%add3A_72, %dma_wait3A_121] : memref<2528x128xi32, #tpu.memory_space<hbm>> -> memref<40x128xi32, #tpu.memory_space<hbm>>
        tpu.wait_dma2 semaphore(%run_scoped3A : memref<!tpu.dma_semaphore, #tpu.memory_space<semaphore_mem>>) src(%dma_wait3A_122 : memref<40x128xi32, #tpu.memory_space<hbm>>) dst(%dma_wait3A_120 : memref<40x128xi32, #tpu.memory_space<vmem>>)
        tpu.yield
      }) : () -> ()
      %dma_start3A_73 = arith.constant 0 : i32
      %dma_start3A_74 = arith.constant 0 : i32
      %dma_start3A_75 = arith.constant 0 : i32
      %dma_start3A_76 = arith.constant 0 : i32
      %dma_start3A_77 = tpu.memref_slice %arg9[%dma_start3A_74, %dma_start3A_75, %dma_start3A_76] : memref<2x128x128xf32, #tpu.memory_space<vmem>> -> memref<1x128x128xf32, #tpu.memory_space<vmem>>
      %dma_start3A_78 = tpu.memref_squeeze %dma_start3A_77 : memref<1x128x128xf32, #tpu.memory_space<vmem>> -> memref<128x128xf32, #tpu.memory_space<vmem>>
      %dma_start3A_79 = arith.constant 0 : i32
      %dma_start3A_80 = tpu.memref_slice %arg7[%dma_start3A_73, %dma_start3A_79] : memref<42x128xi32, #tpu.memory_space<vmem>> -> memref<1x128xi32, #tpu.memory_space<vmem>>
      %dma_start3A_81 = tpu.memref_squeeze %dma_start3A_80 : memref<1x128xi32, #tpu.memory_space<vmem>> -> memref<128xi32, #tpu.memory_space<vmem>>
      %dma_start3A_82 = arith.constant 0 : i32
      %dma_start3A_83 = arith.constant 0 : i32
      %dma_start3A_84 = tpu.memref_slice %arg4[%dma_start3A_82, %dma_start3A_83] : memref<10000x128xf32, #tpu.memory_space<hbm>> -> memref<10000x128xf32, #tpu.memory_space<hbm>>
      tpu.enqueue_indirect_dma source(%dma_start3A_84 : memref<10000x128xf32, #tpu.memory_space<hbm>>) target(%dma_start3A_78 : memref<128x128xf32, #tpu.memory_space<vmem>>) offsets(%dma_start3A_81 : memref<128xi32, #tpu.memory_space<vmem>>) semaphore(%arg11 : memref<!tpu.dma_semaphore, #tpu.memory_space<semaphore_mem>>)
      %scan3A_85 = arith.constant 0 : i32
      %scan3A_86 = arith.constant 0 : i32
      %scan3A_87 = arith.constant 20 : i32
      %scan3A_88 = arith.addi %scan3A_86, %scan3A_87 : i32
      %scan3A_89 = arith.constant 1 : i32
      scf.for %scan3A_103 = %scan3A_86 to %scan3A_88 step %scan3A_89  : i32 {
        %mul3A_104 = arith.constant 2 : i32
        %mul3A_105 = arith.muli %scan3A_103, %mul3A_104 : i32
        %add3A_106 = arith.constant 0 : i32
        %add3A_107 = arith.addi %mul3A_105, %add3A_106 : i32
        %dma_wait3A_108 = arith.constant 0 : i32
        %dma_wait3A_109 = arith.constant 0 : i32
        %dma_wait3A_110 = arith.constant 0 : i32
        %dma_wait3A_111 = arith.constant 0 : i32
        %dma_wait3A_112 = tpu.memref_slice %arg9[%dma_wait3A_109, %dma_wait3A_110, %dma_wait3A_111] : memref<2x128x128xf32, #tpu.memory_space<vmem>> -> memref<1x128x128xf32, #tpu.memory_space<vmem>>
        %dma_wait3A_113 = tpu.memref_squeeze %dma_wait3A_112 : memref<1x128x128xf32, #tpu.memory_space<vmem>> -> memref<128x128xf32, #tpu.memory_space<vmem>>
        %dma_wait3A_114 = arith.constant 0 : i32
        %dma_wait3A_115 = tpu.memref_slice %arg7[%dma_wait3A_108, %dma_wait3A_114] : memref<42x128xi32, #tpu.memory_space<vmem>> -> memref<1x128xi32, #tpu.memory_space<vmem>>
        %dma_wait3A_116 = tpu.memref_squeeze %dma_wait3A_115 : memref<1x128xi32, #tpu.memory_space<vmem>> -> memref<128xi32, #tpu.memory_space<vmem>>
        %dma_wait3A_117 = arith.constant 0 : i32
        %dma_wait3A_118 = arith.constant 0 : i32
        %dma_wait3A_119 = tpu.memref_slice %arg4[%dma_wait3A_117, %dma_wait3A_118] : memref<10000x128xf32, #tpu.memory_space<hbm>> -> memref<10000x128xf32, #tpu.memory_space<hbm>>
        tpu.wait_indirect_dma semaphore(%arg11 : memref<!tpu.dma_semaphore, #tpu.memory_space<semaphore_mem>>) src(%dma_wait3A_119 : memref<10000x128xf32, #tpu.memory_space<hbm>>) dst(%dma_wait3A_113 : memref<128x128xf32, #tpu.memory_space<vmem>>)
        %add3A_120 = arith.constant 1 : i32
        %add3A_121 = arith.addi %add3A_107, %add3A_120 : i32
        %lt3A = arith.constant 40 : i32
        %lt3A_122 = arith.cmpi slt, %add3A_121, %lt3A : i32
        %add3A_123 = arith.constant 1 : i32
        %add3A_124 = arith.addi %add3A_107, %add3A_123 : i32
        %jit3A = arith.constant 0 : i32
        %select_n3A = arith.select %lt3A_122, %add3A_124, %jit3A : i32
        %dma_start3A_125 = arith.constant 1 : i32
        %dma_start3A_126 = arith.constant 0 : i32
        %dma_start3A_127 = arith.constant 0 : i32
        %dma_start3A_128 = tpu.memref_slice %arg9[%dma_start3A_125, %dma_start3A_126, %dma_start3A_127] : memref<2x128x128xf32, #tpu.memory_space<vmem>> -> memref<1x128x128xf32, #tpu.memory_space<vmem>>
        %dma_start3A_129 = tpu.memref_squeeze %dma_start3A_128 : memref<1x128x128xf32, #tpu.memory_space<vmem>> -> memref<128x128xf32, #tpu.memory_space<vmem>>
        %dma_start3A_130 = arith.constant 0 : i32
        %dma_start3A_131 = tpu.memref_slice %arg7[%select_n3A, %dma_start3A_130] : memref<42x128xi32, #tpu.memory_space<vmem>> -> memref<1x128xi32, #tpu.memory_space<vmem>>
        %dma_start3A_132 = tpu.memref_squeeze %dma_start3A_131 : memref<1x128xi32, #tpu.memory_space<vmem>> -> memref<128xi32, #tpu.memory_space<vmem>>
        %dma_start3A_133 = arith.constant 0 : i32
        %dma_start3A_134 = arith.constant 0 : i32
        %dma_start3A_135 = tpu.memref_slice %arg4[%dma_start3A_133, %dma_start3A_134] : memref<10000x128xf32, #tpu.memory_space<hbm>> -> memref<10000x128xf32, #tpu.memory_space<hbm>>
        tpu.enqueue_indirect_dma source(%dma_start3A_135 : memref<10000x128xf32, #tpu.memory_space<hbm>>) target(%dma_start3A_129 : memref<128x128xf32, #tpu.memory_space<vmem>>) offsets(%dma_start3A_132 : memref<128xi32, #tpu.memory_space<vmem>>) semaphore(%arg12 : memref<!tpu.dma_semaphore, #tpu.memory_space<semaphore_mem>>)
        %run_scoped3A = arith.constant 0 : i32
        "tpu.region"() ({
          %run_scoped3A_172 = tpu.sem_alloc : memref<!tpu.dma_semaphore, #tpu.memory_space<semaphore_mem>>
          %dma_start3A_173 = arith.constant 0 : i32
          %dma_start3A_174 = arith.constant 0 : i32
          %dma_start3A_175 = tpu.memref_slice %arg9[%run_scoped3A, %dma_start3A_173, %dma_start3A_174] : memref<2x128x128xf32, #tpu.memory_space<vmem>> -> memref<1x128x128xf32, #tpu.memory_space<vmem>>
          %dma_start3A_176 = tpu.memref_squeeze %dma_start3A_175 : memref<1x128x128xf32, #tpu.memory_space<vmem>> -> memref<128x128xf32, #tpu.memory_space<vmem>>
          %dma_start3A_177 = arith.constant 0 : i32
          %dma_start3A_178 = tpu.memref_slice %arg8[%add3A_107, %dma_start3A_177] : memref<42x128xi32, #tpu.memory_space<vmem>> -> memref<1x128xi32, #tpu.memory_space<vmem>>
          %dma_start3A_179 = tpu.memref_squeeze %dma_start3A_178 : memref<1x128xi32, #tpu.memory_space<vmem>> -> memref<128xi32, #tpu.memory_space<vmem>>
          %dma_start3A_180 = arith.constant 0 : i32
          %dma_start3A_181 = arith.constant 0 : i32
          %dma_start3A_182 = tpu.memref_slice %arg10[%dma_start3A_180, %dma_start3A_181] : memref<10240x128xf32, #tpu.memory_space<vmem_shared>> -> memref<10240x128xf32, #tpu.memory_space<vmem_shared>>
          tpu.enqueue_indirect_dma source(%dma_start3A_176 : memref<128x128xf32, #tpu.memory_space<vmem>>) target(%dma_start3A_182 : memref<10240x128xf32, #tpu.memory_space<vmem_shared>>) offsets(%dma_start3A_179 : memref<128xi32, #tpu.memory_space<vmem>>) semaphore(%run_scoped3A_172 : memref<!tpu.dma_semaphore, #tpu.memory_space<semaphore_mem>>) {add = true}
          %dma_wait3A_183 = arith.constant 0 : i32
          %dma_wait3A_184 = arith.constant 0 : i32
          %dma_wait3A_185 = tpu.memref_slice %arg9[%run_scoped3A, %dma_wait3A_183, %dma_wait3A_184] : memref<2x128x128xf32, #tpu.memory_space<vmem>> -> memref<1x128x128xf32, #tpu.memory_space<vmem>>
          %dma_wait3A_186 = tpu.memref_squeeze %dma_wait3A_185 : memref<1x128x128xf32, #tpu.memory_space<vmem>> -> memref<128x128xf32, #tpu.memory_space<vmem>>
          %dma_wait3A_187 = arith.constant 0 : i32
          %dma_wait3A_188 = tpu.memref_slice %arg8[%add3A_107, %dma_wait3A_187] : memref<42x128xi32, #tpu.memory_space<vmem>> -> memref<1x128xi32, #tpu.memory_space<vmem>>
          %dma_wait3A_189 = tpu.memref_squeeze %dma_wait3A_188 : memref<1x128xi32, #tpu.memory_space<vmem>> -> memref<128xi32, #tpu.memory_space<vmem>>
          %dma_wait3A_190 = arith.constant 0 : i32
          %dma_wait3A_191 = arith.constant 0 : i32
          %dma_wait3A_192 = tpu.memref_slice %arg10[%dma_wait3A_190, %dma_wait3A_191] : memref<10240x128xf32, #tpu.memory_space<vmem_shared>> -> memref<10240x128xf32, #tpu.memory_space<vmem_shared>>
          tpu.wait_indirect_dma semaphore(%run_scoped3A_172 : memref<!tpu.dma_semaphore, #tpu.memory_space<semaphore_mem>>) src(%dma_wait3A_186 : memref<128x128xf32, #tpu.memory_space<vmem>>) dst(%dma_wait3A_192 : memref<10240x128xf32, #tpu.memory_space<vmem_shared>>)
          tpu.yield
        }) : () -> ()
        %mul3A_136 = arith.constant 2 : i32
        %mul3A_137 = arith.muli %scan3A_103, %mul3A_136 : i32
        %add3A_138 = arith.constant 1 : i32
        %add3A_139 = arith.addi %mul3A_137, %add3A_138 : i32
        %dma_wait3A_140 = arith.constant 0 : i32
        %dma_wait3A_141 = arith.constant 1 : i32
        %dma_wait3A_142 = arith.constant 0 : i32
        %dma_wait3A_143 = arith.constant 0 : i32
        %dma_wait3A_144 = tpu.memref_slice %arg9[%dma_wait3A_141, %dma_wait3A_142, %dma_wait3A_143] : memref<2x128x128xf32, #tpu.memory_space<vmem>> -> memref<1x128x128xf32, #tpu.memory_space<vmem>>
        %dma_wait3A_145 = tpu.memref_squeeze %dma_wait3A_144 : memref<1x128x128xf32, #tpu.memory_space<vmem>> -> memref<128x128xf32, #tpu.memory_space<vmem>>
        %dma_wait3A_146 = arith.constant 0 : i32
        %dma_wait3A_147 = tpu.memref_slice %arg7[%dma_wait3A_140, %dma_wait3A_146] : memref<42x128xi32, #tpu.memory_space<vmem>> -> memref<1x128xi32, #tpu.memory_space<vmem>>
        %dma_wait3A_148 = tpu.memref_squeeze %dma_wait3A_147 : memref<1x128xi32, #tpu.memory_space<vmem>> -> memref<128xi32, #tpu.memory_space<vmem>>
        %dma_wait3A_149 = arith.constant 0 : i32
        %dma_wait3A_150 = arith.constant 0 : i32
        %dma_wait3A_151 = tpu.memref_slice %arg4[%dma_wait3A_149, %dma_wait3A_150] : memref<10000x128xf32, #tpu.memory_space<hbm>> -> memref<10000x128xf32, #tpu.memory_space<hbm>>
        tpu.wait_indirect_dma semaphore(%arg12 : memref<!tpu.dma_semaphore, #tpu.memory_space<semaphore_mem>>) src(%dma_wait3A_151 : memref<10000x128xf32, #tpu.memory_space<hbm>>) dst(%dma_wait3A_145 : memref<128x128xf32, #tpu.memory_space<vmem>>)
        %add3A_152 = arith.constant 1 : i32
        %add3A_153 = arith.addi %add3A_139, %add3A_152 : i32
        %lt3A_154 = arith.constant 40 : i32
        %lt3A_155 = arith.cmpi slt, %add3A_153, %lt3A_154 : i32
        %add3A_156 = arith.constant 1 : i32
        %add3A_157 = arith.addi %add3A_139, %add3A_156 : i32
        %jit3A_158 = arith.constant 0 : i32
        %select_n3A_159 = arith.select %lt3A_155, %add3A_157, %jit3A_158 : i32
        %dma_start3A_160 = arith.constant 0 : i32
        %dma_start3A_161 = arith.constant 0 : i32
        %dma_start3A_162 = arith.constant 0 : i32
        %dma_start3A_163 = tpu.memref_slice %arg9[%dma_start3A_160, %dma_start3A_161, %dma_start3A_162] : memref<2x128x128xf32, #tpu.memory_space<vmem>> -> memref<1x128x128xf32, #tpu.memory_space<vmem>>
        %dma_start3A_164 = tpu.memref_squeeze %dma_start3A_163 : memref<1x128x128xf32, #tpu.memory_space<vmem>> -> memref<128x128xf32, #tpu.memory_space<vmem>>
        %dma_start3A_165 = arith.constant 0 : i32
        %dma_start3A_166 = tpu.memref_slice %arg7[%select_n3A_159, %dma_start3A_165] : memref<42x128xi32, #tpu.memory_space<vmem>> -> memref<1x128xi32, #tpu.memory_space<vmem>>
        %dma_start3A_167 = tpu.memref_squeeze %dma_start3A_166 : memref<1x128xi32, #tpu.memory_space<vmem>> -> memref<128xi32, #tpu.memory_space<vmem>>
        %dma_start3A_168 = arith.constant 0 : i32
        %dma_start3A_169 = arith.constant 0 : i32
        %dma_start3A_170 = tpu.memref_slice %arg4[%dma_start3A_168, %dma_start3A_169] : memref<10000x128xf32, #tpu.memory_space<hbm>> -> memref<10000x128xf32, #tpu.memory_space<hbm>>
        tpu.enqueue_indirect_dma source(%dma_start3A_170 : memref<10000x128xf32, #tpu.memory_space<hbm>>) target(%dma_start3A_164 : memref<128x128xf32, #tpu.memory_space<vmem>>) offsets(%dma_start3A_167 : memref<128xi32, #tpu.memory_space<vmem>>) semaphore(%arg11 : memref<!tpu.dma_semaphore, #tpu.memory_space<semaphore_mem>>)
        %run_scoped3A_171 = arith.constant 1 : i32
        "tpu.region"() ({
          %run_scoped3A_172 = tpu.sem_alloc : memref<!tpu.dma_semaphore, #tpu.memory_space<semaphore_mem>>
          %dma_start3A_173 = arith.constant 0 : i32
          %dma_start3A_174 = arith.constant 0 : i32
          %dma_start3A_175 = tpu.memref_slice %arg9[%run_scoped3A_171, %dma_start3A_173, %dma_start3A_174] : memref<2x128x128xf32, #tpu.memory_space<vmem>> -> memref<1x128x128xf32, #tpu.memory_space<vmem>>
          %dma_start3A_176 = tpu.memref_squeeze %dma_start3A_175 : memref<1x128x128xf32, #tpu.memory_space<vmem>> -> memref<128x128xf32, #tpu.memory_space<vmem>>
          %dma_start3A_177 = arith.constant 0 : i32
          %dma_start3A_178 = tpu.memref_slice %arg8[%add3A_139, %dma_start3A_177] : memref<42x128xi32, #tpu.memory_space<vmem>> -> memref<1x128xi32, #tpu.memory_space<vmem>>
          %dma_start3A_179 = tpu.memref_squeeze %dma_start3A_178 : memref<1x128xi32, #tpu.memory_space<vmem>> -> memref<128xi32, #tpu.memory_space<vmem>>
          %dma_start3A_180 = arith.constant 0 : i32
          %dma_start3A_181 = arith.constant 0 : i32
          %dma_start3A_182 = tpu.memref_slice %arg10[%dma_start3A_180, %dma_start3A_181] : memref<10240x128xf32, #tpu.memory_space<vmem_shared>> -> memref<10240x128xf32, #tpu.memory_space<vmem_shared>>
          tpu.enqueue_indirect_dma source(%dma_start3A_176 : memref<128x128xf32, #tpu.memory_space<vmem>>) target(%dma_start3A_182 : memref<10240x128xf32, #tpu.memory_space<vmem_shared>>) offsets(%dma_start3A_179 : memref<128xi32, #tpu.memory_space<vmem>>) semaphore(%run_scoped3A_172 : memref<!tpu.dma_semaphore, #tpu.memory_space<semaphore_mem>>) {add = true}
          %dma_wait3A_183 = arith.constant 0 : i32
          %dma_wait3A_184 = arith.constant 0 : i32
          %dma_wait3A_185 = tpu.memref_slice %arg9[%run_scoped3A_171, %dma_wait3A_183, %dma_wait3A_184] : memref<2x128x128xf32, #tpu.memory_space<vmem>> -> memref<1x128x128xf32, #tpu.memory_space<vmem>>
          %dma_wait3A_186 = tpu.memref_squeeze %dma_wait3A_185 : memref<1x128x128xf32, #tpu.memory_space<vmem>> -> memref<128x128xf32, #tpu.memory_space<vmem>>
          %dma_wait3A_187 = arith.constant 0 : i32
          %dma_wait3A_188 = tpu.memref_slice %arg8[%add3A_139, %dma_wait3A_187] : memref<42x128xi32, #tpu.memory_space<vmem>> -> memref<1x128xi32, #tpu.memory_space<vmem>>
          %dma_wait3A_189 = tpu.memref_squeeze %dma_wait3A_188 : memref<1x128xi32, #tpu.memory_space<vmem>> -> memref<128xi32, #tpu.memory_space<vmem>>
          %dma_wait3A_190 = arith.constant 0 : i32
          %dma_wait3A_191 = arith.constant 0 : i32
          %dma_wait3A_192 = tpu.memref_slice %arg10[%dma_wait3A_190, %dma_wait3A_191] : memref<10240x128xf32, #tpu.memory_space<vmem_shared>> -> memref<10240x128xf32, #tpu.memory_space<vmem_shared>>
          tpu.wait_indirect_dma semaphore(%run_scoped3A_172 : memref<!tpu.dma_semaphore, #tpu.memory_space<semaphore_mem>>) src(%dma_wait3A_186 : memref<128x128xf32, #tpu.memory_space<vmem>>) dst(%dma_wait3A_192 : memref<10240x128xf32, #tpu.memory_space<vmem_shared>>)
          tpu.yield
        }) : () -> ()
      }
      %scan3A_90 = arith.constant 20 : i32
      %dma_wait3A_91 = arith.constant 0 : i32
      %dma_wait3A_92 = arith.constant 0 : i32
      %dma_wait3A_93 = arith.constant 0 : i32
      %dma_wait3A_94 = arith.constant 0 : i32
      %dma_wait3A_95 = tpu.memref_slice %arg9[%dma_wait3A_92, %dma_wait3A_93, %dma_wait3A_94] : memref<2x128x128xf32, #tpu.memory_space<vmem>> -> memref<1x128x128xf32, #tpu.memory_space<vmem>>
      %dma_wait3A_96 = tpu.memref_squeeze %dma_wait3A_95 : memref<1x128x128xf32, #tpu.memory_space<vmem>> -> memref<128x128xf32, #tpu.memory_space<vmem>>
      %dma_wait3A_97 = arith.constant 0 : i32
      %dma_wait3A_98 = tpu.memref_slice %arg7[%dma_wait3A_91, %dma_wait3A_97] : memref<42x128xi32, #tpu.memory_space<vmem>> -> memref<1x128xi32, #tpu.memory_space<vmem>>
      %dma_wait3A_99 = tpu.memref_squeeze %dma_wait3A_98 : memref<1x128xi32, #tpu.memory_space<vmem>> -> memref<128xi32, #tpu.memory_space<vmem>>
      %dma_wait3A_100 = arith.constant 0 : i32
      %dma_wait3A_101 = arith.constant 0 : i32
      %dma_wait3A_102 = tpu.memref_slice %arg4[%dma_wait3A_100, %dma_wait3A_101] : memref<10000x128xf32, #tpu.memory_space<hbm>> -> memref<10000x128xf32, #tpu.memory_space<hbm>>
      tpu.wait_indirect_dma semaphore(%arg11 : memref<!tpu.dma_semaphore, #tpu.memory_space<semaphore_mem>>) src(%dma_wait3A_102 : memref<10000x128xf32, #tpu.memory_space<hbm>>) dst(%dma_wait3A_96 : memref<128x128xf32, #tpu.memory_space<vmem>>)
    } else {
    }
    %eq3A_3 = arith.constant 1 : i32
    %eq3A_4 = arith.cmpi eq, %arg0, %eq3A_3 : i32
    %convert_element_type3A_5 = arith.extui %eq3A_4 : i1 to i32
    %cond3A_6 = arith.constant 0 : i32
    %cond3A_7 = arith.cmpi ne, %convert_element_type3A_5, %cond3A_6 : i32
    scf.if %cond3A_7 {
      %mul3A_9 = arith.constant 34 : i32
      %mul3A_10 = arith.muli %arg1, %mul3A_9 : i32
      %add3A = arith.constant 1984 : i32
      %add3A_11 = arith.addi %add3A, %mul3A_10 : i32
      %add3A_12 = arith.constant 0 : i32
      %add3A_13 = arith.addi %add3A_11, %add3A_12 : i32
      "tpu.region"() ({
        %run_scoped3A = tpu.sem_alloc : memref<!tpu.dma_semaphore, #tpu.memory_space<semaphore_mem>>
        %dma_start3A_41 = arith.constant 0 : i32
        %dma_start3A_42 = arith.constant 0 : i32
        %dma_start3A_43 = tpu.memref_slice %arg7[%dma_start3A_41, %dma_start3A_42] : memref<42x128xi32, #tpu.memory_space<vmem>> -> memref<34x128xi32, #tpu.memory_space<vmem>>
        %dma_start3A_44 = arith.constant 0 : i32
        %dma_start3A_45 = tpu.memref_slice %arg2[%add3A_13, %dma_start3A_44] : memref<2528x128xi32, #tpu.memory_space<hbm>> -> memref<34x128xi32, #tpu.memory_space<hbm>>
        %dma_start3A_46 = arith.constant 0 : i32
        %dma_start3A_47 = arith.constant 0 : i32
        %dma_start3A_48 = tpu.memref_slice %arg7[%dma_start3A_46, %dma_start3A_47] : memref<42x128xi32, #tpu.memory_space<vmem>> -> memref<34x128xi32, #tpu.memory_space<vmem>>
        %dma_start3A_49 = arith.constant 0 : i32
        %dma_start3A_50 = tpu.memref_slice %arg2[%add3A_13, %dma_start3A_49] : memref<2528x128xi32, #tpu.memory_space<hbm>> -> memref<34x128xi32, #tpu.memory_space<hbm>>
        tpu.enqueue_dma source(%dma_start3A_50 : memref<34x128xi32, #tpu.memory_space<hbm>>) target(%dma_start3A_48 : memref<34x128xi32, #tpu.memory_space<vmem>>) target_semaphore(%run_scoped3A : memref<!tpu.dma_semaphore, #tpu.memory_space<semaphore_mem>>)
        %dma_wait3A_51 = arith.constant 0 : i32
        %dma_wait3A_52 = arith.constant 0 : i32
        %dma_wait3A_53 = tpu.memref_slice %arg7[%dma_wait3A_51, %dma_wait3A_52] : memref<42x128xi32, #tpu.memory_space<vmem>> -> memref<34x128xi32, #tpu.memory_space<vmem>>
        %dma_wait3A_54 = arith.constant 0 : i32
        %dma_wait3A_55 = tpu.memref_slice %arg2[%add3A_13, %dma_wait3A_54] : memref<2528x128xi32, #tpu.memory_space<hbm>> -> memref<34x128xi32, #tpu.memory_space<hbm>>
        %dma_wait3A_56 = arith.constant 0 : i32
        %dma_wait3A_57 = arith.constant 0 : i32
        %dma_wait3A_58 = tpu.memref_slice %arg7[%dma_wait3A_56, %dma_wait3A_57] : memref<42x128xi32, #tpu.memory_space<vmem>> -> memref<34x128xi32, #tpu.memory_space<vmem>>
        %dma_wait3A_59 = arith.constant 0 : i32
        %dma_wait3A_60 = tpu.memref_slice %arg2[%add3A_13, %dma_wait3A_59] : memref<2528x128xi32, #tpu.memory_space<hbm>> -> memref<34x128xi32, #tpu.memory_space<hbm>>
        tpu.wait_dma2 semaphore(%run_scoped3A : memref<!tpu.dma_semaphore, #tpu.memory_space<semaphore_mem>>) src(%dma_wait3A_60 : memref<34x128xi32, #tpu.memory_space<hbm>>) dst(%dma_wait3A_58 : memref<34x128xi32, #tpu.memory_space<vmem>>)
        tpu.yield
      }) : () -> ()
      "tpu.region"() ({
        %run_scoped3A = tpu.sem_alloc : memref<!tpu.dma_semaphore, #tpu.memory_space<semaphore_mem>>
        %dma_start3A_41 = arith.constant 0 : i32
        %dma_start3A_42 = arith.constant 0 : i32
        %dma_start3A_43 = tpu.memref_slice %arg8[%dma_start3A_41, %dma_start3A_42] : memref<42x128xi32, #tpu.memory_space<vmem>> -> memref<34x128xi32, #tpu.memory_space<vmem>>
        %dma_start3A_44 = arith.constant 0 : i32
        %dma_start3A_45 = tpu.memref_slice %arg3[%add3A_13, %dma_start3A_44] : memref<2528x128xi32, #tpu.memory_space<hbm>> -> memref<34x128xi32, #tpu.memory_space<hbm>>
        %dma_start3A_46 = arith.constant 0 : i32
        %dma_start3A_47 = arith.constant 0 : i32
        %dma_start3A_48 = tpu.memref_slice %arg8[%dma_start3A_46, %dma_start3A_47] : memref<42x128xi32, #tpu.memory_space<vmem>> -> memref<34x128xi32, #tpu.memory_space<vmem>>
        %dma_start3A_49 = arith.constant 0 : i32
        %dma_start3A_50 = tpu.memref_slice %arg3[%add3A_13, %dma_start3A_49] : memref<2528x128xi32, #tpu.memory_space<hbm>> -> memref<34x128xi32, #tpu.memory_space<hbm>>
        tpu.enqueue_dma source(%dma_start3A_50 : memref<34x128xi32, #tpu.memory_space<hbm>>) target(%dma_start3A_48 : memref<34x128xi32, #tpu.memory_space<vmem>>) target_semaphore(%run_scoped3A : memref<!tpu.dma_semaphore, #tpu.memory_space<semaphore_mem>>)
        %dma_wait3A_51 = arith.constant 0 : i32
        %dma_wait3A_52 = arith.constant 0 : i32
        %dma_wait3A_53 = tpu.memref_slice %arg8[%dma_wait3A_51, %dma_wait3A_52] : memref<42x128xi32, #tpu.memory_space<vmem>> -> memref<34x128xi32, #tpu.memory_space<vmem>>
        %dma_wait3A_54 = arith.constant 0 : i32
        %dma_wait3A_55 = tpu.memref_slice %arg3[%add3A_13, %dma_wait3A_54] : memref<2528x128xi32, #tpu.memory_space<hbm>> -> memref<34x128xi32, #tpu.memory_space<hbm>>
        %dma_wait3A_56 = arith.constant 0 : i32
        %dma_wait3A_57 = arith.constant 0 : i32
        %dma_wait3A_58 = tpu.memref_slice %arg8[%dma_wait3A_56, %dma_wait3A_57] : memref<42x128xi32, #tpu.memory_space<vmem>> -> memref<34x128xi32, #tpu.memory_space<vmem>>
        %dma_wait3A_59 = arith.constant 0 : i32
        %dma_wait3A_60 = tpu.memref_slice %arg3[%add3A_13, %dma_wait3A_59] : memref<2528x128xi32, #tpu.memory_space<hbm>> -> memref<34x128xi32, #tpu.memory_space<hbm>>
        tpu.wait_dma2 semaphore(%run_scoped3A : memref<!tpu.dma_semaphore, #tpu.memory_space<semaphore_mem>>) src(%dma_wait3A_60 : memref<34x128xi32, #tpu.memory_space<hbm>>) dst(%dma_wait3A_58 : memref<34x128xi32, #tpu.memory_space<vmem>>)
        tpu.yield
      }) : () -> ()
      %dma_start3A = arith.constant 0 : i32
      %dma_start3A_14 = arith.constant 0 : i32
      %dma_start3A_15 = arith.constant 0 : i32
      %dma_start3A_16 = arith.constant 0 : i32
      %dma_start3A_17 = tpu.memref_slice %arg9[%dma_start3A_14, %dma_start3A_15, %dma_start3A_16] : memref<2x128x128xf32, #tpu.memory_space<vmem>> -> memref<1x128x128xf32, #tpu.memory_space<vmem>>
      %dma_start3A_18 = tpu.memref_squeeze %dma_start3A_17 : memref<1x128x128xf32, #tpu.memory_space<vmem>> -> memref<128x128xf32, #tpu.memory_space<vmem>>
      %dma_start3A_19 = arith.constant 0 : i32
      %dma_start3A_20 = tpu.memref_slice %arg7[%dma_start3A, %dma_start3A_19] : memref<42x128xi32, #tpu.memory_space<vmem>> -> memref<1x128xi32, #tpu.memory_space<vmem>>
      %dma_start3A_21 = tpu.memref_squeeze %dma_start3A_20 : memref<1x128xi32, #tpu.memory_space<vmem>> -> memref<128xi32, #tpu.memory_space<vmem>>
      %dma_start3A_22 = arith.constant 0 : i32
      %dma_start3A_23 = arith.constant 0 : i32
      %dma_start3A_24 = tpu.memref_slice %arg4[%dma_start3A_22, %dma_start3A_23] : memref<10000x128xf32, #tpu.memory_space<hbm>> -> memref<10000x128xf32, #tpu.memory_space<hbm>>
      tpu.enqueue_indirect_dma source(%dma_start3A_24 : memref<10000x128xf32, #tpu.memory_space<hbm>>) target(%dma_start3A_18 : memref<128x128xf32, #tpu.memory_space<vmem>>) offsets(%dma_start3A_21 : memref<128xi32, #tpu.memory_space<vmem>>) semaphore(%arg11 : memref<!tpu.dma_semaphore, #tpu.memory_space<semaphore_mem>>)
      %scan3A = arith.constant 0 : i32
      %scan3A_25 = arith.constant 0 : i32
      %scan3A_26 = arith.constant 17 : i32
      %scan3A_27 = arith.addi %scan3A_25, %scan3A_26 : i32
      %scan3A_28 = arith.constant 1 : i32
      scf.for %scan3A_41 = %scan3A_25 to %scan3A_27 step %scan3A_28  : i32 {
        %mul3A_42 = arith.constant 2 : i32
        %mul3A_43 = arith.muli %scan3A_41, %mul3A_42 : i32
        %add3A_44 = arith.constant 0 : i32
        %add3A_45 = arith.addi %mul3A_43, %add3A_44 : i32
        %dma_wait3A_46 = arith.constant 0 : i32
        %dma_wait3A_47 = arith.constant 0 : i32
        %dma_wait3A_48 = arith.constant 0 : i32
        %dma_wait3A_49 = arith.constant 0 : i32
        %dma_wait3A_50 = tpu.memref_slice %arg9[%dma_wait3A_47, %dma_wait3A_48, %dma_wait3A_49] : memref<2x128x128xf32, #tpu.memory_space<vmem>> -> memref<1x128x128xf32, #tpu.memory_space<vmem>>
        %dma_wait3A_51 = tpu.memref_squeeze %dma_wait3A_50 : memref<1x128x128xf32, #tpu.memory_space<vmem>> -> memref<128x128xf32, #tpu.memory_space<vmem>>
        %dma_wait3A_52 = arith.constant 0 : i32
        %dma_wait3A_53 = tpu.memref_slice %arg7[%dma_wait3A_46, %dma_wait3A_52] : memref<42x128xi32, #tpu.memory_space<vmem>> -> memref<1x128xi32, #tpu.memory_space<vmem>>
        %dma_wait3A_54 = tpu.memref_squeeze %dma_wait3A_53 : memref<1x128xi32, #tpu.memory_space<vmem>> -> memref<128xi32, #tpu.memory_space<vmem>>
        %dma_wait3A_55 = arith.constant 0 : i32
        %dma_wait3A_56 = arith.constant 0 : i32
        %dma_wait3A_57 = tpu.memref_slice %arg4[%dma_wait3A_55, %dma_wait3A_56] : memref<10000x128xf32, #tpu.memory_space<hbm>> -> memref<10000x128xf32, #tpu.memory_space<hbm>>
        tpu.wait_indirect_dma semaphore(%arg11 : memref<!tpu.dma_semaphore, #tpu.memory_space<semaphore_mem>>) src(%dma_wait3A_57 : memref<10000x128xf32, #tpu.memory_space<hbm>>) dst(%dma_wait3A_51 : memref<128x128xf32, #tpu.memory_space<vmem>>)
        %add3A_58 = arith.constant 1 : i32
        %add3A_59 = arith.addi %add3A_45, %add3A_58 : i32
        %lt3A = arith.constant 34 : i32
        %lt3A_60 = arith.cmpi slt, %add3A_59, %lt3A : i32
        %add3A_61 = arith.constant 1 : i32
        %add3A_62 = arith.addi %add3A_45, %add3A_61 : i32
        %jit3A = arith.constant 0 : i32
        %select_n3A = arith.select %lt3A_60, %add3A_62, %jit3A : i32
        %dma_start3A_63 = arith.constant 1 : i32
        %dma_start3A_64 = arith.constant 0 : i32
        %dma_start3A_65 = arith.constant 0 : i32
        %dma_start3A_66 = tpu.memref_slice %arg9[%dma_start3A_63, %dma_start3A_64, %dma_start3A_65] : memref<2x128x128xf32, #tpu.memory_space<vmem>> -> memref<1x128x128xf32, #tpu.memory_space<vmem>>
        %dma_start3A_67 = tpu.memref_squeeze %dma_start3A_66 : memref<1x128x128xf32, #tpu.memory_space<vmem>> -> memref<128x128xf32, #tpu.memory_space<vmem>>
        %dma_start3A_68 = arith.constant 0 : i32
        %dma_start3A_69 = tpu.memref_slice %arg7[%select_n3A, %dma_start3A_68] : memref<42x128xi32, #tpu.memory_space<vmem>> -> memref<1x128xi32, #tpu.memory_space<vmem>>
        %dma_start3A_70 = tpu.memref_squeeze %dma_start3A_69 : memref<1x128xi32, #tpu.memory_space<vmem>> -> memref<128xi32, #tpu.memory_space<vmem>>
        %dma_start3A_71 = arith.constant 0 : i32
        %dma_start3A_72 = arith.constant 0 : i32
        %dma_start3A_73 = tpu.memref_slice %arg4[%dma_start3A_71, %dma_start3A_72] : memref<10000x128xf32, #tpu.memory_space<hbm>> -> memref<10000x128xf32, #tpu.memory_space<hbm>>
        tpu.enqueue_indirect_dma source(%dma_start3A_73 : memref<10000x128xf32, #tpu.memory_space<hbm>>) target(%dma_start3A_67 : memref<128x128xf32, #tpu.memory_space<vmem>>) offsets(%dma_start3A_70 : memref<128xi32, #tpu.memory_space<vmem>>) semaphore(%arg12 : memref<!tpu.dma_semaphore, #tpu.memory_space<semaphore_mem>>)
        %run_scoped3A = arith.constant 0 : i32
        "tpu.region"() ({
          %run_scoped3A_110 = tpu.sem_alloc : memref<!tpu.dma_semaphore, #tpu.memory_space<semaphore_mem>>
          %dma_start3A_111 = arith.constant 0 : i32
          %dma_start3A_112 = arith.constant 0 : i32
          %dma_start3A_113 = tpu.memref_slice %arg9[%run_scoped3A, %dma_start3A_111, %dma_start3A_112] : memref<2x128x128xf32, #tpu.memory_space<vmem>> -> memref<1x128x128xf32, #tpu.memory_space<vmem>>
          %dma_start3A_114 = tpu.memref_squeeze %dma_start3A_113 : memref<1x128x128xf32, #tpu.memory_space<vmem>> -> memref<128x128xf32, #tpu.memory_space<vmem>>
          %dma_start3A_115 = arith.constant 0 : i32
          %dma_start3A_116 = tpu.memref_slice %arg8[%add3A_45, %dma_start3A_115] : memref<42x128xi32, #tpu.memory_space<vmem>> -> memref<1x128xi32, #tpu.memory_space<vmem>>
          %dma_start3A_117 = tpu.memref_squeeze %dma_start3A_116 : memref<1x128xi32, #tpu.memory_space<vmem>> -> memref<128xi32, #tpu.memory_space<vmem>>
          %dma_start3A_118 = arith.constant 0 : i32
          %dma_start3A_119 = arith.constant 0 : i32
          %dma_start3A_120 = tpu.memref_slice %arg10[%dma_start3A_118, %dma_start3A_119] : memref<10240x128xf32, #tpu.memory_space<vmem_shared>> -> memref<10240x128xf32, #tpu.memory_space<vmem_shared>>
          tpu.enqueue_indirect_dma source(%dma_start3A_114 : memref<128x128xf32, #tpu.memory_space<vmem>>) target(%dma_start3A_120 : memref<10240x128xf32, #tpu.memory_space<vmem_shared>>) offsets(%dma_start3A_117 : memref<128xi32, #tpu.memory_space<vmem>>) semaphore(%run_scoped3A_110 : memref<!tpu.dma_semaphore, #tpu.memory_space<semaphore_mem>>) {add = true}
          %dma_wait3A_121 = arith.constant 0 : i32
          %dma_wait3A_122 = arith.constant 0 : i32
          %dma_wait3A_123 = tpu.memref_slice %arg9[%run_scoped3A, %dma_wait3A_121, %dma_wait3A_122] : memref<2x128x128xf32, #tpu.memory_space<vmem>> -> memref<1x128x128xf32, #tpu.memory_space<vmem>>
          %dma_wait3A_124 = tpu.memref_squeeze %dma_wait3A_123 : memref<1x128x128xf32, #tpu.memory_space<vmem>> -> memref<128x128xf32, #tpu.memory_space<vmem>>
          %dma_wait3A_125 = arith.constant 0 : i32
          %dma_wait3A_126 = tpu.memref_slice %arg8[%add3A_45, %dma_wait3A_125] : memref<42x128xi32, #tpu.memory_space<vmem>> -> memref<1x128xi32, #tpu.memory_space<vmem>>
          %dma_wait3A_127 = tpu.memref_squeeze %dma_wait3A_126 : memref<1x128xi32, #tpu.memory_space<vmem>> -> memref<128xi32, #tpu.memory_space<vmem>>
          %dma_wait3A_128 = arith.constant 0 : i32
          %dma_wait3A_129 = arith.constant 0 : i32
          %dma_wait3A_130 = tpu.memref_slice %arg10[%dma_wait3A_128, %dma_wait3A_129] : memref<10240x128xf32, #tpu.memory_space<vmem_shared>> -> memref<10240x128xf32, #tpu.memory_space<vmem_shared>>
          tpu.wait_indirect_dma semaphore(%run_scoped3A_110 : memref<!tpu.dma_semaphore, #tpu.memory_space<semaphore_mem>>) src(%dma_wait3A_124 : memref<128x128xf32, #tpu.memory_space<vmem>>) dst(%dma_wait3A_130 : memref<10240x128xf32, #tpu.memory_space<vmem_shared>>)
          tpu.yield
        }) : () -> ()
        %mul3A_74 = arith.constant 2 : i32
        %mul3A_75 = arith.muli %scan3A_41, %mul3A_74 : i32
        %add3A_76 = arith.constant 1 : i32
        %add3A_77 = arith.addi %mul3A_75, %add3A_76 : i32
        %dma_wait3A_78 = arith.constant 0 : i32
        %dma_wait3A_79 = arith.constant 1 : i32
        %dma_wait3A_80 = arith.constant 0 : i32
        %dma_wait3A_81 = arith.constant 0 : i32
        %dma_wait3A_82 = tpu.memref_slice %arg9[%dma_wait3A_79, %dma_wait3A_80, %dma_wait3A_81] : memref<2x128x128xf32, #tpu.memory_space<vmem>> -> memref<1x128x128xf32, #tpu.memory_space<vmem>>
        %dma_wait3A_83 = tpu.memref_squeeze %dma_wait3A_82 : memref<1x128x128xf32, #tpu.memory_space<vmem>> -> memref<128x128xf32, #tpu.memory_space<vmem>>
        %dma_wait3A_84 = arith.constant 0 : i32
        %dma_wait3A_85 = tpu.memref_slice %arg7[%dma_wait3A_78, %dma_wait3A_84] : memref<42x128xi32, #tpu.memory_space<vmem>> -> memref<1x128xi32, #tpu.memory_space<vmem>>
        %dma_wait3A_86 = tpu.memref_squeeze %dma_wait3A_85 : memref<1x128xi32, #tpu.memory_space<vmem>> -> memref<128xi32, #tpu.memory_space<vmem>>
        %dma_wait3A_87 = arith.constant 0 : i32
        %dma_wait3A_88 = arith.constant 0 : i32
        %dma_wait3A_89 = tpu.memref_slice %arg4[%dma_wait3A_87, %dma_wait3A_88] : memref<10000x128xf32, #tpu.memory_space<hbm>> -> memref<10000x128xf32, #tpu.memory_space<hbm>>
        tpu.wait_indirect_dma semaphore(%arg12 : memref<!tpu.dma_semaphore, #tpu.memory_space<semaphore_mem>>) src(%dma_wait3A_89 : memref<10000x128xf32, #tpu.memory_space<hbm>>) dst(%dma_wait3A_83 : memref<128x128xf32, #tpu.memory_space<vmem>>)
        %add3A_90 = arith.constant 1 : i32
        %add3A_91 = arith.addi %add3A_77, %add3A_90 : i32
        %lt3A_92 = arith.constant 34 : i32
        %lt3A_93 = arith.cmpi slt, %add3A_91, %lt3A_92 : i32
        %add3A_94 = arith.constant 1 : i32
        %add3A_95 = arith.addi %add3A_77, %add3A_94 : i32
        %jit3A_96 = arith.constant 0 : i32
        %select_n3A_97 = arith.select %lt3A_93, %add3A_95, %jit3A_96 : i32
        %dma_start3A_98 = arith.constant 0 : i32
        %dma_start3A_99 = arith.constant 0 : i32
        %dma_start3A_100 = arith.constant 0 : i32
        %dma_start3A_101 = tpu.memref_slice %arg9[%dma_start3A_98, %dma_start3A_99, %dma_start3A_100] : memref<2x128x128xf32, #tpu.memory_space<vmem>> -> memref<1x128x128xf32, #tpu.memory_space<vmem>>
        %dma_start3A_102 = tpu.memref_squeeze %dma_start3A_101 : memref<1x128x128xf32, #tpu.memory_space<vmem>> -> memref<128x128xf32, #tpu.memory_space<vmem>>
        %dma_start3A_103 = arith.constant 0 : i32
        %dma_start3A_104 = tpu.memref_slice %arg7[%select_n3A_97, %dma_start3A_103] : memref<42x128xi32, #tpu.memory_space<vmem>> -> memref<1x128xi32, #tpu.memory_space<vmem>>
        %dma_start3A_105 = tpu.memref_squeeze %dma_start3A_104 : memref<1x128xi32, #tpu.memory_space<vmem>> -> memref<128xi32, #tpu.memory_space<vmem>>
        %dma_start3A_106 = arith.constant 0 : i32
        %dma_start3A_107 = arith.constant 0 : i32
        %dma_start3A_108 = tpu.memref_slice %arg4[%dma_start3A_106, %dma_start3A_107] : memref<10000x128xf32, #tpu.memory_space<hbm>> -> memref<10000x128xf32, #tpu.memory_space<hbm>>
        tpu.enqueue_indirect_dma source(%dma_start3A_108 : memref<10000x128xf32, #tpu.memory_space<hbm>>) target(%dma_start3A_102 : memref<128x128xf32, #tpu.memory_space<vmem>>) offsets(%dma_start3A_105 : memref<128xi32, #tpu.memory_space<vmem>>) semaphore(%arg11 : memref<!tpu.dma_semaphore, #tpu.memory_space<semaphore_mem>>)
        %run_scoped3A_109 = arith.constant 1 : i32
        "tpu.region"() ({
          %run_scoped3A_110 = tpu.sem_alloc : memref<!tpu.dma_semaphore, #tpu.memory_space<semaphore_mem>>
          %dma_start3A_111 = arith.constant 0 : i32
          %dma_start3A_112 = arith.constant 0 : i32
          %dma_start3A_113 = tpu.memref_slice %arg9[%run_scoped3A_109, %dma_start3A_111, %dma_start3A_112] : memref<2x128x128xf32, #tpu.memory_space<vmem>> -> memref<1x128x128xf32, #tpu.memory_space<vmem>>
          %dma_start3A_114 = tpu.memref_squeeze %dma_start3A_113 : memref<1x128x128xf32, #tpu.memory_space<vmem>> -> memref<128x128xf32, #tpu.memory_space<vmem>>
          %dma_start3A_115 = arith.constant 0 : i32
          %dma_start3A_116 = tpu.memref_slice %arg8[%add3A_77, %dma_start3A_115] : memref<42x128xi32, #tpu.memory_space<vmem>> -> memref<1x128xi32, #tpu.memory_space<vmem>>
          %dma_start3A_117 = tpu.memref_squeeze %dma_start3A_116 : memref<1x128xi32, #tpu.memory_space<vmem>> -> memref<128xi32, #tpu.memory_space<vmem>>
          %dma_start3A_118 = arith.constant 0 : i32
          %dma_start3A_119 = arith.constant 0 : i32
          %dma_start3A_120 = tpu.memref_slice %arg10[%dma_start3A_118, %dma_start3A_119] : memref<10240x128xf32, #tpu.memory_space<vmem_shared>> -> memref<10240x128xf32, #tpu.memory_space<vmem_shared>>
          tpu.enqueue_indirect_dma source(%dma_start3A_114 : memref<128x128xf32, #tpu.memory_space<vmem>>) target(%dma_start3A_120 : memref<10240x128xf32, #tpu.memory_space<vmem_shared>>) offsets(%dma_start3A_117 : memref<128xi32, #tpu.memory_space<vmem>>) semaphore(%run_scoped3A_110 : memref<!tpu.dma_semaphore, #tpu.memory_space<semaphore_mem>>) {add = true}
          %dma_wait3A_121 = arith.constant 0 : i32
          %dma_wait3A_122 = arith.constant 0 : i32
          %dma_wait3A_123 = tpu.memref_slice %arg9[%run_scoped3A_109, %dma_wait3A_121, %dma_wait3A_122] : memref<2x128x128xf32, #tpu.memory_space<vmem>> -> memref<1x128x128xf32, #tpu.memory_space<vmem>>
          %dma_wait3A_124 = tpu.memref_squeeze %dma_wait3A_123 : memref<1x128x128xf32, #tpu.memory_space<vmem>> -> memref<128x128xf32, #tpu.memory_space<vmem>>
          %dma_wait3A_125 = arith.constant 0 : i32
          %dma_wait3A_126 = tpu.memref_slice %arg8[%add3A_77, %dma_wait3A_125] : memref<42x128xi32, #tpu.memory_space<vmem>> -> memref<1x128xi32, #tpu.memory_space<vmem>>
          %dma_wait3A_127 = tpu.memref_squeeze %dma_wait3A_126 : memref<1x128xi32, #tpu.memory_space<vmem>> -> memref<128xi32, #tpu.memory_space<vmem>>
          %dma_wait3A_128 = arith.constant 0 : i32
          %dma_wait3A_129 = arith.constant 0 : i32
          %dma_wait3A_130 = tpu.memref_slice %arg10[%dma_wait3A_128, %dma_wait3A_129] : memref<10240x128xf32, #tpu.memory_space<vmem_shared>> -> memref<10240x128xf32, #tpu.memory_space<vmem_shared>>
          tpu.wait_indirect_dma semaphore(%run_scoped3A_110 : memref<!tpu.dma_semaphore, #tpu.memory_space<semaphore_mem>>) src(%dma_wait3A_124 : memref<128x128xf32, #tpu.memory_space<vmem>>) dst(%dma_wait3A_130 : memref<10240x128xf32, #tpu.memory_space<vmem_shared>>)
          tpu.yield
        }) : () -> ()
      }
      %scan3A_29 = arith.constant 17 : i32
      %dma_wait3A = arith.constant 0 : i32
      %dma_wait3A_30 = arith.constant 0 : i32
      %dma_wait3A_31 = arith.constant 0 : i32
      %dma_wait3A_32 = arith.constant 0 : i32
      %dma_wait3A_33 = tpu.memref_slice %arg9[%dma_wait3A_30, %dma_wait3A_31, %dma_wait3A_32] : memref<2x128x128xf32, #tpu.memory_space<vmem>> -> memref<1x128x128xf32, #tpu.memory_space<vmem>>
      %dma_wait3A_34 = tpu.memref_squeeze %dma_wait3A_33 : memref<1x128x128xf32, #tpu.memory_space<vmem>> -> memref<128x128xf32, #tpu.memory_space<vmem>>
      %dma_wait3A_35 = arith.constant 0 : i32
      %dma_wait3A_36 = tpu.memref_slice %arg7[%dma_wait3A, %dma_wait3A_35] : memref<42x128xi32, #tpu.memory_space<vmem>> -> memref<1x128xi32, #tpu.memory_space<vmem>>
      %dma_wait3A_37 = tpu.memref_squeeze %dma_wait3A_36 : memref<1x128xi32, #tpu.memory_space<vmem>> -> memref<128xi32, #tpu.memory_space<vmem>>
      %dma_wait3A_38 = arith.constant 0 : i32
      %dma_wait3A_39 = arith.constant 0 : i32
      %dma_wait3A_40 = tpu.memref_slice %arg4[%dma_wait3A_38, %dma_wait3A_39] : memref<10000x128xf32, #tpu.memory_space<hbm>> -> memref<10000x128xf32, #tpu.memory_space<hbm>>
      tpu.wait_indirect_dma semaphore(%arg11 : memref<!tpu.dma_semaphore, #tpu.memory_space<semaphore_mem>>) src(%dma_wait3A_40 : memref<10000x128xf32, #tpu.memory_space<hbm>>) dst(%dma_wait3A_34 : memref<128x128xf32, #tpu.memory_space<vmem>>)
    } else {
    }
    %barrier3A_8 = arith.constant 0 : index
    tpu.barrier barrier_id(%barrier3A_8)
    "tpu.region"() ({
      %run_scoped3A = tpu.sem_alloc : memref<!tpu.dma_semaphore, #tpu.memory_space<semaphore_mem>>
      %dma_start3A = arith.constant 0 : i32
      %dma_start3A_9 = tpu.memref_slice %arg6[%arg0, %multiple_of3A, %dma_start3A] : memref<2x10240x128xf32, #tpu.memory_space<hbm>> -> memref<1x640x128xf32, #tpu.memory_space<hbm>>
      %dma_start3A_10 = tpu.memref_squeeze %dma_start3A_9 : memref<1x640x128xf32, #tpu.memory_space<hbm>> -> memref<640x128xf32, #tpu.memory_space<hbm>>
      %dma_start3A_11 = arith.constant 0 : i32
      %dma_start3A_12 = tpu.memref_slice %arg10[%multiple_of3A, %dma_start3A_11] : memref<10240x128xf32, #tpu.memory_space<vmem_shared>> -> memref<640x128xf32, #tpu.memory_space<vmem_shared>>
      tpu.enqueue_dma source(%dma_start3A_12 : memref<640x128xf32, #tpu.memory_space<vmem_shared>>) target(%dma_start3A_10 : memref<640x128xf32, #tpu.memory_space<hbm>>) target_semaphore(%run_scoped3A : memref<!tpu.dma_semaphore, #tpu.memory_space<semaphore_mem>>)
      %dma_wait3A = arith.constant 0 : i32
      %dma_wait3A_13 = tpu.memref_slice %arg6[%arg0, %multiple_of3A, %dma_wait3A] : memref<2x10240x128xf32, #tpu.memory_space<hbm>> -> memref<1x640x128xf32, #tpu.memory_space<hbm>>
      %dma_wait3A_14 = tpu.memref_squeeze %dma_wait3A_13 : memref<1x640x128xf32, #tpu.memory_space<hbm>> -> memref<640x128xf32, #tpu.memory_space<hbm>>
      %dma_wait3A_15 = arith.constant 0 : i32
      %dma_wait3A_16 = tpu.memref_slice %arg10[%multiple_of3A, %dma_wait3A_15] : memref<10240x128xf32, #tpu.memory_space<vmem_shared>> -> memref<640x128xf32, #tpu.memory_space<vmem_shared>>
      tpu.wait_dma2 semaphore(%run_scoped3A : memref<!tpu.dma_semaphore, #tpu.memory_space<semaphore_mem>>) src(%dma_wait3A_16 : memref<640x128xf32, #tpu.memory_space<vmem_shared>>) dst(%dma_wait3A_14 : memref<640x128xf32, #tpu.memory_space<hbm>>)
      tpu.yield
    }) : () -> ()
    return
  }
}

module attributes {stable_mosaic.version = 14 : i64} {
  func.func @_tc1_body(%arg0: i32, %arg1: memref<400x40xf32, #tpu.memory_space<vmem>>, %arg2: memref<400x128xf32, #tpu.memory_space<vmem>>, %arg3: memref<128x64xf32, #tpu.memory_space<vmem>>, %arg4: memref<1x64xf32, #tpu.memory_space<vmem>>, %arg5: memref<40x128xf32, #tpu.memory_space<vmem>>, %arg6: memref<64x128xf32, #tpu.memory_space<vmem>>, %arg7: memref<1x400x1xf32, #tpu.memory_space<vmem>>, %arg8: memref<1x400x1xf32, #tpu.memory_space<vmem>>, %arg9: memref<400x128xf32, #tpu.memory_space<vmem>>, %arg10: memref<400x1xf32, #tpu.memory_space<vmem>>) attributes {dimension_semantics = [#tpu.dimension_semantics<arbitrary>], iteration_bounds = array<i64: 25>, scalar_prefetch = 0 : i64, scratch_operands = 0 : i64, tpu.core_type = #tpu.core_type<tc>, window_params = [{transform_indices = @transform_0, window_bounds = array<i64: 400, 40>}, {transform_indices = @transform_1, window_bounds = array<i64: 400, 128>}, {pipeline_mode = #tpu.pipeline_mode<synchronous>, transform_indices = @transform_2, window_bounds = array<i64: 128, 64>}, {pipeline_mode = #tpu.pipeline_mode<synchronous>, transform_indices = @transform_3, window_bounds = array<i64: 1, 64>}, {pipeline_mode = #tpu.pipeline_mode<synchronous>, transform_indices = @transform_4, window_bounds = array<i64: 40, 128>}, {pipeline_mode = #tpu.pipeline_mode<synchronous>, transform_indices = @transform_5, window_bounds = array<i64: 64, 128>}, {transform_indices = @transform_6, window_bounds = array<i64: 1, 400, 1>}, {transform_indices = @transform_7, window_bounds = array<i64: 1, 400, 1>}, {transform_indices = @transform_8, window_bounds = array<i64: 400, 128>}, {transform_indices = @transform_9, window_bounds = array<i64: 400, 1>}]} {
    %get3A = arith.constant 0 : index
    %get3A_0 = arith.constant 0 : index
    %get3A_1 = vector.load %arg2[%get3A, %get3A_0] : memref<400x128xf32, #tpu.memory_space<vmem>>, vector<400x128xf32>
    %get3A_2 = arith.constant 0 : index
    %get3A_3 = arith.constant 0 : index
    %get3A_4 = vector.load %arg3[%get3A_2, %get3A_3] : memref<128x64xf32, #tpu.memory_space<vmem>>, vector<128x64xf32>
    %dot_general3A = arith.constant dense<0.000000e+00> : vector<400x64xf32>
    %dot_general3A_5 = tpu.matmul %get3A_1, %get3A_4, %dot_general3A {dimension_numbers = #tpu.dot_dimension_numbers<[1], [0], [0], [1], [0, 0, 1, 1], [], []>, transpose_lhs_hint = false} : vector<400x128xf32>, vector<128x64xf32>, vector<400x64xf32> -> vector<400x64xf32>
    %get3A_6 = arith.constant 0 : index
    %get3A_7 = arith.constant 0 : index
    %get3A_8 = vector.load %arg4[%get3A_6, %get3A_7] : memref<1x64xf32, #tpu.memory_space<vmem>>, vector<1x64xf32>
    %add3A = vector.broadcast %get3A_8 : vector<1x64xf32> to vector<400x64xf32>
    %add3A_9 = arith.addf %dot_general3A_5, %add3A : vector<400x64xf32>
    %get3A_10 = arith.constant 0 : index
    %get3A_11 = arith.constant 0 : index
    %get3A_12 = vector.load %arg1[%get3A_10, %get3A_11] : memref<400x40xf32, #tpu.memory_space<vmem>>, vector<400x40xf32>
    %get3A_13 = arith.constant 0 : index
    %get3A_14 = arith.constant 0 : index
    %get3A_15 = vector.load %arg5[%get3A_13, %get3A_14] : memref<40x128xf32, #tpu.memory_space<vmem>>, vector<40x128xf32>
    %dot_general3A_16 = arith.constant dense<0.000000e+00> : vector<400x128xf32>
    %dot_general3A_17 = tpu.matmul %get3A_12, %get3A_15, %dot_general3A_16 {dimension_numbers = #tpu.dot_dimension_numbers<[1], [0], [0], [1], [0, 0, 1, 1], [], []>, transpose_lhs_hint = false} : vector<400x40xf32>, vector<40x128xf32>, vector<400x128xf32> -> vector<400x128xf32>
    %get3A_18 = arith.constant 0 : index
    %get3A_19 = arith.constant 0 : index
    %get3A_20 = vector.load %arg6[%get3A_18, %get3A_19] : memref<64x128xf32, #tpu.memory_space<vmem>>, vector<64x128xf32>
    %dot_general3A_21 = arith.constant dense<0.000000e+00> : vector<400x128xf32>
    %dot_general3A_22 = tpu.matmul %add3A_9, %get3A_20, %dot_general3A_21 {dimension_numbers = #tpu.dot_dimension_numbers<[1], [0], [0], [1], [0, 0, 1, 1], [], []>, transpose_lhs_hint = false} : vector<400x64xf32>, vector<64x128xf32>, vector<400x128xf32> -> vector<400x128xf32>
    %add3A_23 = arith.addf %dot_general3A_17, %dot_general3A_22 : vector<400x128xf32>
    %get3A_24 = arith.constant 0 : index
    %get3A_25 = arith.constant 0 : index
    %get3A_26 = arith.constant 0 : index
    %get3A_27 = vector.load %arg7[%get3A_24, %get3A_25, %get3A_26] : memref<1x400x1xf32, #tpu.memory_space<vmem>>, vector<1x400x1xf32>
    %get3A_28 = vector.shape_cast %get3A_27 : vector<1x400x1xf32> to vector<400x1xf32>
    %get3A_29 = arith.constant 0 : index
    %get3A_30 = arith.constant 0 : index
    %get3A_31 = arith.constant 0 : index
    %get3A_32 = vector.load %arg8[%get3A_29, %get3A_30, %get3A_31] : memref<1x400x1xf32, #tpu.memory_space<vmem>>, vector<1x400x1xf32>
    %get3A_33 = vector.shape_cast %get3A_32 : vector<1x400x1xf32> to vector<400x1xf32>
    %add3A_34 = arith.addf %get3A_28, %get3A_33 : vector<400x1xf32>
    %add3A_35 = arith.constant 1.000000e+00 : f32
    %add3A_36 = vector.broadcast %add3A_35 : f32 to vector<400x1xf32>
    %add3A_37 = arith.addf %add3A_34, %add3A_36 : vector<400x1xf32>
    %rsqrt3A = math.rsqrt %add3A_37 : vector<400x1xf32>
    %swap3A = arith.constant 0 : index
    %swap3A_38 = arith.constant 0 : index
    %swap3A_39 = vector.load %arg10[%swap3A, %swap3A_38] : memref<400x1xf32, #tpu.memory_space<vmem>>, vector<400x1xf32>
    tpu.vector_store %arg10[%swap3A, %swap3A_38], %rsqrt3A {strides = array<i32>} : memref<400x1xf32, #tpu.memory_space<vmem>>, vector<400x1xf32>,
    %mul3A = vector.broadcast %rsqrt3A : vector<400x1xf32> to vector<400x128xf32>
    %mul3A_40 = arith.mulf %add3A_23, %mul3A : vector<400x128xf32>
    %swap3A_41 = arith.constant 0 : index
    %swap3A_42 = arith.constant 0 : index
    %swap3A_43 = vector.load %arg9[%swap3A_41, %swap3A_42] : memref<400x128xf32, #tpu.memory_space<vmem>>, vector<400x128xf32>
    tpu.vector_store %arg9[%swap3A_41, %swap3A_42], %mul3A_40 {strides = array<i32>} : memref<400x128xf32, #tpu.memory_space<vmem>>, vector<400x128xf32>,
    return
  }
  func.func @transform_0(%arg0: i32) -> (i32, i32) {
    %c0_i32 = arith.constant 0 : i32
    %c0_i32_0 = arith.constant 0 : i32
    return %arg0, %c0_i32 : i32, i32
  }
  func.func @transform_1(%arg0: i32) -> (i32, i32) {
    %c0_i32 = arith.constant 0 : i32
    %c0_i32_0 = arith.constant 0 : i32
    return %arg0, %c0_i32 : i32, i32
  }
  func.func @transform_2(%arg0: i32) -> (i32, i32) {
    %c0_i32 = arith.constant 0 : i32
    %c0_i32_0 = arith.constant 0 : i32
    %c0_i32_1 = arith.constant 0 : i32
    return %c0_i32, %c0_i32_0 : i32, i32
  }
  func.func @transform_3(%arg0: i32) -> (i32, i32) {
    %c0_i32 = arith.constant 0 : i32
    %c0_i32_0 = arith.constant 0 : i32
    %c0_i32_1 = arith.constant 0 : i32
    return %c0_i32, %c0_i32_0 : i32, i32
  }
  func.func @transform_4(%arg0: i32) -> (i32, i32) {
    %c0_i32 = arith.constant 0 : i32
    %c0_i32_0 = arith.constant 0 : i32
    %c0_i32_1 = arith.constant 0 : i32
    return %c0_i32, %c0_i32_0 : i32, i32
  }
  func.func @transform_5(%arg0: i32) -> (i32, i32) {
    %c0_i32 = arith.constant 0 : i32
    %c0_i32_0 = arith.constant 0 : i32
    %c0_i32_1 = arith.constant 0 : i32
    return %c0_i32, %c0_i32_0 : i32, i32
  }
  func.func @transform_6(%arg0: i32) -> (i32, i32, i32) {
    %c0_i32 = arith.constant 0 : i32
    %c0_i32_0 = arith.constant 0 : i32
    %c0_i32_1 = arith.constant 0 : i32
    return %c0_i32, %arg0, %c0_i32_0 : i32, i32, i32
  }
  func.func @transform_7(%arg0: i32) -> (i32, i32, i32) {
    %c1_i32 = arith.constant 1 : i32
    %c0_i32 = arith.constant 0 : i32
    %c0_i32_0 = arith.constant 0 : i32
    return %c1_i32, %arg0, %c0_i32 : i32, i32, i32
  }
  func.func @transform_8(%arg0: i32) -> (i32, i32) {
    %c0_i32 = arith.constant 0 : i32
    %c0_i32_0 = arith.constant 0 : i32
    return %arg0, %c0_i32 : i32, i32
  }
  func.func @transform_9(%arg0: i32) -> (i32, i32) {
    %c0_i32 = arith.constant 0 : i32
    %c0_i32_0 = arith.constant 0 : i32
    return %arg0, %c0_i32 : i32, i32
  }
}

module attributes {stable_mosaic.version = 14 : i64} {
  func.func @_tc2_body(%arg0: i32, %arg1: memref<1x400x128xf32, #tpu.memory_space<vmem>>, %arg2: memref<1x400x128xf32, #tpu.memory_space<vmem>>, %arg3: memref<400x128xf32, #tpu.memory_space<vmem>>, %arg4: memref<400x1xf32, #tpu.memory_space<vmem>>, %arg5: memref<1x128xf32, #tpu.memory_space<vmem>>, %arg6: memref<128x64xf32, #tpu.memory_space<vmem>>, %arg7: memref<400x64xf32, #tpu.memory_space<vmem>>) attributes {dimension_semantics = [#tpu.dimension_semantics<arbitrary>], iteration_bounds = array<i64: 25>, scalar_prefetch = 0 : i64, scratch_operands = 0 : i64, tpu.core_type = #tpu.core_type<tc>, window_params = [{transform_indices = @transform_0, window_bounds = array<i64: 1, 400, 128>}, {transform_indices = @transform_1, window_bounds = array<i64: 1, 400, 128>}, {transform_indices = @transform_2, window_bounds = array<i64: 400, 128>}, {transform_indices = @transform_3, window_bounds = array<i64: 400, 1>}, {pipeline_mode = #tpu.pipeline_mode<synchronous>, transform_indices = @transform_4, window_bounds = array<i64: 1, 128>}, {pipeline_mode = #tpu.pipeline_mode<synchronous>, transform_indices = @transform_5, window_bounds = array<i64: 128, 64>}, {transform_indices = @transform_6, window_bounds = array<i64: 400, 64>}]} {
    %get3A = arith.constant 0 : index
    %get3A_0 = arith.constant 0 : index
    %get3A_1 = vector.load %arg4[%get3A, %get3A_0] : memref<400x1xf32, #tpu.memory_space<vmem>>, vector<400x1xf32>
    %get3A_2 = arith.constant 0 : index
    %get3A_3 = arith.constant 0 : index
    %get3A_4 = arith.constant 0 : index
    %get3A_5 = vector.load %arg1[%get3A_2, %get3A_3, %get3A_4] : memref<1x400x128xf32, #tpu.memory_space<vmem>>, vector<1x400x128xf32>
    %get3A_6 = vector.shape_cast %get3A_5 : vector<1x400x128xf32> to vector<400x128xf32>
    %get3A_7 = arith.constant 0 : index
    %get3A_8 = arith.constant 0 : index
    %get3A_9 = arith.constant 0 : index
    %get3A_10 = vector.load %arg2[%get3A_7, %get3A_8, %get3A_9] : memref<1x400x128xf32, #tpu.memory_space<vmem>>, vector<1x400x128xf32>
    %get3A_11 = vector.shape_cast %get3A_10 : vector<1x400x128xf32> to vector<400x128xf32>
    %add3A = arith.addf %get3A_6, %get3A_11 : vector<400x128xf32>
    %get3A_12 = arith.constant 0 : index
    %get3A_13 = arith.constant 0 : index
    %get3A_14 = vector.load %arg3[%get3A_12, %get3A_13] : memref<400x128xf32, #tpu.memory_space<vmem>>, vector<400x128xf32>
    %add3A_15 = arith.addf %add3A, %get3A_14 : vector<400x128xf32>
    %mul3A = vector.broadcast %get3A_1 : vector<400x1xf32> to vector<400x128xf32>
    %mul3A_16 = arith.mulf %mul3A, %add3A_15 : vector<400x128xf32>
    %get3A_17 = arith.constant 0 : index
    %get3A_18 = arith.constant 0 : index
    %get3A_19 = vector.load %arg5[%get3A_17, %get3A_18] : memref<1x128xf32, #tpu.memory_space<vmem>>, vector<1x128xf32>
    %add3A_20 = vector.broadcast %get3A_19 : vector<1x128xf32> to vector<400x128xf32>
    %add3A_21 = arith.addf %mul3A_16, %add3A_20 : vector<400x128xf32>
    %max3A = arith.constant 0.000000e+00 : f32
    %max3A_22 = vector.broadcast %max3A : f32 to vector<400x128xf32>
    %max3A_23 = arith.maximumf %add3A_21, %max3A_22 : vector<400x128xf32>
    %get3A_24 = arith.constant 0 : index
    %get3A_25 = arith.constant 0 : index
    %get3A_26 = vector.load %arg6[%get3A_24, %get3A_25] : memref<128x64xf32, #tpu.memory_space<vmem>>, vector<128x64xf32>
    %dot_general3A = arith.constant dense<0.000000e+00> : vector<400x64xf32>
    %dot_general3A_27 = tpu.matmul %max3A_23, %get3A_26, %dot_general3A {dimension_numbers = #tpu.dot_dimension_numbers<[1], [0], [0], [1], [0, 0, 1, 1], [], []>, transpose_lhs_hint = false} : vector<400x128xf32>, vector<128x64xf32>, vector<400x64xf32> -> vector<400x64xf32>
    %mul3A_28 = vector.broadcast %get3A_1 : vector<400x1xf32> to vector<400x64xf32>
    %mul3A_29 = arith.mulf %dot_general3A_27, %mul3A_28 : vector<400x64xf32>
    %swap3A = arith.constant 0 : index
    %swap3A_30 = arith.constant 0 : index
    %swap3A_31 = vector.load %arg7[%swap3A, %swap3A_30] : memref<400x64xf32, #tpu.memory_space<vmem>>, vector<400x64xf32>
    tpu.vector_store %arg7[%swap3A, %swap3A_30], %mul3A_29 {strides = array<i32>} : memref<400x64xf32, #tpu.memory_space<vmem>>, vector<400x64xf32>,
    return
  }
  func.func @transform_0(%arg0: i32) -> (i32, i32, i32) {
    %c0_i32 = arith.constant 0 : i32
    %c0_i32_0 = arith.constant 0 : i32
    %c0_i32_1 = arith.constant 0 : i32
    return %c0_i32, %arg0, %c0_i32_0 : i32, i32, i32
  }
  func.func @transform_1(%arg0: i32) -> (i32, i32, i32) {
    %c1_i32 = arith.constant 1 : i32
    %c0_i32 = arith.constant 0 : i32
    %c0_i32_0 = arith.constant 0 : i32
    return %c1_i32, %arg0, %c0_i32 : i32, i32, i32
  }
  func.func @transform_2(%arg0: i32) -> (i32, i32) {
    %c0_i32 = arith.constant 0 : i32
    %c0_i32_0 = arith.constant 0 : i32
    return %arg0, %c0_i32 : i32, i32
  }
  func.func @transform_3(%arg0: i32) -> (i32, i32) {
    %c0_i32 = arith.constant 0 : i32
    %c0_i32_0 = arith.constant 0 : i32
    return %arg0, %c0_i32 : i32, i32
  }
  func.func @transform_4(%arg0: i32) -> (i32, i32) {
    %c0_i32 = arith.constant 0 : i32
    %c0_i32_0 = arith.constant 0 : i32
    %c0_i32_1 = arith.constant 0 : i32
    return %c0_i32, %c0_i32_0 : i32, i32
  }
  func.func @transform_5(%arg0: i32) -> (i32, i32) {
    %c0_i32 = arith.constant 0 : i32
    %c0_i32_0 = arith.constant 0 : i32
    %c0_i32_1 = arith.constant 0 : i32
    return %c0_i32, %c0_i32_0 : i32, i32
  }
  func.func @transform_6(%arg0: i32) -> (i32, i32) {
    %c0_i32 = arith.constant 0 : i32
    %c0_i32_0 = arith.constant 0 : i32
    return %arg0, %c0_i32 : i32, i32
  }
}

module attributes {stable_mosaic.version = 14 : i64} {
  func.func @_tc3_body(%arg0: i32, %arg1: memref<1x400x64xf32, #tpu.memory_space<vmem>>, %arg2: memref<1x400x64xf32, #tpu.memory_space<vmem>>, %arg3: memref<400x64xf32, #tpu.memory_space<vmem>>, %arg4: memref<400x1xf32, #tpu.memory_space<vmem>>, %arg5: memref<1x64xf32, #tpu.memory_space<vmem>>, %arg6: memref<400x64xf32, #tpu.memory_space<vmem>>) attributes {dimension_semantics = [#tpu.dimension_semantics<arbitrary>], iteration_bounds = array<i64: 25>, scalar_prefetch = 0 : i64, scratch_operands = 0 : i64, tpu.core_type = #tpu.core_type<tc>, window_params = [{transform_indices = @transform_0, window_bounds = array<i64: 1, 400, 64>}, {transform_indices = @transform_1, window_bounds = array<i64: 1, 400, 64>}, {transform_indices = @transform_2, window_bounds = array<i64: 400, 64>}, {transform_indices = @transform_3, window_bounds = array<i64: 400, 1>}, {pipeline_mode = #tpu.pipeline_mode<synchronous>, transform_indices = @transform_4, window_bounds = array<i64: 1, 64>}, {transform_indices = @transform_5, window_bounds = array<i64: 400, 64>}]} {
    %get3A = arith.constant 0 : index
    %get3A_0 = arith.constant 0 : index
    %get3A_1 = vector.load %arg4[%get3A, %get3A_0] : memref<400x1xf32, #tpu.memory_space<vmem>>, vector<400x1xf32>
    %get3A_2 = arith.constant 0 : index
    %get3A_3 = arith.constant 0 : index
    %get3A_4 = arith.constant 0 : index
    %get3A_5 = vector.load %arg1[%get3A_2, %get3A_3, %get3A_4] : memref<1x400x64xf32, #tpu.memory_space<vmem>>, vector<1x400x64xf32>
    %get3A_6 = vector.shape_cast %get3A_5 : vector<1x400x64xf32> to vector<400x64xf32>
    %get3A_7 = arith.constant 0 : index
    %get3A_8 = arith.constant 0 : index
    %get3A_9 = arith.constant 0 : index
    %get3A_10 = vector.load %arg2[%get3A_7, %get3A_8, %get3A_9] : memref<1x400x64xf32, #tpu.memory_space<vmem>>, vector<1x400x64xf32>
    %get3A_11 = vector.shape_cast %get3A_10 : vector<1x400x64xf32> to vector<400x64xf32>
    %add3A = arith.addf %get3A_6, %get3A_11 : vector<400x64xf32>
    %get3A_12 = arith.constant 0 : index
    %get3A_13 = arith.constant 0 : index
    %get3A_14 = vector.load %arg3[%get3A_12, %get3A_13] : memref<400x64xf32, #tpu.memory_space<vmem>>, vector<400x64xf32>
    %add3A_15 = arith.addf %add3A, %get3A_14 : vector<400x64xf32>
    %mul3A = vector.broadcast %get3A_1 : vector<400x1xf32> to vector<400x64xf32>
    %mul3A_16 = arith.mulf %mul3A, %add3A_15 : vector<400x64xf32>
    %get3A_17 = arith.constant 0 : index
    %get3A_18 = arith.constant 0 : index
    %get3A_19 = vector.load %arg5[%get3A_17, %get3A_18] : memref<1x64xf32, #tpu.memory_space<vmem>>, vector<1x64xf32>
    %add3A_20 = vector.broadcast %get3A_19 : vector<1x64xf32> to vector<400x64xf32>
    %add3A_21 = arith.addf %mul3A_16, %add3A_20 : vector<400x64xf32>
    %swap3A = arith.constant 0 : index
    %swap3A_22 = arith.constant 0 : index
    %swap3A_23 = vector.load %arg6[%swap3A, %swap3A_22] : memref<400x64xf32, #tpu.memory_space<vmem>>, vector<400x64xf32>
    tpu.vector_store %arg6[%swap3A, %swap3A_22], %add3A_21 {strides = array<i32>} : memref<400x64xf32, #tpu.memory_space<vmem>>, vector<400x64xf32>,
    return
  }
  func.func @transform_0(%arg0: i32) -> (i32, i32, i32) {
    %c0_i32 = arith.constant 0 : i32
    %c0_i32_0 = arith.constant 0 : i32
    %c0_i32_1 = arith.constant 0 : i32
    return %c0_i32, %arg0, %c0_i32_0 : i32, i32, i32
  }
  func.func @transform_1(%arg0: i32) -> (i32, i32, i32) {
    %c1_i32 = arith.constant 1 : i32
    %c0_i32 = arith.constant 0 : i32
    %c0_i32_0 = arith.constant 0 : i32
    return %c1_i32, %arg0, %c0_i32 : i32, i32, i32
  }
  func.func @transform_2(%arg0: i32) -> (i32, i32) {
    %c0_i32 = arith.constant 0 : i32
    %c0_i32_0 = arith.constant 0 : i32
    return %arg0, %c0_i32 : i32, i32
  }
  func.func @transform_3(%arg0: i32) -> (i32, i32) {
    %c0_i32 = arith.constant 0 : i32
    %c0_i32_0 = arith.constant 0 : i32
    return %arg0, %c0_i32 : i32, i32
  }
  func.func @transform_4(%arg0: i32) -> (i32, i32) {
    %c0_i32 = arith.constant 0 : i32
    %c0_i32_0 = arith.constant 0 : i32
    %c0_i32_1 = arith.constant 0 : i32
    return %c0_i32, %c0_i32_0 : i32, i32
  }
  func.func @transform_5(%arg0: i32) -> (i32, i32) {
    %c0_i32 = arith.constant 0 : i32
    %c0_i32_0 = arith.constant 0 : i32
    return %arg0, %c0_i32 : i32, i32
  }
}

</mosaic_0001>

<sc_bundles>
// kernel: kernel.11.cloned.1.call-start
scs
__scs_entry_jumppad:
0x0: {  	(pc) =	sbr.rel $0x88, $3  }
0x1: {  	(tag) =	ssettag $0x0;
	lr =	simm.s32 $0x1  }
0x2: {  	[smem:$0x3F98] =	sst lr;
	_ =	strace $0xD0000000  }
0x3: {  	_ = 	snop  }
0x4: {  	_ = 	snop  }
0x5: {  	_ = 	snop  }
0x6: {  	_ = 	snop  }
0x7: {  	_ = 	snop  }
__scs_overlays_trampoline_lowered:
0x8: {  	[smem:$0x3FA7] =	sst s0  }
0x9: {  	[smem:$0x3FA8] =	sst s1  }
0xa: {  	[smem:$0x3FA9] =	sst s2  }
0xb: {  	[smem:$0x3FAA] =	sst s3  }
0xc: {  	[smem:$0x3FAB] =	sst s4  }
0xd: {  	[smem:$0x3FAC] =	sst s5  }
0xe: {  	[smem:$0x3FAD] =	sst s6  }
0xf: {  	[smem:$0x3FAE] =	sst s7  }
0x10: {  	[smem:$0x3FAF] =	sst s8  }
0x11: {  	[smem:$0x3FB0] =	sst s9;
	s0 =	simm.s32 @!p0 $0x0  }
0x12: {  	s1 =	sld [smem:$0x3F96];
	s0 =	simm.s32 @p0 $0x1  }
0x13: {  	[smem:$0x3FB1] =	sst s0;
	s0 =	simm.s32 @!p1 $0x0  }
0x14: {  	s2 =	sld [smem:$0x3F95];
	s0 =	simm.s32 @p1 $0x1  }
0x15: {  	[smem:$0x3FB2] =	sst s0;
	s0 =	simm.s32 @!p2 $0x0  }
0x16: {  	s3 =	sld [smem:$0x3FDB];
	s0 =	simm.s32 @p2 $0x1  }
0x17: {  	s4 =	simm.s32 $0x1BF5;
	[smem:$0x3FB4] =	sst s0  }
0x18: {  	s0 =	sld [smem:$0x3F97];
	_ =	swait.ge [sflag:s4], $0x0  }
0x19: {  	s7 =	sld [smem:$0x3F98]  }
0x1a: {  	s8 =	sadd.s32 $0xFFFFE003, lr  }
0x1b: {  	s9 =	sadd.s32 $0xFFFFFEF7, lr;
	s5 =	simm.s32 $0xFFFFFFFF;
	p2 =	slt.u32 s8, $0xFFFFF086  }
0x1c: {  	p1 =	slt.u32 s9, $0xF7A;
	s5 =	simm.s32 @!p2 $0x0  }
0x1d: {  	s5 =	simm.s32 @p1 $0x1;
	p0 =	seq.s32 s7, s2  }
0x1e: {  	s7 =	smul.u32 @!p0 $0xF7A, s2;
	p2 =	seq.s32 @!p0 s5, $0x0  }
0x1f: {  	s9 =	smul.u32 $0xF7A, s1;
	s8 =	simm.s32 @!p0 $0x1BF5;
	p2 =	por !p2, p0  }
0x20: {  	[sflag:s8] =	ssyncset.s32 @!p0 $0xFFFFF086;
	s6 =	sadd.s32 @!p0 s3, s7;
	s7 =	simm.s32 @!p0 $0x108  }
0x21: {  	s3 =	sadd.s32 s3, s9;
	s6 =	sadd.s32 @!p0 $0x88, s6;
	s7 =	simm.s32 @p2 $0x1082  }
0x22: {  	[simem:s7], [sflag:s8] =	dma.local @!p0 [hbm:s6], $0xF7A  }
0x23: {  	s9 =	sor.u32 $0xD0000000, s2;
	s6 =	simm.s32 $0x108;
	_ =	swait.ge @!p0 [sflag:s8], $0x0  }
0x24: {  	s3 =	sadd.s32 $0x88, s3;
	s6 =	simm.s32 @!p1 $0x1082;
	[sflag:s4] =	ssyncset.s32 $0xFFFFF086  }
0x25: {  	[simem:s6], [sflag:s4] =	dma.local [hbm:s3], $0xF7A  }
0x26: {  	[smem:$0x3F98] =	sst s1;
	(tag) =	ssettag s2;
	_ =	strace s9  }
0x27: {  	s1 =	sld [smem:$0x3FA8]  }
0x28: {  	s2 =	sld [smem:$0x3FA9]  }
0x29: {  	s4 =	sld [smem:$0x3FAB]  }
0x2a: {  	p0 =	seq.s32 s5, $0x0;
	s5 =	sld [smem:$0x3FAC]  }
0x2b: {  	s6 =	sld [smem:$0x3FAD]  }
0x2c: {  	s7 =	sld [smem:$0x3FAE]  }
0x2d: {  	s3 =	simm.s32 $0x108;
	s8 =	sld [smem:$0x3FAF]  }
0x2e: {  	s3 =	simm.s32 @!p0 $0x1082;
	s9 =	sld [smem:$0x3FB0]  }
0x2f: {  	lr =	sadd.s32 s0, s3;
	s0 =	sld [smem:$0x3FA7]  }
0x30: {  	s3 =	sld [smem:$0x3FAA]  }
0x31: {  	[smem:$0x3FB3] =	sst s10  }
0x32: {  	s10 =	sld [smem:$0x3FB1];
	_ =	sdelay $0x3  }
0x33: {  	p0 =	seq.s32 s10, $0x1;
	s10 =	sld [smem:$0x3FB3];
	_ =	sdelay $0x3  }
0x34: {  	[smem:$0x3FB3] =	sst s10  }
0x35: {  	s10 =	sld [smem:$0x3FB2];
	_ =	sdelay $0x3  }
0x36: {  	p1 =	seq.s32 s10, $0x1;
	s10 =	sld [smem:$0x3FB3];
	_ =	sdelay $0x3  }
0x37: {  	[smem:$0x3FB3] =	sst s10  }
0x38: {  	s10 =	sld [smem:$0x3FB4]  }
0x39: {  	_ = 	snop;
	(pc) =	sbr.ind lr, $3  }
0x3a: {  	_ = 	snop  }
0x3b: {  	_ = 	snop  }
0x3c: {  	p2 =	seq.s32 s10, $0x1;
	s10 =	sld [smem:$0x3FB3]  }
0x3d: {  	_ =	shalt  }
0x3e: {  	_ =	shalt  }
0x3f: {  	_ =	shalt  }
0x40: {  	_ =	shalt  }
0x41: {  	_ =	shalt  }
0x42: {  	_ =	shalt  }
0x43: {  	_ =	shalt  }
0x44: {  	_ =	shalt  }
0x45: {  	_ =	shalt  }
0x46: {  	_ =	shalt  }
0x47: {  	_ =	shalt  }
0x48: {  	_ =	shalt  }
0x49: {  	_ =	shalt  }
0x4a: {  	_ =	shalt  }
0x4b: {  	_ =	shalt  }
0x4c: {  	_ =	shalt  }
0x4d: {  	_ =	shalt  }
0x4e: {  	_ =	shalt  }
0x4f: {  	_ =	shalt  }
0x50: {  	_ =	shalt  }
0x51: {  	_ =	shalt  }
0x52: {  	_ =	shalt  }
0x53: {  	_ =	shalt  }
0x54: {  	_ =	shalt  }
0x55: {  	_ =	shalt  }
0x56: {  	_ =	shalt  }
0x57: {  	_ =	shalt  }
0x58: {  	_ =	shalt  }
0x59: {  	_ =	shalt  }
0x5a: {  	_ =	shalt  }
0x5b: {  	_ =	shalt  }
0x5c: {  	_ =	shalt  }
0x5d: {  	_ =	shalt  }
0x5e: {  	_ =	shalt  }
0x5f: {  	_ =	shalt  }
0x60: {  	_ =	shalt  }
0x61: {  	_ =	shalt  }
0x62: {  	_ =	shalt  }
0x63: {  	_ =	shalt  }
0x64: {  	_ =	shalt  }
0x65: {  	_ =	shalt  }
0x66: {  	_ =	shalt  }
0x67: {  	_ =	shalt  }
0x68: {  	_ =	shalt  }
0x69: {  	_ =	shalt  }
0x6a: {  	_ =	shalt  }
0x6b: {  	_ =	shalt  }
0x6c: {  	_ =	shalt  }
0x6d: {  	_ =	shalt  }
0x6e: {  	_ =	shalt  }
0x6f: {  	_ =	shalt  }
0x70: {  	_ =	shalt  }
0x71: {  	_ =	shalt  }
0x72: {  	_ =	shalt  }
0x73: {  	_ =	shalt  }
0x74: {  	_ =	shalt  }
0x75: {  	_ =	shalt  }
0x76: {  	_ =	shalt  }
0x77: {  	_ =	shalt  }
0x78: {  	_ =	shalt  }
0x79: {  	_ =	shalt  }
0x7a: {  	_ =	shalt  }
0x7b: {  	_ =	shalt  }
0x7c: {  	_ =	shalt  }
0x7d: {  	_ =	shalt  }
0x7e: {  	_ =	shalt  }
0x7f: {  	_ =	shalt  }
0x80: {  	_ =	shalt  }
0x81: {  	_ =	shalt  }
0x82: {  	_ =	shalt  }
0x83: {  	_ =	shalt  }
0x84: {  	_ =	shalt  }
0x85: {  	_ =	shalt  }
0x86: {  	_ =	shalt  }
0x87: {  	_ =	shalt  }
.Lfunc_end0:
.L_simem_size_0:
called_computation.1_lowered:
.L_overlay_start_0:
0x88: {  	s2 =	sld [smem:$0x3FD9]  }
0x89: {  	s3 =	sld [smem:$0x3FFE];
	_ =	sdelay $0x1  }
0x8a: {  	s1 =	srdreg.scid  }
0x8b: {  	s0 =	sand.u32 $0x1, s1  }
0x8c: {  	s17 =	sshll.u32 s0, $0xA;
	s2 =	sadd.s32 s3, s2  }
0x8d: {  	s2 =	sadd.s32 s2, s17  }
0x8e: {  	[smem:$0x3FBF] =	sst s2  }
0x8f: {  	_ = 	snop  }
0x90: {  	s2 =	sld [smem:$0x3FD0];
	(tm) =	ssettm $0x1  }
0x91: {  	s18 =	sld [smem:$0x3FFB];
	_ =	sdelay $0x3  }
0x92: {  	_ =	strace s18  }
0x93: {  	s3 =	sld [smem:$0x3FFC];
	_ =	sdelay $0x3  }
0x94: {  	_ =	strace s3  }
0x95: {  	s3 =	sld [smem:$0x3FFD];
	_ =	sdelay $0x3  }
0x96: {  	_ =	strace s3  }
0x97: {  	_ =	strace $0x8FFFFFFF  }
0x98: {  	s19 =	sld [smem:$0x3FDB];
	_ =	sdelay $0x1  }
0x99: {  	s4 =	simm.s32 $_scs_section_size  }
0x9a: {  	s5 =	simm.s32 $_size__tile_overlayer_lowered;
	s6 =	simm.s32 $_tile_overlayer_lowered  }
0x9b: {  	s22 =	simm.s32 $0x1BFF;
	s21 =	sshll.u32 s6, $0x1;
	s3 =	sadd.s32 s4, s19  }
0x9c: {  	s7 =	simm.s32 $0x0;
	s20 =	sshll.u32 s5, $0x1;
	s5 =	sadd.s32 s21, s3  }
0x9d: {  	[timem:s7], [sflag:s22] =	dma.local [hbm:s5], s20  }
0x9e: {  	_ =	swait.ge [sflag:s22], s20  }
0x9f: {  	s4 =	ssub.s32 $0x0, s20;
	[sflag:s22] =	ssyncset.done $0x0  }
0xa0: {  	[sflag:s22] =	ssyncadd.s32 s4;
	_ =	sdelay $0x1  }
0xa1: {  	s23 =	simm.s32 $0x1B8B  }
0xa2: {  	_ =	swait.ge [sflag:s23], $0x1  }
0xa3: {  	[sflag:s23] =	ssyncset.done $0x0  }
0xa4: {  	s25 =	simm.s32 $0x1B8E;
	s24 =	sld [smem:$0x3FFE];
	[sflag:s23] =	ssyncadd.s32 $0xFFFFFFFF  }
0xa5: {  	s26 =	simm.s32 $execute0_lowered;
	[smem:$0x3FD2] =	sst s25  }
0xa6: {  	s5 =	sshll.u32 s26, $0x1;
	_ =	strace $0x80000049;
	[dreg:$0x1] =	wrdreg $0xFFFFFFFF  }
0xa7: {  	s28 =	simm.s32 $_size_execute0_lowered;
	s3 =	sadd.s32 s3, s5;
	[dreg:$0x0] =	wrdreg $0x0  }
0xa8: {  	s5 =	sshll.u32 s28, $0x1;
	[dreg:$0x2] =	wrdreg s3  }
0xa9: {  	[dreg:$0x3] =	wrdreg s5  }
0xaa: {  	[dreg:$0x4] =	wrdreg $0xC0  }
0xab: {  	_ =	task [dreg:s7], $0x5FFFF  }
0xac: {  	[dreg:$0x1] =	wrdreg $0xFFFFFFFF  }
0xad: {  	[dreg:$0x0] =	wrdreg $0x60  }
0xae: {  	[dreg:$0x2] =	wrdreg s2  }
0xaf: {  	[dreg:$0x3] =	wrdreg s24  }
0xb0: {  	[dreg:$0x4] =	wrdreg $0xAA000  }
0xb1: {  	[dreg:$0x5] =	wrdreg $0x9  }
0xb2: {  	_ =	task.clear_ibuf [dreg:s7], $0x6FFFF;
	_ =	strace $0x90000049  }
0xb3: {  	s29 =	simm.s32 $0x9;
	_ =	strace $0x8000004B  }
0xb4: {  	_ =	swait.ge [sflag:s29], $0x1  }
0xb5: {  	[sflag:s29] =	ssyncadd.s32 $0xFFFFFFFF  }
0xb6: {  	_ =	strace $0x9000004B  }
0xb7: {  	_ =	sfence  }
0xb8: {  	s30 =	sld [smem:$0x0];
	_ =	sdelay $0x2  }
0xb9: {  	s31 =	sshll.u32 s1, $0xD;
	s1 =	sshrl.u32 s1, $0x2  }
0xba: {  	s3 =	sand.u32 $0x4000, s31;
	s1 =	sadd.s32 s1, s30  }
0xbb: {  	s0 =	sor.u32 s3, s0;
	s1 =	sshll.u32 s1, $0x11  }
0xbc: {  	s0 =	sor.u32 s1, s0  }
0xbd: {  	s0 =	sadd.s32 $0x8F2B, s0  }
0xbe: {  	[sflag:s0] =	ssyncadd.remote.s32 $0x1  }
0xbf: {  	_ =	sfence.sel $0xFFFF  }
0xc0: {  	[dreg:$0x0] =	wrdreg $0xFFFFFFFF;
	(pc) =	sbr.abs _section_cstart, $3  }
0xc1: {  	[dreg:$0x1] =	wrdreg $0xFFFFFFFF  }
0xc2: {  	_ =	task.clear_ibuf [dreg:s7], $0x2FFFF;
	_ =	strace $0x9FFFFFFF  }
0xc3: {  	(tm) =	ssettm $0x7FFFFFFF  }
tec
execute0_lowered:
.L_overlay_start_1:
0x0: {  	(tag) =	ssettag $0x1  }
0x1: {  	s0 =	rddreg [dreg:$0x0]  }
0x2: {  	s5 =	rddreg [dreg:$0x1]  }
0x3: {  	s2 =	rddreg [dreg:$0x2]  }
0x4: {  	s1 =	stileid.u32;
	s4 =	srdreg.scid;
	s3 =	simm.s32 $0x0  }
0x5: {  	s19 =	simm.s32 $0x1500;
	s20 =	simm.s32 $0x80;
	s21 =	simm.s32 $0x2A00  }
0x6: {  	s22 =	simm.s32 $0x1;
	s28 =	simm.s32 $0x2980;
	s6 =	smul.u32 $0x14000, s1  }
0x7: {  	s29 =	simm.s32 $0x0;
	s7 =	sand.u32 $0x1, s4;
	s24 =	smul.u32 $0x3E00, s1  }
0x8: {  	[smem:$0x7FF] =	sst s3;
	s14 =	sadd.s32 $0x2000, s5;
	s26 =	smul.u32 $0x7C0, s1  }
0x9: {  	s4 =	sadd.s32 $0xBE00, s5;
	s25 =	sshll.u32 s1, $0x6;
	s30 =	smul.u32 $0x1100, s1  }
0xa: {  	s8 =	smul.u32 $0x140000, s7;
	_ =	strace $0x8000004A;
	s10 =	ssub.s32 $0x2, s7  }
0xb: {  	p0 =	seq.s32 s7, $0x1;
	s9 =	sshrl.u32 s6, $0x3;
	s23 =	sshrl.u32 s10, $0x1  }
0xc: {  	s17 =	sadd.s32 s6, s2;
	s11 =	sshrl.u32 s24, $0x3;
	s7 =	sadd.s32 s0, s26  }
0xd: {  	s13 =	sshrl.u32 s30, $0x3;
	s24 =	simm.s32 $0x2;
	s8 =	sadd.s32 s6, s8  }
0xe: {  	s9 =	sadd.s32 s9, s5;
	s16 =	ssub.s32 s10, s23;
	s6 =	sor.u32 $0x1C03, s25  }
0xf: {  	s12 =	sadd.s32 $0x2A0, s11;
	s31 =	sadd.s32 $0x540, s11;
	s18 =	sadd.s32 $0x7C00, s13  }
0x10: {  	s17 =	sshrl.u32 s17, $0x3;
	s23 =	simm.s32 $0x6A00;
	s25 =	simm.s32 $0x1480  }
.Ltmp0:
0x11: {  	s8 =	sshrl.u32 s8, $0x3;
	s10 =	sadd.s32 s14, s12;
	(pc) =	sbr.rel .LBB2_1-.Ltmp0, $4  }
0x12: {  	s11 =	sadd.s32 s0, s31;
	s13 =	sadd.s32 s0, s18;
	s16 =	smax.u32 s16, $0x1  }
0x13: {  	s15 =	sadd.s32 s8, s5;
	s5 =	sadd.s32 $0x33000, s9;
	s8 =	sadd.s32 s14, s26  }
0x14: {  	s9 =	sadd.s32 s0, s12;
	s12 =	sadd.s32 s14, s31;
	s14 =	sadd.s32 s14, s18  }
0x15: {  	s18 =	simm.s32 $0x3;
	s26 =	simm.s32 $0x2900;
	s15 =	sadd.s32 $0x5B000, s15  }
.LBB2_12:
0x16: {  	_ =	swait.ge [sflag:s22], $0x4000  }
0x17: {  	[sflag:s22] =	ssyncset.done $0x0  }
0x18: {  	[sflag:s22] =	ssyncadd.s32 $0xFFFFC000  }
0x19: {  	[tilespmem:s23], [sflag:$0x2] =	stream.indirect.gather [hbm4b:s4+s20], $0x80, s0, s20, $0xb8;
	[tilespmem:$0x1EA00] =	vst v63  }
0x1a: {  	_ = 	snop  }
0x1b: {  	[spmem:s2] =	stream.indirect.scatter.add.f32 [tilespmem:s21], [sflag:$0x3], $0x80, s31, s20, $0xb8;
	[tilespmem:$0x1EA00] =	vst v63  }
0x1c: {  	_ =	swait.ge [sflag:s18], $0x4000  }
0x1d: {  	[sflag:s18] =	ssyncset.done $0x0  }
0x1e: {  	[sflag:s18] =	ssyncadd.s32 $0xFFFFC000  }
0x1f: {  	_ =	swait.ge [sflag:s24], $0x4000  }
0x20: {  	[sflag:s24] =	ssyncset.done $0x0  }
0x21: {  	[sflag:s24] =	ssyncadd.s32 $0xFFFFC000  }
0x22: {  	[tilespmem:s21], [sflag:$0x1] =	stream.indirect.gather [hbm4b:s4+s20], $0x80, s3, s20, $0xb8;
	[tilespmem:$0x1EA00] =	vst v63  }
0x23: {  	_ = 	snop  }
0x24: {  	[spmem:s2] =	stream.indirect.scatter.add.f32 [tilespmem:s23], [sflag:$0x3], $0x80, s30, s20, $0xb8;
	[tilespmem:$0x1EA00] =	vst v63  }
0x25: {  	_ =	swait.ge [sflag:s18], $0x4000  }
0x26: {  	[sflag:s18] =	ssyncset.done $0x0  }
0x27: {  	[sflag:s18] =	ssyncadd.s32 $0xFFFFC000  }
0x28: {  	_ =	swait.ge [sflag:s22], $0x4000  }
0x29: {  	s29 =	sadd.s32 $0x1, s29;
	[sflag:s22] =	ssyncset.done $0x0  }
0x2a: {  	p1 =	sne.s32 s29, s16;
	[sflag:s22] =	ssyncadd.s32 $0xFFFFC000  }
.Ltmp1:
0x2b: {  	[bflag:$0x0] =	sbarrier.arrive $0xFFFF;
	(pc) =	sbr.rel @!p1 .LBB2_13-.Ltmp1, $4  }
0x2c: {  	[hbm:s15], [sflag:s6] =	dma.local [spmem:s17], $0x2800  }
0x2d: {  	_ =	swait.ge [sflag:s18], $0x2800  }
0x2e: {  	[sflag:s18] =	ssyncset.done $0x0  }
0x2f: {  	[sflag:s18] =	ssyncadd.s32 $0xFFFFD800  }
.LBB2_1:
0x30: {  	[spmem:s17], [sflag:s6] =	dma.local [hbm:s5], $0x2800  }
.Ltmp2:
0x31: {  	_ =	swait.ge [sflag:s18], $0x2800;
	(pc) =	sbr.rel @!p0 .LBB2_2-.Ltmp2, $3  }
0x32: {  	[sflag:s18] =	ssyncset.done $0x0  }
0x33: {  	[sflag:s18] =	ssyncadd.s32 $0xFFFFD800  }
0x34: {  	[bflag:$0x0] =	sbarrier.arrive $0xFFFF;
	_ =	sdelay $0x1  }
0x35: {  	s30 =	simm.s32 $0x0  }
0x36: {  	[tilespmem:s30], [sflag:$0x3] =	stream.linear.gather [hbm4b:s13+s30], $0x1100, $0x38;
	[tilespmem:$0x1EA00] =	vst v63  }
0x37: {  	_ =	swait.ge [sflag:s18], $0x1100  }
0x38: {  	[sflag:s18] =	ssyncset.done $0x0  }
0x39: {  	[sflag:s18] =	ssyncadd.s32 $0xFFFFEF00  }
0x3a: {  	[tilespmem:s19], [sflag:$0x3] =	stream.linear.gather [hbm4b:s14+s30], $0x1100, $0x38;
	[tilespmem:$0x1EA00] =	vst v63  }
0x3b: {  	_ =	swait.ge [sflag:s18], $0x1100  }
0x3c: {  	[sflag:s18] =	ssyncset.done $0x0  }
0x3d: {  	[sflag:s18] =	ssyncadd.s32 $0xFFFFEF00  }
0x3e: {  	[tilespmem:s21], [sflag:$0x1] =	stream.indirect.gather [hbm4b:s4+s20], $0x80, s30, s20, $0xb8;
	[tilespmem:$0x1EA00] =	vst v63  }
.LBB2_10:
0x3f: {  	_ =	swait.ge [sflag:s22], $0x4000  }
0x40: {  	s0 =	sshra.s32 s30, $0x2;
	[sflag:s22] =	ssyncset.done $0x0  }
0x41: {  	s31 =	sadd.s32 $0x80, s0;
	[sflag:s22] =	ssyncadd.s32 $0xFFFFC000  }
0x42: {  	[tilespmem:s23], [sflag:$0x2] =	stream.indirect.gather [hbm4b:s4+s20], $0x80, s31, s20, $0xb8;
	[tilespmem:$0x1EA00] =	vst v63  }
0x43: {  	s31 =	sadd.s32 $0x1500, s0  }
0x44: {  	[spmem:s2] =	stream.indirect.scatter.add.f32 [tilespmem:s21], [sflag:$0x3], $0x80, s31, s20, $0xb8;
	[tilespmem:$0x1EA00] =	vst v63  }
0x45: {  	_ =	swait.ge [sflag:s18], $0x4000  }
0x46: {  	[sflag:s18] =	ssyncset.done $0x0  }
0x47: {  	[sflag:s18] =	ssyncadd.s32 $0xFFFFC000  }
0x48: {  	_ =	swait.ge [sflag:s24], $0x4000  }
0x49: {  	[sflag:s24] =	ssyncset.done $0x0  }
0x4a: {  	p1 =	sne.s32 s30, $0x3C00;
	s31 =	sadd.s32 $0x100, s0;
	[sflag:s24] =	ssyncadd.s32 $0xFFFFC000  }
0x4b: {  	[tilespmem:s21], [sflag:$0x1] =	stream.indirect.gather [hbm4b:s4+s20], $0x80, s31, s20, $0xb8;
	[tilespmem:$0x1EA00] =	vst v63  }
.Ltmp3:
0x4c: {  	s0 =	sadd.s32 $0x1580, s0;
	(pc) =	sbr.rel @p1 .LBB2_10-.Ltmp3, $4  }
0x4d: {  	[spmem:s2] =	stream.indirect.scatter.add.f32 [tilespmem:s23], [sflag:$0x3], $0x80, s0, s20, $0xb8;
	[tilespmem:$0x1EA00] =	vst v63  }
0x4e: {  	_ =	swait.ge [sflag:s18], $0x4000  }
0x4f: {  	[sflag:s18] =	ssyncset.done $0x0  }
0x50: {  	s30 =	sadd.s32 $0x400, s30;
	[sflag:s18] =	ssyncadd.s32 $0xFFFFC000  }
.Ltmp4:
0x51: {  	(pc) =	sbr.rel .LBB2_12-.Ltmp4, $2  }
0x52: {  	_ =	sdelay $0x2  }
0x53: {  	s30 =	simm.s32 $0x2580;
	s31 =	simm.s32 $0x2500;
	s0 =	simm.s32 $0x1080  }
.LBB2_2:
0x54: {  	s0 =	simm.s32 $0x0  }
0x55: {  	[tilespmem:s0], [sflag:$0x3] =	stream.linear.gather [hbm4b:s7+s0], $0x1500, $0x38;
	[tilespmem:$0x1EA00] =	vst v63  }
0x56: {  	_ =	swait.ge [sflag:s18], $0x1500  }
0x57: {  	[sflag:s18] =	ssyncset.done $0x0  }
0x58: {  	[sflag:s18] =	ssyncadd.s32 $0xFFFFEB00  }
0x59: {  	[tilespmem:s19], [sflag:$0x3] =	stream.linear.gather [hbm4b:s8+s0], $0x1500, $0x38;
	[tilespmem:$0x1EA00] =	vst v63  }
0x5a: {  	_ =	swait.ge [sflag:s18], $0x1500  }
0x5b: {  	[sflag:s18] =	ssyncset.done $0x0  }
0x5c: {  	[sflag:s18] =	ssyncadd.s32 $0xFFFFEB00  }
0x5d: {  	[tilespmem:s21], [sflag:$0x1] =	stream.indirect.gather [hbm4b:s4+s20], $0x80, s0, s20, $0xb8;
	[tilespmem:$0x1EA00] =	vst v63  }
0x5e: {  	_ =	swait.ge [sflag:s22], $0x4000  }
0x5f: {  	[sflag:s22] =	ssyncset.done $0x0  }
0x60: {  	s31 =	simm.s32 $0x80;
	[sflag:s22] =	ssyncadd.s32 $0xFFFFC000  }
0x61: {  	[tilespmem:s23], [sflag:$0x2] =	stream.indirect.gather [hbm4b:s4+s20], $0x80, s31, s20, $0xb8;
	[tilespmem:$0x1EA00] =	vst v63  }
0x62: {  	s31 =	simm.s32 $0x1500  }
0x63: {  	[spmem:s2] =	stream.indirect.scatter.add.f32 [tilespmem:s21], [sflag:$0x3], $0x80, s31, s20, $0xb8;
	[tilespmem:$0x1EA00] =	vst v63  }
0x64: {  	_ =	swait.ge [sflag:s18], $0x4000  }
0x65: {  	[sflag:s18] =	ssyncset.done $0x0  }
0x66: {  	[sflag:s18] =	ssyncadd.s32 $0xFFFFC000  }
0x67: {  	_ =	swait.ge [sflag:s24], $0x4000  }
0x68: {  	[sflag:s24] =	ssyncset.done $0x0  }
0x69: {  	s31 =	simm.s32 $0x100;
	[sflag:s24] =	ssyncadd.s32 $0xFFFFC000  }
0x6a: {  	[tilespmem:s21], [sflag:$0x1] =	stream.indirect.gather [hbm4b:s4+s20], $0x80, s31, s20, $0xb8;
	[tilespmem:$0x1EA00] =	vst v63  }
0x6b: {  	s31 =	simm.s32 $0x1580  }
0x6c: {  	[spmem:s2] =	stream.indirect.scatter.add.f32 [tilespmem:s23], [sflag:$0x3], $0x80, s31, s20, $0xb8;
	[tilespmem:$0x1EA00] =	vst v63  }
0x6d: {  	_ =	swait.ge [sflag:s18], $0x4000  }
0x6e: {  	s30 =	simm.s32 $0x400;
	[sflag:s18] =	ssyncset.done $0x0  }
.LBB2_3:
0x6f: {  	p1 =	sne.s32 s30, $0x4C00  }
0x70: {  	[sflag:s18] =	ssyncadd.s32 $0xFFFFC000;
	s0 =	smov.u32 s30;
	s30 =	sadd.s32 $0x400, s30  }
0x71: {  	_ = 	snop  }
0x72: {  	_ =	swait.ge [sflag:s22], $0x4000  }
0x73: {  	s0 =	sshra.s32 s0, $0x2;
	[sflag:s22] =	ssyncset.done $0x0  }
0x74: {  	s31 =	sadd.s32 $0x80, s0;
	[sflag:s22] =	ssyncadd.s32 $0xFFFFC000  }
0x75: {  	[tilespmem:s23], [sflag:$0x2] =	stream.indirect.gather [hbm4b:s4+s20], $0x80, s31, s20, $0xb8;
	[tilespmem:$0x1EA00] =	vst v63  }
0x76: {  	s31 =	sadd.s32 $0x1500, s0  }
0x77: {  	[spmem:s2] =	stream.indirect.scatter.add.f32 [tilespmem:s21], [sflag:$0x3], $0x80, s31, s20, $0xb8;
	[tilespmem:$0x1EA00] =	vst v63  }
0x78: {  	_ =	swait.ge [sflag:s18], $0x4000  }
0x79: {  	[sflag:s18] =	ssyncset.done $0x0  }
0x7a: {  	[sflag:s18] =	ssyncadd.s32 $0xFFFFC000  }
0x7b: {  	_ =	swait.ge [sflag:s24], $0x4000  }
0x7c: {  	[sflag:s24] =	ssyncset.done $0x0  }
0x7d: {  	s31 =	sadd.s32 $0x100, s0;
	[sflag:s24] =	ssyncadd.s32 $0xFFFFC000  }
0x7e: {  	[tilespmem:s21], [sflag:$0x1] =	stream.indirect.gather [hbm4b:s4+s20], $0x80, s31, s20, $0xb8;
	[tilespmem:$0x1EA00] =	vst v63  }
.Ltmp5:
0x7f: {  	_ = 	snop;
	(pc) =	sbr.rel @p1 .LBB2_3-.Ltmp5, $4  }
0x80: {  	s0 =	sadd.s32 $0x1580, s0  }
0x81: {  	[spmem:s2] =	stream.indirect.scatter.add.f32 [tilespmem:s23], [sflag:$0x3], $0x80, s0, s20, $0xb8;
	[tilespmem:$0x1EA00] =	vst v63  }
0x82: {  	_ =	swait.ge [sflag:s18], $0x4000  }
0x83: {  	[sflag:s18] =	ssyncset.done $0x0  }
0x84: {  	[sflag:s18] =	ssyncadd.s32 $0xFFFFC000  }
0x85: {  	_ =	swait.ge [sflag:s22], $0x4000  }
0x86: {  	[sflag:s22] =	ssyncset.done $0x0  }
0x87: {  	[sflag:s22] =	ssyncadd.s32 $0xFFFFC000  }
0x88: {  	[tilespmem:s23], [sflag:$0x2] =	stream.indirect.gather [hbm4b:s4+s20], $0x80, s25, s20, $0xb8;
	[tilespmem:$0x1EA00] =	vst v63  }
0x89: {  	_ = 	snop  }
0x8a: {  	[spmem:s2] =	stream.indirect.scatter.add.f32 [tilespmem:s21], [sflag:$0x3], $0x80, s26, s20, $0xb8;
	[tilespmem:$0x1EA00] =	vst v63  }
0x8b: {  	_ =	swait.ge [sflag:s18], $0x4000  }
0x8c: {  	[sflag:s18] =	ssyncset.done $0x0  }
0x8d: {  	[sflag:s18] =	ssyncadd.s32 $0xFFFFC000  }
0x8e: {  	_ =	swait.ge [sflag:s24], $0x4000  }
0x8f: {  	[sflag:s24] =	ssyncset.done $0x0  }
0x90: {  	s0 =	simm.s32 $0x0;
	[sflag:s24] =	ssyncadd.s32 $0xFFFFC000  }
0x91: {  	[tilespmem:s21], [sflag:$0x1] =	stream.indirect.gather [hbm4b:s4+s20], $0x80, s0, s20, $0xb8;
	[tilespmem:$0x1EA00] =	vst v63  }
0x92: {  	_ = 	snop  }
0x93: {  	[spmem:s2] =	stream.indirect.scatter.add.f32 [tilespmem:s23], [sflag:$0x3], $0x80, s28, s20, $0xb8;
	[tilespmem:$0x1EA00] =	vst v63  }
0x94: {  	_ =	swait.ge [sflag:s18], $0x4000  }
0x95: {  	[sflag:s18] =	ssyncset.done $0x0  }
0x96: {  	[sflag:s18] =	ssyncadd.s32 $0xFFFFC000  }
0x97: {  	_ =	swait.ge [sflag:s22], $0x4000  }
0x98: {  	[sflag:s22] =	ssyncset.done $0x0  }
0x99: {  	[sflag:s22] =	ssyncadd.s32 $0xFFFFC000  }
0x9a: {  	[tilespmem:s0], [sflag:$0x3] =	stream.linear.gather [hbm4b:s9+s0], $0x1500, $0x38;
	[tilespmem:$0x1EA00] =	vst v63  }
0x9b: {  	_ =	swait.ge [sflag:s18], $0x1500  }
0x9c: {  	[sflag:s18] =	ssyncset.done $0x0  }
0x9d: {  	[sflag:s18] =	ssyncadd.s32 $0xFFFFEB00  }
0x9e: {  	[tilespmem:s19], [sflag:$0x3] =	stream.linear.gather [hbm4b:s10+s0], $0x1500, $0x38;
	[tilespmem:$0x1EA00] =	vst v63  }
0x9f: {  	_ =	swait.ge [sflag:s18], $0x1500  }
0xa0: {  	[sflag:s18] =	ssyncset.done $0x0  }
0xa1: {  	[sflag:s18] =	ssyncadd.s32 $0xFFFFEB00  }
0xa2: {  	[tilespmem:s21], [sflag:$0x1] =	stream.indirect.gather [hbm4b:s4+s20], $0x80, s0, s20, $0xb8;
	[tilespmem:$0x1EA00] =	vst v63  }
0xa3: {  	_ =	swait.ge [sflag:s22], $0x4000  }
0xa4: {  	[sflag:s22] =	ssyncset.done $0x0  }
0xa5: {  	s31 =	simm.s32 $0x80;
	[sflag:s22] =	ssyncadd.s32 $0xFFFFC000  }
0xa6: {  	[tilespmem:s23], [sflag:$0x2] =	stream.indirect.gather [hbm4b:s4+s20], $0x80, s31, s20, $0xb8;
	[tilespmem:$0x1EA00] =	vst v63  }
0xa7: {  	s31 =	simm.s32 $0x1500  }
0xa8: {  	[spmem:s2] =	stream.indirect.scatter.add.f32 [tilespmem:s21], [sflag:$0x3], $0x80, s31, s20, $0xb8;
	[tilespmem:$0x1EA00] =	vst v63  }
0xa9: {  	_ =	swait.ge [sflag:s18], $0x4000  }
0xaa: {  	[sflag:s18] =	ssyncset.done $0x0  }
0xab: {  	[sflag:s18] =	ssyncadd.s32 $0xFFFFC000  }
0xac: {  	_ =	swait.ge [sflag:s24], $0x4000  }
0xad: {  	[sflag:s24] =	ssyncset.done $0x0  }
0xae: {  	s31 =	simm.s32 $0x100;
	[sflag:s24] =	ssyncadd.s32 $0xFFFFC000  }
0xaf: {  	[tilespmem:s21], [sflag:$0x1] =	stream.indirect.gather [hbm4b:s4+s20], $0x80, s31, s20, $0xb8;
	[tilespmem:$0x1EA00] =	vst v63  }
0xb0: {  	s31 =	simm.s32 $0x1580  }
0xb1: {  	[spmem:s2] =	stream.indirect.scatter.add.f32 [tilespmem:s23], [sflag:$0x3], $0x80, s31, s20, $0xb8;
	[tilespmem:$0x1EA00] =	vst v63  }
0xb2: {  	_ =	swait.ge [sflag:s18], $0x4000  }
0xb3: {  	s30 =	simm.s32 $0x400;
	[sflag:s18] =	ssyncset.done $0x0  }
.LBB2_5:
0xb4: {  	p1 =	sne.s32 s30, $0x4C00  }
0xb5: {  	[sflag:s18] =	ssyncadd.s32 $0xFFFFC000;
	s0 =	smov.u32 s30;
	s30 =	sadd.s32 $0x400, s30  }
0xb6: {  	_ = 	snop  }
0xb7: {  	_ =	swait.ge [sflag:s22], $0x4000  }
0xb8: {  	s0 =	sshra.s32 s0, $0x2;
	[sflag:s22] =	ssyncset.done $0x0  }
0xb9: {  	s31 =	sadd.s32 $0x80, s0;
	[sflag:s22] =	ssyncadd.s32 $0xFFFFC000  }
0xba: {  	[tilespmem:s23], [sflag:$0x2] =	stream.indirect.gather [hbm4b:s4+s20], $0x80, s31, s20, $0xb8;
	[tilespmem:$0x1EA00] =	vst v63  }
0xbb: {  	s31 =	sadd.s32 $0x1500, s0  }
0xbc: {  	[spmem:s2] =	stream.indirect.scatter.add.f32 [tilespmem:s21], [sflag:$0x3], $0x80, s31, s20, $0xb8;
	[tilespmem:$0x1EA00] =	vst v63  }
0xbd: {  	_ =	swait.ge [sflag:s18], $0x4000  }
0xbe: {  	[sflag:s18] =	ssyncset.done $0x0  }
0xbf: {  	[sflag:s18] =	ssyncadd.s32 $0xFFFFC000  }
0xc0: {  	_ =	swait.ge [sflag:s24], $0x4000  }
0xc1: {  	[sflag:s24] =	ssyncset.done $0x0  }
0xc2: {  	s31 =	sadd.s32 $0x100, s0;
	[sflag:s24] =	ssyncadd.s32 $0xFFFFC000  }
0xc3: {  	[tilespmem:s21], [sflag:$0x1] =	stream.indirect.gather [hbm4b:s4+s20], $0x80, s31, s20, $0xb8;
	[tilespmem:$0x1EA00] =	vst v63  }
.Ltmp6:
0xc4: {  	_ = 	snop;
	(pc) =	sbr.rel @p1 .LBB2_5-.Ltmp6, $4  }
0xc5: {  	s0 =	sadd.s32 $0x1580, s0  }
0xc6: {  	[spmem:s2] =	stream.indirect.scatter.add.f32 [tilespmem:s23], [sflag:$0x3], $0x80, s0, s20, $0xb8;
	[tilespmem:$0x1EA00] =	vst v63  }
0xc7: {  	_ =	swait.ge [sflag:s18], $0x4000  }
0xc8: {  	[sflag:s18] =	ssyncset.done $0x0  }
0xc9: {  	[sflag:s18] =	ssyncadd.s32 $0xFFFFC000  }
0xca: {  	_ =	swait.ge [sflag:s22], $0x4000  }
0xcb: {  	[sflag:s22] =	ssyncset.done $0x0  }
0xcc: {  	[sflag:s22] =	ssyncadd.s32 $0xFFFFC000  }
0xcd: {  	[tilespmem:s23], [sflag:$0x2] =	stream.indirect.gather [hbm4b:s4+s20], $0x80, s25, s20, $0xb8;
	[tilespmem:$0x1EA00] =	vst v63  }
0xce: {  	_ = 	snop  }
0xcf: {  	[spmem:s2] =	stream.indirect.scatter.add.f32 [tilespmem:s21], [sflag:$0x3], $0x80, s26, s20, $0xb8;
	[tilespmem:$0x1EA00] =	vst v63  }
0xd0: {  	_ =	swait.ge [sflag:s18], $0x4000  }
0xd1: {  	[sflag:s18] =	ssyncset.done $0x0  }
0xd2: {  	[sflag:s18] =	ssyncadd.s32 $0xFFFFC000  }
0xd3: {  	_ =	swait.ge [sflag:s24], $0x4000  }
0xd4: {  	[sflag:s24] =	ssyncset.done $0x0  }
0xd5: {  	s30 =	simm.s32 $0x0;
	[sflag:s24] =	ssyncadd.s32 $0xFFFFC000  }
0xd6: {  	[tilespmem:s21], [sflag:$0x1] =	stream.indirect.gather [hbm4b:s4+s20], $0x80, s30, s20, $0xb8;
	[tilespmem:$0x1EA00] =	vst v63  }
0xd7: {  	_ = 	snop  }
0xd8: {  	[spmem:s2] =	stream.indirect.scatter.add.f32 [tilespmem:s23], [sflag:$0x3], $0x80, s28, s20, $0xb8;
	[tilespmem:$0x1EA00] =	vst v63  }
0xd9: {  	_ =	swait.ge [sflag:s18], $0x4000  }
0xda: {  	[sflag:s18] =	ssyncset.done $0x0  }
0xdb: {  	[sflag:s18] =	ssyncadd.s32 $0xFFFFC000  }
0xdc: {  	_ =	swait.ge [sflag:s22], $0x4000  }
0xdd: {  	[sflag:s22] =	ssyncset.done $0x0  }
0xde: {  	[sflag:s22] =	ssyncadd.s32 $0xFFFFC000  }
0xdf: {  	[tilespmem:s30], [sflag:$0x3] =	stream.linear.gather [hbm4b:s11+s30], $0x1400, $0x38;
	[tilespmem:$0x1EA00] =	vst v63  }
0xe0: {  	_ =	swait.ge [sflag:s18], $0x1400  }
0xe1: {  	[sflag:s18] =	ssyncset.done $0x0  }
0xe2: {  	[sflag:s18] =	ssyncadd.s32 $0xFFFFEC00  }
0xe3: {  	[tilespmem:s19], [sflag:$0x3] =	stream.linear.gather [hbm4b:s12+s30], $0x1400, $0x38;
	[tilespmem:$0x1EA00] =	vst v63  }
0xe4: {  	_ =	swait.ge [sflag:s18], $0x1400  }
0xe5: {  	[sflag:s18] =	ssyncset.done $0x0  }
0xe6: {  	[sflag:s18] =	ssyncadd.s32 $0xFFFFEC00  }
0xe7: {  	[tilespmem:s21], [sflag:$0x1] =	stream.indirect.gather [hbm4b:s4+s20], $0x80, s30, s20, $0xb8;
	[tilespmem:$0x1EA00] =	vst v63  }
.LBB2_7:
0xe8: {  	_ =	swait.ge [sflag:s22], $0x4000  }
0xe9: {  	s0 =	sshra.s32 s30, $0x2;
	[sflag:s22] =	ssyncset.done $0x0  }
0xea: {  	s31 =	sadd.s32 $0x80, s0;
	[sflag:s22] =	ssyncadd.s32 $0xFFFFC000  }
0xeb: {  	[tilespmem:s23], [sflag:$0x2] =	stream.indirect.gather [hbm4b:s4+s20], $0x80, s31, s20, $0xb8;
	[tilespmem:$0x1EA00] =	vst v63  }
0xec: {  	s31 =	sadd.s32 $0x1500, s0  }
0xed: {  	[spmem:s2] =	stream.indirect.scatter.add.f32 [tilespmem:s21], [sflag:$0x3], $0x80, s31, s20, $0xb8;
	[tilespmem:$0x1EA00] =	vst v63  }
0xee: {  	_ =	swait.ge [sflag:s18], $0x4000  }
0xef: {  	[sflag:s18] =	ssyncset.done $0x0  }
0xf0: {  	[sflag:s18] =	ssyncadd.s32 $0xFFFFC000  }
0xf1: {  	_ =	swait.ge [sflag:s24], $0x4000  }
0xf2: {  	[sflag:s24] =	ssyncset.done $0x0  }
0xf3: {  	p1 =	seq.s32 s30, $0x4800;
	s31 =	sadd.s32 $0x100, s0;
	[sflag:s24] =	ssyncadd.s32 $0xFFFFC000  }
0xf4: {  	[tilespmem:s21], [sflag:$0x1] =	stream.indirect.gather [hbm4b:s4+s20], $0x80, s31, s20, $0xb8;
	[tilespmem:$0x1EA00] =	vst v63  }
.Ltmp7:
0xf5: {  	s0 =	sadd.s32 $0x1580, s0;
	(pc) =	sbr.rel @!p1 .LBB2_7-.Ltmp7, $4  }
0xf6: {  	[spmem:s2] =	stream.indirect.scatter.add.f32 [tilespmem:s23], [sflag:$0x3], $0x80, s0, s20, $0xb8;
	[tilespmem:$0x1EA00] =	vst v63  }
0xf7: {  	_ =	swait.ge [sflag:s18], $0x4000  }
0xf8: {  	[sflag:s18] =	ssyncset.done $0x0  }
0xf9: {  	s30 =	sadd.s32 $0x400, s30;
	[sflag:s18] =	ssyncadd.s32 $0xFFFFC000  }
.Ltmp8:
0xfa: {  	(pc) =	sbr.rel .LBB2_12-.Ltmp8, $2  }
0xfb: {  	_ =	sdelay $0x2  }
0xfc: {  	s30 =	simm.s32 $0x2880;
	s31 =	simm.s32 $0x2800;
	s0 =	simm.s32 $0x1380  }
.LBB2_13:
0xfd: {  	_ =	sfence.sel $0x180000  }
0xfe: {  	[bflag:$0x0] =	sbarrier.arrive $0xFFFF  }
0xff: {  	_ =	strace $0x9000004A  }
0x100: {  	[bflag:$0x2] =	sbarrier.arrive $0xFFFF  }
0x101: {  	p0 =	sne.s32 s1, $0x0;
	s0 =	rddreg [dreg:$0x3]  }
0x102: {  	s0 =	sadd.s32 @!p0 $0x100000, s0  }
0x103: {  	[sflag:s0] =	ssyncadd.tile.s32 @!p0 $0x1;
	_ =	shalt  }
.Lfunc_end2:
_tile_overlayer_lowered:
.L_overlay_start_2:
0x104: {  	(tag) =	ssettag $0x2  }
0x105: {  	s0 =	rddreg [dreg:$0x0];
	s2 =	stileid.u32  }
0x106: {  	s1 =	rddreg [dreg:$0x1];
	p0 =	sne.s32 s2, $0x0  }
0x107: {  	s3 =	rddreg [dreg:$0x2];
	[bflag:$0x3] =	sbarrier.arrive $0xFFFF;
	s2 =	simm.s32 @!p0 $0x1C03  }
0x108: {  	[timem:s3], [sflag:s2] =	dma.local @!p0 [hbm:s0], s1  }
0x109: {  	s0 =	simm.s32 @!p0 $0x3  }
0x10a: {  	_ =	swait.ge @!p0 [sflag:s0], s1  }
0x10b: {  	s1 =	ssub.s32 @!p0 $0x0, s1;
	[sflag:s0] =	ssyncset.done @!p0 $0x0  }
0x10c: {  	[sflag:s0] =	ssyncadd.s32 @!p0 s1  }
0x10d: {  	[bflag:$0x3] =	sbarrier.arrive $0xFFFF  }
0x10e: {  	_ =	shalt  }

// kernel: kernel.14.cloned.1.call-start
scs
__scs_entry_jumppad:
0x0: {  	(pc) =	sbr.rel $0x88, $3  }
0x1: {  	(tag) =	ssettag $0x0;
	lr =	simm.s32 $0x1  }
0x2: {  	[smem:$0x3F98] =	sst lr;
	_ =	strace $0xD0000000  }
0x3: {  	_ = 	snop  }
0x4: {  	_ = 	snop  }
0x5: {  	_ = 	snop  }
0x6: {  	_ = 	snop  }
0x7: {  	_ = 	snop  }
__scs_overlays_trampoline_lowered:
0x8: {  	[smem:$0x3FA7] =	sst s0  }
0x9: {  	[smem:$0x3FA8] =	sst s1  }
0xa: {  	[smem:$0x3FA9] =	sst s2  }
0xb: {  	[smem:$0x3FAA] =	sst s3  }
0xc: {  	[smem:$0x3FAB] =	sst s4  }
0xd: {  	[smem:$0x3FAC] =	sst s5  }
0xe: {  	[smem:$0x3FAD] =	sst s6  }
0xf: {  	[smem:$0x3FAE] =	sst s7  }
0x10: {  	[smem:$0x3FAF] =	sst s8  }
0x11: {  	[smem:$0x3FB0] =	sst s9;
	s0 =	simm.s32 @!p0 $0x0  }
0x12: {  	s1 =	sld [smem:$0x3F96];
	s0 =	simm.s32 @p0 $0x1  }
0x13: {  	[smem:$0x3FB1] =	sst s0;
	s0 =	simm.s32 @!p1 $0x0  }
0x14: {  	s2 =	sld [smem:$0x3F95];
	s0 =	simm.s32 @p1 $0x1  }
0x15: {  	[smem:$0x3FB2] =	sst s0;
	s0 =	simm.s32 @!p2 $0x0  }
0x16: {  	s3 =	sld [smem:$0x3FDB];
	s0 =	simm.s32 @p2 $0x1  }
0x17: {  	s4 =	simm.s32 $0x1BF5;
	[smem:$0x3FB4] =	sst s0  }
0x18: {  	s0 =	sld [smem:$0x3F97];
	_ =	swait.ge [sflag:s4], $0x0  }
0x19: {  	s7 =	sld [smem:$0x3F98]  }
0x1a: {  	s8 =	sadd.s32 $0xFFFFE003, lr  }
0x1b: {  	s9 =	sadd.s32 $0xFFFFFEF7, lr;
	s5 =	simm.s32 $0xFFFFFFFF;
	p2 =	slt.u32 s8, $0xFFFFF086  }
0x1c: {  	p1 =	slt.u32 s9, $0xF7A;
	s5 =	simm.s32 @!p2 $0x0  }
0x1d: {  	s5 =	simm.s32 @p1 $0x1;
	p0 =	seq.s32 s7, s2  }
0x1e: {  	s7 =	smul.u32 @!p0 $0xF7A, s2;
	p2 =	seq.s32 @!p0 s5, $0x0  }
0x1f: {  	s9 =	smul.u32 $0xF7A, s1;
	s8 =	simm.s32 @!p0 $0x1BF5;
	p2 =	por !p2, p0  }
0x20: {  	[sflag:s8] =	ssyncset.s32 @!p0 $0xFFFFF086;
	s6 =	sadd.s32 @!p0 s3, s7;
	s7 =	simm.s32 @!p0 $0x108  }
0x21: {  	s3 =	sadd.s32 s3, s9;
	s6 =	sadd.s32 @!p0 $0x88, s6;
	s7 =	simm.s32 @p2 $0x1082  }
0x22: {  	[simem:s7], [sflag:s8] =	dma.local @!p0 [hbm:s6], $0xF7A  }
0x23: {  	s9 =	sor.u32 $0xD0000000, s2;
	s6 =	simm.s32 $0x108;
	_ =	swait.ge @!p0 [sflag:s8], $0x0  }
0x24: {  	s3 =	sadd.s32 $0x88, s3;
	s6 =	simm.s32 @!p1 $0x1082;
	[sflag:s4] =	ssyncset.s32 $0xFFFFF086  }
0x25: {  	[simem:s6], [sflag:s4] =	dma.local [hbm:s3], $0xF7A  }
0x26: {  	[smem:$0x3F98] =	sst s1;
	(tag) =	ssettag s2;
	_ =	strace s9  }
0x27: {  	s1 =	sld [smem:$0x3FA8]  }
0x28: {  	s2 =	sld [smem:$0x3FA9]  }
0x29: {  	s4 =	sld [smem:$0x3FAB]  }
0x2a: {  	p0 =	seq.s32 s5, $0x0;
	s5 =	sld [smem:$0x3FAC]  }
0x2b: {  	s6 =	sld [smem:$0x3FAD]  }
0x2c: {  	s7 =	sld [smem:$0x3FAE]  }
0x2d: {  	s3 =	simm.s32 $0x108;
	s8 =	sld [smem:$0x3FAF]  }
0x2e: {  	s3 =	simm.s32 @!p0 $0x1082;
	s9 =	sld [smem:$0x3FB0]  }
0x2f: {  	lr =	sadd.s32 s0, s3;
	s0 =	sld [smem:$0x3FA7]  }
0x30: {  	s3 =	sld [smem:$0x3FAA]  }
0x31: {  	[smem:$0x3FB3] =	sst s10  }
0x32: {  	s10 =	sld [smem:$0x3FB1];
	_ =	sdelay $0x3  }
0x33: {  	p0 =	seq.s32 s10, $0x1;
	s10 =	sld [smem:$0x3FB3];
	_ =	sdelay $0x3  }
0x34: {  	[smem:$0x3FB3] =	sst s10  }
0x35: {  	s10 =	sld [smem:$0x3FB2];
	_ =	sdelay $0x3  }
0x36: {  	p1 =	seq.s32 s10, $0x1;
	s10 =	sld [smem:$0x3FB3];
	_ =	sdelay $0x3  }
0x37: {  	[smem:$0x3FB3] =	sst s10  }
0x38: {  	s10 =	sld [smem:$0x3FB4]  }
0x39: {  	_ = 	snop;
	(pc) =	sbr.ind lr, $3  }
0x3a: {  	_ = 	snop  }
0x3b: {  	_ = 	snop  }
0x3c: {  	p2 =	seq.s32 s10, $0x1;
	s10 =	sld [smem:$0x3FB3]  }
0x3d: {  	_ =	shalt  }
0x3e: {  	_ =	shalt  }
0x3f: {  	_ =	shalt  }
0x40: {  	_ =	shalt  }
0x41: {  	_ =	shalt  }
0x42: {  	_ =	shalt  }
0x43: {  	_ =	shalt  }
0x44: {  	_ =	shalt  }
0x45: {  	_ =	shalt  }
0x46: {  	_ =	shalt  }
0x47: {  	_ =	shalt  }
0x48: {  	_ =	shalt  }
0x49: {  	_ =	shalt  }
0x4a: {  	_ =	shalt  }
0x4b: {  	_ =	shalt  }
0x4c: {  	_ =	shalt  }
0x4d: {  	_ =	shalt  }
0x4e: {  	_ =	shalt  }
0x4f: {  	_ =	shalt  }
0x50: {  	_ =	shalt  }
0x51: {  	_ =	shalt  }
0x52: {  	_ =	shalt  }
0x53: {  	_ =	shalt  }
0x54: {  	_ =	shalt  }
0x55: {  	_ =	shalt  }
0x56: {  	_ =	shalt  }
0x57: {  	_ =	shalt  }
0x58: {  	_ =	shalt  }
0x59: {  	_ =	shalt  }
0x5a: {  	_ =	shalt  }
0x5b: {  	_ =	shalt  }
0x5c: {  	_ =	shalt  }
0x5d: {  	_ =	shalt  }
0x5e: {  	_ =	shalt  }
0x5f: {  	_ =	shalt  }
0x60: {  	_ =	shalt  }
0x61: {  	_ =	shalt  }
0x62: {  	_ =	shalt  }
0x63: {  	_ =	shalt  }
0x64: {  	_ =	shalt  }
0x65: {  	_ =	shalt  }
0x66: {  	_ =	shalt  }
0x67: {  	_ =	shalt  }
0x68: {  	_ =	shalt  }
0x69: {  	_ =	shalt  }
0x6a: {  	_ =	shalt  }
0x6b: {  	_ =	shalt  }
0x6c: {  	_ =	shalt  }
0x6d: {  	_ =	shalt  }
0x6e: {  	_ =	shalt  }
0x6f: {  	_ =	shalt  }
0x70: {  	_ =	shalt  }
0x71: {  	_ =	shalt  }
0x72: {  	_ =	shalt  }
0x73: {  	_ =	shalt  }
0x74: {  	_ =	shalt  }
0x75: {  	_ =	shalt  }
0x76: {  	_ =	shalt  }
0x77: {  	_ =	shalt  }
0x78: {  	_ =	shalt  }
0x79: {  	_ =	shalt  }
0x7a: {  	_ =	shalt  }
0x7b: {  	_ =	shalt  }
0x7c: {  	_ =	shalt  }
0x7d: {  	_ =	shalt  }
0x7e: {  	_ =	shalt  }
0x7f: {  	_ =	shalt  }
0x80: {  	_ =	shalt  }
0x81: {  	_ =	shalt  }
0x82: {  	_ =	shalt  }
0x83: {  	_ =	shalt  }
0x84: {  	_ =	shalt  }
0x85: {  	_ =	shalt  }
0x86: {  	_ =	shalt  }
0x87: {  	_ =	shalt  }
.Lfunc_end0:
.L_simem_size_0:
called_computation.2_lowered:
.L_overlay_start_0:
0x88: {  	s2 =	sld [smem:$0x3FD9]  }
0x89: {  	s3 =	sld [smem:$0x3FFE];
	_ =	sdelay $0x1  }
0x8a: {  	s1 =	srdreg.scid  }
0x8b: {  	s0 =	sand.u32 $0x1, s1  }
0x8c: {  	s17 =	sshll.u32 s0, $0xA;
	s2 =	sadd.s32 s3, s2  }
0x8d: {  	s2 =	sadd.s32 s2, s17  }
0x8e: {  	[smem:$0x3FBF] =	sst s2  }
0x8f: {  	_ = 	snop  }
0x90: {  	s2 =	sld [smem:$0x3FD0];
	(tm) =	ssettm $0x1  }
0x91: {  	s18 =	sld [smem:$0x3FFB];
	_ =	sdelay $0x3  }
0x92: {  	_ =	strace s18  }
0x93: {  	s3 =	sld [smem:$0x3FFC];
	_ =	sdelay $0x3  }
0x94: {  	_ =	strace s3  }
0x95: {  	s3 =	sld [smem:$0x3FFD];
	_ =	sdelay $0x3  }
0x96: {  	_ =	strace s3  }
0x97: {  	_ =	strace $0x8FFFFFFF  }
0x98: {  	s19 =	sld [smem:$0x3FDB];
	_ =	sdelay $0x1  }
0x99: {  	s4 =	simm.s32 $_scs_section_size  }
0x9a: {  	s5 =	simm.s32 $_size__tile_overlayer_lowered;
	s6 =	simm.s32 $_tile_overlayer_lowered  }
0x9b: {  	s22 =	simm.s32 $0x1BFF;
	s21 =	sshll.u32 s6, $0x1;
	s3 =	sadd.s32 s4, s19  }
0x9c: {  	s7 =	simm.s32 $0x0;
	s20 =	sshll.u32 s5, $0x1;
	s5 =	sadd.s32 s21, s3  }
0x9d: {  	[timem:s7], [sflag:s22] =	dma.local [hbm:s5], s20  }
0x9e: {  	_ =	swait.ge [sflag:s22], s20  }
0x9f: {  	s4 =	ssub.s32 $0x0, s20;
	[sflag:s22] =	ssyncset.done $0x0  }
0xa0: {  	[sflag:s22] =	ssyncadd.s32 s4;
	_ =	sdelay $0x1  }
0xa1: {  	s23 =	simm.s32 $0x1B8B  }
0xa2: {  	_ =	swait.ge [sflag:s23], $0x1  }
0xa3: {  	[sflag:s23] =	ssyncset.done $0x0  }
0xa4: {  	s25 =	simm.s32 $0x1B8E;
	s24 =	sld [smem:$0x3FFE];
	[sflag:s23] =	ssyncadd.s32 $0xFFFFFFFF  }
0xa5: {  	s26 =	simm.s32 $execute0_lowered;
	[smem:$0x3FD2] =	sst s25  }
0xa6: {  	s5 =	sshll.u32 s26, $0x1;
	_ =	strace $0x8000004C;
	[dreg:$0x1] =	wrdreg $0xFFFFFFFF  }
0xa7: {  	s28 =	simm.s32 $_size_execute0_lowered;
	s3 =	sadd.s32 s3, s5;
	[dreg:$0x0] =	wrdreg $0x0  }
0xa8: {  	s5 =	sshll.u32 s28, $0x1;
	[dreg:$0x2] =	wrdreg s3  }
0xa9: {  	[dreg:$0x3] =	wrdreg s5  }
0xaa: {  	[dreg:$0x4] =	wrdreg $0xC0  }
0xab: {  	_ =	task [dreg:s7], $0x5FFFF  }
0xac: {  	[dreg:$0x1] =	wrdreg $0xFFFFFFFF  }
0xad: {  	[dreg:$0x0] =	wrdreg $0x60  }
0xae: {  	[dreg:$0x2] =	wrdreg s2  }
0xaf: {  	[dreg:$0x3] =	wrdreg s24  }
0xb0: {  	[dreg:$0x4] =	wrdreg $0x6A000  }
0xb1: {  	[dreg:$0x5] =	wrdreg $0x9  }
0xb2: {  	_ =	task.clear_ibuf [dreg:s7], $0x6FFFF;
	_ =	strace $0x9000004C  }
0xb3: {  	s29 =	simm.s32 $0x9;
	_ =	strace $0x8000004E  }
0xb4: {  	_ =	swait.ge [sflag:s29], $0x1  }
0xb5: {  	[sflag:s29] =	ssyncadd.s32 $0xFFFFFFFF  }
0xb6: {  	_ =	strace $0x9000004E  }
0xb7: {  	_ =	sfence  }
0xb8: {  	s30 =	sld [smem:$0x0];
	_ =	sdelay $0x2  }
0xb9: {  	s31 =	sshll.u32 s1, $0xD;
	s1 =	sshrl.u32 s1, $0x2  }
0xba: {  	s3 =	sand.u32 $0x4000, s31;
	s1 =	sadd.s32 s1, s30  }
0xbb: {  	s0 =	sor.u32 s3, s0;
	s1 =	sshll.u32 s1, $0x11  }
0xbc: {  	s0 =	sor.u32 s1, s0  }
0xbd: {  	s0 =	sadd.s32 $0x8F2B, s0  }
0xbe: {  	[sflag:s0] =	ssyncadd.remote.s32 $0x1  }
0xbf: {  	_ =	sfence.sel $0xFFFF  }
0xc0: {  	[dreg:$0x0] =	wrdreg $0xFFFFFFFF;
	(pc) =	sbr.abs _section_cstart, $3  }
0xc1: {  	[dreg:$0x1] =	wrdreg $0xFFFFFFFF  }
0xc2: {  	_ =	task.clear_ibuf [dreg:s7], $0x2FFFF;
	_ =	strace $0x9FFFFFFF  }
0xc3: {  	(tm) =	ssettm $0x7FFFFFFF  }
tec
execute0_lowered:
.L_overlay_start_1:
0x0: {  	(tag) =	ssettag $0x1  }
0x1: {  	s0 =	rddreg [dreg:$0x0]  }
0x2: {  	s1 =	rddreg [dreg:$0x1]  }
0x3: {  	s2 =	rddreg [dreg:$0x2];
	s12 =	stileid.u32  }
0x4: {  	s4 =	srdreg.scid;
	s3 =	simm.s32 $0x0;
	s5 =	smul.u32 $0xA000, s12  }
0x5: {  	s28 =	simm.s32 $0x2700;
	s29 =	simm.s32 $0x2780;
	s21 =	smul.u32 $0x3800, s12  }
0x6: {  	s30 =	simm.s32 $0x0;
	s8 =	sand.u32 $0x1, s4;
	s22 =	smul.u32 $0x700, s12  }
0x7: {  	[smem:$0x7FF] =	sst s3;
	s9 =	sadd.s32 $0x2000, s1;
	s24 =	smul.u32 $0x1700, s12  }
0x8: {  	s4 =	sadd.s32 $0xBE00, s1;
	s20 =	sshll.u32 s12, $0x6;
	s6 =	smul.u32 $0xA0000, s8  }
0x9: {  	_ =	strace $0x8000004D;
	s7 =	ssub.s32 $0x2, s8;
	p0 =	seq.s32 s8, $0x1  }
0xa: {  	s10 =	sshrl.u32 s5, $0x3;
	s11 =	sshrl.u32 s7, $0x1;
	s23 =	sshrl.u32 s21, $0x3  }
0xb: {  	s25 =	sadd.s32 s0, s22;
	s15 =	sshrl.u32 s24, $0x3;
	s21 =	simm.s32 $0x1500  }
0xc: {  	s24 =	simm.s32 $0x1;
	s6 =	sadd.s32 s5, s6;
	s10 =	sadd.s32 s10, s1  }
0xd: {  	s19 =	ssub.s32 s7, s11;
	s5 =	sadd.s32 s5, s2;
	s7 =	sor.u32 $0x1C03, s20  }
0xe: {  	[dreg:$0x4] =	wrdreg s25;
	s26 =	sadd.s32 $0x260, s23;
	s8 =	sadd.s32 $0x4C0, s23  }
0xf: {  	s16 =	sadd.s32 $0x7000, s15;
	s31 =	sadd.s32 $0x7180, s15;
	s20 =	simm.s32 $0x3  }
0x10: {  	s23 =	simm.s32 $0x2A00;
	s25 =	simm.s32 $0x4A00;
	s6 =	sshrl.u32 s6, $0x3  }
0x11: {  	s11 =	sadd.s32 s9, s26;
	s12 =	sadd.s32 s0, s8;
	s13 =	sadd.s32 s9, s8  }
.Ltmp0:
0x12: {  	s14 =	sadd.s32 s0, s16;
	s15 =	sadd.s32 s9, s16;
	(pc) =	sbr.rel .LBB2_1-.Ltmp0, $4  }
0x13: {  	s16 =	sadd.s32 s0, s31;
	s17 =	sadd.s32 s9, s31;
	s19 =	smax.u32 s19, $0x1  }
0x14: {  	s1 =	sadd.s32 s6, s1;
	s6 =	sadd.s32 $0x1F800, s10;
	s10 =	sadd.s32 s9, s22  }
0x15: {  	s22 =	simm.s32 $0x80;
	[dreg:$0x5] =	wrdreg s10;
	s10 =	sadd.s32 s0, s26  }
0x16: {  	s18 =	sadd.s32 $0x33800, s1;
	s26 =	simm.s32 $0x2;
	s1 =	simm.s32 $0x1280  }
.LBB2_11:
0x17: {  	[sflag:s20] =	ssyncadd.s32 $0xFFFFE000  }
0x18: {  	_ =	swait.ge [sflag:s24], $0x2000  }
0x19: {  	[sflag:s24] =	ssyncset.done $0x0  }
0x1a: {  	s0 =	simm.s32 $0xB80;
	[sflag:s24] =	ssyncadd.s32 $0xFFFFE000  }
0x1b: {  	[tilespmem:s25], [sflag:$0x2] =	stream.indirect.gather [hbm4b:s4+s22], $0x40, s0, s22, $0xb8;
	[tilespmem:$0x10A00] =	vst v63  }
0x1c: {  	s8 =	simm.s32 $0x2000  }
0x1d: {  	[spmem:s2] =	stream.indirect.scatter.add.f32 [tilespmem:s23], [sflag:$0x3], $0x40, s8, s22, $0xb8;
	[tilespmem:$0x10A00] =	vst v63  }
0x1e: {  	_ =	swait.ge [sflag:s20], $0x2000  }
0x1f: {  	[sflag:s20] =	ssyncset.done $0x0  }
0x20: {  	[sflag:s20] =	ssyncadd.s32 $0xFFFFE000  }
0x21: {  	_ =	swait.ge [sflag:s26], $0x2000  }
0x22: {  	[sflag:s26] =	ssyncset.done $0x0  }
0x23: {  	[sflag:s26] =	ssyncadd.s32 $0xFFFFE000  }
0x24: {  	[tilespmem:s23], [sflag:$0x1] =	stream.indirect.gather [hbm4b:s4+s22], $0x40, s3, s22, $0xb8;
	[tilespmem:$0x10A00] =	vst v63  }
0x25: {  	s9 =	simm.s32 $0x2080  }
0x26: {  	[spmem:s2] =	stream.indirect.scatter.add.f32 [tilespmem:s25], [sflag:$0x3], $0x40, s9, s22, $0xb8;
	[tilespmem:$0x10A00] =	vst v63  }
0x27: {  	_ =	swait.ge [sflag:s20], $0x2000  }
0x28: {  	[sflag:s20] =	ssyncset.done $0x0  }
0x29: {  	[sflag:s20] =	ssyncadd.s32 $0xFFFFE000  }
0x2a: {  	_ =	swait.ge [sflag:s24], $0x2000  }
0x2b: {  	[sflag:s24] =	ssyncset.done $0x0  }
0x2c: {  	[sflag:s24] =	ssyncadd.s32 $0xFFFFE000  }
0x2d: {  	[tilespmem:s3], [sflag:$0x3] =	stream.linear.gather [hbm4b:s16+s3], $0xB00, $0x38;
	[tilespmem:$0x10A00] =	vst v63  }
0x2e: {  	_ =	swait.ge [sflag:s20], $0xB00  }
0x2f: {  	[sflag:s20] =	ssyncset.done $0x0  }
0x30: {  	[sflag:s20] =	ssyncadd.s32 $0xFFFFF500  }
0x31: {  	[tilespmem:s21], [sflag:$0x3] =	stream.linear.gather [hbm4b:s17+s3], $0xB00, $0x38;
	[tilespmem:$0x10A00] =	vst v63  }
0x32: {  	_ =	swait.ge [sflag:s20], $0xB00  }
0x33: {  	[sflag:s20] =	ssyncset.done $0x0  }
0x34: {  	[sflag:s20] =	ssyncadd.s32 $0xFFFFF500  }
0x35: {  	[tilespmem:s23], [sflag:$0x1] =	stream.indirect.gather [hbm4b:s4+s22], $0x40, s3, s22, $0xb8;
	[tilespmem:$0x10A00] =	vst v63  }
0x36: {  	_ =	swait.ge [sflag:s24], $0x2000  }
0x37: {  	[sflag:s24] =	ssyncset.done $0x0  }
0x38: {  	[sflag:s24] =	ssyncadd.s32 $0xFFFFE000  }
0x39: {  	[tilespmem:s25], [sflag:$0x2] =	stream.indirect.gather [hbm4b:s4+s22], $0x40, s22, s22, $0xb8;
	[tilespmem:$0x10A00] =	vst v63  }
0x3a: {  	_ = 	snop  }
0x3b: {  	[spmem:s2] =	stream.indirect.scatter.add.f32 [tilespmem:s23], [sflag:$0x3], $0x40, s21, s22, $0xb8;
	[tilespmem:$0x10A00] =	vst v63  }
0x3c: {  	_ =	swait.ge [sflag:s20], $0x2000  }
0x3d: {  	[sflag:s20] =	ssyncset.done $0x0  }
0x3e: {  	[sflag:s20] =	ssyncadd.s32 $0xFFFFE000  }
0x3f: {  	_ =	swait.ge [sflag:s26], $0x2000  }
0x40: {  	[sflag:s26] =	ssyncset.done $0x0  }
0x41: {  	s8 =	simm.s32 $0x100;
	[sflag:s26] =	ssyncadd.s32 $0xFFFFE000  }
0x42: {  	[tilespmem:s23], [sflag:$0x1] =	stream.indirect.gather [hbm4b:s4+s22], $0x40, s8, s22, $0xb8;
	[tilespmem:$0x10A00] =	vst v63  }
0x43: {  	s9 =	simm.s32 $0x1580  }
0x44: {  	[spmem:s2] =	stream.indirect.scatter.add.f32 [tilespmem:s25], [sflag:$0x3], $0x40, s9, s22, $0xb8;
	[tilespmem:$0x10A00] =	vst v63  }
0x45: {  	_ =	swait.ge [sflag:s20], $0x2000  }
0x46: {  	[sflag:s20] =	ssyncset.done $0x0  }
0x47: {  	[sflag:s20] =	ssyncadd.s32 $0xFFFFE000  }
0x48: {  	_ =	swait.ge [sflag:s24], $0x2000  }
0x49: {  	[sflag:s24] =	ssyncset.done $0x0  }
0x4a: {  	s8 =	simm.s32 $0x180;
	[sflag:s24] =	ssyncadd.s32 $0xFFFFE000  }
0x4b: {  	[tilespmem:s25], [sflag:$0x2] =	stream.indirect.gather [hbm4b:s4+s22], $0x40, s8, s22, $0xb8;
	[tilespmem:$0x10A00] =	vst v63  }
0x4c: {  	s9 =	simm.s32 $0x1600  }
0x4d: {  	[spmem:s2] =	stream.indirect.scatter.add.f32 [tilespmem:s23], [sflag:$0x3], $0x40, s9, s22, $0xb8;
	[tilespmem:$0x10A00] =	vst v63  }
0x4e: {  	_ =	swait.ge [sflag:s20], $0x2000  }
0x4f: {  	[sflag:s20] =	ssyncset.done $0x0  }
0x50: {  	[sflag:s20] =	ssyncadd.s32 $0xFFFFE000  }
0x51: {  	_ =	swait.ge [sflag:s26], $0x2000  }
0x52: {  	[sflag:s26] =	ssyncset.done $0x0  }
0x53: {  	s8 =	simm.s32 $0x200;
	[sflag:s26] =	ssyncadd.s32 $0xFFFFE000  }
0x54: {  	[tilespmem:s23], [sflag:$0x1] =	stream.indirect.gather [hbm4b:s4+s22], $0x40, s8, s22, $0xb8;
	[tilespmem:$0x10A00] =	vst v63  }
0x55: {  	s9 =	simm.s32 $0x1680  }
0x56: {  	[spmem:s2] =	stream.indirect.scatter.add.f32 [tilespmem:s25], [sflag:$0x3], $0x40, s9, s22, $0xb8;
	[tilespmem:$0x10A00] =	vst v63  }
0x57: {  	_ =	swait.ge [sflag:s20], $0x2000  }
0x58: {  	[sflag:s20] =	ssyncset.done $0x0  }
0x59: {  	[sflag:s20] =	ssyncadd.s32 $0xFFFFE000  }
0x5a: {  	_ =	swait.ge [sflag:s24], $0x2000  }
0x5b: {  	[sflag:s24] =	ssyncset.done $0x0  }
0x5c: {  	s8 =	simm.s32 $0x280;
	[sflag:s24] =	ssyncadd.s32 $0xFFFFE000  }
0x5d: {  	[tilespmem:s25], [sflag:$0x2] =	stream.indirect.gather [hbm4b:s4+s22], $0x40, s8, s22, $0xb8;
	[tilespmem:$0x10A00] =	vst v63  }
0x5e: {  	s9 =	simm.s32 $0x1700  }
0x5f: {  	[spmem:s2] =	stream.indirect.scatter.add.f32 [tilespmem:s23], [sflag:$0x3], $0x40, s9, s22, $0xb8;
	[tilespmem:$0x10A00] =	vst v63  }
0x60: {  	_ =	swait.ge [sflag:s20], $0x2000  }
0x61: {  	[sflag:s20] =	ssyncset.done $0x0  }
0x62: {  	[sflag:s20] =	ssyncadd.s32 $0xFFFFE000  }
0x63: {  	_ =	swait.ge [sflag:s26], $0x2000  }
0x64: {  	[sflag:s26] =	ssyncset.done $0x0  }
0x65: {  	s8 =	simm.s32 $0x300;
	[sflag:s26] =	ssyncadd.s32 $0xFFFFE000  }
0x66: {  	[tilespmem:s23], [sflag:$0x1] =	stream.indirect.gather [hbm4b:s4+s22], $0x40, s8, s22, $0xb8;
	[tilespmem:$0x10A00] =	vst v63  }
0x67: {  	s9 =	simm.s32 $0x1780  }
0x68: {  	[spmem:s2] =	stream.indirect.scatter.add.f32 [tilespmem:s25], [sflag:$0x3], $0x40, s9, s22, $0xb8;
	[tilespmem:$0x10A00] =	vst v63  }
0x69: {  	_ =	swait.ge [sflag:s20], $0x2000  }
0x6a: {  	[sflag:s20] =	ssyncset.done $0x0  }
0x6b: {  	[sflag:s20] =	ssyncadd.s32 $0xFFFFE000  }
0x6c: {  	_ =	swait.ge [sflag:s24], $0x2000  }
0x6d: {  	[sflag:s24] =	ssyncset.done $0x0  }
0x6e: {  	s8 =	simm.s32 $0x380;
	[sflag:s24] =	ssyncadd.s32 $0xFFFFE000  }
0x6f: {  	[tilespmem:s25], [sflag:$0x2] =	stream.indirect.gather [hbm4b:s4+s22], $0x40, s8, s22, $0xb8;
	[tilespmem:$0x10A00] =	vst v63  }
0x70: {  	s9 =	simm.s32 $0x1800  }
0x71: {  	[spmem:s2] =	stream.indirect.scatter.add.f32 [tilespmem:s23], [sflag:$0x3], $0x40, s9, s22, $0xb8;
	[tilespmem:$0x10A00] =	vst v63  }
0x72: {  	_ =	swait.ge [sflag:s20], $0x2000  }
0x73: {  	[sflag:s20] =	ssyncset.done $0x0  }
0x74: {  	[sflag:s20] =	ssyncadd.s32 $0xFFFFE000  }
0x75: {  	_ =	swait.ge [sflag:s26], $0x2000  }
0x76: {  	[sflag:s26] =	ssyncset.done $0x0  }
0x77: {  	s8 =	simm.s32 $0x400;
	[sflag:s26] =	ssyncadd.s32 $0xFFFFE000  }
0x78: {  	[tilespmem:s23], [sflag:$0x1] =	stream.indirect.gather [hbm4b:s4+s22], $0x40, s8, s22, $0xb8;
	[tilespmem:$0x10A00] =	vst v63  }
0x79: {  	s9 =	simm.s32 $0x1880  }
0x7a: {  	[spmem:s2] =	stream.indirect.scatter.add.f32 [tilespmem:s25], [sflag:$0x3], $0x40, s9, s22, $0xb8;
	[tilespmem:$0x10A00] =	vst v63  }
0x7b: {  	_ =	swait.ge [sflag:s20], $0x2000  }
0x7c: {  	[sflag:s20] =	ssyncset.done $0x0  }
0x7d: {  	[sflag:s20] =	ssyncadd.s32 $0xFFFFE000  }
0x7e: {  	_ =	swait.ge [sflag:s24], $0x2000  }
0x7f: {  	[sflag:s24] =	ssyncset.done $0x0  }
0x80: {  	s8 =	simm.s32 $0x480;
	[sflag:s24] =	ssyncadd.s32 $0xFFFFE000  }
0x81: {  	[tilespmem:s25], [sflag:$0x2] =	stream.indirect.gather [hbm4b:s4+s22], $0x40, s8, s22, $0xb8;
	[tilespmem:$0x10A00] =	vst v63  }
0x82: {  	s9 =	simm.s32 $0x1900  }
0x83: {  	[spmem:s2] =	stream.indirect.scatter.add.f32 [tilespmem:s23], [sflag:$0x3], $0x40, s9, s22, $0xb8;
	[tilespmem:$0x10A00] =	vst v63  }
0x84: {  	_ =	swait.ge [sflag:s20], $0x2000  }
0x85: {  	[sflag:s20] =	ssyncset.done $0x0  }
0x86: {  	[sflag:s20] =	ssyncadd.s32 $0xFFFFE000  }
0x87: {  	_ =	swait.ge [sflag:s26], $0x2000  }
0x88: {  	[sflag:s26] =	ssyncset.done $0x0  }
0x89: {  	s8 =	simm.s32 $0x500;
	[sflag:s26] =	ssyncadd.s32 $0xFFFFE000  }
0x8a: {  	[tilespmem:s23], [sflag:$0x1] =	stream.indirect.gather [hbm4b:s4+s22], $0x40, s8, s22, $0xb8;
	[tilespmem:$0x10A00] =	vst v63  }
0x8b: {  	s9 =	simm.s32 $0x1980  }
0x8c: {  	[spmem:s2] =	stream.indirect.scatter.add.f32 [tilespmem:s25], [sflag:$0x3], $0x40, s9, s22, $0xb8;
	[tilespmem:$0x10A00] =	vst v63  }
0x8d: {  	_ =	swait.ge [sflag:s20], $0x2000  }
0x8e: {  	[sflag:s20] =	ssyncset.done $0x0  }
0x8f: {  	[sflag:s20] =	ssyncadd.s32 $0xFFFFE000  }
0x90: {  	_ =	swait.ge [sflag:s24], $0x2000  }
0x91: {  	[sflag:s24] =	ssyncset.done $0x0  }
0x92: {  	s8 =	simm.s32 $0x580;
	[sflag:s24] =	ssyncadd.s32 $0xFFFFE000  }
0x93: {  	[tilespmem:s25], [sflag:$0x2] =	stream.indirect.gather [hbm4b:s4+s22], $0x40, s8, s22, $0xb8;
	[tilespmem:$0x10A00] =	vst v63  }
0x94: {  	s9 =	simm.s32 $0x1A00  }
0x95: {  	[spmem:s2] =	stream.indirect.scatter.add.f32 [tilespmem:s23], [sflag:$0x3], $0x40, s9, s22, $0xb8;
	[tilespmem:$0x10A00] =	vst v63  }
0x96: {  	_ =	swait.ge [sflag:s20], $0x2000  }
0x97: {  	[sflag:s20] =	ssyncset.done $0x0  }
0x98: {  	[sflag:s20] =	ssyncadd.s32 $0xFFFFE000  }
0x99: {  	_ =	swait.ge [sflag:s26], $0x2000  }
0x9a: {  	[sflag:s26] =	ssyncset.done $0x0  }
0x9b: {  	s8 =	simm.s32 $0x600;
	[sflag:s26] =	ssyncadd.s32 $0xFFFFE000  }
0x9c: {  	[tilespmem:s23], [sflag:$0x1] =	stream.indirect.gather [hbm4b:s4+s22], $0x40, s8, s22, $0xb8;
	[tilespmem:$0x10A00] =	vst v63  }
0x9d: {  	s9 =	simm.s32 $0x1A80  }
0x9e: {  	[spmem:s2] =	stream.indirect.scatter.add.f32 [tilespmem:s25], [sflag:$0x3], $0x40, s9, s22, $0xb8;
	[tilespmem:$0x10A00] =	vst v63  }
0x9f: {  	_ =	swait.ge [sflag:s20], $0x2000  }
0xa0: {  	[sflag:s20] =	ssyncset.done $0x0  }
0xa1: {  	[sflag:s20] =	ssyncadd.s32 $0xFFFFE000  }
0xa2: {  	_ =	swait.ge [sflag:s24], $0x2000  }
0xa3: {  	[sflag:s24] =	ssyncset.done $0x0  }
0xa4: {  	s8 =	simm.s32 $0x680;
	[sflag:s24] =	ssyncadd.s32 $0xFFFFE000  }
0xa5: {  	[tilespmem:s25], [sflag:$0x2] =	stream.indirect.gather [hbm4b:s4+s22], $0x40, s8, s22, $0xb8;
	[tilespmem:$0x10A00] =	vst v63  }
0xa6: {  	s9 =	simm.s32 $0x1B00  }
0xa7: {  	[spmem:s2] =	stream.indirect.scatter.add.f32 [tilespmem:s23], [sflag:$0x3], $0x40, s9, s22, $0xb8;
	[tilespmem:$0x10A00] =	vst v63  }
0xa8: {  	_ =	swait.ge [sflag:s20], $0x2000  }
0xa9: {  	[sflag:s20] =	ssyncset.done $0x0  }
0xaa: {  	[sflag:s20] =	ssyncadd.s32 $0xFFFFE000  }
0xab: {  	_ =	swait.ge [sflag:s26], $0x2000  }
0xac: {  	[sflag:s26] =	ssyncset.done $0x0  }
0xad: {  	s8 =	simm.s32 $0x700;
	[sflag:s26] =	ssyncadd.s32 $0xFFFFE000  }
0xae: {  	[tilespmem:s23], [sflag:$0x1] =	stream.indirect.gather [hbm4b:s4+s22], $0x40, s8, s22, $0xb8;
	[tilespmem:$0x10A00] =	vst v63  }
0xaf: {  	s9 =	simm.s32 $0x1B80  }
0xb0: {  	[spmem:s2] =	stream.indirect.scatter.add.f32 [tilespmem:s25], [sflag:$0x3], $0x40, s9, s22, $0xb8;
	[tilespmem:$0x10A00] =	vst v63  }
0xb1: {  	_ =	swait.ge [sflag:s20], $0x2000  }
0xb2: {  	[sflag:s20] =	ssyncset.done $0x0  }
0xb3: {  	[sflag:s20] =	ssyncadd.s32 $0xFFFFE000  }
0xb4: {  	_ =	swait.ge [sflag:s24], $0x2000  }
0xb5: {  	[sflag:s24] =	ssyncset.done $0x0  }
0xb6: {  	s8 =	simm.s32 $0x780;
	[sflag:s24] =	ssyncadd.s32 $0xFFFFE000  }
0xb7: {  	[tilespmem:s25], [sflag:$0x2] =	stream.indirect.gather [hbm4b:s4+s22], $0x40, s8, s22, $0xb8;
	[tilespmem:$0x10A00] =	vst v63  }
0xb8: {  	s9 =	simm.s32 $0x1C00  }
0xb9: {  	[spmem:s2] =	stream.indirect.scatter.add.f32 [tilespmem:s23], [sflag:$0x3], $0x40, s9, s22, $0xb8;
	[tilespmem:$0x10A00] =	vst v63  }
0xba: {  	_ =	swait.ge [sflag:s20], $0x2000  }
0xbb: {  	[sflag:s20] =	ssyncset.done $0x0  }
0xbc: {  	[sflag:s20] =	ssyncadd.s32 $0xFFFFE000  }
0xbd: {  	_ =	swait.ge [sflag:s26], $0x2000  }
0xbe: {  	[sflag:s26] =	ssyncset.done $0x0  }
0xbf: {  	s8 =	simm.s32 $0x800;
	[sflag:s26] =	ssyncadd.s32 $0xFFFFE000  }
0xc0: {  	[tilespmem:s23], [sflag:$0x1] =	stream.indirect.gather [hbm4b:s4+s22], $0x40, s8, s22, $0xb8;
	[tilespmem:$0x10A00] =	vst v63  }
0xc1: {  	s9 =	simm.s32 $0x1C80  }
0xc2: {  	[spmem:s2] =	stream.indirect.scatter.add.f32 [tilespmem:s25], [sflag:$0x3], $0x40, s9, s22, $0xb8;
	[tilespmem:$0x10A00] =	vst v63  }
0xc3: {  	_ =	swait.ge [sflag:s20], $0x2000  }
0xc4: {  	[sflag:s20] =	ssyncset.done $0x0  }
0xc5: {  	[sflag:s20] =	ssyncadd.s32 $0xFFFFE000  }
0xc6: {  	_ =	swait.ge [sflag:s24], $0x2000  }
0xc7: {  	[sflag:s24] =	ssyncset.done $0x0  }
0xc8: {  	s8 =	simm.s32 $0x880;
	[sflag:s24] =	ssyncadd.s32 $0xFFFFE000  }
0xc9: {  	[tilespmem:s25], [sflag:$0x2] =	stream.indirect.gather [hbm4b:s4+s22], $0x40, s8, s22, $0xb8;
	[tilespmem:$0x10A00] =	vst v63  }
0xca: {  	s9 =	simm.s32 $0x1D00  }
0xcb: {  	[spmem:s2] =	stream.indirect.scatter.add.f32 [tilespmem:s23], [sflag:$0x3], $0x40, s9, s22, $0xb8;
	[tilespmem:$0x10A00] =	vst v63  }
0xcc: {  	_ =	swait.ge [sflag:s20], $0x2000  }
0xcd: {  	[sflag:s20] =	ssyncset.done $0x0  }
0xce: {  	[sflag:s20] =	ssyncadd.s32 $0xFFFFE000  }
0xcf: {  	_ =	swait.ge [sflag:s26], $0x2000  }
0xd0: {  	[sflag:s26] =	ssyncset.done $0x0  }
0xd1: {  	s8 =	simm.s32 $0x900;
	[sflag:s26] =	ssyncadd.s32 $0xFFFFE000  }
0xd2: {  	[tilespmem:s23], [sflag:$0x1] =	stream.indirect.gather [hbm4b:s4+s22], $0x40, s8, s22, $0xb8;
	[tilespmem:$0x10A00] =	vst v63  }
0xd3: {  	s9 =	simm.s32 $0x1D80  }
0xd4: {  	[spmem:s2] =	stream.indirect.scatter.add.f32 [tilespmem:s25], [sflag:$0x3], $0x40, s9, s22, $0xb8;
	[tilespmem:$0x10A00] =	vst v63  }
0xd5: {  	_ =	swait.ge [sflag:s20], $0x2000  }
0xd6: {  	[sflag:s20] =	ssyncset.done $0x0  }
0xd7: {  	[sflag:s20] =	ssyncadd.s32 $0xFFFFE000  }
0xd8: {  	_ =	swait.ge [sflag:s24], $0x2000  }
0xd9: {  	[sflag:s24] =	ssyncset.done $0x0  }
0xda: {  	s8 =	simm.s32 $0x980;
	[sflag:s24] =	ssyncadd.s32 $0xFFFFE000  }
0xdb: {  	[tilespmem:s25], [sflag:$0x2] =	stream.indirect.gather [hbm4b:s4+s22], $0x40, s8, s22, $0xb8;
	[tilespmem:$0x10A00] =	vst v63  }
0xdc: {  	s9 =	simm.s32 $0x1E00  }
0xdd: {  	[spmem:s2] =	stream.indirect.scatter.add.f32 [tilespmem:s23], [sflag:$0x3], $0x40, s9, s22, $0xb8;
	[tilespmem:$0x10A00] =	vst v63  }
0xde: {  	_ =	swait.ge [sflag:s20], $0x2000  }
0xdf: {  	[sflag:s20] =	ssyncset.done $0x0  }
0xe0: {  	[sflag:s20] =	ssyncadd.s32 $0xFFFFE000  }
0xe1: {  	_ =	swait.ge [sflag:s26], $0x2000  }
0xe2: {  	[sflag:s26] =	ssyncset.done $0x0  }
0xe3: {  	s8 =	simm.s32 $0xA00;
	[sflag:s26] =	ssyncadd.s32 $0xFFFFE000  }
0xe4: {  	[tilespmem:s23], [sflag:$0x1] =	stream.indirect.gather [hbm4b:s4+s22], $0x40, s8, s22, $0xb8;
	[tilespmem:$0x10A00] =	vst v63  }
0xe5: {  	s9 =	simm.s32 $0x1E80  }
0xe6: {  	[spmem:s2] =	stream.indirect.scatter.add.f32 [tilespmem:s25], [sflag:$0x3], $0x40, s9, s22, $0xb8;
	[tilespmem:$0x10A00] =	vst v63  }
0xe7: {  	_ =	swait.ge [sflag:s20], $0x2000  }
0xe8: {  	s0 =	simm.s32 $0x1F80;
	[sflag:s20] =	ssyncset.done $0x0  }
0xe9: {  	s8 =	simm.s32 $0x1F00;
	s9 =	simm.s32 $0xA80;
	[sflag:s20] =	ssyncadd.s32 $0xFFFFE000  }
.LBB2_12:
0xea: {  	_ =	swait.ge [sflag:s24], $0x2000  }
0xeb: {  	[sflag:s24] =	ssyncset.done $0x0  }
0xec: {  	[sflag:s24] =	ssyncadd.s32 $0xFFFFE000  }
0xed: {  	[tilespmem:s25], [sflag:$0x2] =	stream.indirect.gather [hbm4b:s4+s22], $0x40, s9, s22, $0xb8;
	[tilespmem:$0x10A00] =	vst v63  }
0xee: {  	_ = 	snop  }
0xef: {  	[spmem:s2] =	stream.indirect.scatter.add.f32 [tilespmem:s23], [sflag:$0x3], $0x40, s8, s22, $0xb8;
	[tilespmem:$0x10A00] =	vst v63  }
0xf0: {  	_ =	swait.ge [sflag:s20], $0x2000  }
0xf1: {  	[sflag:s20] =	ssyncset.done $0x0  }
0xf2: {  	[sflag:s20] =	ssyncadd.s32 $0xFFFFE000  }
0xf3: {  	_ =	swait.ge [sflag:s26], $0x2000  }
0xf4: {  	[sflag:s26] =	ssyncset.done $0x0  }
0xf5: {  	[sflag:s26] =	ssyncadd.s32 $0xFFFFE000  }
0xf6: {  	[tilespmem:s23], [sflag:$0x1] =	stream.indirect.gather [hbm4b:s4+s22], $0x40, s3, s22, $0xb8;
	[tilespmem:$0x10A00] =	vst v63  }
0xf7: {  	_ = 	snop  }
0xf8: {  	[spmem:s2] =	stream.indirect.scatter.add.f32 [tilespmem:s25], [sflag:$0x3], $0x40, s0, s22, $0xb8;
	[tilespmem:$0x10A00] =	vst v63  }
0xf9: {  	_ =	swait.ge [sflag:s20], $0x2000  }
0xfa: {  	[sflag:s20] =	ssyncset.done $0x0  }
0xfb: {  	[sflag:s20] =	ssyncadd.s32 $0xFFFFE000  }
0xfc: {  	_ =	swait.ge [sflag:s24], $0x2000  }
0xfd: {  	s30 =	sadd.s32 $0x1, s30;
	[sflag:s24] =	ssyncset.done $0x0  }
0xfe: {  	p1 =	sne.s32 s30, s19;
	[sflag:s24] =	ssyncadd.s32 $0xFFFFE000  }
.Ltmp1:
0xff: {  	[bflag:$0x0] =	sbarrier.arrive $0xFFFF;
	(pc) =	sbr.rel @!p1 .LBB2_13-.Ltmp1, $4  }
0x100: {  	[hbm:s18], [sflag:s7] =	dma.local [spmem:s31], $0x1400  }
0x101: {  	_ =	swait.ge [sflag:s20], $0x1400  }
0x102: {  	[sflag:s20] =	ssyncset.done $0x0  }
0x103: {  	[sflag:s20] =	ssyncadd.s32 $0xFFFFEC00  }
.LBB2_1:
0x104: {  	s31 =	sshrl.u32 s5, $0x3  }
0x105: {  	[spmem:s31], [sflag:s7] =	dma.local [hbm:s6], $0x1400  }
.Ltmp2:
0x106: {  	_ =	swait.ge [sflag:s20], $0x1400;
	(pc) =	sbr.rel @!p0 .LBB2_2-.Ltmp2, $4  }
0x107: {  	[sflag:s20] =	ssyncset.done $0x0  }
0x108: {  	[sflag:s20] =	ssyncadd.s32 $0xFFFFEC00  }
0x109: {  	[bflag:$0x0] =	sbarrier.arrive $0xFFFF  }
0x10a: {  	s0 =	simm.s32 $0x0  }
0x10b: {  	[tilespmem:s0], [sflag:$0x3] =	stream.linear.gather [hbm4b:s14+s0], $0xC00, $0x38;
	[tilespmem:$0x10A00] =	vst v63  }
0x10c: {  	_ =	swait.ge [sflag:s20], $0xC00  }
0x10d: {  	[sflag:s20] =	ssyncset.done $0x0  }
0x10e: {  	[sflag:s20] =	ssyncadd.s32 $0xFFFFF400  }
0x10f: {  	[tilespmem:s21], [sflag:$0x3] =	stream.linear.gather [hbm4b:s15+s0], $0xC00, $0x38;
	[tilespmem:$0x10A00] =	vst v63  }
0x110: {  	_ =	swait.ge [sflag:s20], $0xC00  }
0x111: {  	[sflag:s20] =	ssyncset.done $0x0  }
0x112: {  	[sflag:s20] =	ssyncadd.s32 $0xFFFFF400  }
0x113: {  	[tilespmem:s23], [sflag:$0x1] =	stream.indirect.gather [hbm4b:s4+s22], $0x40, s0, s22, $0xb8;
	[tilespmem:$0x10A00] =	vst v63  }
0x114: {  	_ =	swait.ge [sflag:s24], $0x2000  }
0x115: {  	[sflag:s24] =	ssyncset.done $0x0  }
0x116: {  	s8 =	simm.s32 $0x80;
	[sflag:s24] =	ssyncadd.s32 $0xFFFFE000  }
0x117: {  	[tilespmem:s25], [sflag:$0x2] =	stream.indirect.gather [hbm4b:s4+s22], $0x40, s8, s22, $0xb8;
	[tilespmem:$0x10A00] =	vst v63  }
0x118: {  	s9 =	simm.s32 $0x1500  }
0x119: {  	[spmem:s2] =	stream.indirect.scatter.add.f32 [tilespmem:s23], [sflag:$0x3], $0x40, s9, s22, $0xb8;
	[tilespmem:$0x10A00] =	vst v63  }
0x11a: {  	_ =	swait.ge [sflag:s20], $0x2000  }
0x11b: {  	[sflag:s20] =	ssyncset.done $0x0  }
0x11c: {  	[sflag:s20] =	ssyncadd.s32 $0xFFFFE000  }
0x11d: {  	_ =	swait.ge [sflag:s26], $0x2000  }
0x11e: {  	[sflag:s26] =	ssyncset.done $0x0  }
0x11f: {  	s8 =	simm.s32 $0x100;
	[sflag:s26] =	ssyncadd.s32 $0xFFFFE000  }
0x120: {  	[tilespmem:s23], [sflag:$0x1] =	stream.indirect.gather [hbm4b:s4+s22], $0x40, s8, s22, $0xb8;
	[tilespmem:$0x10A00] =	vst v63  }
0x121: {  	s9 =	simm.s32 $0x1580  }
0x122: {  	[spmem:s2] =	stream.indirect.scatter.add.f32 [tilespmem:s25], [sflag:$0x3], $0x40, s9, s22, $0xb8;
	[tilespmem:$0x10A00] =	vst v63  }
0x123: {  	_ =	swait.ge [sflag:s20], $0x2000  }
0x124: {  	s0 =	simm.s32 $0x400;
	[sflag:s20] =	ssyncset.done $0x0  }
.LBB2_10:
0x125: {  	p1 =	sne.s32 s0, $0x2800  }
0x126: {  	[sflag:s20] =	ssyncadd.s32 $0xFFFFE000;
	s8 =	smov.u32 s0;
	s0 =	sadd.s32 $0x400, s0  }
0x127: {  	_ = 	snop  }
0x128: {  	_ =	swait.ge [sflag:s24], $0x2000  }
0x129: {  	s8 =	sshra.s32 s8, $0x2;
	[sflag:s24] =	ssyncset.done $0x0  }
0x12a: {  	s9 =	sadd.s32 $0x80, s8;
	[sflag:s24] =	ssyncadd.s32 $0xFFFFE000  }
0x12b: {  	[tilespmem:s25], [sflag:$0x2] =	stream.indirect.gather [hbm4b:s4+s22], $0x40, s9, s22, $0xb8;
	[tilespmem:$0x10A00] =	vst v63  }
0x12c: {  	s9 =	sadd.s32 $0x1500, s8  }
0x12d: {  	[spmem:s2] =	stream.indirect.scatter.add.f32 [tilespmem:s23], [sflag:$0x3], $0x40, s9, s22, $0xb8;
	[tilespmem:$0x10A00] =	vst v63  }
0x12e: {  	_ =	swait.ge [sflag:s20], $0x2000  }
0x12f: {  	[sflag:s20] =	ssyncset.done $0x0  }
0x130: {  	[sflag:s20] =	ssyncadd.s32 $0xFFFFE000  }
0x131: {  	_ =	swait.ge [sflag:s26], $0x2000  }
0x132: {  	[sflag:s26] =	ssyncset.done $0x0  }
0x133: {  	s9 =	sadd.s32 $0x100, s8;
	[sflag:s26] =	ssyncadd.s32 $0xFFFFE000  }
0x134: {  	[tilespmem:s23], [sflag:$0x1] =	stream.indirect.gather [hbm4b:s4+s22], $0x40, s9, s22, $0xb8;
	[tilespmem:$0x10A00] =	vst v63  }
.Ltmp3:
0x135: {  	_ = 	snop;
	(pc) =	sbr.rel @p1 .LBB2_10-.Ltmp3, $4  }
0x136: {  	s8 =	sadd.s32 $0x1580, s8  }
0x137: {  	[spmem:s2] =	stream.indirect.scatter.add.f32 [tilespmem:s25], [sflag:$0x3], $0x40, s8, s22, $0xb8;
	[tilespmem:$0x10A00] =	vst v63  }
0x138: {  	_ =	swait.ge [sflag:s20], $0x2000  }
0x139: {  	[sflag:s20] =	ssyncset.done $0x0  }
.Ltmp4:
0x13a: {  	_ = 	snop;
	(pc) =	sbr.rel .LBB2_11-.Ltmp4, $1  }
0x13b: {  	_ =	sdelay $0x3  }
.LBB2_2:
0x13c: {  	s8 =	rddreg [dreg:$0x4]  }
0x13d: {  	[tilespmem:s0], [sflag:$0x3] =	stream.linear.gather [hbm4b:s8+s0], $0x1300, $0x38;
	[tilespmem:$0x10A00] =	vst v63  }
0x13e: {  	_ =	swait.ge [sflag:s20], $0x1300  }
0x13f: {  	[sflag:s20] =	ssyncset.done $0x0  }
0x140: {  	s9 =	rddreg [dreg:$0x5];
	[sflag:s20] =	ssyncadd.s32 $0xFFFFED00  }
0x141: {  	[tilespmem:s21], [sflag:$0x3] =	stream.linear.gather [hbm4b:s9+s0], $0x1300, $0x38;
	[tilespmem:$0x10A00] =	vst v63  }
0x142: {  	_ =	swait.ge [sflag:s20], $0x1300  }
0x143: {  	[sflag:s20] =	ssyncset.done $0x0  }
0x144: {  	[sflag:s20] =	ssyncadd.s32 $0xFFFFED00  }
0x145: {  	[tilespmem:s23], [sflag:$0x1] =	stream.indirect.gather [hbm4b:s4+s22], $0x40, s0, s22, $0xb8;
	[tilespmem:$0x10A00] =	vst v63  }
0x146: {  	_ =	swait.ge [sflag:s24], $0x2000  }
0x147: {  	[sflag:s24] =	ssyncset.done $0x0  }
0x148: {  	s8 =	simm.s32 $0x80;
	[sflag:s24] =	ssyncadd.s32 $0xFFFFE000  }
0x149: {  	[tilespmem:s25], [sflag:$0x2] =	stream.indirect.gather [hbm4b:s4+s22], $0x40, s8, s22, $0xb8;
	[tilespmem:$0x10A00] =	vst v63  }
0x14a: {  	s9 =	simm.s32 $0x1500  }
0x14b: {  	[spmem:s2] =	stream.indirect.scatter.add.f32 [tilespmem:s23], [sflag:$0x3], $0x40, s9, s22, $0xb8;
	[tilespmem:$0x10A00] =	vst v63  }
0x14c: {  	_ =	swait.ge [sflag:s20], $0x2000  }
0x14d: {  	[sflag:s20] =	ssyncset.done $0x0  }
0x14e: {  	[sflag:s20] =	ssyncadd.s32 $0xFFFFE000  }
0x14f: {  	_ =	swait.ge [sflag:s26], $0x2000  }
0x150: {  	[sflag:s26] =	ssyncset.done $0x0  }
0x151: {  	s8 =	simm.s32 $0x100;
	[sflag:s26] =	ssyncadd.s32 $0xFFFFE000  }
0x152: {  	[tilespmem:s23], [sflag:$0x1] =	stream.indirect.gather [hbm4b:s4+s22], $0x40, s8, s22, $0xb8;
	[tilespmem:$0x10A00] =	vst v63  }
0x153: {  	s9 =	simm.s32 $0x1580  }
0x154: {  	[spmem:s2] =	stream.indirect.scatter.add.f32 [tilespmem:s25], [sflag:$0x3], $0x40, s9, s22, $0xb8;
	[tilespmem:$0x10A00] =	vst v63  }
0x155: {  	_ =	swait.ge [sflag:s20], $0x2000  }
0x156: {  	s0 =	simm.s32 $0x400;
	[sflag:s20] =	ssyncset.done $0x0  }
.LBB2_3:
0x157: {  	p1 =	sne.s32 s0, $0x4400  }
0x158: {  	[sflag:s20] =	ssyncadd.s32 $0xFFFFE000;
	s8 =	smov.u32 s0;
	s0 =	sadd.s32 $0x400, s0  }
0x159: {  	_ = 	snop  }
0x15a: {  	_ =	swait.ge [sflag:s24], $0x2000  }
0x15b: {  	s8 =	sshra.s32 s8, $0x2;
	[sflag:s24] =	ssyncset.done $0x0  }
0x15c: {  	s9 =	sadd.s32 $0x80, s8;
	[sflag:s24] =	ssyncadd.s32 $0xFFFFE000  }
0x15d: {  	[tilespmem:s25], [sflag:$0x2] =	stream.indirect.gather [hbm4b:s4+s22], $0x40, s9, s22, $0xb8;
	[tilespmem:$0x10A00] =	vst v63  }
0x15e: {  	s9 =	sadd.s32 $0x1500, s8  }
0x15f: {  	[spmem:s2] =	stream.indirect.scatter.add.f32 [tilespmem:s23], [sflag:$0x3], $0x40, s9, s22, $0xb8;
	[tilespmem:$0x10A00] =	vst v63  }
0x160: {  	_ =	swait.ge [sflag:s20], $0x2000  }
0x161: {  	[sflag:s20] =	ssyncset.done $0x0  }
0x162: {  	[sflag:s20] =	ssyncadd.s32 $0xFFFFE000  }
0x163: {  	_ =	swait.ge [sflag:s26], $0x2000  }
0x164: {  	[sflag:s26] =	ssyncset.done $0x0  }
0x165: {  	s9 =	sadd.s32 $0x100, s8;
	[sflag:s26] =	ssyncadd.s32 $0xFFFFE000  }
0x166: {  	[tilespmem:s23], [sflag:$0x1] =	stream.indirect.gather [hbm4b:s4+s22], $0x40, s9, s22, $0xb8;
	[tilespmem:$0x10A00] =	vst v63  }
.Ltmp5:
0x167: {  	_ = 	snop;
	(pc) =	sbr.rel @p1 .LBB2_3-.Ltmp5, $4  }
0x168: {  	s8 =	sadd.s32 $0x1580, s8  }
0x169: {  	[spmem:s2] =	stream.indirect.scatter.add.f32 [tilespmem:s25], [sflag:$0x3], $0x40, s8, s22, $0xb8;
	[tilespmem:$0x10A00] =	vst v63  }
0x16a: {  	_ =	swait.ge [sflag:s20], $0x2000  }
0x16b: {  	[sflag:s20] =	ssyncset.done $0x0  }
0x16c: {  	[sflag:s20] =	ssyncadd.s32 $0xFFFFE000  }
0x16d: {  	_ =	swait.ge [sflag:s24], $0x2000  }
0x16e: {  	[sflag:s24] =	ssyncset.done $0x0  }
0x16f: {  	[sflag:s24] =	ssyncadd.s32 $0xFFFFE000  }
0x170: {  	[tilespmem:s25], [sflag:$0x2] =	stream.indirect.gather [hbm4b:s4+s22], $0x40, s1, s22, $0xb8;
	[tilespmem:$0x10A00] =	vst v63  }
0x171: {  	_ = 	snop  }
0x172: {  	[spmem:s2] =	stream.indirect.scatter.add.f32 [tilespmem:s23], [sflag:$0x3], $0x40, s28, s22, $0xb8;
	[tilespmem:$0x10A00] =	vst v63  }
0x173: {  	_ =	swait.ge [sflag:s20], $0x2000  }
0x174: {  	[sflag:s20] =	ssyncset.done $0x0  }
0x175: {  	[sflag:s20] =	ssyncadd.s32 $0xFFFFE000  }
0x176: {  	_ =	swait.ge [sflag:s26], $0x2000  }
0x177: {  	[sflag:s26] =	ssyncset.done $0x0  }
0x178: {  	s0 =	simm.s32 $0x0;
	[sflag:s26] =	ssyncadd.s32 $0xFFFFE000  }
0x179: {  	[tilespmem:s23], [sflag:$0x1] =	stream.indirect.gather [hbm4b:s4+s22], $0x40, s0, s22, $0xb8;
	[tilespmem:$0x10A00] =	vst v63  }
0x17a: {  	_ = 	snop  }
0x17b: {  	[spmem:s2] =	stream.indirect.scatter.add.f32 [tilespmem:s25], [sflag:$0x3], $0x40, s29, s22, $0xb8;
	[tilespmem:$0x10A00] =	vst v63  }
0x17c: {  	_ =	swait.ge [sflag:s20], $0x2000  }
0x17d: {  	[sflag:s20] =	ssyncset.done $0x0  }
0x17e: {  	[sflag:s20] =	ssyncadd.s32 $0xFFFFE000  }
0x17f: {  	_ =	swait.ge [sflag:s24], $0x2000  }
0x180: {  	[sflag:s24] =	ssyncset.done $0x0  }
0x181: {  	[sflag:s24] =	ssyncadd.s32 $0xFFFFE000  }
0x182: {  	[tilespmem:s0], [sflag:$0x3] =	stream.linear.gather [hbm4b:s10+s0], $0x1300, $0x38;
	[tilespmem:$0x10A00] =	vst v63  }
0x183: {  	_ =	swait.ge [sflag:s20], $0x1300  }
0x184: {  	[sflag:s20] =	ssyncset.done $0x0  }
0x185: {  	[sflag:s20] =	ssyncadd.s32 $0xFFFFED00  }
0x186: {  	[tilespmem:s21], [sflag:$0x3] =	stream.linear.gather [hbm4b:s11+s0], $0x1300, $0x38;
	[tilespmem:$0x10A00] =	vst v63  }
0x187: {  	_ =	swait.ge [sflag:s20], $0x1300  }
0x188: {  	[sflag:s20] =	ssyncset.done $0x0  }
0x189: {  	[sflag:s20] =	ssyncadd.s32 $0xFFFFED00  }
0x18a: {  	[tilespmem:s23], [sflag:$0x1] =	stream.indirect.gather [hbm4b:s4+s22], $0x40, s0, s22, $0xb8;
	[tilespmem:$0x10A00] =	vst v63  }
0x18b: {  	_ =	swait.ge [sflag:s24], $0x2000  }
0x18c: {  	[sflag:s24] =	ssyncset.done $0x0  }
0x18d: {  	s8 =	simm.s32 $0x80;
	[sflag:s24] =	ssyncadd.s32 $0xFFFFE000  }
0x18e: {  	[tilespmem:s25], [sflag:$0x2] =	stream.indirect.gather [hbm4b:s4+s22], $0x40, s8, s22, $0xb8;
	[tilespmem:$0x10A00] =	vst v63  }
0x18f: {  	s9 =	simm.s32 $0x1500  }
0x190: {  	[spmem:s2] =	stream.indirect.scatter.add.f32 [tilespmem:s23], [sflag:$0x3], $0x40, s9, s22, $0xb8;
	[tilespmem:$0x10A00] =	vst v63  }
0x191: {  	_ =	swait.ge [sflag:s20], $0x2000  }
0x192: {  	[sflag:s20] =	ssyncset.done $0x0  }
0x193: {  	[sflag:s20] =	ssyncadd.s32 $0xFFFFE000  }
0x194: {  	_ =	swait.ge [sflag:s26], $0x2000  }
0x195: {  	[sflag:s26] =	ssyncset.done $0x0  }
0x196: {  	s8 =	simm.s32 $0x100;
	[sflag:s26] =	ssyncadd.s32 $0xFFFFE000  }
0x197: {  	[tilespmem:s23], [sflag:$0x1] =	stream.indirect.gather [hbm4b:s4+s22], $0x40, s8, s22, $0xb8;
	[tilespmem:$0x10A00] =	vst v63  }
0x198: {  	s9 =	simm.s32 $0x1580  }
0x199: {  	[spmem:s2] =	stream.indirect.scatter.add.f32 [tilespmem:s25], [sflag:$0x3], $0x40, s9, s22, $0xb8;
	[tilespmem:$0x10A00] =	vst v63  }
0x19a: {  	_ =	swait.ge [sflag:s20], $0x2000  }
0x19b: {  	s0 =	simm.s32 $0x400;
	[sflag:s20] =	ssyncset.done $0x0  }
.LBB2_5:
0x19c: {  	p1 =	sne.s32 s0, $0x4400  }
0x19d: {  	[sflag:s20] =	ssyncadd.s32 $0xFFFFE000;
	s8 =	smov.u32 s0;
	s0 =	sadd.s32 $0x400, s0  }
0x19e: {  	_ = 	snop  }
0x19f: {  	_ =	swait.ge [sflag:s24], $0x2000  }
0x1a0: {  	s8 =	sshra.s32 s8, $0x2;
	[sflag:s24] =	ssyncset.done $0x0  }
0x1a1: {  	s9 =	sadd.s32 $0x80, s8;
	[sflag:s24] =	ssyncadd.s32 $0xFFFFE000  }
0x1a2: {  	[tilespmem:s25], [sflag:$0x2] =	stream.indirect.gather [hbm4b:s4+s22], $0x40, s9, s22, $0xb8;
	[tilespmem:$0x10A00] =	vst v63  }
0x1a3: {  	s9 =	sadd.s32 $0x1500, s8  }
0x1a4: {  	[spmem:s2] =	stream.indirect.scatter.add.f32 [tilespmem:s23], [sflag:$0x3], $0x40, s9, s22, $0xb8;
	[tilespmem:$0x10A00] =	vst v63  }
0x1a5: {  	_ =	swait.ge [sflag:s20], $0x2000  }
0x1a6: {  	[sflag:s20] =	ssyncset.done $0x0  }
0x1a7: {  	[sflag:s20] =	ssyncadd.s32 $0xFFFFE000  }
0x1a8: {  	_ =	swait.ge [sflag:s26], $0x2000  }
0x1a9: {  	[sflag:s26] =	ssyncset.done $0x0  }
0x1aa: {  	s9 =	sadd.s32 $0x100, s8;
	[sflag:s26] =	ssyncadd.s32 $0xFFFFE000  }
0x1ab: {  	[tilespmem:s23], [sflag:$0x1] =	stream.indirect.gather [hbm4b:s4+s22], $0x40, s9, s22, $0xb8;
	[tilespmem:$0x10A00] =	vst v63  }
.Ltmp6:
0x1ac: {  	_ = 	snop;
	(pc) =	sbr.rel @p1 .LBB2_5-.Ltmp6, $4  }
0x1ad: {  	s8 =	sadd.s32 $0x1580, s8  }
0x1ae: {  	[spmem:s2] =	stream.indirect.scatter.add.f32 [tilespmem:s25], [sflag:$0x3], $0x40, s8, s22, $0xb8;
	[tilespmem:$0x10A00] =	vst v63  }
0x1af: {  	_ =	swait.ge [sflag:s20], $0x2000  }
0x1b0: {  	[sflag:s20] =	ssyncset.done $0x0  }
0x1b1: {  	[sflag:s20] =	ssyncadd.s32 $0xFFFFE000  }
0x1b2: {  	_ =	swait.ge [sflag:s24], $0x2000  }
0x1b3: {  	[sflag:s24] =	ssyncset.done $0x0  }
0x1b4: {  	[sflag:s24] =	ssyncadd.s32 $0xFFFFE000  }
0x1b5: {  	[tilespmem:s25], [sflag:$0x2] =	stream.indirect.gather [hbm4b:s4+s22], $0x40, s1, s22, $0xb8;
	[tilespmem:$0x10A00] =	vst v63  }
0x1b6: {  	_ = 	snop  }
0x1b7: {  	[spmem:s2] =	stream.indirect.scatter.add.f32 [tilespmem:s23], [sflag:$0x3], $0x40, s28, s22, $0xb8;
	[tilespmem:$0x10A00] =	vst v63  }
0x1b8: {  	_ =	swait.ge [sflag:s20], $0x2000  }
0x1b9: {  	[sflag:s20] =	ssyncset.done $0x0  }
0x1ba: {  	[sflag:s20] =	ssyncadd.s32 $0xFFFFE000  }
0x1bb: {  	_ =	swait.ge [sflag:s26], $0x2000  }
0x1bc: {  	[sflag:s26] =	ssyncset.done $0x0  }
0x1bd: {  	s0 =	simm.s32 $0x0;
	[sflag:s26] =	ssyncadd.s32 $0xFFFFE000  }
0x1be: {  	[tilespmem:s23], [sflag:$0x1] =	stream.indirect.gather [hbm4b:s4+s22], $0x40, s0, s22, $0xb8;
	[tilespmem:$0x10A00] =	vst v63  }
0x1bf: {  	_ = 	snop  }
0x1c0: {  	[spmem:s2] =	stream.indirect.scatter.add.f32 [tilespmem:s25], [sflag:$0x3], $0x40, s29, s22, $0xb8;
	[tilespmem:$0x10A00] =	vst v63  }
0x1c1: {  	_ =	swait.ge [sflag:s20], $0x2000  }
0x1c2: {  	[sflag:s20] =	ssyncset.done $0x0  }
0x1c3: {  	[sflag:s20] =	ssyncadd.s32 $0xFFFFE000  }
0x1c4: {  	_ =	swait.ge [sflag:s24], $0x2000  }
0x1c5: {  	[sflag:s24] =	ssyncset.done $0x0  }
0x1c6: {  	[sflag:s24] =	ssyncadd.s32 $0xFFFFE000  }
0x1c7: {  	[tilespmem:s0], [sflag:$0x3] =	stream.linear.gather [hbm4b:s12+s0], $0x1200, $0x38;
	[tilespmem:$0x10A00] =	vst v63  }
0x1c8: {  	_ =	swait.ge [sflag:s20], $0x1200  }
0x1c9: {  	[sflag:s20] =	ssyncset.done $0x0  }
0x1ca: {  	[sflag:s20] =	ssyncadd.s32 $0xFFFFEE00  }
0x1cb: {  	[tilespmem:s21], [sflag:$0x3] =	stream.linear.gather [hbm4b:s13+s0], $0x1200, $0x38;
	[tilespmem:$0x10A00] =	vst v63  }
0x1cc: {  	_ =	swait.ge [sflag:s20], $0x1200  }
0x1cd: {  	[sflag:s20] =	ssyncset.done $0x0  }
0x1ce: {  	[sflag:s20] =	ssyncadd.s32 $0xFFFFEE00  }
0x1cf: {  	[tilespmem:s23], [sflag:$0x1] =	stream.indirect.gather [hbm4b:s4+s22], $0x40, s0, s22, $0xb8;
	[tilespmem:$0x10A00] =	vst v63  }
.LBB2_7:
0x1d0: {  	_ =	swait.ge [sflag:s24], $0x2000  }
0x1d1: {  	s8 =	sshra.s32 s0, $0x2;
	[sflag:s24] =	ssyncset.done $0x0  }
0x1d2: {  	s9 =	sadd.s32 $0x80, s8;
	[sflag:s24] =	ssyncadd.s32 $0xFFFFE000  }
0x1d3: {  	[tilespmem:s25], [sflag:$0x2] =	stream.indirect.gather [hbm4b:s4+s22], $0x40, s9, s22, $0xb8;
	[tilespmem:$0x10A00] =	vst v63  }
0x1d4: {  	s9 =	sadd.s32 $0x1500, s8  }
0x1d5: {  	[spmem:s2] =	stream.indirect.scatter.add.f32 [tilespmem:s23], [sflag:$0x3], $0x40, s9, s22, $0xb8;
	[tilespmem:$0x10A00] =	vst v63  }
0x1d6: {  	_ =	swait.ge [sflag:s20], $0x2000  }
0x1d7: {  	[sflag:s20] =	ssyncset.done $0x0  }
0x1d8: {  	[sflag:s20] =	ssyncadd.s32 $0xFFFFE000  }
0x1d9: {  	_ =	swait.ge [sflag:s26], $0x2000  }
0x1da: {  	[sflag:s26] =	ssyncset.done $0x0  }
0x1db: {  	p1 =	seq.s32 s0, $0x4000;
	s9 =	sadd.s32 $0x100, s8;
	[sflag:s26] =	ssyncadd.s32 $0xFFFFE000  }
0x1dc: {  	[tilespmem:s23], [sflag:$0x1] =	stream.indirect.gather [hbm4b:s4+s22], $0x40, s9, s22, $0xb8;
	[tilespmem:$0x10A00] =	vst v63  }
.Ltmp7:
0x1dd: {  	s8 =	sadd.s32 $0x1580, s8;
	(pc) =	sbr.rel @!p1 .LBB2_7-.Ltmp7, $4  }
0x1de: {  	[spmem:s2] =	stream.indirect.scatter.add.f32 [tilespmem:s25], [sflag:$0x3], $0x40, s8, s22, $0xb8;
	[tilespmem:$0x10A00] =	vst v63  }
0x1df: {  	_ =	swait.ge [sflag:s20], $0x2000  }
0x1e0: {  	[sflag:s20] =	ssyncset.done $0x0  }
0x1e1: {  	s0 =	sadd.s32 $0x400, s0;
	[sflag:s20] =	ssyncadd.s32 $0xFFFFE000  }
.Ltmp8:
0x1e2: {  	(pc) =	sbr.rel .LBB2_12-.Ltmp8, $2  }
0x1e3: {  	_ =	sdelay $0x2  }
0x1e4: {  	s0 =	simm.s32 $0x2680;
	s8 =	simm.s32 $0x2600;
	s9 =	simm.s32 $0x1180  }
.LBB2_13:
0x1e5: {  	_ =	sfence.sel $0x180000  }
0x1e6: {  	[bflag:$0x0] =	sbarrier.arrive $0xFFFF  }
0x1e7: {  	_ =	strace $0x9000004D  }
0x1e8: {  	s0 =	stileid.u32;
	[bflag:$0x2] =	sbarrier.arrive $0xFFFF  }
0x1e9: {  	p0 =	sne.s32 s0, $0x0;
	s0 =	rddreg [dreg:$0x3]  }
0x1ea: {  	s0 =	sadd.s32 @!p0 $0x100000, s0  }
0x1eb: {  	[sflag:s0] =	ssyncadd.tile.s32 @!p0 $0x1;
	_ =	shalt  }
.Lfunc_end2:
_tile_overlayer_lowered:
.L_overlay_start_2:
0x1ec: {  	(tag) =	ssettag $0x2  }
0x1ed: {  	s0 =	rddreg [dreg:$0x0];
	s2 =	stileid.u32  }
0x1ee: {  	s1 =	rddreg [dreg:$0x1];
	p0 =	sne.s32 s2, $0x0  }
0x1ef: {  	s3 =	rddreg [dreg:$0x2];
	[bflag:$0x3] =	sbarrier.arrive $0xFFFF;
	s2 =	simm.s32 @!p0 $0x1C03  }
0x1f0: {  	[timem:s3], [sflag:s2] =	dma.local @!p0 [hbm:s0], s1  }
0x1f1: {  	s0 =	simm.s32 @!p0 $0x3  }
0x1f2: {  	_ =	swait.ge @!p0 [sflag:s0], s1  }
0x1f3: {  	s1 =	ssub.s32 @!p0 $0x0, s1;
	[sflag:s0] =	ssyncset.done @!p0 $0x0  }
0x1f4: {  	[sflag:s0] =	ssyncadd.s32 @!p0 s1  }
0x1f5: {  	[bflag:$0x3] =	sbarrier.arrive $0xFFFF  }
0x1f6: {  	_ =	shalt  }

// kernel: kernel.8.cloned.1.call-start
scs
__scs_entry_jumppad:
0x0: {  	(pc) =	sbr.rel $0x88, $3  }
0x1: {  	(tag) =	ssettag $0x0;
	lr =	simm.s32 $0x1  }
0x2: {  	[smem:$0x3F98] =	sst lr;
	_ =	strace $0xD0000000  }
0x3: {  	_ = 	snop  }
0x4: {  	_ = 	snop  }
0x5: {  	_ = 	snop  }
0x6: {  	_ = 	snop  }
0x7: {  	_ = 	snop  }
__scs_overlays_trampoline_lowered:
0x8: {  	[smem:$0x3FA7] =	sst s0  }
0x9: {  	[smem:$0x3FA8] =	sst s1  }
0xa: {  	[smem:$0x3FA9] =	sst s2  }
0xb: {  	[smem:$0x3FAA] =	sst s3  }
0xc: {  	[smem:$0x3FAB] =	sst s4  }
0xd: {  	[smem:$0x3FAC] =	sst s5  }
0xe: {  	[smem:$0x3FAD] =	sst s6  }
0xf: {  	[smem:$0x3FAE] =	sst s7  }
0x10: {  	[smem:$0x3FAF] =	sst s8  }
0x11: {  	[smem:$0x3FB0] =	sst s9;
	s0 =	simm.s32 @!p0 $0x0  }
0x12: {  	s1 =	sld [smem:$0x3F96];
	s0 =	simm.s32 @p0 $0x1  }
0x13: {  	[smem:$0x3FB1] =	sst s0;
	s0 =	simm.s32 @!p1 $0x0  }
0x14: {  	s2 =	sld [smem:$0x3F95];
	s0 =	simm.s32 @p1 $0x1  }
0x15: {  	[smem:$0x3FB2] =	sst s0;
	s0 =	simm.s32 @!p2 $0x0  }
0x16: {  	s3 =	sld [smem:$0x3FDB];
	s0 =	simm.s32 @p2 $0x1  }
0x17: {  	s4 =	simm.s32 $0x1BF5;
	[smem:$0x3FB4] =	sst s0  }
0x18: {  	s0 =	sld [smem:$0x3F97];
	_ =	swait.ge [sflag:s4], $0x0  }
0x19: {  	s7 =	sld [smem:$0x3F98]  }
0x1a: {  	s8 =	sadd.s32 $0xFFFFE003, lr  }
0x1b: {  	s9 =	sadd.s32 $0xFFFFFEF7, lr;
	s5 =	simm.s32 $0xFFFFFFFF;
	p2 =	slt.u32 s8, $0xFFFFF086  }
0x1c: {  	p1 =	slt.u32 s9, $0xF7A;
	s5 =	simm.s32 @!p2 $0x0  }
0x1d: {  	s5 =	simm.s32 @p1 $0x1;
	p0 =	seq.s32 s7, s2  }
0x1e: {  	s7 =	smul.u32 @!p0 $0xF7A, s2;
	p2 =	seq.s32 @!p0 s5, $0x0  }
0x1f: {  	s9 =	smul.u32 $0xF7A, s1;
	s8 =	simm.s32 @!p0 $0x1BF5;
	p2 =	por !p2, p0  }
0x20: {  	[sflag:s8] =	ssyncset.s32 @!p0 $0xFFFFF086;
	s6 =	sadd.s32 @!p0 s3, s7;
	s7 =	simm.s32 @!p0 $0x108  }
0x21: {  	s3 =	sadd.s32 s3, s9;
	s6 =	sadd.s32 @!p0 $0x88, s6;
	s7 =	simm.s32 @p2 $0x1082  }
0x22: {  	[simem:s7], [sflag:s8] =	dma.local @!p0 [hbm:s6], $0xF7A  }
0x23: {  	s9 =	sor.u32 $0xD0000000, s2;
	s6 =	simm.s32 $0x108;
	_ =	swait.ge @!p0 [sflag:s8], $0x0  }
0x24: {  	s3 =	sadd.s32 $0x88, s3;
	s6 =	simm.s32 @!p1 $0x1082;
	[sflag:s4] =	ssyncset.s32 $0xFFFFF086  }
0x25: {  	[simem:s6], [sflag:s4] =	dma.local [hbm:s3], $0xF7A  }
0x26: {  	[smem:$0x3F98] =	sst s1;
	(tag) =	ssettag s2;
	_ =	strace s9  }
0x27: {  	s1 =	sld [smem:$0x3FA8]  }
0x28: {  	s2 =	sld [smem:$0x3FA9]  }
0x29: {  	s4 =	sld [smem:$0x3FAB]  }
0x2a: {  	p0 =	seq.s32 s5, $0x0;
	s5 =	sld [smem:$0x3FAC]  }
0x2b: {  	s6 =	sld [smem:$0x3FAD]  }
0x2c: {  	s7 =	sld [smem:$0x3FAE]  }
0x2d: {  	s3 =	simm.s32 $0x108;
	s8 =	sld [smem:$0x3FAF]  }
0x2e: {  	s3 =	simm.s32 @!p0 $0x1082;
	s9 =	sld [smem:$0x3FB0]  }
0x2f: {  	lr =	sadd.s32 s0, s3;
	s0 =	sld [smem:$0x3FA7]  }
0x30: {  	s3 =	sld [smem:$0x3FAA]  }
0x31: {  	[smem:$0x3FB3] =	sst s10  }
0x32: {  	s10 =	sld [smem:$0x3FB1];
	_ =	sdelay $0x3  }
0x33: {  	p0 =	seq.s32 s10, $0x1;
	s10 =	sld [smem:$0x3FB3];
	_ =	sdelay $0x3  }
0x34: {  	[smem:$0x3FB3] =	sst s10  }
0x35: {  	s10 =	sld [smem:$0x3FB2];
	_ =	sdelay $0x3  }
0x36: {  	p1 =	seq.s32 s10, $0x1;
	s10 =	sld [smem:$0x3FB3];
	_ =	sdelay $0x3  }
0x37: {  	[smem:$0x3FB3] =	sst s10  }
0x38: {  	s10 =	sld [smem:$0x3FB4]  }
0x39: {  	_ = 	snop;
	(pc) =	sbr.ind lr, $3  }
0x3a: {  	_ = 	snop  }
0x3b: {  	_ = 	snop  }
0x3c: {  	p2 =	seq.s32 s10, $0x1;
	s10 =	sld [smem:$0x3FB3]  }
0x3d: {  	_ =	shalt  }
0x3e: {  	_ =	shalt  }
0x3f: {  	_ =	shalt  }
0x40: {  	_ =	shalt  }
0x41: {  	_ =	shalt  }
0x42: {  	_ =	shalt  }
0x43: {  	_ =	shalt  }
0x44: {  	_ =	shalt  }
0x45: {  	_ =	shalt  }
0x46: {  	_ =	shalt  }
0x47: {  	_ =	shalt  }
0x48: {  	_ =	shalt  }
0x49: {  	_ =	shalt  }
0x4a: {  	_ =	shalt  }
0x4b: {  	_ =	shalt  }
0x4c: {  	_ =	shalt  }
0x4d: {  	_ =	shalt  }
0x4e: {  	_ =	shalt  }
0x4f: {  	_ =	shalt  }
0x50: {  	_ =	shalt  }
0x51: {  	_ =	shalt  }
0x52: {  	_ =	shalt  }
0x53: {  	_ =	shalt  }
0x54: {  	_ =	shalt  }
0x55: {  	_ =	shalt  }
0x56: {  	_ =	shalt  }
0x57: {  	_ =	shalt  }
0x58: {  	_ =	shalt  }
0x59: {  	_ =	shalt  }
0x5a: {  	_ =	shalt  }
0x5b: {  	_ =	shalt  }
0x5c: {  	_ =	shalt  }
0x5d: {  	_ =	shalt  }
0x5e: {  	_ =	shalt  }
0x5f: {  	_ =	shalt  }
0x60: {  	_ =	shalt  }
0x61: {  	_ =	shalt  }
0x62: {  	_ =	shalt  }
0x63: {  	_ =	shalt  }
0x64: {  	_ =	shalt  }
0x65: {  	_ =	shalt  }
0x66: {  	_ =	shalt  }
0x67: {  	_ =	shalt  }
0x68: {  	_ =	shalt  }
0x69: {  	_ =	shalt  }
0x6a: {  	_ =	shalt  }
0x6b: {  	_ =	shalt  }
0x6c: {  	_ =	shalt  }
0x6d: {  	_ =	shalt  }
0x6e: {  	_ =	shalt  }
0x6f: {  	_ =	shalt  }
0x70: {  	_ =	shalt  }
0x71: {  	_ =	shalt  }
0x72: {  	_ =	shalt  }
0x73: {  	_ =	shalt  }
0x74: {  	_ =	shalt  }
0x75: {  	_ =	shalt  }
0x76: {  	_ =	shalt  }
0x77: {  	_ =	shalt  }
0x78: {  	_ =	shalt  }
0x79: {  	_ =	shalt  }
0x7a: {  	_ =	shalt  }
0x7b: {  	_ =	shalt  }
0x7c: {  	_ =	shalt  }
0x7d: {  	_ =	shalt  }
0x7e: {  	_ =	shalt  }
0x7f: {  	_ =	shalt  }
0x80: {  	_ =	shalt  }
0x81: {  	_ =	shalt  }
0x82: {  	_ =	shalt  }
0x83: {  	_ =	shalt  }
0x84: {  	_ =	shalt  }
0x85: {  	_ =	shalt  }
0x86: {  	_ =	shalt  }
0x87: {  	_ =	shalt  }
.Lfunc_end0:
.L_simem_size_0:
called_computation_lowered:
.L_overlay_start_0:
0x88: {  	s2 =	sld [smem:$0x3FD9]  }
0x89: {  	s3 =	sld [smem:$0x3FFE];
	_ =	sdelay $0x1  }
0x8a: {  	s1 =	srdreg.scid  }
0x8b: {  	s0 =	sand.u32 $0x1, s1  }
0x8c: {  	s16 =	sshll.u32 s0, $0xA;
	s2 =	sadd.s32 s3, s2  }
0x8d: {  	s2 =	sadd.s32 s2, s16  }
0x8e: {  	[smem:$0x3FBF] =	sst s2  }
0x8f: {  	_ = 	snop  }
0x90: {  	(tm) =	ssettm $0x1  }
0x91: {  	s17 =	sld [smem:$0x3FFB];
	_ =	sdelay $0x3  }
0x92: {  	_ =	strace s17  }
0x93: {  	s2 =	sld [smem:$0x3FFC];
	_ =	sdelay $0x3  }
0x94: {  	_ =	strace s2  }
0x95: {  	s2 =	sld [smem:$0x3FFD];
	_ =	sdelay $0x3  }
0x96: {  	_ =	strace s2  }
0x97: {  	_ =	strace $0x8FFFFFFF  }
0x98: {  	s18 =	sld [smem:$0x3FDB];
	_ =	sdelay $0x1  }
0x99: {  	s19 =	simm.s32 $_scs_section_size  }
0x9a: {  	s4 =	simm.s32 $_size__tile_overlayer_lowered;
	s5 =	simm.s32 $_tile_overlayer_lowered  }
0x9b: {  	s22 =	simm.s32 $0x1BFF;
	s21 =	sshll.u32 s5, $0x1;
	s2 =	sadd.s32 s19, s18  }
0x9c: {  	s6 =	simm.s32 $0x0;
	s20 =	sshll.u32 s4, $0x1;
	s4 =	sadd.s32 s21, s2  }
0x9d: {  	[timem:s6], [sflag:s22] =	dma.local [hbm:s4], s20  }
0x9e: {  	_ =	swait.ge [sflag:s22], s20  }
0x9f: {  	s3 =	ssub.s32 $0x0, s20;
	[sflag:s22] =	ssyncset.done $0x0  }
0xa0: {  	[sflag:s22] =	ssyncadd.s32 s3;
	_ =	sdelay $0x1  }
0xa1: {  	s23 =	simm.s32 $0x1B8B  }
0xa2: {  	_ =	swait.ge [sflag:s23], $0x1  }
0xa3: {  	[sflag:s23] =	ssyncset.done $0x0  }
0xa4: {  	s25 =	simm.s32 $0x1B8E;
	s24 =	sld [smem:$0x3FFE];
	[sflag:s23] =	ssyncadd.s32 $0xFFFFFFFF  }
0xa5: {  	s26 =	simm.s32 $execute0_lowered;
	[smem:$0x3FD2] =	sst s25  }
0xa6: {  	s4 =	sshll.u32 s26, $0x1;
	_ =	strace $0x80000046;
	[dreg:$0x1] =	wrdreg $0xFFFFFFFF  }
0xa7: {  	s28 =	simm.s32 $_size_execute0_lowered;
	s2 =	sadd.s32 s2, s4;
	[dreg:$0x0] =	wrdreg $0x0  }
0xa8: {  	s4 =	sshll.u32 s28, $0x1;
	[dreg:$0x2] =	wrdreg s2  }
0xa9: {  	[dreg:$0x3] =	wrdreg s4  }
0xaa: {  	[dreg:$0x4] =	wrdreg $0xC0  }
0xab: {  	_ =	task [dreg:s6], $0x5FFFF  }
0xac: {  	[dreg:$0x1] =	wrdreg $0xFFFFFFFF  }
0xad: {  	[dreg:$0x0] =	wrdreg $0x60  }
0xae: {  	[dreg:$0x2] =	wrdreg s24  }
0xaf: {  	[dreg:$0x3] =	wrdreg $0x28000  }
0xb0: {  	[dreg:$0x4] =	wrdreg $0x9  }
0xb1: {  	_ =	task.clear_ibuf [dreg:s6], $0x5FFFF;
	_ =	strace $0x90000046  }
0xb2: {  	s29 =	simm.s32 $0x9;
	_ =	strace $0x80000048  }
0xb3: {  	_ =	swait.ge [sflag:s29], $0x1  }
0xb4: {  	[sflag:s29] =	ssyncadd.s32 $0xFFFFFFFF  }
0xb5: {  	_ =	strace $0x90000048  }
0xb6: {  	_ =	sfence  }
0xb7: {  	s30 =	sld [smem:$0x0];
	_ =	sdelay $0x2  }
0xb8: {  	s31 =	sshll.u32 s1, $0xD;
	s1 =	sshrl.u32 s1, $0x2  }
0xb9: {  	s3 =	sand.u32 $0x4000, s31;
	s1 =	sadd.s32 s1, s30  }
0xba: {  	s0 =	sor.u32 s3, s0;
	s1 =	sshll.u32 s1, $0x11  }
0xbb: {  	s0 =	sor.u32 s1, s0  }
0xbc: {  	s0 =	sadd.s32 $0x8F2B, s0  }
0xbd: {  	[sflag:s0] =	ssyncadd.remote.s32 $0x1  }
0xbe: {  	_ =	sfence.sel $0xFFFF  }
0xbf: {  	[dreg:$0x0] =	wrdreg $0xFFFFFFFF;
	(pc) =	sbr.abs _section_cstart, $3  }
0xc0: {  	[dreg:$0x1] =	wrdreg $0xFFFFFFFF  }
0xc1: {  	_ =	task.clear_ibuf [dreg:s6], $0x2FFFF;
	_ =	strace $0x9FFFFFFF  }
0xc2: {  	(tm) =	ssettm $0x7FFFFFFF  }
0xc3: {  	_ =	shalt  }
tec
execute0_lowered:
.L_overlay_start_1:
0x0: {  	(tag) =	ssettag $0x1  }
0x1: {  	s5 =	rddreg [dreg:$0x0]  }
0x2: {  	s2 =	rddreg [dreg:$0x1]  }
0x3: {  	s0 =	rddreg [dreg:$0x2]  }
0x4: {  	s1 =	stileid.u32;
	s4 =	srdreg.scid  }
0x5: {  	s3 =	simm.s32 $0x0;
	s15 =	simm.s32 $0x1;
	s6 =	smul.u32 $0x280, s1  }
0x6: {  	s16 =	simm.s32 $0x0;
	s7 =	sand.u32 $0x1, s4;
	s29 =	smul.u32 $0x2780, s1  }
0x7: {  	[smem:$0x7FF] =	sst s3;
	s9 =	sadd.s32 $0x2000, s5;
	s14 =	smul.u32 $0x4F0, s1  }
0x8: {  	s4 =	sadd.s32 $0xC400, s5;
	s31 =	sshll.u32 s1, $0x6;
	s8 =	smul.u32 $0x2800, s7  }
0x9: {  	_ =	strace $0x80000047;
	s11 =	ssub.s32 $0x2, s7;
	p0 =	seq.s32 s7, $0x1  }
0xa: {  	s10 =	sshrl.u32 s6, $0x3;
	s12 =	sshrl.u32 s11, $0x1;
	s30 =	sadd.s32 s6, s2  }
0xb: {  	s7 =	sadd.s32 s9, s14;
	s14 =	simm.s32 $0x80;
	s8 =	sadd.s32 s6, s8  }
.Ltmp0:
0xc: {  	s10 =	sadd.s32 s10, s5;
	s11 =	ssub.s32 s11, s12;
	(pc) =	sbr.rel .LBB2_1-.Ltmp0, $4  }
0xd: {  	s6 =	sor.u32 $0x1C02, s31;
	s12 =	simm.s32 $0x2;
	s8 =	sshrl.u32 s8, $0x3  }
0xe: {  	s13 =	sadd.s32 s8, s5;
	s5 =	sadd.s32 $0xBE00, s10;
	s8 =	sshrl.u32 s29, $0x3  }
0xf: {  	s10 =	smax.u32 s11, $0x1;
	s11 =	sshrl.u32 s30, $0x3;
	s8 =	sadd.s32 s9, s8  }
0x10: {  	s9 =	sadd.s32 $0xC600, s13;
	s13 =	simm.s32 $0x2780;
	s8 =	sadd.s32 $0x4F00, s8  }
.LBB2_11:
0x11: {  	[sflag:s15] =	ssyncadd.s32 $0xFFFFFF80  }
.LBB2_12:
0x12: {  	s16 =	sadd.s32 $0x1, s16  }
0x13: {  	p1 =	sne.s32 s16, s10  }
.Ltmp1:
0x14: {  	[bflag:$0x0] =	sbarrier.arrive $0xFFFF;
	(pc) =	sbr.rel @!p1 .LBB2_13-.Ltmp1, $4  }
0x15: {  	[hbm:s9], [sflag:s6] =	dma.local [spmem:s11], $0x50  }
0x16: {  	_ =	swait.ge [sflag:s12], $0x50  }
0x17: {  	[sflag:s12] =	ssyncset.done $0x0  }
0x18: {  	[sflag:s12] =	ssyncadd.s32 $0xFFFFFFB0  }
.LBB2_1:
0x19: {  	[spmem:s11], [sflag:s6] =	dma.local [hbm:s5], $0x50  }
0x1a: {  	_ =	swait.ge [sflag:s12], $0x50  }
0x1b: {  	[sflag:s12] =	ssyncset.done $0x0  }
.Ltmp2:
0x1c: {  	[sflag:s12] =	ssyncadd.s32 $0xFFFFFFB0;
	(pc) =	sbr.rel @!p0 .LBB2_2-.Ltmp2, $4  }
0x1d: {  	[tilespmem:s13], [sflag:$0x2] =	stream.linear.gather [hbm4b:s4+s3], $0x80, $0x38;
	[tilespmem:$0x2A80] =	vst v63  }
0x1e: {  	_ =	swait.ge [sflag:s12], $0x80  }
0x1f: {  	[sflag:s12] =	ssyncset.done $0x0  }
0x20: {  	s17 =	simm.s32 $0x0;
	[sflag:s12] =	ssyncadd.s32 $0xFFFFFF80  }
0x21: {  	[tilespmem:s17], [sflag:$0x2] =	stream.linear.gather [hbm4b:s8+s17], $0x2780, $0x38;
	[tilespmem:$0x2A80] =	vst v63  }
0x22: {  	_ =	swait.ge [sflag:s12], $0x2780  }
0x23: {  	[sflag:s12] =	ssyncset.done $0x0  }
0x24: {  	[sflag:s12] =	ssyncadd.s32 $0xFFFFD880  }
0x25: {  	[bflag:$0x0] =	sbarrier.arrive $0xFFFF  }
.LBB2_8:
0x26: {  	p1 =	sne.s32 s17, $0x9C00  }
.Ltmp3:
0x27: {  	_ = 	snop;
	(pc) =	sbr.rel @p1 .LBB2_8-.Ltmp3, $3  }
0x28: {  	_ =	sdelay $0x1  }
0x29: {  	s18 =	sshra.s32 s17, $0x2;
	s17 =	sadd.s32 $0x200, s17  }
0x2a: {  	[spmem:s2] =	stream.indirect.scatter.add.f32 [tilespmem:s13], [sflag:$0x1], $0x1, s18, s14, $0xb8;
	[tilespmem:$0x2A80] =	vst v63  }
0x2b: {  	_ =	swait.ge [sflag:s15], $0x80  }
0x2c: {  	s17 =	simm.s32 $0x4E;
	[sflag:s15] =	ssyncset.done $0x0  }
.LBB2_10:
0x2d: {  	p1 =	sne.s32 s17, $0x1;
	s17 =	sadd.s32 $0xFFFFFFFF, s17;
	[sflag:s15] =	ssyncadd.s32 $0xFFFFFF80  }
.Ltmp4:
0x2e: {  	(pc) =	sbr.rel @p1 .LBB2_10-.Ltmp4, $3  }
0x2f: {  	_ =	sdelay $0x1  }
0x30: {  	_ =	swait.ge [sflag:s15], $0x80  }
0x31: {  	[sflag:s15] =	ssyncset.done $0x0  }
.Ltmp5:
0x32: {  	_ = 	snop;
	(pc) =	sbr.rel .LBB2_11-.Ltmp5, $1  }
0x33: {  	_ =	sdelay $0x3  }
.LBB2_2:
0x34: {  	[tilespmem:s17], [sflag:$0x2] =	stream.linear.gather [hbm4b:s7+s17], $0x2780, $0x38;
	[tilespmem:$0x2A80] =	vst v63  }
0x35: {  	_ =	swait.ge [sflag:s12], $0x2780  }
0x36: {  	[sflag:s12] =	ssyncset.done $0x0  }
0x37: {  	[sflag:s12] =	ssyncadd.s32 $0xFFFFD880  }
0x38: {  	[bflag:$0x0] =	sbarrier.arrive $0xFFFF  }
.LBB2_3:
0x39: {  	p1 =	sne.s32 s17, $0x9C00  }
.Ltmp6:
0x3a: {  	_ = 	snop;
	(pc) =	sbr.rel @p1 .LBB2_3-.Ltmp6, $3  }
0x3b: {  	_ =	sdelay $0x1  }
0x3c: {  	s18 =	sshra.s32 s17, $0x2;
	s17 =	sadd.s32 $0x200, s17  }
0x3d: {  	[spmem:s2] =	stream.indirect.scatter.add.f32 [tilespmem:s13], [sflag:$0x1], $0x1, s18, s14, $0xb8;
	[tilespmem:$0x2A80] =	vst v63  }
0x3e: {  	_ =	swait.ge [sflag:s15], $0x80  }
0x3f: {  	s17 =	simm.s32 $0x4E;
	[sflag:s15] =	ssyncset.done $0x0  }
.LBB2_5:
0x40: {  	p1 =	seq.s32 s17, $0x1;
	s17 =	sadd.s32 $0xFFFFFFFF, s17;
	[sflag:s15] =	ssyncadd.s32 $0xFFFFFF80  }
.Ltmp7:
0x41: {  	(pc) =	sbr.rel @!p1 .LBB2_5-.Ltmp7, $3  }
0x42: {  	_ =	sdelay $0x1  }
0x43: {  	_ =	swait.ge [sflag:s15], $0x80  }
0x44: {  	[sflag:s15] =	ssyncset.done $0x0  }
.Ltmp8:
0x45: {  	(pc) =	sbr.rel .LBB2_12-.Ltmp8, $2  }
0x46: {  	_ =	sdelay $0x2  }
0x47: {  	[sflag:s15] =	ssyncadd.s32 $0xFFFFFF80  }
.LBB2_13:
0x48: {  	_ =	sfence.sel $0x180000  }
0x49: {  	[bflag:$0x0] =	sbarrier.arrive $0xFFFF  }
0x4a: {  	p0 =	sne.s32 s1, $0x0;
	_ =	strace $0x90000047  }
0x4b: {  	s0 =	sadd.s32 @!p0 $0x100000, s0;
	[bflag:$0x2] =	sbarrier.arrive $0xFFFF  }
0x4c: {  	[sflag:s0] =	ssyncadd.tile.s32 @!p0 $0x1;
	_ =	shalt  }
.Lfunc_end2:
_tile_overlayer_lowered:
.L_overlay_start_2:
0x4d: {  	(tag) =	ssettag $0x2  }
0x4e: {  	s0 =	rddreg [dreg:$0x0];
	s2 =	stileid.u32  }
0x4f: {  	s1 =	rddreg [dreg:$0x1];
	p0 =	sne.s32 s2, $0x0  }
0x50: {  	s3 =	rddreg [dreg:$0x2];
	[bflag:$0x3] =	sbarrier.arrive $0xFFFF;
	s2 =	simm.s32 @!p0 $0x1C02  }
0x51: {  	[timem:s3], [sflag:s2] =	dma.local @!p0 [hbm:s0], s1  }
0x52: {  	s0 =	simm.s32 @!p0 $0x2  }
0x53: {  	_ =	swait.ge @!p0 [sflag:s0], s1  }
0x54: {  	s1 =	ssub.s32 @!p0 $0x0, s1;
	[sflag:s0] =	ssyncset.done @!p0 $0x0  }
0x55: {  	[sflag:s0] =	ssyncadd.s32 @!p0 s1  }
0x56: {  	[bflag:$0x3] =	sbarrier.arrive $0xFFFF  }
0x57: {  	_ =	shalt  }

</sc_bundles>
